<compile_context>
chip_gen: v7x
topology: tpu7x:2x2x1
jax: 0.10.2.dev20260603
libtpu: 0.0.44.dev20260713+nightly
codegen_flags: <defaults>
</compile_context>

<pallas_src>
import functools

import jax
import jax.numpy as jnp
from jax import lax
from jax.experimental import pallas as pl
from jax.experimental.pallas import tpu as pltpu, tpu_sc as plsc

TOPK = 16
N = 4096
B = 128
R = 256
NSEG = 4
Q = N // NSEG
NW = 32
ROWS_W = N // NW
CB = 8
NSLAB = B // CB


def _extract_body(m_ref, idx_ref, w_ref):
    colio = jax.lax.broadcasted_iota(jnp.int32, (R, Q), 1).astype(jnp.float32)
    vs = [m_ref[:, s * Q : (s + 1) * Q] for s in range(NSEG)]
    ks = [colio + float(s * Q) for s in range(NSEG)]

    def ce(i, j):
        vi, vj = vs[i], vs[j]
        ki, kj = ks[i], ks[j]
        swap = (vi < vj) | ((vi == vj) & (ki > kj))
        vs[i] = jnp.where(swap, vj, vi)
        vs[j] = jnp.where(swap, vi, vj)
        ks[i] = jnp.where(swap, kj, ki)
        ks[j] = jnp.where(swap, ki, kj)

    for i, j in [(0, 2), (1, 3), (0, 1), (2, 3), (1, 2)]:
        ce(i, j)
    v0, v1, v2, v3 = vs
    k0, k1, k2, k3 = ks
    args = []
    for _ in range(TOPK):
        cur = jnp.max(v0, axis=1, keepdims=True)
        cand = jnp.where(v0 == cur, k0, float(N))
        cstar = jnp.min(cand, axis=1, keepdims=True)
        args.append(cstar)
        sel = cand == cstar
        v0 = jnp.where(sel, v1, v0)
        k0 = jnp.where(sel, k1, k0)
        v1 = jnp.where(sel, v2, v1)
        k1 = jnp.where(sel, k2, k1)
        v2 = jnp.where(sel, v3, v2)
        k2 = jnp.where(sel, k3, k2)
        v3 = jnp.where(sel, -jnp.inf, v3)
    idx_ref[...] = jnp.concatenate(args, axis=1).astype(jnp.int32)
    w_ref[...] = m_ref[:, :TOPK]


def _extract(mask):
    return pl.pallas_call(
        _extract_body,
        grid=(N // R,),
        in_specs=[pl.BlockSpec((R, N), lambda g: (g, 0))],
        out_specs=[
            pl.BlockSpec((R, TOPK), lambda g: (g, 0)),
            pl.BlockSpec((R, TOPK), lambda g: (g, 0)),
        ],
        out_shape=[
            jax.ShapeDtypeStruct((N, TOPK), jnp.int32),
            jax.ShapeDtypeStruct((N, TOPK), jnp.float32),
        ],
    )(mask)


@functools.partial(
    pl.kernel,
    mesh=plsc.VectorSubcoreMesh(core_axis_name="c", subcore_axis_name="s"),
    compiler_params=pltpu.CompilerParams(needs_layout_passes=False),
    out_type=jax.ShapeDtypeStruct((NW, B, ROWS_W), jnp.float32),
    scratch_types=[
        pltpu.VMEM((CB * N,), jnp.float32),
        pltpu.VMEM((CB * N,), jnp.float32),
        pltpu.VMEM((TOPK, ROWS_W), jnp.int32),
        pltpu.VMEM((TOPK, ROWS_W), jnp.float32),
        pltpu.VMEM((ROWS_W,), jnp.float32),
        pltpu.VMEM((CB, ROWS_W), jnp.float32),
        pltpu.VMEM((CB, ROWS_W), jnp.float32),
        pltpu.SemaphoreType.DMA,
        pltpu.SemaphoreType.DMA,
        pltpu.SemaphoreType.DMA,
        pltpu.SemaphoreType.DMA,
    ],
)
def _sc_contract(x_hbm, idx3_hbm, w3_hbm, bias2_hbm, out3_hbm,
                 slabA, slabB, idx_v, w_v, bias_v, obufA, obufB,
                 semA, semB, semOA, semOB):
    cid = lax.axis_index("c")
    sid = lax.axis_index("s")
    wid = sid * 2 + cid
    pltpu.sync_copy(idx3_hbm.at[wid], idx_v)
    pltpu.sync_copy(w3_hbm.at[wid], w_v)
    pltpu.sync_copy(bias2_hbm.at[wid], bias_v)

    def xslice(s):
        return x_hbm.at[pl.ds(s * (CB * N), CB * N)]

    def compute(slab, obuf, g, _):
        rb = g * 16
        idxs = [idx_v[j, pl.ds(rb, 16)] for j in range(TOPK)]
        ws = [w_v[j, pl.ds(rb, 16)] for j in range(TOPK)]
        bv = bias_v[pl.ds(rb, 16)]
        for b in range(CB):
            acc = bv
            for j in range(TOPK):
                acc = acc + ws[j] * plsc.load_gather(slab, [idxs[j] + b * N])
            obuf[b, pl.ds(rb, 16)] = acc
        return 0

    pltpu.async_copy(xslice(0), slabA, semA)

    def pair_body(i, _):
        sA = 2 * i
        pltpu.async_copy(xslice(sA + 1), slabB, semB)
        pltpu.make_async_copy(xslice(sA), slabA, semA).wait()

        @pl.when(i > 0)
        def _():
            pltpu.make_async_copy(obufA, out3_hbm.at[wid, pl.ds(0, CB)],
                                  semOA).wait()

        lax.fori_loop(0, ROWS_W // 16,
                      functools.partial(compute, slabA, obufA), 0)
        pltpu.async_copy(obufA, out3_hbm.at[wid, pl.ds(sA * CB, CB)], semOA)

        @pl.when(i < NSLAB // 2 - 1)
        def _():
            pltpu.async_copy(xslice(sA + 2), slabA, semA)

        pltpu.make_async_copy(xslice(sA + 1), slabB, semB).wait()

        @pl.when(i > 0)
        def _():
            pltpu.make_async_copy(obufB, out3_hbm.at[wid, pl.ds(0, CB)],
                                  semOB).wait()

        lax.fori_loop(0, ROWS_W // 16,
                      functools.partial(compute, slabB, obufB), 0)
        pltpu.async_copy(obufB, out3_hbm.at[wid, pl.ds((sA + 1) * CB, CB)],
                         semOB)
        return 0

    lax.fori_loop(0, NSLAB // 2, pair_body, 0)
    pltpu.make_async_copy(obufA, out3_hbm.at[wid, pl.ds(0, CB)], semOA).wait()
    pltpu.make_async_copy(obufB, out3_hbm.at[wid, pl.ds(0, CB)], semOB).wait()


@jax.jit
def kernel(x, mask, bias):
    idx, w = _extract(mask)
    idx3 = idx.T.reshape(TOPK, NW, ROWS_W).transpose(1, 0, 2)
    w3 = w.T.reshape(TOPK, NW, ROWS_W).transpose(1, 0, 2)
    bias2 = bias.reshape(NW, ROWS_W)
    out3 = _sc_contract(x.reshape(-1), idx3, w3, bias2)
    return out3.transpose(1, 0, 2).reshape(B, N)

# --- scband reference (transcript-rebuilt; emitter-appended) ---
"""Pipeline reference for scband-mlinear-66838281060523 (READ-ONLY COPY).

The authoritative reference and input builder live on the scoring server;
editing this copy changes nothing except your own understanding.
"""

import jax, jax.numpy as jnp
import numpy as np

TOP_K = 16
IN_FEATURES = 4096
OUT_FEATURES = 4096

def setup_inputs(seed: int = 0) -> dict:
    key = jax.random.key(seed)
    k1, k2, k3 = jax.random.split(key, 3)
    x = jax.random.normal(k1, (128, IN_FEATURES), dtype=jnp.float32)
    mask = jax.random.normal(k2, (OUT_FEATURES, IN_FEATURES), dtype=jnp.float32)
    bias = jax.random.normal(k3, (OUT_FEATURES,), dtype=jnp.float32)
    return {"x": x, "mask": mask, "bias": bias}

def reference(x, mask, bias):
    # torch.topk(mask, top_k, dim=1) -> per-row top-k indices
    _, indices = jax.lax.top_k(mask, TOP_K)  # [out, top_k]
    # torch scatter_(1, indices, self.mask): weight[i, indices[i, j]] = mask[i, j]
    # i.e. src values are the FIRST top_k columns of mask, not the top-k values.
    rows = jnp.arange(mask.shape[0])[:, None]  # [out, 1]
    weight = jnp.zeros_like(mask).at[rows, indices].set(mask[:, :TOP_K])
    return x @ weight.T + bias

if __name__ == "__main__":
    import jax
    _d = setup_inputs()
    print(jax.jit(kernel)(*tuple(_d.values())))

</pallas_src>

<mosaic_0001>
#map = affine_map<(d0, d1) -> (0)>
#map1 = affine_map<(d0, d1) -> (0, 0, 0)>
#map2 = affine_map<(d0, d1) -> (0, 0)>
module attributes {stable_mosaic.version = 14 : i64} {
  func.func @_sc_contract(%arg0: i32, %arg1: i32, %arg2: memref<524288xf32, #tpu.memory_space<hbm>>, %arg3: memref<32x16x128xi32, #tpu.memory_space<hbm>>, %arg4: memref<32x16x128xf32, #tpu.memory_space<hbm>>, %arg5: memref<32x128xf32, #tpu.memory_space<hbm>>, %arg6: memref<32x128x128xf32, #tpu.memory_space<hbm>>, %arg7: memref<32768xf32, #tpu.memory_space<vmem>>, %arg8: memref<32768xf32, #tpu.memory_space<vmem>>, %arg9: memref<16x128xi32, #tpu.memory_space<vmem>>, %arg10: memref<16x128xf32, #tpu.memory_space<vmem>>, %arg11: memref<128xf32, #tpu.memory_space<vmem>>, %arg12: memref<8x128xf32, #tpu.memory_space<vmem>>, %arg13: memref<8x128xf32, #tpu.memory_space<vmem>>, %arg14: memref<!tpu.dma_semaphore, #tpu.memory_space<semaphore_mem>>, %arg15: memref<!tpu.dma_semaphore, #tpu.memory_space<semaphore_mem>>, %arg16: memref<!tpu.dma_semaphore, #tpu.memory_space<semaphore_mem>>, %arg17: memref<!tpu.dma_semaphore, #tpu.memory_space<semaphore_mem>>) attributes {dimension_semantics = [#tpu.dimension_semantics<core_parallel>, #tpu.dimension_semantics<subcore_parallel>], iteration_bounds = array<i64: 2, 16>, scalar_prefetch = 0 : i64, scratch_operands = 11 : i64, tpu.core_type = #tpu.core_type<sc_vector_subcore>, window_params = [{transform_indices = #map}, {transform_indices = #map1}, {transform_indices = #map1}, {transform_indices = #map2}, {transform_indices = #map1}]} {
    %mul3A = arith.constant 2 : i32
    %mul3A_0 = arith.muli %arg1, %mul3A : i32
    %add3A = arith.addi %mul3A_0, %arg0 : i32
    "tpu.region"() ({
      %run_scoped3A = tpu.sem_alloc : memref<!tpu.dma_semaphore, #tpu.memory_space<semaphore_mem>>
      %dma_start3A_25 = arith.constant 0 : i32
      %dma_start3A_26 = arith.constant 0 : i32
      %dma_start3A_27 = tpu.memref_slice %arg3[%add3A, %dma_start3A_25, %dma_start3A_26] : memref<32x16x128xi32, #tpu.memory_space<hbm>> -> memref<1x16x128xi32, #tpu.memory_space<hbm>>
      %dma_start3A_28 = tpu.memref_squeeze %dma_start3A_27 : memref<1x16x128xi32, #tpu.memory_space<hbm>> -> memref<16x128xi32, #tpu.memory_space<hbm>>
      %dma_start3A_29 = arith.constant 0 : i32
      %dma_start3A_30 = arith.constant 0 : i32
      %dma_start3A_31 = tpu.memref_slice %arg3[%add3A, %dma_start3A_29, %dma_start3A_30] : memref<32x16x128xi32, #tpu.memory_space<hbm>> -> memref<1x16x128xi32, #tpu.memory_space<hbm>>
      %dma_start3A_32 = tpu.memref_squeeze %dma_start3A_31 : memref<1x16x128xi32, #tpu.memory_space<hbm>> -> memref<16x128xi32, #tpu.memory_space<hbm>>
      tpu.enqueue_dma source(%dma_start3A_32 : memref<16x128xi32, #tpu.memory_space<hbm>>) target(%arg9 : memref<16x128xi32, #tpu.memory_space<vmem>>) target_semaphore(%run_scoped3A : memref<!tpu.dma_semaphore, #tpu.memory_space<semaphore_mem>>)
      %dma_wait3A_33 = arith.constant 0 : i32
      %dma_wait3A_34 = arith.constant 0 : i32
      %dma_wait3A_35 = tpu.memref_slice %arg3[%add3A, %dma_wait3A_33, %dma_wait3A_34] : memref<32x16x128xi32, #tpu.memory_space<hbm>> -> memref<1x16x128xi32, #tpu.memory_space<hbm>>
      %dma_wait3A_36 = tpu.memref_squeeze %dma_wait3A_35 : memref<1x16x128xi32, #tpu.memory_space<hbm>> -> memref<16x128xi32, #tpu.memory_space<hbm>>
      %dma_wait3A_37 = arith.constant 0 : i32
      %dma_wait3A_38 = arith.constant 0 : i32
      %dma_wait3A_39 = tpu.memref_slice %arg3[%add3A, %dma_wait3A_37, %dma_wait3A_38] : memref<32x16x128xi32, #tpu.memory_space<hbm>> -> memref<1x16x128xi32, #tpu.memory_space<hbm>>
      %dma_wait3A_40 = tpu.memref_squeeze %dma_wait3A_39 : memref<1x16x128xi32, #tpu.memory_space<hbm>> -> memref<16x128xi32, #tpu.memory_space<hbm>>
      tpu.wait_dma2 semaphore(%run_scoped3A : memref<!tpu.dma_semaphore, #tpu.memory_space<semaphore_mem>>) src(%dma_wait3A_40 : memref<16x128xi32, #tpu.memory_space<hbm>>) dst(%arg9 : memref<16x128xi32, #tpu.memory_space<vmem>>)
      tpu.yield
    }) : () -> ()
    "tpu.region"() ({
      %run_scoped3A = tpu.sem_alloc : memref<!tpu.dma_semaphore, #tpu.memory_space<semaphore_mem>>
      %dma_start3A_25 = arith.constant 0 : i32
      %dma_start3A_26 = arith.constant 0 : i32
      %dma_start3A_27 = tpu.memref_slice %arg4[%add3A, %dma_start3A_25, %dma_start3A_26] : memref<32x16x128xf32, #tpu.memory_space<hbm>> -> memref<1x16x128xf32, #tpu.memory_space<hbm>>
      %dma_start3A_28 = tpu.memref_squeeze %dma_start3A_27 : memref<1x16x128xf32, #tpu.memory_space<hbm>> -> memref<16x128xf32, #tpu.memory_space<hbm>>
      %dma_start3A_29 = arith.constant 0 : i32
      %dma_start3A_30 = arith.constant 0 : i32
      %dma_start3A_31 = tpu.memref_slice %arg4[%add3A, %dma_start3A_29, %dma_start3A_30] : memref<32x16x128xf32, #tpu.memory_space<hbm>> -> memref<1x16x128xf32, #tpu.memory_space<hbm>>
      %dma_start3A_32 = tpu.memref_squeeze %dma_start3A_31 : memref<1x16x128xf32, #tpu.memory_space<hbm>> -> memref<16x128xf32, #tpu.memory_space<hbm>>
      tpu.enqueue_dma source(%dma_start3A_32 : memref<16x128xf32, #tpu.memory_space<hbm>>) target(%arg10 : memref<16x128xf32, #tpu.memory_space<vmem>>) target_semaphore(%run_scoped3A : memref<!tpu.dma_semaphore, #tpu.memory_space<semaphore_mem>>)
      %dma_wait3A_33 = arith.constant 0 : i32
      %dma_wait3A_34 = arith.constant 0 : i32
      %dma_wait3A_35 = tpu.memref_slice %arg4[%add3A, %dma_wait3A_33, %dma_wait3A_34] : memref<32x16x128xf32, #tpu.memory_space<hbm>> -> memref<1x16x128xf32, #tpu.memory_space<hbm>>
      %dma_wait3A_36 = tpu.memref_squeeze %dma_wait3A_35 : memref<1x16x128xf32, #tpu.memory_space<hbm>> -> memref<16x128xf32, #tpu.memory_space<hbm>>
      %dma_wait3A_37 = arith.constant 0 : i32
      %dma_wait3A_38 = arith.constant 0 : i32
      %dma_wait3A_39 = tpu.memref_slice %arg4[%add3A, %dma_wait3A_37, %dma_wait3A_38] : memref<32x16x128xf32, #tpu.memory_space<hbm>> -> memref<1x16x128xf32, #tpu.memory_space<hbm>>
      %dma_wait3A_40 = tpu.memref_squeeze %dma_wait3A_39 : memref<1x16x128xf32, #tpu.memory_space<hbm>> -> memref<16x128xf32, #tpu.memory_space<hbm>>
      tpu.wait_dma2 semaphore(%run_scoped3A : memref<!tpu.dma_semaphore, #tpu.memory_space<semaphore_mem>>) src(%dma_wait3A_40 : memref<16x128xf32, #tpu.memory_space<hbm>>) dst(%arg10 : memref<16x128xf32, #tpu.memory_space<vmem>>)
      tpu.yield
    }) : () -> ()
    "tpu.region"() ({
      %run_scoped3A = tpu.sem_alloc : memref<!tpu.dma_semaphore, #tpu.memory_space<semaphore_mem>>
      %dma_start3A_25 = arith.constant 0 : i32
      %dma_start3A_26 = tpu.memref_slice %arg5[%add3A, %dma_start3A_25] : memref<32x128xf32, #tpu.memory_space<hbm>> -> memref<1x128xf32, #tpu.memory_space<hbm>>
      %dma_start3A_27 = tpu.memref_squeeze %dma_start3A_26 : memref<1x128xf32, #tpu.memory_space<hbm>> -> memref<128xf32, #tpu.memory_space<hbm>>
      %dma_start3A_28 = arith.constant 0 : i32
      %dma_start3A_29 = tpu.memref_slice %arg5[%add3A, %dma_start3A_28] : memref<32x128xf32, #tpu.memory_space<hbm>> -> memref<1x128xf32, #tpu.memory_space<hbm>>
      %dma_start3A_30 = tpu.memref_squeeze %dma_start3A_29 : memref<1x128xf32, #tpu.memory_space<hbm>> -> memref<128xf32, #tpu.memory_space<hbm>>
      tpu.enqueue_dma source(%dma_start3A_30 : memref<128xf32, #tpu.memory_space<hbm>>) target(%arg11 : memref<128xf32, #tpu.memory_space<vmem>>) target_semaphore(%run_scoped3A : memref<!tpu.dma_semaphore, #tpu.memory_space<semaphore_mem>>)
      %dma_wait3A_31 = arith.constant 0 : i32
      %dma_wait3A_32 = tpu.memref_slice %arg5[%add3A, %dma_wait3A_31] : memref<32x128xf32, #tpu.memory_space<hbm>> -> memref<1x128xf32, #tpu.memory_space<hbm>>
      %dma_wait3A_33 = tpu.memref_squeeze %dma_wait3A_32 : memref<1x128xf32, #tpu.memory_space<hbm>> -> memref<128xf32, #tpu.memory_space<hbm>>
      %dma_wait3A_34 = arith.constant 0 : i32
      %dma_wait3A_35 = tpu.memref_slice %arg5[%add3A, %dma_wait3A_34] : memref<32x128xf32, #tpu.memory_space<hbm>> -> memref<1x128xf32, #tpu.memory_space<hbm>>
      %dma_wait3A_36 = tpu.memref_squeeze %dma_wait3A_35 : memref<1x128xf32, #tpu.memory_space<hbm>> -> memref<128xf32, #tpu.memory_space<hbm>>
      tpu.wait_dma2 semaphore(%run_scoped3A : memref<!tpu.dma_semaphore, #tpu.memory_space<semaphore_mem>>) src(%dma_wait3A_36 : memref<128xf32, #tpu.memory_space<hbm>>) dst(%arg11 : memref<128xf32, #tpu.memory_space<vmem>>)
      tpu.yield
    }) : () -> ()
    %dma_start3A = arith.constant 0 : i32
    %dma_start3A_1 = tpu.memref_slice %arg2[%dma_start3A] : memref<524288xf32, #tpu.memory_space<hbm>> -> memref<32768xf32, #tpu.memory_space<hbm>>
    %dma_start3A_2 = arith.constant 0 : i32
    %dma_start3A_3 = tpu.memref_slice %arg2[%dma_start3A_2] : memref<524288xf32, #tpu.memory_space<hbm>> -> memref<32768xf32, #tpu.memory_space<hbm>>
    tpu.enqueue_dma source(%dma_start3A_3 : memref<32768xf32, #tpu.memory_space<hbm>>) target(%arg7 : memref<32768xf32, #tpu.memory_space<vmem>>) target_semaphore(%arg14 : memref<!tpu.dma_semaphore, #tpu.memory_space<semaphore_mem>>)
    %scan3A = arith.constant 0 : i32
    %scan3A_4 = arith.constant 0 : i32
    %scan3A_5 = arith.constant 8 : i32
    %scan3A_6 = arith.addi %scan3A_4, %scan3A_5 : i32
    %scan3A_7 = arith.constant 1 : i32
    %scan3A_8 = scf.for %scan3A_25 = %scan3A_4 to %scan3A_6 step %scan3A_7 iter_args(%scan3A_26 = %scan3A) -> (i32)  : i32 {
      %mul3A_27 = arith.constant 2 : i32
      %mul3A_28 = arith.muli %mul3A_27, %scan3A_25 : i32
      %add3A_29 = arith.constant 1 : i32
      %add3A_30 = arith.addi %mul3A_28, %add3A_29 : i32
      %mul3A_31 = arith.constant 32768 : i32
      %mul3A_32 = arith.muli %add3A_30, %mul3A_31 : i32
      %dma_start3A_33 = tpu.memref_slice %arg2[%mul3A_32] : memref<524288xf32, #tpu.memory_space<hbm>> -> memref<32768xf32, #tpu.memory_space<hbm>>
      %dma_start3A_34 = tpu.memref_slice %arg2[%mul3A_32] : memref<524288xf32, #tpu.memory_space<hbm>> -> memref<32768xf32, #tpu.memory_space<hbm>>
      tpu.enqueue_dma source(%dma_start3A_34 : memref<32768xf32, #tpu.memory_space<hbm>>) target(%arg8 : memref<32768xf32, #tpu.memory_space<vmem>>) target_semaphore(%arg15 : memref<!tpu.dma_semaphore, #tpu.memory_space<semaphore_mem>>)
      %mul3A_35 = arith.constant 32768 : i32
      %mul3A_36 = arith.muli %mul3A_28, %mul3A_35 : i32
      %dma_wait3A_37 = tpu.memref_slice %arg2[%mul3A_36] : memref<524288xf32, #tpu.memory_space<hbm>> -> memref<32768xf32, #tpu.memory_space<hbm>>
      %dma_wait3A_38 = tpu.memref_slice %arg2[%mul3A_36] : memref<524288xf32, #tpu.memory_space<hbm>> -> memref<32768xf32, #tpu.memory_space<hbm>>
      tpu.wait_dma2 semaphore(%arg14 : memref<!tpu.dma_semaphore, #tpu.memory_space<semaphore_mem>>) src(%dma_wait3A_38 : memref<32768xf32, #tpu.memory_space<hbm>>) dst(%arg7 : memref<32768xf32, #tpu.memory_space<vmem>>)
      %gt3A = arith.constant 0 : i32
      %gt3A_39 = arith.cmpi sgt, %scan3A_25, %gt3A : i32
      %convert_element_type3A = arith.extui %gt3A_39 : i1 to i32
      %cond3A = arith.constant 0 : i32
      %cond3A_40 = arith.cmpi ne, %convert_element_type3A, %cond3A : i32
      scf.if %cond3A_40 {
        %dma_wait3A_89 = arith.constant 0 : i32
        %dma_wait3A_90 = arith.constant 0 : i32
        %dma_wait3A_91 = tpu.memref_slice %arg6[%add3A, %dma_wait3A_89, %dma_wait3A_90] : memref<32x128x128xf32, #tpu.memory_space<hbm>> -> memref<1x8x128xf32, #tpu.memory_space<hbm>>
        %dma_wait3A_92 = tpu.memref_squeeze %dma_wait3A_91 : memref<1x8x128xf32, #tpu.memory_space<hbm>> -> memref<8x128xf32, #tpu.memory_space<hbm>>
        %dma_wait3A_93 = arith.constant 0 : i32
        %dma_wait3A_94 = arith.constant 0 : i32
        %dma_wait3A_95 = tpu.memref_slice %arg6[%add3A, %dma_wait3A_93, %dma_wait3A_94] : memref<32x128x128xf32, #tpu.memory_space<hbm>> -> memref<1x8x128xf32, #tpu.memory_space<hbm>>
        %dma_wait3A_96 = tpu.memref_squeeze %dma_wait3A_95 : memref<1x8x128xf32, #tpu.memory_space<hbm>> -> memref<8x128xf32, #tpu.memory_space<hbm>>
        tpu.wait_dma2 semaphore(%arg16 : memref<!tpu.dma_semaphore, #tpu.memory_space<semaphore_mem>>) src(%arg12 : memref<8x128xf32, #tpu.memory_space<vmem>>) dst(%dma_wait3A_96 : memref<8x128xf32, #tpu.memory_space<hbm>>)
      } else {
      }
      %scan3A_41 = arith.constant 0 : i32
      %scan3A_42 = arith.constant 0 : i32
      %scan3A_43 = arith.constant 8 : i32
      %scan3A_44 = arith.addi %scan3A_42, %scan3A_43 : i32
      %scan3A_45 = arith.constant 1 : i32
      %scan3A_46 = scf.for %scan3A_89 = %scan3A_42 to %scan3A_44 step %scan3A_45 iter_args(%scan3A_90 = %scan3A_41) -> (i32)  : i32 {
        %mul3A_91 = arith.constant 16 : i32
        %mul3A_92 = arith.muli %scan3A_89, %mul3A_91 : i32
        %get3A = arith.constant 0 : i32
        %get3A_93 = arith.index_cast %get3A : i32 to index
        %get3A_94 = arith.index_cast %mul3A_92 : i32 to index
        %get3A_95 = tpu.vector_load %arg9[%get3A_93, %get3A_94] {strides = array<i32>} : memref<16x128xi32, #tpu.memory_space<vmem>>, vector<16xi32>,
        %get3A_96 = arith.constant 1 : i32
        %get3A_97 = arith.index_cast %get3A_96 : i32 to index
        %get3A_98 = arith.index_cast %mul3A_92 : i32 to index
        %get3A_99 = tpu.vector_load %arg9[%get3A_97, %get3A_98] {strides = array<i32>} : memref<16x128xi32, #tpu.memory_space<vmem>>, vector<16xi32>,
        %get3A_100 = arith.constant 2 : i32
        %get3A_101 = arith.index_cast %get3A_100 : i32 to index
        %get3A_102 = arith.index_cast %mul3A_92 : i32 to index
        %get3A_103 = tpu.vector_load %arg9[%get3A_101, %get3A_102] {strides = array<i32>} : memref<16x128xi32, #tpu.memory_space<vmem>>, vector<16xi32>,
        %get3A_104 = arith.constant 3 : i32
        %get3A_105 = arith.index_cast %get3A_104 : i32 to index
        %get3A_106 = arith.index_cast %mul3A_92 : i32 to index
        %get3A_107 = tpu.vector_load %arg9[%get3A_105, %get3A_106] {strides = array<i32>} : memref<16x128xi32, #tpu.memory_space<vmem>>, vector<16xi32>,
        %get3A_108 = arith.constant 4 : i32
        %get3A_109 = arith.index_cast %get3A_108 : i32 to index
        %get3A_110 = arith.index_cast %mul3A_92 : i32 to index
        %get3A_111 = tpu.vector_load %arg9[%get3A_109, %get3A_110] {strides = array<i32>} : memref<16x128xi32, #tpu.memory_space<vmem>>, vector<16xi32>,
        %get3A_112 = arith.constant 5 : i32
        %get3A_113 = arith.index_cast %get3A_112 : i32 to index
        %get3A_114 = arith.index_cast %mul3A_92 : i32 to index
        %get3A_115 = tpu.vector_load %arg9[%get3A_113, %get3A_114] {strides = array<i32>} : memref<16x128xi32, #tpu.memory_space<vmem>>, vector<16xi32>,
        %get3A_116 = arith.constant 6 : i32
        %get3A_117 = arith.index_cast %get3A_116 : i32 to index
        %get3A_118 = arith.index_cast %mul3A_92 : i32 to index
        %get3A_119 = tpu.vector_load %arg9[%get3A_117, %get3A_118] {strides = array<i32>} : memref<16x128xi32, #tpu.memory_space<vmem>>, vector<16xi32>,
        %get3A_120 = arith.constant 7 : i32
        %get3A_121 = arith.index_cast %get3A_120 : i32 to index
        %get3A_122 = arith.index_cast %mul3A_92 : i32 to index
        %get3A_123 = tpu.vector_load %arg9[%get3A_121, %get3A_122] {strides = array<i32>} : memref<16x128xi32, #tpu.memory_space<vmem>>, vector<16xi32>,
        %get3A_124 = arith.constant 8 : i32
        %get3A_125 = arith.index_cast %get3A_124 : i32 to index
        %get3A_126 = arith.index_cast %mul3A_92 : i32 to index
        %get3A_127 = tpu.vector_load %arg9[%get3A_125, %get3A_126] {strides = array<i32>} : memref<16x128xi32, #tpu.memory_space<vmem>>, vector<16xi32>,
        %get3A_128 = arith.constant 9 : i32
        %get3A_129 = arith.index_cast %get3A_128 : i32 to index
        %get3A_130 = arith.index_cast %mul3A_92 : i32 to index
        %get3A_131 = tpu.vector_load %arg9[%get3A_129, %get3A_130] {strides = array<i32>} : memref<16x128xi32, #tpu.memory_space<vmem>>, vector<16xi32>,
        %get3A_132 = arith.constant 10 : i32
        %get3A_133 = arith.index_cast %get3A_132 : i32 to index
        %get3A_134 = arith.index_cast %mul3A_92 : i32 to index
        %get3A_135 = tpu.vector_load %arg9[%get3A_133, %get3A_134] {strides = array<i32>} : memref<16x128xi32, #tpu.memory_space<vmem>>, vector<16xi32>,
        %get3A_136 = arith.constant 11 : i32
        %get3A_137 = arith.index_cast %get3A_136 : i32 to index
        %get3A_138 = arith.index_cast %mul3A_92 : i32 to index
        %get3A_139 = tpu.vector_load %arg9[%get3A_137, %get3A_138] {strides = array<i32>} : memref<16x128xi32, #tpu.memory_space<vmem>>, vector<16xi32>,
        %get3A_140 = arith.constant 12 : i32
        %get3A_141 = arith.index_cast %get3A_140 : i32 to index
        %get3A_142 = arith.index_cast %mul3A_92 : i32 to index
        %get3A_143 = tpu.vector_load %arg9[%get3A_141, %get3A_142] {strides = array<i32>} : memref<16x128xi32, #tpu.memory_space<vmem>>, vector<16xi32>,
        %get3A_144 = arith.constant 13 : i32
        %get3A_145 = arith.index_cast %get3A_144 : i32 to index
        %get3A_146 = arith.index_cast %mul3A_92 : i32 to index
        %get3A_147 = tpu.vector_load %arg9[%get3A_145, %get3A_146] {strides = array<i32>} : memref<16x128xi32, #tpu.memory_space<vmem>>, vector<16xi32>,
        %get3A_148 = arith.constant 14 : i32
        %get3A_149 = arith.index_cast %get3A_148 : i32 to index
        %get3A_150 = arith.index_cast %mul3A_92 : i32 to index
        %get3A_151 = tpu.vector_load %arg9[%get3A_149, %get3A_150] {strides = array<i32>} : memref<16x128xi32, #tpu.memory_space<vmem>>, vector<16xi32>,
        %get3A_152 = arith.constant 15 : i32
        %get3A_153 = arith.index_cast %get3A_152 : i32 to index
        %get3A_154 = arith.index_cast %mul3A_92 : i32 to index
        %get3A_155 = tpu.vector_load %arg9[%get3A_153, %get3A_154] {strides = array<i32>} : memref<16x128xi32, #tpu.memory_space<vmem>>, vector<16xi32>,
        %get3A_156 = arith.constant 0 : i32
        %get3A_157 = arith.index_cast %get3A_156 : i32 to index
        %get3A_158 = arith.index_cast %mul3A_92 : i32 to index
        %get3A_159 = tpu.vector_load %arg10[%get3A_157, %get3A_158] {strides = array<i32>} : memref<16x128xf32, #tpu.memory_space<vmem>>, vector<16xf32>,
        %get3A_160 = arith.constant 1 : i32
        %get3A_161 = arith.index_cast %get3A_160 : i32 to index
        %get3A_162 = arith.index_cast %mul3A_92 : i32 to index
        %get3A_163 = tpu.vector_load %arg10[%get3A_161, %get3A_162] {strides = array<i32>} : memref<16x128xf32, #tpu.memory_space<vmem>>, vector<16xf32>,
        %get3A_164 = arith.constant 2 : i32
        %get3A_165 = arith.index_cast %get3A_164 : i32 to index
        %get3A_166 = arith.index_cast %mul3A_92 : i32 to index
        %get3A_167 = tpu.vector_load %arg10[%get3A_165, %get3A_166] {strides = array<i32>} : memref<16x128xf32, #tpu.memory_space<vmem>>, vector<16xf32>,
        %get3A_168 = arith.constant 3 : i32
        %get3A_169 = arith.index_cast %get3A_168 : i32 to index
        %get3A_170 = arith.index_cast %mul3A_92 : i32 to index
        %get3A_171 = tpu.vector_load %arg10[%get3A_169, %get3A_170] {strides = array<i32>} : memref<16x128xf32, #tpu.memory_space<vmem>>, vector<16xf32>,
        %get3A_172 = arith.constant 4 : i32
        %get3A_173 = arith.index_cast %get3A_172 : i32 to index
        %get3A_174 = arith.index_cast %mul3A_92 : i32 to index
        %get3A_175 = tpu.vector_load %arg10[%get3A_173, %get3A_174] {strides = array<i32>} : memref<16x128xf32, #tpu.memory_space<vmem>>, vector<16xf32>,
        %get3A_176 = arith.constant 5 : i32
        %get3A_177 = arith.index_cast %get3A_176 : i32 to index
        %get3A_178 = arith.index_cast %mul3A_92 : i32 to index
        %get3A_179 = tpu.vector_load %arg10[%get3A_177, %get3A_178] {strides = array<i32>} : memref<16x128xf32, #tpu.memory_space<vmem>>, vector<16xf32>,
        %get3A_180 = arith.constant 6 : i32
        %get3A_181 = arith.index_cast %get3A_180 : i32 to index
        %get3A_182 = arith.index_cast %mul3A_92 : i32 to index
        %get3A_183 = tpu.vector_load %arg10[%get3A_181, %get3A_182] {strides = array<i32>} : memref<16x128xf32, #tpu.memory_space<vmem>>, vector<16xf32>,
        %get3A_184 = arith.constant 7 : i32
        %get3A_185 = arith.index_cast %get3A_184 : i32 to index
        %get3A_186 = arith.index_cast %mul3A_92 : i32 to index
        %get3A_187 = tpu.vector_load %arg10[%get3A_185, %get3A_186] {strides = array<i32>} : memref<16x128xf32, #tpu.memory_space<vmem>>, vector<16xf32>,
        %get3A_188 = arith.constant 8 : i32
        %get3A_189 = arith.index_cast %get3A_188 : i32 to index
        %get3A_190 = arith.index_cast %mul3A_92 : i32 to index
        %get3A_191 = tpu.vector_load %arg10[%get3A_189, %get3A_190] {strides = array<i32>} : memref<16x128xf32, #tpu.memory_space<vmem>>, vector<16xf32>,
        %get3A_192 = arith.constant 9 : i32
        %get3A_193 = arith.index_cast %get3A_192 : i32 to index
        %get3A_194 = arith.index_cast %mul3A_92 : i32 to index
        %get3A_195 = tpu.vector_load %arg10[%get3A_193, %get3A_194] {strides = array<i32>} : memref<16x128xf32, #tpu.memory_space<vmem>>, vector<16xf32>,
        %get3A_196 = arith.constant 10 : i32
        %get3A_197 = arith.index_cast %get3A_196 : i32 to index
        %get3A_198 = arith.index_cast %mul3A_92 : i32 to index
        %get3A_199 = tpu.vector_load %arg10[%get3A_197, %get3A_198] {strides = array<i32>} : memref<16x128xf32, #tpu.memory_space<vmem>>, vector<16xf32>,
        %get3A_200 = arith.constant 11 : i32
        %get3A_201 = arith.index_cast %get3A_200 : i32 to index
        %get3A_202 = arith.index_cast %mul3A_92 : i32 to index
        %get3A_203 = tpu.vector_load %arg10[%get3A_201, %get3A_202] {strides = array<i32>} : memref<16x128xf32, #tpu.memory_space<vmem>>, vector<16xf32>,
        %get3A_204 = arith.constant 12 : i32
        %get3A_205 = arith.index_cast %get3A_204 : i32 to index
        %get3A_206 = arith.index_cast %mul3A_92 : i32 to index
        %get3A_207 = tpu.vector_load %arg10[%get3A_205, %get3A_206] {strides = array<i32>} : memref<16x128xf32, #tpu.memory_space<vmem>>, vector<16xf32>,
        %get3A_208 = arith.constant 13 : i32
        %get3A_209 = arith.index_cast %get3A_208 : i32 to index
        %get3A_210 = arith.index_cast %mul3A_92 : i32 to index
        %get3A_211 = tpu.vector_load %arg10[%get3A_209, %get3A_210] {strides = array<i32>} : memref<16x128xf32, #tpu.memory_space<vmem>>, vector<16xf32>,
        %get3A_212 = arith.constant 14 : i32
        %get3A_213 = arith.index_cast %get3A_212 : i32 to index
        %get3A_214 = arith.index_cast %mul3A_92 : i32 to index
        %get3A_215 = tpu.vector_load %arg10[%get3A_213, %get3A_214] {strides = array<i32>} : memref<16x128xf32, #tpu.memory_space<vmem>>, vector<16xf32>,
        %get3A_216 = arith.constant 15 : i32
        %get3A_217 = arith.index_cast %get3A_216 : i32 to index
        %get3A_218 = arith.index_cast %mul3A_92 : i32 to index
        %get3A_219 = tpu.vector_load %arg10[%get3A_217, %get3A_218] {strides = array<i32>} : memref<16x128xf32, #tpu.memory_space<vmem>>, vector<16xf32>,
        %get3A_220 = arith.index_cast %mul3A_92 : i32 to index
        %get3A_221 = tpu.vector_load %arg11[%get3A_220] {strides = array<i32>} : memref<128xf32, #tpu.memory_space<vmem>>, vector<16xf32>,
        %add3A_222 = arith.constant 0 : i32
        %add3A_223 = vector.broadcast %add3A_222 : i32 to vector<16xi32>
        %add3A_224 = arith.addi %get3A_95, %add3A_223 : vector<16xi32>
        %gather3A = tpu.vector_load_idx %arg7[%add3A_224] : memref<32768xf32, #tpu.memory_space<vmem>>[vector<16xi32>], vector<16xf32>,
        %mul3A_225 = arith.mulf %get3A_159, %gather3A : vector<16xf32>
        %add3A_226 = arith.addf %get3A_221, %mul3A_225 : vector<16xf32>
        %add3A_227 = arith.constant 0 : i32
        %add3A_228 = vector.broadcast %add3A_227 : i32 to vector<16xi32>
        %add3A_229 = arith.addi %get3A_99, %add3A_228 : vector<16xi32>
        %gather3A_230 = tpu.vector_load_idx %arg7[%add3A_229] : memref<32768xf32, #tpu.memory_space<vmem>>[vector<16xi32>], vector<16xf32>,
        %mul3A_231 = arith.mulf %get3A_163, %gather3A_230 : vector<16xf32>
        %add3A_232 = arith.addf %add3A_226, %mul3A_231 : vector<16xf32>
        %add3A_233 = arith.constant 0 : i32
        %add3A_234 = vector.broadcast %add3A_233 : i32 to vector<16xi32>
        %add3A_235 = arith.addi %get3A_103, %add3A_234 : vector<16xi32>
        %gather3A_236 = tpu.vector_load_idx %arg7[%add3A_235] : memref<32768xf32, #tpu.memory_space<vmem>>[vector<16xi32>], vector<16xf32>,
        %mul3A_237 = arith.mulf %get3A_167, %gather3A_236 : vector<16xf32>
        %add3A_238 = arith.addf %add3A_232, %mul3A_237 : vector<16xf32>
        %add3A_239 = arith.constant 0 : i32
        %add3A_240 = vector.broadcast %add3A_239 : i32 to vector<16xi32>
        %add3A_241 = arith.addi %get3A_107, %add3A_240 : vector<16xi32>
        %gather3A_242 = tpu.vector_load_idx %arg7[%add3A_241] : memref<32768xf32, #tpu.memory_space<vmem>>[vector<16xi32>], vector<16xf32>,
        %mul3A_243 = arith.mulf %get3A_171, %gather3A_242 : vector<16xf32>
        %add3A_244 = arith.addf %add3A_238, %mul3A_243 : vector<16xf32>
        %add3A_245 = arith.constant 0 : i32
        %add3A_246 = vector.broadcast %add3A_245 : i32 to vector<16xi32>
        %add3A_247 = arith.addi %get3A_111, %add3A_246 : vector<16xi32>
        %gather3A_248 = tpu.vector_load_idx %arg7[%add3A_247] : memref<32768xf32, #tpu.memory_space<vmem>>[vector<16xi32>], vector<16xf32>,
        %mul3A_249 = arith.mulf %get3A_175, %gather3A_248 : vector<16xf32>
        %add3A_250 = arith.addf %add3A_244, %mul3A_249 : vector<16xf32>
        %add3A_251 = arith.constant 0 : i32
        %add3A_252 = vector.broadcast %add3A_251 : i32 to vector<16xi32>
        %add3A_253 = arith.addi %get3A_115, %add3A_252 : vector<16xi32>
        %gather3A_254 = tpu.vector_load_idx %arg7[%add3A_253] : memref<32768xf32, #tpu.memory_space<vmem>>[vector<16xi32>], vector<16xf32>,
        %mul3A_255 = arith.mulf %get3A_179, %gather3A_254 : vector<16xf32>
        %add3A_256 = arith.addf %add3A_250, %mul3A_255 : vector<16xf32>
        %add3A_257 = arith.constant 0 : i32
        %add3A_258 = vector.broadcast %add3A_257 : i32 to vector<16xi32>
        %add3A_259 = arith.addi %get3A_119, %add3A_258 : vector<16xi32>
        %gather3A_260 = tpu.vector_load_idx %arg7[%add3A_259] : memref<32768xf32, #tpu.memory_space<vmem>>[vector<16xi32>], vector<16xf32>,
        %mul3A_261 = arith.mulf %get3A_183, %gather3A_260 : vector<16xf32>
        %add3A_262 = arith.addf %add3A_256, %mul3A_261 : vector<16xf32>
        %add3A_263 = arith.constant 0 : i32
        %add3A_264 = vector.broadcast %add3A_263 : i32 to vector<16xi32>
        %add3A_265 = arith.addi %get3A_123, %add3A_264 : vector<16xi32>
        %gather3A_266 = tpu.vector_load_idx %arg7[%add3A_265] : memref<32768xf32, #tpu.memory_space<vmem>>[vector<16xi32>], vector<16xf32>,
        %mul3A_267 = arith.mulf %get3A_187, %gather3A_266 : vector<16xf32>
        %add3A_268 = arith.addf %add3A_262, %mul3A_267 : vector<16xf32>
        %add3A_269 = arith.constant 0 : i32
        %add3A_270 = vector.broadcast %add3A_269 : i32 to vector<16xi32>
        %add3A_271 = arith.addi %get3A_127, %add3A_270 : vector<16xi32>
        %gather3A_272 = tpu.vector_load_idx %arg7[%add3A_271] : memref<32768xf32, #tpu.memory_space<vmem>>[vector<16xi32>], vector<16xf32>,
        %mul3A_273 = arith.mulf %get3A_191, %gather3A_272 : vector<16xf32>
        %add3A_274 = arith.addf %add3A_268, %mul3A_273 : vector<16xf32>
        %add3A_275 = arith.constant 0 : i32
        %add3A_276 = vector.broadcast %add3A_275 : i32 to vector<16xi32>
        %add3A_277 = arith.addi %get3A_131, %add3A_276 : vector<16xi32>
        %gather3A_278 = tpu.vector_load_idx %arg7[%add3A_277] : memref<32768xf32, #tpu.memory_space<vmem>>[vector<16xi32>], vector<16xf32>,
        %mul3A_279 = arith.mulf %get3A_195, %gather3A_278 : vector<16xf32>
        %add3A_280 = arith.addf %add3A_274, %mul3A_279 : vector<16xf32>
        %add3A_281 = arith.constant 0 : i32
        %add3A_282 = vector.broadcast %add3A_281 : i32 to vector<16xi32>
        %add3A_283 = arith.addi %get3A_135, %add3A_282 : vector<16xi32>
        %gather3A_284 = tpu.vector_load_idx %arg7[%add3A_283] : memref<32768xf32, #tpu.memory_space<vmem>>[vector<16xi32>], vector<16xf32>,
        %mul3A_285 = arith.mulf %get3A_199, %gather3A_284 : vector<16xf32>
        %add3A_286 = arith.addf %add3A_280, %mul3A_285 : vector<16xf32>
        %add3A_287 = arith.constant 0 : i32
        %add3A_288 = vector.broadcast %add3A_287 : i32 to vector<16xi32>
        %add3A_289 = arith.addi %get3A_139, %add3A_288 : vector<16xi32>
        %gather3A_290 = tpu.vector_load_idx %arg7[%add3A_289] : memref<32768xf32, #tpu.memory_space<vmem>>[vector<16xi32>], vector<16xf32>,
        %mul3A_291 = arith.mulf %get3A_203, %gather3A_290 : vector<16xf32>
        %add3A_292 = arith.addf %add3A_286, %mul3A_291 : vector<16xf32>
        %add3A_293 = arith.constant 0 : i32
        %add3A_294 = vector.broadcast %add3A_293 : i32 to vector<16xi32>
        %add3A_295 = arith.addi %get3A_143, %add3A_294 : vector<16xi32>
        %gather3A_296 = tpu.vector_load_idx %arg7[%add3A_295] : memref<32768xf32, #tpu.memory_space<vmem>>[vector<16xi32>], vector<16xf32>,
        %mul3A_297 = arith.mulf %get3A_207, %gather3A_296 : vector<16xf32>
        %add3A_298 = arith.addf %add3A_292, %mul3A_297 : vector<16xf32>
        %add3A_299 = arith.constant 0 : i32
        %add3A_300 = vector.broadcast %add3A_299 : i32 to vector<16xi32>
        %add3A_301 = arith.addi %get3A_147, %add3A_300 : vector<16xi32>
        %gather3A_302 = tpu.vector_load_idx %arg7[%add3A_301] : memref<32768xf32, #tpu.memory_space<vmem>>[vector<16xi32>], vector<16xf32>,
        %mul3A_303 = arith.mulf %get3A_211, %gather3A_302 : vector<16xf32>
        %add3A_304 = arith.addf %add3A_298, %mul3A_303 : vector<16xf32>
        %add3A_305 = arith.constant 0 : i32
        %add3A_306 = vector.broadcast %add3A_305 : i32 to vector<16xi32>
        %add3A_307 = arith.addi %get3A_151, %add3A_306 : vector<16xi32>
        %gather3A_308 = tpu.vector_load_idx %arg7[%add3A_307] : memref<32768xf32, #tpu.memory_space<vmem>>[vector<16xi32>], vector<16xf32>,
        %mul3A_309 = arith.mulf %get3A_215, %gather3A_308 : vector<16xf32>
        %add3A_310 = arith.addf %add3A_304, %mul3A_309 : vector<16xf32>
        %add3A_311 = arith.constant 0 : i32
        %add3A_312 = vector.broadcast %add3A_311 : i32 to vector<16xi32>
        %add3A_313 = arith.addi %get3A_155, %add3A_312 : vector<16xi32>
        %gather3A_314 = tpu.vector_load_idx %arg7[%add3A_313] : memref<32768xf32, #tpu.memory_space<vmem>>[vector<16xi32>], vector<16xf32>,
        %mul3A_315 = arith.mulf %get3A_219, %gather3A_314 : vector<16xf32>
        %add3A_316 = arith.addf %add3A_310, %mul3A_315 : vector<16xf32>
        %swap3A = arith.constant 0 : i32
        %swap3A_317 = arith.index_cast %swap3A : i32 to index
        %swap3A_318 = arith.index_cast %mul3A_92 : i32 to index
        %swap3A_319 = tpu.vector_load %arg12[%swap3A_317, %swap3A_318] {strides = array<i32>} : memref<8x128xf32, #tpu.memory_space<vmem>>, vector<16xf32>,
        tpu.vector_store %arg12[%swap3A_317, %swap3A_318], %add3A_316 {strides = array<i32>} : memref<8x128xf32, #tpu.memory_space<vmem>>, vector<16xf32>,
        %add3A_320 = arith.constant 4096 : i32
        %add3A_321 = vector.broadcast %add3A_320 : i32 to vector<16xi32>
        %add3A_322 = arith.addi %get3A_95, %add3A_321 : vector<16xi32>
        %gather3A_323 = tpu.vector_load_idx %arg7[%add3A_322] : memref<32768xf32, #tpu.memory_space<vmem>>[vector<16xi32>], vector<16xf32>,
        %mul3A_324 = arith.mulf %get3A_159, %gather3A_323 : vector<16xf32>
        %add3A_325 = arith.addf %get3A_221, %mul3A_324 : vector<16xf32>
        %add3A_326 = arith.constant 4096 : i32
        %add3A_327 = vector.broadcast %add3A_326 : i32 to vector<16xi32>
        %add3A_328 = arith.addi %get3A_99, %add3A_327 : vector<16xi32>
        %gather3A_329 = tpu.vector_load_idx %arg7[%add3A_328] : memref<32768xf32, #tpu.memory_space<vmem>>[vector<16xi32>], vector<16xf32>,
        %mul3A_330 = arith.mulf %get3A_163, %gather3A_329 : vector<16xf32>
        %add3A_331 = arith.addf %add3A_325, %mul3A_330 : vector<16xf32>
        %add3A_332 = arith.constant 4096 : i32
        %add3A_333 = vector.broadcast %add3A_332 : i32 to vector<16xi32>
        %add3A_334 = arith.addi %get3A_103, %add3A_333 : vector<16xi32>
        %gather3A_335 = tpu.vector_load_idx %arg7[%add3A_334] : memref<32768xf32, #tpu.memory_space<vmem>>[vector<16xi32>], vector<16xf32>,
        %mul3A_336 = arith.mulf %get3A_167, %gather3A_335 : vector<16xf32>
        %add3A_337 = arith.addf %add3A_331, %mul3A_336 : vector<16xf32>
        %add3A_338 = arith.constant 4096 : i32
        %add3A_339 = vector.broadcast %add3A_338 : i32 to vector<16xi32>
        %add3A_340 = arith.addi %get3A_107, %add3A_339 : vector<16xi32>
        %gather3A_341 = tpu.vector_load_idx %arg7[%add3A_340] : memref<32768xf32, #tpu.memory_space<vmem>>[vector<16xi32>], vector<16xf32>,
        %mul3A_342 = arith.mulf %get3A_171, %gather3A_341 : vector<16xf32>
        %add3A_343 = arith.addf %add3A_337, %mul3A_342 : vector<16xf32>
        %add3A_344 = arith.constant 4096 : i32
        %add3A_345 = vector.broadcast %add3A_344 : i32 to vector<16xi32>
        %add3A_346 = arith.addi %get3A_111, %add3A_345 : vector<16xi32>
        %gather3A_347 = tpu.vector_load_idx %arg7[%add3A_346] : memref<32768xf32, #tpu.memory_space<vmem>>[vector<16xi32>], vector<16xf32>,
        %mul3A_348 = arith.mulf %get3A_175, %gather3A_347 : vector<16xf32>
        %add3A_349 = arith.addf %add3A_343, %mul3A_348 : vector<16xf32>
        %add3A_350 = arith.constant 4096 : i32
        %add3A_351 = vector.broadcast %add3A_350 : i32 to vector<16xi32>
        %add3A_352 = arith.addi %get3A_115, %add3A_351 : vector<16xi32>
        %gather3A_353 = tpu.vector_load_idx %arg7[%add3A_352] : memref<32768xf32, #tpu.memory_space<vmem>>[vector<16xi32>], vector<16xf32>,
        %mul3A_354 = arith.mulf %get3A_179, %gather3A_353 : vector<16xf32>
        %add3A_355 = arith.addf %add3A_349, %mul3A_354 : vector<16xf32>
        %add3A_356 = arith.constant 4096 : i32
        %add3A_357 = vector.broadcast %add3A_356 : i32 to vector<16xi32>
        %add3A_358 = arith.addi %get3A_119, %add3A_357 : vector<16xi32>
        %gather3A_359 = tpu.vector_load_idx %arg7[%add3A_358] : memref<32768xf32, #tpu.memory_space<vmem>>[vector<16xi32>], vector<16xf32>,
        %mul3A_360 = arith.mulf %get3A_183, %gather3A_359 : vector<16xf32>
        %add3A_361 = arith.addf %add3A_355, %mul3A_360 : vector<16xf32>
        %add3A_362 = arith.constant 4096 : i32
        %add3A_363 = vector.broadcast %add3A_362 : i32 to vector<16xi32>
        %add3A_364 = arith.addi %get3A_123, %add3A_363 : vector<16xi32>
        %gather3A_365 = tpu.vector_load_idx %arg7[%add3A_364] : memref<32768xf32, #tpu.memory_space<vmem>>[vector<16xi32>], vector<16xf32>,
        %mul3A_366 = arith.mulf %get3A_187, %gather3A_365 : vector<16xf32>
        %add3A_367 = arith.addf %add3A_361, %mul3A_366 : vector<16xf32>
        %add3A_368 = arith.constant 4096 : i32
        %add3A_369 = vector.broadcast %add3A_368 : i32 to vector<16xi32>
        %add3A_370 = arith.addi %get3A_127, %add3A_369 : vector<16xi32>
        %gather3A_371 = tpu.vector_load_idx %arg7[%add3A_370] : memref<32768xf32, #tpu.memory_space<vmem>>[vector<16xi32>], vector<16xf32>,
        %mul3A_372 = arith.mulf %get3A_191, %gather3A_371 : vector<16xf32>
        %add3A_373 = arith.addf %add3A_367, %mul3A_372 : vector<16xf32>
        %add3A_374 = arith.constant 4096 : i32
        %add3A_375 = vector.broadcast %add3A_374 : i32 to vector<16xi32>
        %add3A_376 = arith.addi %get3A_131, %add3A_375 : vector<16xi32>
        %gather3A_377 = tpu.vector_load_idx %arg7[%add3A_376] : memref<32768xf32, #tpu.memory_space<vmem>>[vector<16xi32>], vector<16xf32>,
        %mul3A_378 = arith.mulf %get3A_195, %gather3A_377 : vector<16xf32>
        %add3A_379 = arith.addf %add3A_373, %mul3A_378 : vector<16xf32>
        %add3A_380 = arith.constant 4096 : i32
        %add3A_381 = vector.broadcast %add3A_380 : i32 to vector<16xi32>
        %add3A_382 = arith.addi %get3A_135, %add3A_381 : vector<16xi32>
        %gather3A_383 = tpu.vector_load_idx %arg7[%add3A_382] : memref<32768xf32, #tpu.memory_space<vmem>>[vector<16xi32>], vector<16xf32>,
        %mul3A_384 = arith.mulf %get3A_199, %gather3A_383 : vector<16xf32>
        %add3A_385 = arith.addf %add3A_379, %mul3A_384 : vector<16xf32>
        %add3A_386 = arith.constant 4096 : i32
        %add3A_387 = vector.broadcast %add3A_386 : i32 to vector<16xi32>
        %add3A_388 = arith.addi %get3A_139, %add3A_387 : vector<16xi32>
        %gather3A_389 = tpu.vector_load_idx %arg7[%add3A_388] : memref<32768xf32, #tpu.memory_space<vmem>>[vector<16xi32>], vector<16xf32>,
        %mul3A_390 = arith.mulf %get3A_203, %gather3A_389 : vector<16xf32>
        %add3A_391 = arith.addf %add3A_385, %mul3A_390 : vector<16xf32>
        %add3A_392 = arith.constant 4096 : i32
        %add3A_393 = vector.broadcast %add3A_392 : i32 to vector<16xi32>
        %add3A_394 = arith.addi %get3A_143, %add3A_393 : vector<16xi32>
        %gather3A_395 = tpu.vector_load_idx %arg7[%add3A_394] : memref<32768xf32, #tpu.memory_space<vmem>>[vector<16xi32>], vector<16xf32>,
        %mul3A_396 = arith.mulf %get3A_207, %gather3A_395 : vector<16xf32>
        %add3A_397 = arith.addf %add3A_391, %mul3A_396 : vector<16xf32>
        %add3A_398 = arith.constant 4096 : i32
        %add3A_399 = vector.broadcast %add3A_398 : i32 to vector<16xi32>
        %add3A_400 = arith.addi %get3A_147, %add3A_399 : vector<16xi32>
        %gather3A_401 = tpu.vector_load_idx %arg7[%add3A_400] : memref<32768xf32, #tpu.memory_space<vmem>>[vector<16xi32>], vector<16xf32>,
        %mul3A_402 = arith.mulf %get3A_211, %gather3A_401 : vector<16xf32>
        %add3A_403 = arith.addf %add3A_397, %mul3A_402 : vector<16xf32>
        %add3A_404 = arith.constant 4096 : i32
        %add3A_405 = vector.broadcast %add3A_404 : i32 to vector<16xi32>
        %add3A_406 = arith.addi %get3A_151, %add3A_405 : vector<16xi32>
        %gather3A_407 = tpu.vector_load_idx %arg7[%add3A_406] : memref<32768xf32, #tpu.memory_space<vmem>>[vector<16xi32>], vector<16xf32>,
        %mul3A_408 = arith.mulf %get3A_215, %gather3A_407 : vector<16xf32>
        %add3A_409 = arith.addf %add3A_403, %mul3A_408 : vector<16xf32>
        %add3A_410 = arith.constant 4096 : i32
        %add3A_411 = vector.broadcast %add3A_410 : i32 to vector<16xi32>
        %add3A_412 = arith.addi %get3A_155, %add3A_411 : vector<16xi32>
        %gather3A_413 = tpu.vector_load_idx %arg7[%add3A_412] : memref<32768xf32, #tpu.memory_space<vmem>>[vector<16xi32>], vector<16xf32>,
        %mul3A_414 = arith.mulf %get3A_219, %gather3A_413 : vector<16xf32>
        %add3A_415 = arith.addf %add3A_409, %mul3A_414 : vector<16xf32>
        %swap3A_416 = arith.constant 1 : i32
        %swap3A_417 = arith.index_cast %swap3A_416 : i32 to index
        %swap3A_418 = arith.index_cast %mul3A_92 : i32 to index
        %swap3A_419 = tpu.vector_load %arg12[%swap3A_417, %swap3A_418] {strides = array<i32>} : memref<8x128xf32, #tpu.memory_space<vmem>>, vector<16xf32>,
        tpu.vector_store %arg12[%swap3A_417, %swap3A_418], %add3A_415 {strides = array<i32>} : memref<8x128xf32, #tpu.memory_space<vmem>>, vector<16xf32>,
        %add3A_420 = arith.constant 8192 : i32
        %add3A_421 = vector.broadcast %add3A_420 : i32 to vector<16xi32>
        %add3A_422 = arith.addi %get3A_95, %add3A_421 : vector<16xi32>
        %gather3A_423 = tpu.vector_load_idx %arg7[%add3A_422] : memref<32768xf32, #tpu.memory_space<vmem>>[vector<16xi32>], vector<16xf32>,
        %mul3A_424 = arith.mulf %get3A_159, %gather3A_423 : vector<16xf32>
        %add3A_425 = arith.addf %get3A_221, %mul3A_424 : vector<16xf32>
        %add3A_426 = arith.constant 8192 : i32
        %add3A_427 = vector.broadcast %add3A_426 : i32 to vector<16xi32>
        %add3A_428 = arith.addi %get3A_99, %add3A_427 : vector<16xi32>
        %gather3A_429 = tpu.vector_load_idx %arg7[%add3A_428] : memref<32768xf32, #tpu.memory_space<vmem>>[vector<16xi32>], vector<16xf32>,
        %mul3A_430 = arith.mulf %get3A_163, %gather3A_429 : vector<16xf32>
        %add3A_431 = arith.addf %add3A_425, %mul3A_430 : vector<16xf32>
        %add3A_432 = arith.constant 8192 : i32
        %add3A_433 = vector.broadcast %add3A_432 : i32 to vector<16xi32>
        %add3A_434 = arith.addi %get3A_103, %add3A_433 : vector<16xi32>
        %gather3A_435 = tpu.vector_load_idx %arg7[%add3A_434] : memref<32768xf32, #tpu.memory_space<vmem>>[vector<16xi32>], vector<16xf32>,
        %mul3A_436 = arith.mulf %get3A_167, %gather3A_435 : vector<16xf32>
        %add3A_437 = arith.addf %add3A_431, %mul3A_436 : vector<16xf32>
        %add3A_438 = arith.constant 8192 : i32
        %add3A_439 = vector.broadcast %add3A_438 : i32 to vector<16xi32>
        %add3A_440 = arith.addi %get3A_107, %add3A_439 : vector<16xi32>
        %gather3A_441 = tpu.vector_load_idx %arg7[%add3A_440] : memref<32768xf32, #tpu.memory_space<vmem>>[vector<16xi32>], vector<16xf32>,
        %mul3A_442 = arith.mulf %get3A_171, %gather3A_441 : vector<16xf32>
        %add3A_443 = arith.addf %add3A_437, %mul3A_442 : vector<16xf32>
        %add3A_444 = arith.constant 8192 : i32
        %add3A_445 = vector.broadcast %add3A_444 : i32 to vector<16xi32>
        %add3A_446 = arith.addi %get3A_111, %add3A_445 : vector<16xi32>
        %gather3A_447 = tpu.vector_load_idx %arg7[%add3A_446] : memref<32768xf32, #tpu.memory_space<vmem>>[vector<16xi32>], vector<16xf32>,
        %mul3A_448 = arith.mulf %get3A_175, %gather3A_447 : vector<16xf32>
        %add3A_449 = arith.addf %add3A_443, %mul3A_448 : vector<16xf32>
        %add3A_450 = arith.constant 8192 : i32
        %add3A_451 = vector.broadcast %add3A_450 : i32 to vector<16xi32>
        %add3A_452 = arith.addi %get3A_115, %add3A_451 : vector<16xi32>
        %gather3A_453 = tpu.vector_load_idx %arg7[%add3A_452] : memref<32768xf32, #tpu.memory_space<vmem>>[vector<16xi32>], vector<16xf32>,
        %mul3A_454 = arith.mulf %get3A_179, %gather3A_453 : vector<16xf32>
        %add3A_455 = arith.addf %add3A_449, %mul3A_454 : vector<16xf32>
        %add3A_456 = arith.constant 8192 : i32
        %add3A_457 = vector.broadcast %add3A_456 : i32 to vector<16xi32>
        %add3A_458 = arith.addi %get3A_119, %add3A_457 : vector<16xi32>
        %gather3A_459 = tpu.vector_load_idx %arg7[%add3A_458] : memref<32768xf32, #tpu.memory_space<vmem>>[vector<16xi32>], vector<16xf32>,
        %mul3A_460 = arith.mulf %get3A_183, %gather3A_459 : vector<16xf32>
        %add3A_461 = arith.addf %add3A_455, %mul3A_460 : vector<16xf32>
        %add3A_462 = arith.constant 8192 : i32
        %add3A_463 = vector.broadcast %add3A_462 : i32 to vector<16xi32>
        %add3A_464 = arith.addi %get3A_123, %add3A_463 : vector<16xi32>
        %gather3A_465 = tpu.vector_load_idx %arg7[%add3A_464] : memref<32768xf32, #tpu.memory_space<vmem>>[vector<16xi32>], vector<16xf32>,
        %mul3A_466 = arith.mulf %get3A_187, %gather3A_465 : vector<16xf32>
        %add3A_467 = arith.addf %add3A_461, %mul3A_466 : vector<16xf32>
        %add3A_468 = arith.constant 8192 : i32
        %add3A_469 = vector.broadcast %add3A_468 : i32 to vector<16xi32>
        %add3A_470 = arith.addi %get3A_127, %add3A_469 : vector<16xi32>
        %gather3A_471 = tpu.vector_load_idx %arg7[%add3A_470] : memref<32768xf32, #tpu.memory_space<vmem>>[vector<16xi32>], vector<16xf32>,
        %mul3A_472 = arith.mulf %get3A_191, %gather3A_471 : vector<16xf32>
        %add3A_473 = arith.addf %add3A_467, %mul3A_472 : vector<16xf32>
        %add3A_474 = arith.constant 8192 : i32
        %add3A_475 = vector.broadcast %add3A_474 : i32 to vector<16xi32>
        %add3A_476 = arith.addi %get3A_131, %add3A_475 : vector<16xi32>
        %gather3A_477 = tpu.vector_load_idx %arg7[%add3A_476] : memref<32768xf32, #tpu.memory_space<vmem>>[vector<16xi32>], vector<16xf32>,
        %mul3A_478 = arith.mulf %get3A_195, %gather3A_477 : vector<16xf32>
        %add3A_479 = arith.addf %add3A_473, %mul3A_478 : vector<16xf32>
        %add3A_480 = arith.constant 8192 : i32
        %add3A_481 = vector.broadcast %add3A_480 : i32 to vector<16xi32>
        %add3A_482 = arith.addi %get3A_135, %add3A_481 : vector<16xi32>
        %gather3A_483 = tpu.vector_load_idx %arg7[%add3A_482] : memref<32768xf32, #tpu.memory_space<vmem>>[vector<16xi32>], vector<16xf32>,
        %mul3A_484 = arith.mulf %get3A_199, %gather3A_483 : vector<16xf32>
        %add3A_485 = arith.addf %add3A_479, %mul3A_484 : vector<16xf32>
        %add3A_486 = arith.constant 8192 : i32
        %add3A_487 = vector.broadcast %add3A_486 : i32 to vector<16xi32>
        %add3A_488 = arith.addi %get3A_139, %add3A_487 : vector<16xi32>
        %gather3A_489 = tpu.vector_load_idx %arg7[%add3A_488] : memref<32768xf32, #tpu.memory_space<vmem>>[vector<16xi32>], vector<16xf32>,
        %mul3A_490 = arith.mulf %get3A_203, %gather3A_489 : vector<16xf32>
        %add3A_491 = arith.addf %add3A_485, %mul3A_490 : vector<16xf32>
        %add3A_492 = arith.constant 8192 : i32
        %add3A_493 = vector.broadcast %add3A_492 : i32 to vector<16xi32>
        %add3A_494 = arith.addi %get3A_143, %add3A_493 : vector<16xi32>
        %gather3A_495 = tpu.vector_load_idx %arg7[%add3A_494] : memref<32768xf32, #tpu.memory_space<vmem>>[vector<16xi32>], vector<16xf32>,
        %mul3A_496 = arith.mulf %get3A_207, %gather3A_495 : vector<16xf32>
        %add3A_497 = arith.addf %add3A_491, %mul3A_496 : vector<16xf32>
        %add3A_498 = arith.constant 8192 : i32
        %add3A_499 = vector.broadcast %add3A_498 : i32 to vector<16xi32>
        %add3A_500 = arith.addi %get3A_147, %add3A_499 : vector<16xi32>
        %gather3A_501 = tpu.vector_load_idx %arg7[%add3A_500] : memref<32768xf32, #tpu.memory_space<vmem>>[vector<16xi32>], vector<16xf32>,
        %mul3A_502 = arith.mulf %get3A_211, %gather3A_501 : vector<16xf32>
        %add3A_503 = arith.addf %add3A_497, %mul3A_502 : vector<16xf32>
        %add3A_504 = arith.constant 8192 : i32
        %add3A_505 = vector.broadcast %add3A_504 : i32 to vector<16xi32>
        %add3A_506 = arith.addi %get3A_151, %add3A_505 : vector<16xi32>
        %gather3A_507 = tpu.vector_load_idx %arg7[%add3A_506] : memref<32768xf32, #tpu.memory_space<vmem>>[vector<16xi32>], vector<16xf32>,
        %mul3A_508 = arith.mulf %get3A_215, %gather3A_507 : vector<16xf32>
        %add3A_509 = arith.addf %add3A_503, %mul3A_508 : vector<16xf32>
        %add3A_510 = arith.constant 8192 : i32
        %add3A_511 = vector.broadcast %add3A_510 : i32 to vector<16xi32>
        %add3A_512 = arith.addi %get3A_155, %add3A_511 : vector<16xi32>
        %gather3A_513 = tpu.vector_load_idx %arg7[%add3A_512] : memref<32768xf32, #tpu.memory_space<vmem>>[vector<16xi32>], vector<16xf32>,
        %mul3A_514 = arith.mulf %get3A_219, %gather3A_513 : vector<16xf32>
        %add3A_515 = arith.addf %add3A_509, %mul3A_514 : vector<16xf32>
        %swap3A_516 = arith.constant 2 : i32
        %swap3A_517 = arith.index_cast %swap3A_516 : i32 to index
        %swap3A_518 = arith.index_cast %mul3A_92 : i32 to index
        %swap3A_519 = tpu.vector_load %arg12[%swap3A_517, %swap3A_518] {strides = array<i32>} : memref<8x128xf32, #tpu.memory_space<vmem>>, vector<16xf32>,
        tpu.vector_store %arg12[%swap3A_517, %swap3A_518], %add3A_515 {strides = array<i32>} : memref<8x128xf32, #tpu.memory_space<vmem>>, vector<16xf32>,
        %add3A_520 = arith.constant 12288 : i32
        %add3A_521 = vector.broadcast %add3A_520 : i32 to vector<16xi32>
        %add3A_522 = arith.addi %get3A_95, %add3A_521 : vector<16xi32>
        %gather3A_523 = tpu.vector_load_idx %arg7[%add3A_522] : memref<32768xf32, #tpu.memory_space<vmem>>[vector<16xi32>], vector<16xf32>,
        %mul3A_524 = arith.mulf %get3A_159, %gather3A_523 : vector<16xf32>
        %add3A_525 = arith.addf %get3A_221, %mul3A_524 : vector<16xf32>
        %add3A_526 = arith.constant 12288 : i32
        %add3A_527 = vector.broadcast %add3A_526 : i32 to vector<16xi32>
        %add3A_528 = arith.addi %get3A_99, %add3A_527 : vector<16xi32>
        %gather3A_529 = tpu.vector_load_idx %arg7[%add3A_528] : memref<32768xf32, #tpu.memory_space<vmem>>[vector<16xi32>], vector<16xf32>,
        %mul3A_530 = arith.mulf %get3A_163, %gather3A_529 : vector<16xf32>
        %add3A_531 = arith.addf %add3A_525, %mul3A_530 : vector<16xf32>
        %add3A_532 = arith.constant 12288 : i32
        %add3A_533 = vector.broadcast %add3A_532 : i32 to vector<16xi32>
        %add3A_534 = arith.addi %get3A_103, %add3A_533 : vector<16xi32>
        %gather3A_535 = tpu.vector_load_idx %arg7[%add3A_534] : memref<32768xf32, #tpu.memory_space<vmem>>[vector<16xi32>], vector<16xf32>,
        %mul3A_536 = arith.mulf %get3A_167, %gather3A_535 : vector<16xf32>
        %add3A_537 = arith.addf %add3A_531, %mul3A_536 : vector<16xf32>
        %add3A_538 = arith.constant 12288 : i32
        %add3A_539 = vector.broadcast %add3A_538 : i32 to vector<16xi32>
        %add3A_540 = arith.addi %get3A_107, %add3A_539 : vector<16xi32>
        %gather3A_541 = tpu.vector_load_idx %arg7[%add3A_540] : memref<32768xf32, #tpu.memory_space<vmem>>[vector<16xi32>], vector<16xf32>,
        %mul3A_542 = arith.mulf %get3A_171, %gather3A_541 : vector<16xf32>
        %add3A_543 = arith.addf %add3A_537, %mul3A_542 : vector<16xf32>
        %add3A_544 = arith.constant 12288 : i32
        %add3A_545 = vector.broadcast %add3A_544 : i32 to vector<16xi32>
        %add3A_546 = arith.addi %get3A_111, %add3A_545 : vector<16xi32>
        %gather3A_547 = tpu.vector_load_idx %arg7[%add3A_546] : memref<32768xf32, #tpu.memory_space<vmem>>[vector<16xi32>], vector<16xf32>,
        %mul3A_548 = arith.mulf %get3A_175, %gather3A_547 : vector<16xf32>
        %add3A_549 = arith.addf %add3A_543, %mul3A_548 : vector<16xf32>
        %add3A_550 = arith.constant 12288 : i32
        %add3A_551 = vector.broadcast %add3A_550 : i32 to vector<16xi32>
        %add3A_552 = arith.addi %get3A_115, %add3A_551 : vector<16xi32>
        %gather3A_553 = tpu.vector_load_idx %arg7[%add3A_552] : memref<32768xf32, #tpu.memory_space<vmem>>[vector<16xi32>], vector<16xf32>,
        %mul3A_554 = arith.mulf %get3A_179, %gather3A_553 : vector<16xf32>
        %add3A_555 = arith.addf %add3A_549, %mul3A_554 : vector<16xf32>
        %add3A_556 = arith.constant 12288 : i32
        %add3A_557 = vector.broadcast %add3A_556 : i32 to vector<16xi32>
        %add3A_558 = arith.addi %get3A_119, %add3A_557 : vector<16xi32>
        %gather3A_559 = tpu.vector_load_idx %arg7[%add3A_558] : memref<32768xf32, #tpu.memory_space<vmem>>[vector<16xi32>], vector<16xf32>,
        %mul3A_560 = arith.mulf %get3A_183, %gather3A_559 : vector<16xf32>
        %add3A_561 = arith.addf %add3A_555, %mul3A_560 : vector<16xf32>
        %add3A_562 = arith.constant 12288 : i32
        %add3A_563 = vector.broadcast %add3A_562 : i32 to vector<16xi32>
        %add3A_564 = arith.addi %get3A_123, %add3A_563 : vector<16xi32>
        %gather3A_565 = tpu.vector_load_idx %arg7[%add3A_564] : memref<32768xf32, #tpu.memory_space<vmem>>[vector<16xi32>], vector<16xf32>,
        %mul3A_566 = arith.mulf %get3A_187, %gather3A_565 : vector<16xf32>
        %add3A_567 = arith.addf %add3A_561, %mul3A_566 : vector<16xf32>
        %add3A_568 = arith.constant 12288 : i32
        %add3A_569 = vector.broadcast %add3A_568 : i32 to vector<16xi32>
        %add3A_570 = arith.addi %get3A_127, %add3A_569 : vector<16xi32>
        %gather3A_571 = tpu.vector_load_idx %arg7[%add3A_570] : memref<32768xf32, #tpu.memory_space<vmem>>[vector<16xi32>], vector<16xf32>,
        %mul3A_572 = arith.mulf %get3A_191, %gather3A_571 : vector<16xf32>
        %add3A_573 = arith.addf %add3A_567, %mul3A_572 : vector<16xf32>
        %add3A_574 = arith.constant 12288 : i32
        %add3A_575 = vector.broadcast %add3A_574 : i32 to vector<16xi32>
        %add3A_576 = arith.addi %get3A_131, %add3A_575 : vector<16xi32>
        %gather3A_577 = tpu.vector_load_idx %arg7[%add3A_576] : memref<32768xf32, #tpu.memory_space<vmem>>[vector<16xi32>], vector<16xf32>,
        %mul3A_578 = arith.mulf %get3A_195, %gather3A_577 : vector<16xf32>
        %add3A_579 = arith.addf %add3A_573, %mul3A_578 : vector<16xf32>
        %add3A_580 = arith.constant 12288 : i32
        %add3A_581 = vector.broadcast %add3A_580 : i32 to vector<16xi32>
        %add3A_582 = arith.addi %get3A_135, %add3A_581 : vector<16xi32>
        %gather3A_583 = tpu.vector_load_idx %arg7[%add3A_582] : memref<32768xf32, #tpu.memory_space<vmem>>[vector<16xi32>], vector<16xf32>,
        %mul3A_584 = arith.mulf %get3A_199, %gather3A_583 : vector<16xf32>
        %add3A_585 = arith.addf %add3A_579, %mul3A_584 : vector<16xf32>
        %add3A_586 = arith.constant 12288 : i32
        %add3A_587 = vector.broadcast %add3A_586 : i32 to vector<16xi32>
        %add3A_588 = arith.addi %get3A_139, %add3A_587 : vector<16xi32>
        %gather3A_589 = tpu.vector_load_idx %arg7[%add3A_588] : memref<32768xf32, #tpu.memory_space<vmem>>[vector<16xi32>], vector<16xf32>,
        %mul3A_590 = arith.mulf %get3A_203, %gather3A_589 : vector<16xf32>
        %add3A_591 = arith.addf %add3A_585, %mul3A_590 : vector<16xf32>
        %add3A_592 = arith.constant 12288 : i32
        %add3A_593 = vector.broadcast %add3A_592 : i32 to vector<16xi32>
        %add3A_594 = arith.addi %get3A_143, %add3A_593 : vector<16xi32>
        %gather3A_595 = tpu.vector_load_idx %arg7[%add3A_594] : memref<32768xf32, #tpu.memory_space<vmem>>[vector<16xi32>], vector<16xf32>,
        %mul3A_596 = arith.mulf %get3A_207, %gather3A_595 : vector<16xf32>
        %add3A_597 = arith.addf %add3A_591, %mul3A_596 : vector<16xf32>
        %add3A_598 = arith.constant 12288 : i32
        %add3A_599 = vector.broadcast %add3A_598 : i32 to vector<16xi32>
        %add3A_600 = arith.addi %get3A_147, %add3A_599 : vector<16xi32>
        %gather3A_601 = tpu.vector_load_idx %arg7[%add3A_600] : memref<32768xf32, #tpu.memory_space<vmem>>[vector<16xi32>], vector<16xf32>,
        %mul3A_602 = arith.mulf %get3A_211, %gather3A_601 : vector<16xf32>
        %add3A_603 = arith.addf %add3A_597, %mul3A_602 : vector<16xf32>
        %add3A_604 = arith.constant 12288 : i32
        %add3A_605 = vector.broadcast %add3A_604 : i32 to vector<16xi32>
        %add3A_606 = arith.addi %get3A_151, %add3A_605 : vector<16xi32>
        %gather3A_607 = tpu.vector_load_idx %arg7[%add3A_606] : memref<32768xf32, #tpu.memory_space<vmem>>[vector<16xi32>], vector<16xf32>,
        %mul3A_608 = arith.mulf %get3A_215, %gather3A_607 : vector<16xf32>
        %add3A_609 = arith.addf %add3A_603, %mul3A_608 : vector<16xf32>
        %add3A_610 = arith.constant 12288 : i32
        %add3A_611 = vector.broadcast %add3A_610 : i32 to vector<16xi32>
        %add3A_612 = arith.addi %get3A_155, %add3A_611 : vector<16xi32>
        %gather3A_613 = tpu.vector_load_idx %arg7[%add3A_612] : memref<32768xf32, #tpu.memory_space<vmem>>[vector<16xi32>], vector<16xf32>,
        %mul3A_614 = arith.mulf %get3A_219, %gather3A_613 : vector<16xf32>
        %add3A_615 = arith.addf %add3A_609, %mul3A_614 : vector<16xf32>
        %swap3A_616 = arith.constant 3 : i32
        %swap3A_617 = arith.index_cast %swap3A_616 : i32 to index
        %swap3A_618 = arith.index_cast %mul3A_92 : i32 to index
        %swap3A_619 = tpu.vector_load %arg12[%swap3A_617, %swap3A_618] {strides = array<i32>} : memref<8x128xf32, #tpu.memory_space<vmem>>, vector<16xf32>,
        tpu.vector_store %arg12[%swap3A_617, %swap3A_618], %add3A_615 {strides = array<i32>} : memref<8x128xf32, #tpu.memory_space<vmem>>, vector<16xf32>,
        %add3A_620 = arith.constant 16384 : i32
        %add3A_621 = vector.broadcast %add3A_620 : i32 to vector<16xi32>
        %add3A_622 = arith.addi %get3A_95, %add3A_621 : vector<16xi32>
        %gather3A_623 = tpu.vector_load_idx %arg7[%add3A_622] : memref<32768xf32, #tpu.memory_space<vmem>>[vector<16xi32>], vector<16xf32>,
        %mul3A_624 = arith.mulf %get3A_159, %gather3A_623 : vector<16xf32>
        %add3A_625 = arith.addf %get3A_221, %mul3A_624 : vector<16xf32>
        %add3A_626 = arith.constant 16384 : i32
        %add3A_627 = vector.broadcast %add3A_626 : i32 to vector<16xi32>
        %add3A_628 = arith.addi %get3A_99, %add3A_627 : vector<16xi32>
        %gather3A_629 = tpu.vector_load_idx %arg7[%add3A_628] : memref<32768xf32, #tpu.memory_space<vmem>>[vector<16xi32>], vector<16xf32>,
        %mul3A_630 = arith.mulf %get3A_163, %gather3A_629 : vector<16xf32>
        %add3A_631 = arith.addf %add3A_625, %mul3A_630 : vector<16xf32>
        %add3A_632 = arith.constant 16384 : i32
        %add3A_633 = vector.broadcast %add3A_632 : i32 to vector<16xi32>
        %add3A_634 = arith.addi %get3A_103, %add3A_633 : vector<16xi32>
        %gather3A_635 = tpu.vector_load_idx %arg7[%add3A_634] : memref<32768xf32, #tpu.memory_space<vmem>>[vector<16xi32>], vector<16xf32>,
        %mul3A_636 = arith.mulf %get3A_167, %gather3A_635 : vector<16xf32>
        %add3A_637 = arith.addf %add3A_631, %mul3A_636 : vector<16xf32>
        %add3A_638 = arith.constant 16384 : i32
        %add3A_639 = vector.broadcast %add3A_638 : i32 to vector<16xi32>
        %add3A_640 = arith.addi %get3A_107, %add3A_639 : vector<16xi32>
        %gather3A_641 = tpu.vector_load_idx %arg7[%add3A_640] : memref<32768xf32, #tpu.memory_space<vmem>>[vector<16xi32>], vector<16xf32>,
        %mul3A_642 = arith.mulf %get3A_171, %gather3A_641 : vector<16xf32>
        %add3A_643 = arith.addf %add3A_637, %mul3A_642 : vector<16xf32>
        %add3A_644 = arith.constant 16384 : i32
        %add3A_645 = vector.broadcast %add3A_644 : i32 to vector<16xi32>
        %add3A_646 = arith.addi %get3A_111, %add3A_645 : vector<16xi32>
        %gather3A_647 = tpu.vector_load_idx %arg7[%add3A_646] : memref<32768xf32, #tpu.memory_space<vmem>>[vector<16xi32>], vector<16xf32>,
        %mul3A_648 = arith.mulf %get3A_175, %gather3A_647 : vector<16xf32>
        %add3A_649 = arith.addf %add3A_643, %mul3A_648 : vector<16xf32>
        %add3A_650 = arith.constant 16384 : i32
        %add3A_651 = vector.broadcast %add3A_650 : i32 to vector<16xi32>
        %add3A_652 = arith.addi %get3A_115, %add3A_651 : vector<16xi32>
        %gather3A_653 = tpu.vector_load_idx %arg7[%add3A_652] : memref<32768xf32, #tpu.memory_space<vmem>>[vector<16xi32>], vector<16xf32>,
        %mul3A_654 = arith.mulf %get3A_179, %gather3A_653 : vector<16xf32>
        %add3A_655 = arith.addf %add3A_649, %mul3A_654 : vector<16xf32>
        %add3A_656 = arith.constant 16384 : i32
        %add3A_657 = vector.broadcast %add3A_656 : i32 to vector<16xi32>
        %add3A_658 = arith.addi %get3A_119, %add3A_657 : vector<16xi32>
        %gather3A_659 = tpu.vector_load_idx %arg7[%add3A_658] : memref<32768xf32, #tpu.memory_space<vmem>>[vector<16xi32>], vector<16xf32>,
        %mul3A_660 = arith.mulf %get3A_183, %gather3A_659 : vector<16xf32>
        %add3A_661 = arith.addf %add3A_655, %mul3A_660 : vector<16xf32>
        %add3A_662 = arith.constant 16384 : i32
        %add3A_663 = vector.broadcast %add3A_662 : i32 to vector<16xi32>
        %add3A_664 = arith.addi %get3A_123, %add3A_663 : vector<16xi32>
        %gather3A_665 = tpu.vector_load_idx %arg7[%add3A_664] : memref<32768xf32, #tpu.memory_space<vmem>>[vector<16xi32>], vector<16xf32>,
        %mul3A_666 = arith.mulf %get3A_187, %gather3A_665 : vector<16xf32>
        %add3A_667 = arith.addf %add3A_661, %mul3A_666 : vector<16xf32>
        %add3A_668 = arith.constant 16384 : i32
        %add3A_669 = vector.broadcast %add3A_668 : i32 to vector<16xi32>
        %add3A_670 = arith.addi %get3A_127, %add3A_669 : vector<16xi32>
        %gather3A_671 = tpu.vector_load_idx %arg7[%add3A_670] : memref<32768xf32, #tpu.memory_space<vmem>>[vector<16xi32>], vector<16xf32>,
        %mul3A_672 = arith.mulf %get3A_191, %gather3A_671 : vector<16xf32>
        %add3A_673 = arith.addf %add3A_667, %mul3A_672 : vector<16xf32>
        %add3A_674 = arith.constant 16384 : i32
        %add3A_675 = vector.broadcast %add3A_674 : i32 to vector<16xi32>
        %add3A_676 = arith.addi %get3A_131, %add3A_675 : vector<16xi32>
        %gather3A_677 = tpu.vector_load_idx %arg7[%add3A_676] : memref<32768xf32, #tpu.memory_space<vmem>>[vector<16xi32>], vector<16xf32>,
        %mul3A_678 = arith.mulf %get3A_195, %gather3A_677 : vector<16xf32>
        %add3A_679 = arith.addf %add3A_673, %mul3A_678 : vector<16xf32>
        %add3A_680 = arith.constant 16384 : i32
        %add3A_681 = vector.broadcast %add3A_680 : i32 to vector<16xi32>
        %add3A_682 = arith.addi %get3A_135, %add3A_681 : vector<16xi32>
        %gather3A_683 = tpu.vector_load_idx %arg7[%add3A_682] : memref<32768xf32, #tpu.memory_space<vmem>>[vector<16xi32>], vector<16xf32>,
        %mul3A_684 = arith.mulf %get3A_199, %gather3A_683 : vector<16xf32>
        %add3A_685 = arith.addf %add3A_679, %mul3A_684 : vector<16xf32>
        %add3A_686 = arith.constant 16384 : i32
        %add3A_687 = vector.broadcast %add3A_686 : i32 to vector<16xi32>
        %add3A_688 = arith.addi %get3A_139, %add3A_687 : vector<16xi32>
        %gather3A_689 = tpu.vector_load_idx %arg7[%add3A_688] : memref<32768xf32, #tpu.memory_space<vmem>>[vector<16xi32>], vector<16xf32>,
        %mul3A_690 = arith.mulf %get3A_203, %gather3A_689 : vector<16xf32>
        %add3A_691 = arith.addf %add3A_685, %mul3A_690 : vector<16xf32>
        %add3A_692 = arith.constant 16384 : i32
        %add3A_693 = vector.broadcast %add3A_692 : i32 to vector<16xi32>
        %add3A_694 = arith.addi %get3A_143, %add3A_693 : vector<16xi32>
        %gather3A_695 = tpu.vector_load_idx %arg7[%add3A_694] : memref<32768xf32, #tpu.memory_space<vmem>>[vector<16xi32>], vector<16xf32>,
        %mul3A_696 = arith.mulf %get3A_207, %gather3A_695 : vector<16xf32>
        %add3A_697 = arith.addf %add3A_691, %mul3A_696 : vector<16xf32>
        %add3A_698 = arith.constant 16384 : i32
        %add3A_699 = vector.broadcast %add3A_698 : i32 to vector<16xi32>
        %add3A_700 = arith.addi %get3A_147, %add3A_699 : vector<16xi32>
        %gather3A_701 = tpu.vector_load_idx %arg7[%add3A_700] : memref<32768xf32, #tpu.memory_space<vmem>>[vector<16xi32>], vector<16xf32>,
        %mul3A_702 = arith.mulf %get3A_211, %gather3A_701 : vector<16xf32>
        %add3A_703 = arith.addf %add3A_697, %mul3A_702 : vector<16xf32>
        %add3A_704 = arith.constant 16384 : i32
        %add3A_705 = vector.broadcast %add3A_704 : i32 to vector<16xi32>
        %add3A_706 = arith.addi %get3A_151, %add3A_705 : vector<16xi32>
        %gather3A_707 = tpu.vector_load_idx %arg7[%add3A_706] : memref<32768xf32, #tpu.memory_space<vmem>>[vector<16xi32>], vector<16xf32>,
        %mul3A_708 = arith.mulf %get3A_215, %gather3A_707 : vector<16xf32>
        %add3A_709 = arith.addf %add3A_703, %mul3A_708 : vector<16xf32>
        %add3A_710 = arith.constant 16384 : i32
        %add3A_711 = vector.broadcast %add3A_710 : i32 to vector<16xi32>
        %add3A_712 = arith.addi %get3A_155, %add3A_711 : vector<16xi32>
        %gather3A_713 = tpu.vector_load_idx %arg7[%add3A_712] : memref<32768xf32, #tpu.memory_space<vmem>>[vector<16xi32>], vector<16xf32>,
        %mul3A_714 = arith.mulf %get3A_219, %gather3A_713 : vector<16xf32>
        %add3A_715 = arith.addf %add3A_709, %mul3A_714 : vector<16xf32>
        %swap3A_716 = arith.constant 4 : i32
        %swap3A_717 = arith.index_cast %swap3A_716 : i32 to index
        %swap3A_718 = arith.index_cast %mul3A_92 : i32 to index
        %swap3A_719 = tpu.vector_load %arg12[%swap3A_717, %swap3A_718] {strides = array<i32>} : memref<8x128xf32, #tpu.memory_space<vmem>>, vector<16xf32>,
        tpu.vector_store %arg12[%swap3A_717, %swap3A_718], %add3A_715 {strides = array<i32>} : memref<8x128xf32, #tpu.memory_space<vmem>>, vector<16xf32>,
        %add3A_720 = arith.constant 20480 : i32
        %add3A_721 = vector.broadcast %add3A_720 : i32 to vector<16xi32>
        %add3A_722 = arith.addi %get3A_95, %add3A_721 : vector<16xi32>
        %gather3A_723 = tpu.vector_load_idx %arg7[%add3A_722] : memref<32768xf32, #tpu.memory_space<vmem>>[vector<16xi32>], vector<16xf32>,
        %mul3A_724 = arith.mulf %get3A_159, %gather3A_723 : vector<16xf32>
        %add3A_725 = arith.addf %get3A_221, %mul3A_724 : vector<16xf32>
        %add3A_726 = arith.constant 20480 : i32
        %add3A_727 = vector.broadcast %add3A_726 : i32 to vector<16xi32>
        %add3A_728 = arith.addi %get3A_99, %add3A_727 : vector<16xi32>
        %gather3A_729 = tpu.vector_load_idx %arg7[%add3A_728] : memref<32768xf32, #tpu.memory_space<vmem>>[vector<16xi32>], vector<16xf32>,
        %mul3A_730 = arith.mulf %get3A_163, %gather3A_729 : vector<16xf32>
        %add3A_731 = arith.addf %add3A_725, %mul3A_730 : vector<16xf32>
        %add3A_732 = arith.constant 20480 : i32
        %add3A_733 = vector.broadcast %add3A_732 : i32 to vector<16xi32>
        %add3A_734 = arith.addi %get3A_103, %add3A_733 : vector<16xi32>
        %gather3A_735 = tpu.vector_load_idx %arg7[%add3A_734] : memref<32768xf32, #tpu.memory_space<vmem>>[vector<16xi32>], vector<16xf32>,
        %mul3A_736 = arith.mulf %get3A_167, %gather3A_735 : vector<16xf32>
        %add3A_737 = arith.addf %add3A_731, %mul3A_736 : vector<16xf32>
        %add3A_738 = arith.constant 20480 : i32
        %add3A_739 = vector.broadcast %add3A_738 : i32 to vector<16xi32>
        %add3A_740 = arith.addi %get3A_107, %add3A_739 : vector<16xi32>
        %gather3A_741 = tpu.vector_load_idx %arg7[%add3A_740] : memref<32768xf32, #tpu.memory_space<vmem>>[vector<16xi32>], vector<16xf32>,
        %mul3A_742 = arith.mulf %get3A_171, %gather3A_741 : vector<16xf32>
        %add3A_743 = arith.addf %add3A_737, %mul3A_742 : vector<16xf32>
        %add3A_744 = arith.constant 20480 : i32
        %add3A_745 = vector.broadcast %add3A_744 : i32 to vector<16xi32>
        %add3A_746 = arith.addi %get3A_111, %add3A_745 : vector<16xi32>
        %gather3A_747 = tpu.vector_load_idx %arg7[%add3A_746] : memref<32768xf32, #tpu.memory_space<vmem>>[vector<16xi32>], vector<16xf32>,
        %mul3A_748 = arith.mulf %get3A_175, %gather3A_747 : vector<16xf32>
        %add3A_749 = arith.addf %add3A_743, %mul3A_748 : vector<16xf32>
        %add3A_750 = arith.constant 20480 : i32
        %add3A_751 = vector.broadcast %add3A_750 : i32 to vector<16xi32>
        %add3A_752 = arith.addi %get3A_115, %add3A_751 : vector<16xi32>
        %gather3A_753 = tpu.vector_load_idx %arg7[%add3A_752] : memref<32768xf32, #tpu.memory_space<vmem>>[vector<16xi32>], vector<16xf32>,
        %mul3A_754 = arith.mulf %get3A_179, %gather3A_753 : vector<16xf32>
        %add3A_755 = arith.addf %add3A_749, %mul3A_754 : vector<16xf32>
        %add3A_756 = arith.constant 20480 : i32
        %add3A_757 = vector.broadcast %add3A_756 : i32 to vector<16xi32>
        %add3A_758 = arith.addi %get3A_119, %add3A_757 : vector<16xi32>
        %gather3A_759 = tpu.vector_load_idx %arg7[%add3A_758] : memref<32768xf32, #tpu.memory_space<vmem>>[vector<16xi32>], vector<16xf32>,
        %mul3A_760 = arith.mulf %get3A_183, %gather3A_759 : vector<16xf32>
        %add3A_761 = arith.addf %add3A_755, %mul3A_760 : vector<16xf32>
        %add3A_762 = arith.constant 20480 : i32
        %add3A_763 = vector.broadcast %add3A_762 : i32 to vector<16xi32>
        %add3A_764 = arith.addi %get3A_123, %add3A_763 : vector<16xi32>
        %gather3A_765 = tpu.vector_load_idx %arg7[%add3A_764] : memref<32768xf32, #tpu.memory_space<vmem>>[vector<16xi32>], vector<16xf32>,
        %mul3A_766 = arith.mulf %get3A_187, %gather3A_765 : vector<16xf32>
        %add3A_767 = arith.addf %add3A_761, %mul3A_766 : vector<16xf32>
        %add3A_768 = arith.constant 20480 : i32
        %add3A_769 = vector.broadcast %add3A_768 : i32 to vector<16xi32>
        %add3A_770 = arith.addi %get3A_127, %add3A_769 : vector<16xi32>
        %gather3A_771 = tpu.vector_load_idx %arg7[%add3A_770] : memref<32768xf32, #tpu.memory_space<vmem>>[vector<16xi32>], vector<16xf32>,
        %mul3A_772 = arith.mulf %get3A_191, %gather3A_771 : vector<16xf32>
        %add3A_773 = arith.addf %add3A_767, %mul3A_772 : vector<16xf32>
        %add3A_774 = arith.constant 20480 : i32
        %add3A_775 = vector.broadcast %add3A_774 : i32 to vector<16xi32>
        %add3A_776 = arith.addi %get3A_131, %add3A_775 : vector<16xi32>
        %gather3A_777 = tpu.vector_load_idx %arg7[%add3A_776] : memref<32768xf32, #tpu.memory_space<vmem>>[vector<16xi32>], vector<16xf32>,
        %mul3A_778 = arith.mulf %get3A_195, %gather3A_777 : vector<16xf32>
        %add3A_779 = arith.addf %add3A_773, %mul3A_778 : vector<16xf32>
        %add3A_780 = arith.constant 20480 : i32
        %add3A_781 = vector.broadcast %add3A_780 : i32 to vector<16xi32>
        %add3A_782 = arith.addi %get3A_135, %add3A_781 : vector<16xi32>
        %gather3A_783 = tpu.vector_load_idx %arg7[%add3A_782] : memref<32768xf32, #tpu.memory_space<vmem>>[vector<16xi32>], vector<16xf32>,
        %mul3A_784 = arith.mulf %get3A_199, %gather3A_783 : vector<16xf32>
        %add3A_785 = arith.addf %add3A_779, %mul3A_784 : vector<16xf32>
        %add3A_786 = arith.constant 20480 : i32
        %add3A_787 = vector.broadcast %add3A_786 : i32 to vector<16xi32>
        %add3A_788 = arith.addi %get3A_139, %add3A_787 : vector<16xi32>
        %gather3A_789 = tpu.vector_load_idx %arg7[%add3A_788] : memref<32768xf32, #tpu.memory_space<vmem>>[vector<16xi32>], vector<16xf32>,
        %mul3A_790 = arith.mulf %get3A_203, %gather3A_789 : vector<16xf32>
        %add3A_791 = arith.addf %add3A_785, %mul3A_790 : vector<16xf32>
        %add3A_792 = arith.constant 20480 : i32
        %add3A_793 = vector.broadcast %add3A_792 : i32 to vector<16xi32>
        %add3A_794 = arith.addi %get3A_143, %add3A_793 : vector<16xi32>
        %gather3A_795 = tpu.vector_load_idx %arg7[%add3A_794] : memref<32768xf32, #tpu.memory_space<vmem>>[vector<16xi32>], vector<16xf32>,
        %mul3A_796 = arith.mulf %get3A_207, %gather3A_795 : vector<16xf32>
        %add3A_797 = arith.addf %add3A_791, %mul3A_796 : vector<16xf32>
        %add3A_798 = arith.constant 20480 : i32
        %add3A_799 = vector.broadcast %add3A_798 : i32 to vector<16xi32>
        %add3A_800 = arith.addi %get3A_147, %add3A_799 : vector<16xi32>
        %gather3A_801 = tpu.vector_load_idx %arg7[%add3A_800] : memref<32768xf32, #tpu.memory_space<vmem>>[vector<16xi32>], vector<16xf32>,
        %mul3A_802 = arith.mulf %get3A_211, %gather3A_801 : vector<16xf32>
        %add3A_803 = arith.addf %add3A_797, %mul3A_802 : vector<16xf32>
        %add3A_804 = arith.constant 20480 : i32
        %add3A_805 = vector.broadcast %add3A_804 : i32 to vector<16xi32>
        %add3A_806 = arith.addi %get3A_151, %add3A_805 : vector<16xi32>
        %gather3A_807 = tpu.vector_load_idx %arg7[%add3A_806] : memref<32768xf32, #tpu.memory_space<vmem>>[vector<16xi32>], vector<16xf32>,
        %mul3A_808 = arith.mulf %get3A_215, %gather3A_807 : vector<16xf32>
        %add3A_809 = arith.addf %add3A_803, %mul3A_808 : vector<16xf32>
        %add3A_810 = arith.constant 20480 : i32
        %add3A_811 = vector.broadcast %add3A_810 : i32 to vector<16xi32>
        %add3A_812 = arith.addi %get3A_155, %add3A_811 : vector<16xi32>
        %gather3A_813 = tpu.vector_load_idx %arg7[%add3A_812] : memref<32768xf32, #tpu.memory_space<vmem>>[vector<16xi32>], vector<16xf32>,
        %mul3A_814 = arith.mulf %get3A_219, %gather3A_813 : vector<16xf32>
        %add3A_815 = arith.addf %add3A_809, %mul3A_814 : vector<16xf32>
        %swap3A_816 = arith.constant 5 : i32
        %swap3A_817 = arith.index_cast %swap3A_816 : i32 to index
        %swap3A_818 = arith.index_cast %mul3A_92 : i32 to index
        %swap3A_819 = tpu.vector_load %arg12[%swap3A_817, %swap3A_818] {strides = array<i32>} : memref<8x128xf32, #tpu.memory_space<vmem>>, vector<16xf32>,
        tpu.vector_store %arg12[%swap3A_817, %swap3A_818], %add3A_815 {strides = array<i32>} : memref<8x128xf32, #tpu.memory_space<vmem>>, vector<16xf32>,
        %add3A_820 = arith.constant 24576 : i32
        %add3A_821 = vector.broadcast %add3A_820 : i32 to vector<16xi32>
        %add3A_822 = arith.addi %get3A_95, %add3A_821 : vector<16xi32>
        %gather3A_823 = tpu.vector_load_idx %arg7[%add3A_822] : memref<32768xf32, #tpu.memory_space<vmem>>[vector<16xi32>], vector<16xf32>,
        %mul3A_824 = arith.mulf %get3A_159, %gather3A_823 : vector<16xf32>
        %add3A_825 = arith.addf %get3A_221, %mul3A_824 : vector<16xf32>
        %add3A_826 = arith.constant 24576 : i32
        %add3A_827 = vector.broadcast %add3A_826 : i32 to vector<16xi32>
        %add3A_828 = arith.addi %get3A_99, %add3A_827 : vector<16xi32>
        %gather3A_829 = tpu.vector_load_idx %arg7[%add3A_828] : memref<32768xf32, #tpu.memory_space<vmem>>[vector<16xi32>], vector<16xf32>,
        %mul3A_830 = arith.mulf %get3A_163, %gather3A_829 : vector<16xf32>
        %add3A_831 = arith.addf %add3A_825, %mul3A_830 : vector<16xf32>
        %add3A_832 = arith.constant 24576 : i32
        %add3A_833 = vector.broadcast %add3A_832 : i32 to vector<16xi32>
        %add3A_834 = arith.addi %get3A_103, %add3A_833 : vector<16xi32>
        %gather3A_835 = tpu.vector_load_idx %arg7[%add3A_834] : memref<32768xf32, #tpu.memory_space<vmem>>[vector<16xi32>], vector<16xf32>,
        %mul3A_836 = arith.mulf %get3A_167, %gather3A_835 : vector<16xf32>
        %add3A_837 = arith.addf %add3A_831, %mul3A_836 : vector<16xf32>
        %add3A_838 = arith.constant 24576 : i32
        %add3A_839 = vector.broadcast %add3A_838 : i32 to vector<16xi32>
        %add3A_840 = arith.addi %get3A_107, %add3A_839 : vector<16xi32>
        %gather3A_841 = tpu.vector_load_idx %arg7[%add3A_840] : memref<32768xf32, #tpu.memory_space<vmem>>[vector<16xi32>], vector<16xf32>,
        %mul3A_842 = arith.mulf %get3A_171, %gather3A_841 : vector<16xf32>
        %add3A_843 = arith.addf %add3A_837, %mul3A_842 : vector<16xf32>
        %add3A_844 = arith.constant 24576 : i32
        %add3A_845 = vector.broadcast %add3A_844 : i32 to vector<16xi32>
        %add3A_846 = arith.addi %get3A_111, %add3A_845 : vector<16xi32>
        %gather3A_847 = tpu.vector_load_idx %arg7[%add3A_846] : memref<32768xf32, #tpu.memory_space<vmem>>[vector<16xi32>], vector<16xf32>,
        %mul3A_848 = arith.mulf %get3A_175, %gather3A_847 : vector<16xf32>
        %add3A_849 = arith.addf %add3A_843, %mul3A_848 : vector<16xf32>
        %add3A_850 = arith.constant 24576 : i32
        %add3A_851 = vector.broadcast %add3A_850 : i32 to vector<16xi32>
        %add3A_852 = arith.addi %get3A_115, %add3A_851 : vector<16xi32>
        %gather3A_853 = tpu.vector_load_idx %arg7[%add3A_852] : memref<32768xf32, #tpu.memory_space<vmem>>[vector<16xi32>], vector<16xf32>,
        %mul3A_854 = arith.mulf %get3A_179, %gather3A_853 : vector<16xf32>
        %add3A_855 = arith.addf %add3A_849, %mul3A_854 : vector<16xf32>
        %add3A_856 = arith.constant 24576 : i32
        %add3A_857 = vector.broadcast %add3A_856 : i32 to vector<16xi32>
        %add3A_858 = arith.addi %get3A_119, %add3A_857 : vector<16xi32>
        %gather3A_859 = tpu.vector_load_idx %arg7[%add3A_858] : memref<32768xf32, #tpu.memory_space<vmem>>[vector<16xi32>], vector<16xf32>,
        %mul3A_860 = arith.mulf %get3A_183, %gather3A_859 : vector<16xf32>
        %add3A_861 = arith.addf %add3A_855, %mul3A_860 : vector<16xf32>
        %add3A_862 = arith.constant 24576 : i32
        %add3A_863 = vector.broadcast %add3A_862 : i32 to vector<16xi32>
        %add3A_864 = arith.addi %get3A_123, %add3A_863 : vector<16xi32>
        %gather3A_865 = tpu.vector_load_idx %arg7[%add3A_864] : memref<32768xf32, #tpu.memory_space<vmem>>[vector<16xi32>], vector<16xf32>,
        %mul3A_866 = arith.mulf %get3A_187, %gather3A_865 : vector<16xf32>
        %add3A_867 = arith.addf %add3A_861, %mul3A_866 : vector<16xf32>
        %add3A_868 = arith.constant 24576 : i32
        %add3A_869 = vector.broadcast %add3A_868 : i32 to vector<16xi32>
        %add3A_870 = arith.addi %get3A_127, %add3A_869 : vector<16xi32>
        %gather3A_871 = tpu.vector_load_idx %arg7[%add3A_870] : memref<32768xf32, #tpu.memory_space<vmem>>[vector<16xi32>], vector<16xf32>,
        %mul3A_872 = arith.mulf %get3A_191, %gather3A_871 : vector<16xf32>
        %add3A_873 = arith.addf %add3A_867, %mul3A_872 : vector<16xf32>
        %add3A_874 = arith.constant 24576 : i32
        %add3A_875 = vector.broadcast %add3A_874 : i32 to vector<16xi32>
        %add3A_876 = arith.addi %get3A_131, %add3A_875 : vector<16xi32>
        %gather3A_877 = tpu.vector_load_idx %arg7[%add3A_876] : memref<32768xf32, #tpu.memory_space<vmem>>[vector<16xi32>], vector<16xf32>,
        %mul3A_878 = arith.mulf %get3A_195, %gather3A_877 : vector<16xf32>
        %add3A_879 = arith.addf %add3A_873, %mul3A_878 : vector<16xf32>
        %add3A_880 = arith.constant 24576 : i32
        %add3A_881 = vector.broadcast %add3A_880 : i32 to vector<16xi32>
        %add3A_882 = arith.addi %get3A_135, %add3A_881 : vector<16xi32>
        %gather3A_883 = tpu.vector_load_idx %arg7[%add3A_882] : memref<32768xf32, #tpu.memory_space<vmem>>[vector<16xi32>], vector<16xf32>,
        %mul3A_884 = arith.mulf %get3A_199, %gather3A_883 : vector<16xf32>
        %add3A_885 = arith.addf %add3A_879, %mul3A_884 : vector<16xf32>
        %add3A_886 = arith.constant 24576 : i32
        %add3A_887 = vector.broadcast %add3A_886 : i32 to vector<16xi32>
        %add3A_888 = arith.addi %get3A_139, %add3A_887 : vector<16xi32>
        %gather3A_889 = tpu.vector_load_idx %arg7[%add3A_888] : memref<32768xf32, #tpu.memory_space<vmem>>[vector<16xi32>], vector<16xf32>,
        %mul3A_890 = arith.mulf %get3A_203, %gather3A_889 : vector<16xf32>
        %add3A_891 = arith.addf %add3A_885, %mul3A_890 : vector<16xf32>
        %add3A_892 = arith.constant 24576 : i32
        %add3A_893 = vector.broadcast %add3A_892 : i32 to vector<16xi32>
        %add3A_894 = arith.addi %get3A_143, %add3A_893 : vector<16xi32>
        %gather3A_895 = tpu.vector_load_idx %arg7[%add3A_894] : memref<32768xf32, #tpu.memory_space<vmem>>[vector<16xi32>], vector<16xf32>,
        %mul3A_896 = arith.mulf %get3A_207, %gather3A_895 : vector<16xf32>
        %add3A_897 = arith.addf %add3A_891, %mul3A_896 : vector<16xf32>
        %add3A_898 = arith.constant 24576 : i32
        %add3A_899 = vector.broadcast %add3A_898 : i32 to vector<16xi32>
        %add3A_900 = arith.addi %get3A_147, %add3A_899 : vector<16xi32>
        %gather3A_901 = tpu.vector_load_idx %arg7[%add3A_900] : memref<32768xf32, #tpu.memory_space<vmem>>[vector<16xi32>], vector<16xf32>,
        %mul3A_902 = arith.mulf %get3A_211, %gather3A_901 : vector<16xf32>
        %add3A_903 = arith.addf %add3A_897, %mul3A_902 : vector<16xf32>
        %add3A_904 = arith.constant 24576 : i32
        %add3A_905 = vector.broadcast %add3A_904 : i32 to vector<16xi32>
        %add3A_906 = arith.addi %get3A_151, %add3A_905 : vector<16xi32>
        %gather3A_907 = tpu.vector_load_idx %arg7[%add3A_906] : memref<32768xf32, #tpu.memory_space<vmem>>[vector<16xi32>], vector<16xf32>,
        %mul3A_908 = arith.mulf %get3A_215, %gather3A_907 : vector<16xf32>
        %add3A_909 = arith.addf %add3A_903, %mul3A_908 : vector<16xf32>
        %add3A_910 = arith.constant 24576 : i32
        %add3A_911 = vector.broadcast %add3A_910 : i32 to vector<16xi32>
        %add3A_912 = arith.addi %get3A_155, %add3A_911 : vector<16xi32>
        %gather3A_913 = tpu.vector_load_idx %arg7[%add3A_912] : memref<32768xf32, #tpu.memory_space<vmem>>[vector<16xi32>], vector<16xf32>,
        %mul3A_914 = arith.mulf %get3A_219, %gather3A_913 : vector<16xf32>
        %add3A_915 = arith.addf %add3A_909, %mul3A_914 : vector<16xf32>
        %swap3A_916 = arith.constant 6 : i32
        %swap3A_917 = arith.index_cast %swap3A_916 : i32 to index
        %swap3A_918 = arith.index_cast %mul3A_92 : i32 to index
        %swap3A_919 = tpu.vector_load %arg12[%swap3A_917, %swap3A_918] {strides = array<i32>} : memref<8x128xf32, #tpu.memory_space<vmem>>, vector<16xf32>,
        tpu.vector_store %arg12[%swap3A_917, %swap3A_918], %add3A_915 {strides = array<i32>} : memref<8x128xf32, #tpu.memory_space<vmem>>, vector<16xf32>,
        %add3A_920 = arith.constant 28672 : i32
        %add3A_921 = vector.broadcast %add3A_920 : i32 to vector<16xi32>
        %add3A_922 = arith.addi %get3A_95, %add3A_921 : vector<16xi32>
        %gather3A_923 = tpu.vector_load_idx %arg7[%add3A_922] : memref<32768xf32, #tpu.memory_space<vmem>>[vector<16xi32>], vector<16xf32>,
        %mul3A_924 = arith.mulf %get3A_159, %gather3A_923 : vector<16xf32>
        %add3A_925 = arith.addf %get3A_221, %mul3A_924 : vector<16xf32>
        %add3A_926 = arith.constant 28672 : i32
        %add3A_927 = vector.broadcast %add3A_926 : i32 to vector<16xi32>
        %add3A_928 = arith.addi %get3A_99, %add3A_927 : vector<16xi32>
        %gather3A_929 = tpu.vector_load_idx %arg7[%add3A_928] : memref<32768xf32, #tpu.memory_space<vmem>>[vector<16xi32>], vector<16xf32>,
        %mul3A_930 = arith.mulf %get3A_163, %gather3A_929 : vector<16xf32>
        %add3A_931 = arith.addf %add3A_925, %mul3A_930 : vector<16xf32>
        %add3A_932 = arith.constant 28672 : i32
        %add3A_933 = vector.broadcast %add3A_932 : i32 to vector<16xi32>
        %add3A_934 = arith.addi %get3A_103, %add3A_933 : vector<16xi32>
        %gather3A_935 = tpu.vector_load_idx %arg7[%add3A_934] : memref<32768xf32, #tpu.memory_space<vmem>>[vector<16xi32>], vector<16xf32>,
        %mul3A_936 = arith.mulf %get3A_167, %gather3A_935 : vector<16xf32>
        %add3A_937 = arith.addf %add3A_931, %mul3A_936 : vector<16xf32>
        %add3A_938 = arith.constant 28672 : i32
        %add3A_939 = vector.broadcast %add3A_938 : i32 to vector<16xi32>
        %add3A_940 = arith.addi %get3A_107, %add3A_939 : vector<16xi32>
        %gather3A_941 = tpu.vector_load_idx %arg7[%add3A_940] : memref<32768xf32, #tpu.memory_space<vmem>>[vector<16xi32>], vector<16xf32>,
        %mul3A_942 = arith.mulf %get3A_171, %gather3A_941 : vector<16xf32>
        %add3A_943 = arith.addf %add3A_937, %mul3A_942 : vector<16xf32>
        %add3A_944 = arith.constant 28672 : i32
        %add3A_945 = vector.broadcast %add3A_944 : i32 to vector<16xi32>
        %add3A_946 = arith.addi %get3A_111, %add3A_945 : vector<16xi32>
        %gather3A_947 = tpu.vector_load_idx %arg7[%add3A_946] : memref<32768xf32, #tpu.memory_space<vmem>>[vector<16xi32>], vector<16xf32>,
        %mul3A_948 = arith.mulf %get3A_175, %gather3A_947 : vector<16xf32>
        %add3A_949 = arith.addf %add3A_943, %mul3A_948 : vector<16xf32>
        %add3A_950 = arith.constant 28672 : i32
        %add3A_951 = vector.broadcast %add3A_950 : i32 to vector<16xi32>
        %add3A_952 = arith.addi %get3A_115, %add3A_951 : vector<16xi32>
        %gather3A_953 = tpu.vector_load_idx %arg7[%add3A_952] : memref<32768xf32, #tpu.memory_space<vmem>>[vector<16xi32>], vector<16xf32>,
        %mul3A_954 = arith.mulf %get3A_179, %gather3A_953 : vector<16xf32>
        %add3A_955 = arith.addf %add3A_949, %mul3A_954 : vector<16xf32>
        %add3A_956 = arith.constant 28672 : i32
        %add3A_957 = vector.broadcast %add3A_956 : i32 to vector<16xi32>
        %add3A_958 = arith.addi %get3A_119, %add3A_957 : vector<16xi32>
        %gather3A_959 = tpu.vector_load_idx %arg7[%add3A_958] : memref<32768xf32, #tpu.memory_space<vmem>>[vector<16xi32>], vector<16xf32>,
        %mul3A_960 = arith.mulf %get3A_183, %gather3A_959 : vector<16xf32>
        %add3A_961 = arith.addf %add3A_955, %mul3A_960 : vector<16xf32>
        %add3A_962 = arith.constant 28672 : i32
        %add3A_963 = vector.broadcast %add3A_962 : i32 to vector<16xi32>
        %add3A_964 = arith.addi %get3A_123, %add3A_963 : vector<16xi32>
        %gather3A_965 = tpu.vector_load_idx %arg7[%add3A_964] : memref<32768xf32, #tpu.memory_space<vmem>>[vector<16xi32>], vector<16xf32>,
        %mul3A_966 = arith.mulf %get3A_187, %gather3A_965 : vector<16xf32>
        %add3A_967 = arith.addf %add3A_961, %mul3A_966 : vector<16xf32>
        %add3A_968 = arith.constant 28672 : i32
        %add3A_969 = vector.broadcast %add3A_968 : i32 to vector<16xi32>
        %add3A_970 = arith.addi %get3A_127, %add3A_969 : vector<16xi32>
        %gather3A_971 = tpu.vector_load_idx %arg7[%add3A_970] : memref<32768xf32, #tpu.memory_space<vmem>>[vector<16xi32>], vector<16xf32>,
        %mul3A_972 = arith.mulf %get3A_191, %gather3A_971 : vector<16xf32>
        %add3A_973 = arith.addf %add3A_967, %mul3A_972 : vector<16xf32>
        %add3A_974 = arith.constant 28672 : i32
        %add3A_975 = vector.broadcast %add3A_974 : i32 to vector<16xi32>
        %add3A_976 = arith.addi %get3A_131, %add3A_975 : vector<16xi32>
        %gather3A_977 = tpu.vector_load_idx %arg7[%add3A_976] : memref<32768xf32, #tpu.memory_space<vmem>>[vector<16xi32>], vector<16xf32>,
        %mul3A_978 = arith.mulf %get3A_195, %gather3A_977 : vector<16xf32>
        %add3A_979 = arith.addf %add3A_973, %mul3A_978 : vector<16xf32>
        %add3A_980 = arith.constant 28672 : i32
        %add3A_981 = vector.broadcast %add3A_980 : i32 to vector<16xi32>
        %add3A_982 = arith.addi %get3A_135, %add3A_981 : vector<16xi32>
        %gather3A_983 = tpu.vector_load_idx %arg7[%add3A_982] : memref<32768xf32, #tpu.memory_space<vmem>>[vector<16xi32>], vector<16xf32>,
        %mul3A_984 = arith.mulf %get3A_199, %gather3A_983 : vector<16xf32>
        %add3A_985 = arith.addf %add3A_979, %mul3A_984 : vector<16xf32>
        %add3A_986 = arith.constant 28672 : i32
        %add3A_987 = vector.broadcast %add3A_986 : i32 to vector<16xi32>
        %add3A_988 = arith.addi %get3A_139, %add3A_987 : vector<16xi32>
        %gather3A_989 = tpu.vector_load_idx %arg7[%add3A_988] : memref<32768xf32, #tpu.memory_space<vmem>>[vector<16xi32>], vector<16xf32>,
        %mul3A_990 = arith.mulf %get3A_203, %gather3A_989 : vector<16xf32>
        %add3A_991 = arith.addf %add3A_985, %mul3A_990 : vector<16xf32>
        %add3A_992 = arith.constant 28672 : i32
        %add3A_993 = vector.broadcast %add3A_992 : i32 to vector<16xi32>
        %add3A_994 = arith.addi %get3A_143, %add3A_993 : vector<16xi32>
        %gather3A_995 = tpu.vector_load_idx %arg7[%add3A_994] : memref<32768xf32, #tpu.memory_space<vmem>>[vector<16xi32>], vector<16xf32>,
        %mul3A_996 = arith.mulf %get3A_207, %gather3A_995 : vector<16xf32>
        %add3A_997 = arith.addf %add3A_991, %mul3A_996 : vector<16xf32>
        %add3A_998 = arith.constant 28672 : i32
        %add3A_999 = vector.broadcast %add3A_998 : i32 to vector<16xi32>
        %add3A_1000 = arith.addi %get3A_147, %add3A_999 : vector<16xi32>
        %gather3A_1001 = tpu.vector_load_idx %arg7[%add3A_1000] : memref<32768xf32, #tpu.memory_space<vmem>>[vector<16xi32>], vector<16xf32>,
        %mul3A_1002 = arith.mulf %get3A_211, %gather3A_1001 : vector<16xf32>
        %add3A_1003 = arith.addf %add3A_997, %mul3A_1002 : vector<16xf32>
        %add3A_1004 = arith.constant 28672 : i32
        %add3A_1005 = vector.broadcast %add3A_1004 : i32 to vector<16xi32>
        %add3A_1006 = arith.addi %get3A_151, %add3A_1005 : vector<16xi32>
        %gather3A_1007 = tpu.vector_load_idx %arg7[%add3A_1006] : memref<32768xf32, #tpu.memory_space<vmem>>[vector<16xi32>], vector<16xf32>,
        %mul3A_1008 = arith.mulf %get3A_215, %gather3A_1007 : vector<16xf32>
        %add3A_1009 = arith.addf %add3A_1003, %mul3A_1008 : vector<16xf32>
        %add3A_1010 = arith.constant 28672 : i32
        %add3A_1011 = vector.broadcast %add3A_1010 : i32 to vector<16xi32>
        %add3A_1012 = arith.addi %get3A_155, %add3A_1011 : vector<16xi32>
        %gather3A_1013 = tpu.vector_load_idx %arg7[%add3A_1012] : memref<32768xf32, #tpu.memory_space<vmem>>[vector<16xi32>], vector<16xf32>,
        %mul3A_1014 = arith.mulf %get3A_219, %gather3A_1013 : vector<16xf32>
        %add3A_1015 = arith.addf %add3A_1009, %mul3A_1014 : vector<16xf32>
        %swap3A_1016 = arith.constant 7 : i32
        %swap3A_1017 = arith.index_cast %swap3A_1016 : i32 to index
        %swap3A_1018 = arith.index_cast %mul3A_92 : i32 to index
        %swap3A_1019 = tpu.vector_load %arg12[%swap3A_1017, %swap3A_1018] {strides = array<i32>} : memref<8x128xf32, #tpu.memory_space<vmem>>, vector<16xf32>,
        tpu.vector_store %arg12[%swap3A_1017, %swap3A_1018], %add3A_1015 {strides = array<i32>} : memref<8x128xf32, #tpu.memory_space<vmem>>, vector<16xf32>,
        %scan3A_1020 = arith.constant 0 : i32
        scf.yield %scan3A_1020 : i32
      }
      %scan3A_47 = arith.constant 8 : i32
      %mul3A_48 = arith.constant 8 : i32
      %mul3A_49 = arith.muli %mul3A_28, %mul3A_48 : i32
      %dma_start3A_50 = arith.constant 0 : i32
      %dma_start3A_51 = tpu.memref_slice %arg6[%add3A, %mul3A_49, %dma_start3A_50] : memref<32x128x128xf32, #tpu.memory_space<hbm>> -> memref<1x8x128xf32, #tpu.memory_space<hbm>>
      %dma_start3A_52 = tpu.memref_squeeze %dma_start3A_51 : memref<1x8x128xf32, #tpu.memory_space<hbm>> -> memref<8x128xf32, #tpu.memory_space<hbm>>
      %dma_start3A_53 = arith.constant 0 : i32
      %dma_start3A_54 = tpu.memref_slice %arg6[%add3A, %mul3A_49, %dma_start3A_53] : memref<32x128x128xf32, #tpu.memory_space<hbm>> -> memref<1x8x128xf32, #tpu.memory_space<hbm>>
      %dma_start3A_55 = tpu.memref_squeeze %dma_start3A_54 : memref<1x8x128xf32, #tpu.memory_space<hbm>> -> memref<8x128xf32, #tpu.memory_space<hbm>>
      tpu.enqueue_dma source(%arg12 : memref<8x128xf32, #tpu.memory_space<vmem>>) target(%dma_start3A_55 : memref<8x128xf32, #tpu.memory_space<hbm>>) target_semaphore(%arg16 : memref<!tpu.dma_semaphore, #tpu.memory_space<semaphore_mem>>)
      %lt3A = arith.constant 7 : i32
      %lt3A_56 = arith.cmpi slt, %scan3A_25, %lt3A : i32
      %convert_element_type3A_57 = arith.extui %lt3A_56 : i1 to i32
      %cond3A_58 = arith.constant 0 : i32
      %cond3A_59 = arith.cmpi ne, %convert_element_type3A_57, %cond3A_58 : i32
      scf.if %cond3A_59 {
        %add3A_89 = arith.constant 2 : i32
        %add3A_90 = arith.addi %mul3A_28, %add3A_89 : i32
        %mul3A_91 = arith.constant 32768 : i32
        %mul3A_92 = arith.muli %add3A_90, %mul3A_91 : i32
        %dma_start3A_93 = tpu.memref_slice %arg2[%mul3A_92] : memref<524288xf32, #tpu.memory_space<hbm>> -> memref<32768xf32, #tpu.memory_space<hbm>>
        %dma_start3A_94 = tpu.memref_slice %arg2[%mul3A_92] : memref<524288xf32, #tpu.memory_space<hbm>> -> memref<32768xf32, #tpu.memory_space<hbm>>
        tpu.enqueue_dma source(%dma_start3A_94 : memref<32768xf32, #tpu.memory_space<hbm>>) target(%arg7 : memref<32768xf32, #tpu.memory_space<vmem>>) target_semaphore(%arg14 : memref<!tpu.dma_semaphore, #tpu.memory_space<semaphore_mem>>)
      } else {
      }
      %add3A_60 = arith.constant 1 : i32
      %add3A_61 = arith.addi %mul3A_28, %add3A_60 : i32
      %mul3A_62 = arith.constant 32768 : i32
      %mul3A_63 = arith.muli %add3A_61, %mul3A_62 : i32
      %dma_wait3A_64 = tpu.memref_slice %arg2[%mul3A_63] : memref<524288xf32, #tpu.memory_space<hbm>> -> memref<32768xf32, #tpu.memory_space<hbm>>
      %dma_wait3A_65 = tpu.memref_slice %arg2[%mul3A_63] : memref<524288xf32, #tpu.memory_space<hbm>> -> memref<32768xf32, #tpu.memory_space<hbm>>
      tpu.wait_dma2 semaphore(%arg15 : memref<!tpu.dma_semaphore, #tpu.memory_space<semaphore_mem>>) src(%dma_wait3A_65 : memref<32768xf32, #tpu.memory_space<hbm>>) dst(%arg8 : memref<32768xf32, #tpu.memory_space<vmem>>)
      %gt3A_66 = arith.constant 0 : i32
      %gt3A_67 = arith.cmpi sgt, %scan3A_25, %gt3A_66 : i32
      %convert_element_type3A_68 = arith.extui %gt3A_67 : i1 to i32
      %cond3A_69 = arith.constant 0 : i32
      %cond3A_70 = arith.cmpi ne, %convert_element_type3A_68, %cond3A_69 : i32
      scf.if %cond3A_70 {
        %dma_wait3A_89 = arith.constant 0 : i32
        %dma_wait3A_90 = arith.constant 0 : i32
        %dma_wait3A_91 = tpu.memref_slice %arg6[%add3A, %dma_wait3A_89, %dma_wait3A_90] : memref<32x128x128xf32, #tpu.memory_space<hbm>> -> memref<1x8x128xf32, #tpu.memory_space<hbm>>
        %dma_wait3A_92 = tpu.memref_squeeze %dma_wait3A_91 : memref<1x8x128xf32, #tpu.memory_space<hbm>> -> memref<8x128xf32, #tpu.memory_space<hbm>>
        %dma_wait3A_93 = arith.constant 0 : i32
        %dma_wait3A_94 = arith.constant 0 : i32
        %dma_wait3A_95 = tpu.memref_slice %arg6[%add3A, %dma_wait3A_93, %dma_wait3A_94] : memref<32x128x128xf32, #tpu.memory_space<hbm>> -> memref<1x8x128xf32, #tpu.memory_space<hbm>>
        %dma_wait3A_96 = tpu.memref_squeeze %dma_wait3A_95 : memref<1x8x128xf32, #tpu.memory_space<hbm>> -> memref<8x128xf32, #tpu.memory_space<hbm>>
        tpu.wait_dma2 semaphore(%arg17 : memref<!tpu.dma_semaphore, #tpu.memory_space<semaphore_mem>>) src(%arg13 : memref<8x128xf32, #tpu.memory_space<vmem>>) dst(%dma_wait3A_96 : memref<8x128xf32, #tpu.memory_space<hbm>>)
      } else {
      }
      %scan3A_71 = arith.constant 0 : i32
      %scan3A_72 = arith.constant 0 : i32
      %scan3A_73 = arith.constant 8 : i32
      %scan3A_74 = arith.addi %scan3A_72, %scan3A_73 : i32
      %scan3A_75 = arith.constant 1 : i32
      %scan3A_76 = scf.for %scan3A_89 = %scan3A_72 to %scan3A_74 step %scan3A_75 iter_args(%scan3A_90 = %scan3A_71) -> (i32)  : i32 {
        %mul3A_91 = arith.constant 16 : i32
        %mul3A_92 = arith.muli %scan3A_89, %mul3A_91 : i32
        %get3A = arith.constant 0 : i32
        %get3A_93 = arith.index_cast %get3A : i32 to index
        %get3A_94 = arith.index_cast %mul3A_92 : i32 to index
        %get3A_95 = tpu.vector_load %arg9[%get3A_93, %get3A_94] {strides = array<i32>} : memref<16x128xi32, #tpu.memory_space<vmem>>, vector<16xi32>,
        %get3A_96 = arith.constant 1 : i32
        %get3A_97 = arith.index_cast %get3A_96 : i32 to index
        %get3A_98 = arith.index_cast %mul3A_92 : i32 to index
        %get3A_99 = tpu.vector_load %arg9[%get3A_97, %get3A_98] {strides = array<i32>} : memref<16x128xi32, #tpu.memory_space<vmem>>, vector<16xi32>,
        %get3A_100 = arith.constant 2 : i32
        %get3A_101 = arith.index_cast %get3A_100 : i32 to index
        %get3A_102 = arith.index_cast %mul3A_92 : i32 to index
        %get3A_103 = tpu.vector_load %arg9[%get3A_101, %get3A_102] {strides = array<i32>} : memref<16x128xi32, #tpu.memory_space<vmem>>, vector<16xi32>,
        %get3A_104 = arith.constant 3 : i32
        %get3A_105 = arith.index_cast %get3A_104 : i32 to index
        %get3A_106 = arith.index_cast %mul3A_92 : i32 to index
        %get3A_107 = tpu.vector_load %arg9[%get3A_105, %get3A_106] {strides = array<i32>} : memref<16x128xi32, #tpu.memory_space<vmem>>, vector<16xi32>,
        %get3A_108 = arith.constant 4 : i32
        %get3A_109 = arith.index_cast %get3A_108 : i32 to index
        %get3A_110 = arith.index_cast %mul3A_92 : i32 to index
        %get3A_111 = tpu.vector_load %arg9[%get3A_109, %get3A_110] {strides = array<i32>} : memref<16x128xi32, #tpu.memory_space<vmem>>, vector<16xi32>,
        %get3A_112 = arith.constant 5 : i32
        %get3A_113 = arith.index_cast %get3A_112 : i32 to index
        %get3A_114 = arith.index_cast %mul3A_92 : i32 to index
        %get3A_115 = tpu.vector_load %arg9[%get3A_113, %get3A_114] {strides = array<i32>} : memref<16x128xi32, #tpu.memory_space<vmem>>, vector<16xi32>,
        %get3A_116 = arith.constant 6 : i32
        %get3A_117 = arith.index_cast %get3A_116 : i32 to index
        %get3A_118 = arith.index_cast %mul3A_92 : i32 to index
        %get3A_119 = tpu.vector_load %arg9[%get3A_117, %get3A_118] {strides = array<i32>} : memref<16x128xi32, #tpu.memory_space<vmem>>, vector<16xi32>,
        %get3A_120 = arith.constant 7 : i32
        %get3A_121 = arith.index_cast %get3A_120 : i32 to index
        %get3A_122 = arith.index_cast %mul3A_92 : i32 to index
        %get3A_123 = tpu.vector_load %arg9[%get3A_121, %get3A_122] {strides = array<i32>} : memref<16x128xi32, #tpu.memory_space<vmem>>, vector<16xi32>,
        %get3A_124 = arith.constant 8 : i32
        %get3A_125 = arith.index_cast %get3A_124 : i32 to index
        %get3A_126 = arith.index_cast %mul3A_92 : i32 to index
        %get3A_127 = tpu.vector_load %arg9[%get3A_125, %get3A_126] {strides = array<i32>} : memref<16x128xi32, #tpu.memory_space<vmem>>, vector<16xi32>,
        %get3A_128 = arith.constant 9 : i32
        %get3A_129 = arith.index_cast %get3A_128 : i32 to index
        %get3A_130 = arith.index_cast %mul3A_92 : i32 to index
        %get3A_131 = tpu.vector_load %arg9[%get3A_129, %get3A_130] {strides = array<i32>} : memref<16x128xi32, #tpu.memory_space<vmem>>, vector<16xi32>,
        %get3A_132 = arith.constant 10 : i32
        %get3A_133 = arith.index_cast %get3A_132 : i32 to index
        %get3A_134 = arith.index_cast %mul3A_92 : i32 to index
        %get3A_135 = tpu.vector_load %arg9[%get3A_133, %get3A_134] {strides = array<i32>} : memref<16x128xi32, #tpu.memory_space<vmem>>, vector<16xi32>,
        %get3A_136 = arith.constant 11 : i32
        %get3A_137 = arith.index_cast %get3A_136 : i32 to index
        %get3A_138 = arith.index_cast %mul3A_92 : i32 to index
        %get3A_139 = tpu.vector_load %arg9[%get3A_137, %get3A_138] {strides = array<i32>} : memref<16x128xi32, #tpu.memory_space<vmem>>, vector<16xi32>,
        %get3A_140 = arith.constant 12 : i32
        %get3A_141 = arith.index_cast %get3A_140 : i32 to index
        %get3A_142 = arith.index_cast %mul3A_92 : i32 to index
        %get3A_143 = tpu.vector_load %arg9[%get3A_141, %get3A_142] {strides = array<i32>} : memref<16x128xi32, #tpu.memory_space<vmem>>, vector<16xi32>,
        %get3A_144 = arith.constant 13 : i32
        %get3A_145 = arith.index_cast %get3A_144 : i32 to index
        %get3A_146 = arith.index_cast %mul3A_92 : i32 to index
        %get3A_147 = tpu.vector_load %arg9[%get3A_145, %get3A_146] {strides = array<i32>} : memref<16x128xi32, #tpu.memory_space<vmem>>, vector<16xi32>,
        %get3A_148 = arith.constant 14 : i32
        %get3A_149 = arith.index_cast %get3A_148 : i32 to index
        %get3A_150 = arith.index_cast %mul3A_92 : i32 to index
        %get3A_151 = tpu.vector_load %arg9[%get3A_149, %get3A_150] {strides = array<i32>} : memref<16x128xi32, #tpu.memory_space<vmem>>, vector<16xi32>,
        %get3A_152 = arith.constant 15 : i32
        %get3A_153 = arith.index_cast %get3A_152 : i32 to index
        %get3A_154 = arith.index_cast %mul3A_92 : i32 to index
        %get3A_155 = tpu.vector_load %arg9[%get3A_153, %get3A_154] {strides = array<i32>} : memref<16x128xi32, #tpu.memory_space<vmem>>, vector<16xi32>,
        %get3A_156 = arith.constant 0 : i32
        %get3A_157 = arith.index_cast %get3A_156 : i32 to index
        %get3A_158 = arith.index_cast %mul3A_92 : i32 to index
        %get3A_159 = tpu.vector_load %arg10[%get3A_157, %get3A_158] {strides = array<i32>} : memref<16x128xf32, #tpu.memory_space<vmem>>, vector<16xf32>,
        %get3A_160 = arith.constant 1 : i32
        %get3A_161 = arith.index_cast %get3A_160 : i32 to index
        %get3A_162 = arith.index_cast %mul3A_92 : i32 to index
        %get3A_163 = tpu.vector_load %arg10[%get3A_161, %get3A_162] {strides = array<i32>} : memref<16x128xf32, #tpu.memory_space<vmem>>, vector<16xf32>,
        %get3A_164 = arith.constant 2 : i32
        %get3A_165 = arith.index_cast %get3A_164 : i32 to index
        %get3A_166 = arith.index_cast %mul3A_92 : i32 to index
        %get3A_167 = tpu.vector_load %arg10[%get3A_165, %get3A_166] {strides = array<i32>} : memref<16x128xf32, #tpu.memory_space<vmem>>, vector<16xf32>,
        %get3A_168 = arith.constant 3 : i32
        %get3A_169 = arith.index_cast %get3A_168 : i32 to index
        %get3A_170 = arith.index_cast %mul3A_92 : i32 to index
        %get3A_171 = tpu.vector_load %arg10[%get3A_169, %get3A_170] {strides = array<i32>} : memref<16x128xf32, #tpu.memory_space<vmem>>, vector<16xf32>,
        %get3A_172 = arith.constant 4 : i32
        %get3A_173 = arith.index_cast %get3A_172 : i32 to index
        %get3A_174 = arith.index_cast %mul3A_92 : i32 to index
        %get3A_175 = tpu.vector_load %arg10[%get3A_173, %get3A_174] {strides = array<i32>} : memref<16x128xf32, #tpu.memory_space<vmem>>, vector<16xf32>,
        %get3A_176 = arith.constant 5 : i32
        %get3A_177 = arith.index_cast %get3A_176 : i32 to index
        %get3A_178 = arith.index_cast %mul3A_92 : i32 to index
        %get3A_179 = tpu.vector_load %arg10[%get3A_177, %get3A_178] {strides = array<i32>} : memref<16x128xf32, #tpu.memory_space<vmem>>, vector<16xf32>,
        %get3A_180 = arith.constant 6 : i32
        %get3A_181 = arith.index_cast %get3A_180 : i32 to index
        %get3A_182 = arith.index_cast %mul3A_92 : i32 to index
        %get3A_183 = tpu.vector_load %arg10[%get3A_181, %get3A_182] {strides = array<i32>} : memref<16x128xf32, #tpu.memory_space<vmem>>, vector<16xf32>,
        %get3A_184 = arith.constant 7 : i32
        %get3A_185 = arith.index_cast %get3A_184 : i32 to index
        %get3A_186 = arith.index_cast %mul3A_92 : i32 to index
        %get3A_187 = tpu.vector_load %arg10[%get3A_185, %get3A_186] {strides = array<i32>} : memref<16x128xf32, #tpu.memory_space<vmem>>, vector<16xf32>,
        %get3A_188 = arith.constant 8 : i32
        %get3A_189 = arith.index_cast %get3A_188 : i32 to index
        %get3A_190 = arith.index_cast %mul3A_92 : i32 to index
        %get3A_191 = tpu.vector_load %arg10[%get3A_189, %get3A_190] {strides = array<i32>} : memref<16x128xf32, #tpu.memory_space<vmem>>, vector<16xf32>,
        %get3A_192 = arith.constant 9 : i32
        %get3A_193 = arith.index_cast %get3A_192 : i32 to index
        %get3A_194 = arith.index_cast %mul3A_92 : i32 to index
        %get3A_195 = tpu.vector_load %arg10[%get3A_193, %get3A_194] {strides = array<i32>} : memref<16x128xf32, #tpu.memory_space<vmem>>, vector<16xf32>,
        %get3A_196 = arith.constant 10 : i32
        %get3A_197 = arith.index_cast %get3A_196 : i32 to index
        %get3A_198 = arith.index_cast %mul3A_92 : i32 to index
        %get3A_199 = tpu.vector_load %arg10[%get3A_197, %get3A_198] {strides = array<i32>} : memref<16x128xf32, #tpu.memory_space<vmem>>, vector<16xf32>,
        %get3A_200 = arith.constant 11 : i32
        %get3A_201 = arith.index_cast %get3A_200 : i32 to index
        %get3A_202 = arith.index_cast %mul3A_92 : i32 to index
        %get3A_203 = tpu.vector_load %arg10[%get3A_201, %get3A_202] {strides = array<i32>} : memref<16x128xf32, #tpu.memory_space<vmem>>, vector<16xf32>,
        %get3A_204 = arith.constant 12 : i32
        %get3A_205 = arith.index_cast %get3A_204 : i32 to index
        %get3A_206 = arith.index_cast %mul3A_92 : i32 to index
        %get3A_207 = tpu.vector_load %arg10[%get3A_205, %get3A_206] {strides = array<i32>} : memref<16x128xf32, #tpu.memory_space<vmem>>, vector<16xf32>,
        %get3A_208 = arith.constant 13 : i32
        %get3A_209 = arith.index_cast %get3A_208 : i32 to index
        %get3A_210 = arith.index_cast %mul3A_92 : i32 to index
        %get3A_211 = tpu.vector_load %arg10[%get3A_209, %get3A_210] {strides = array<i32>} : memref<16x128xf32, #tpu.memory_space<vmem>>, vector<16xf32>,
        %get3A_212 = arith.constant 14 : i32
        %get3A_213 = arith.index_cast %get3A_212 : i32 to index
        %get3A_214 = arith.index_cast %mul3A_92 : i32 to index
        %get3A_215 = tpu.vector_load %arg10[%get3A_213, %get3A_214] {strides = array<i32>} : memref<16x128xf32, #tpu.memory_space<vmem>>, vector<16xf32>,
        %get3A_216 = arith.constant 15 : i32
        %get3A_217 = arith.index_cast %get3A_216 : i32 to index
        %get3A_218 = arith.index_cast %mul3A_92 : i32 to index
        %get3A_219 = tpu.vector_load %arg10[%get3A_217, %get3A_218] {strides = array<i32>} : memref<16x128xf32, #tpu.memory_space<vmem>>, vector<16xf32>,
        %get3A_220 = arith.index_cast %mul3A_92 : i32 to index
        %get3A_221 = tpu.vector_load %arg11[%get3A_220] {strides = array<i32>} : memref<128xf32, #tpu.memory_space<vmem>>, vector<16xf32>,
        %add3A_222 = arith.constant 0 : i32
        %add3A_223 = vector.broadcast %add3A_222 : i32 to vector<16xi32>
        %add3A_224 = arith.addi %get3A_95, %add3A_223 : vector<16xi32>
        %gather3A = tpu.vector_load_idx %arg8[%add3A_224] : memref<32768xf32, #tpu.memory_space<vmem>>[vector<16xi32>], vector<16xf32>,
        %mul3A_225 = arith.mulf %get3A_159, %gather3A : vector<16xf32>
        %add3A_226 = arith.addf %get3A_221, %mul3A_225 : vector<16xf32>
        %add3A_227 = arith.constant 0 : i32
        %add3A_228 = vector.broadcast %add3A_227 : i32 to vector<16xi32>
        %add3A_229 = arith.addi %get3A_99, %add3A_228 : vector<16xi32>
        %gather3A_230 = tpu.vector_load_idx %arg8[%add3A_229] : memref<32768xf32, #tpu.memory_space<vmem>>[vector<16xi32>], vector<16xf32>,
        %mul3A_231 = arith.mulf %get3A_163, %gather3A_230 : vector<16xf32>
        %add3A_232 = arith.addf %add3A_226, %mul3A_231 : vector<16xf32>
        %add3A_233 = arith.constant 0 : i32
        %add3A_234 = vector.broadcast %add3A_233 : i32 to vector<16xi32>
        %add3A_235 = arith.addi %get3A_103, %add3A_234 : vector<16xi32>
        %gather3A_236 = tpu.vector_load_idx %arg8[%add3A_235] : memref<32768xf32, #tpu.memory_space<vmem>>[vector<16xi32>], vector<16xf32>,
        %mul3A_237 = arith.mulf %get3A_167, %gather3A_236 : vector<16xf32>
        %add3A_238 = arith.addf %add3A_232, %mul3A_237 : vector<16xf32>
        %add3A_239 = arith.constant 0 : i32
        %add3A_240 = vector.broadcast %add3A_239 : i32 to vector<16xi32>
        %add3A_241 = arith.addi %get3A_107, %add3A_240 : vector<16xi32>
        %gather3A_242 = tpu.vector_load_idx %arg8[%add3A_241] : memref<32768xf32, #tpu.memory_space<vmem>>[vector<16xi32>], vector<16xf32>,
        %mul3A_243 = arith.mulf %get3A_171, %gather3A_242 : vector<16xf32>
        %add3A_244 = arith.addf %add3A_238, %mul3A_243 : vector<16xf32>
        %add3A_245 = arith.constant 0 : i32
        %add3A_246 = vector.broadcast %add3A_245 : i32 to vector<16xi32>
        %add3A_247 = arith.addi %get3A_111, %add3A_246 : vector<16xi32>
        %gather3A_248 = tpu.vector_load_idx %arg8[%add3A_247] : memref<32768xf32, #tpu.memory_space<vmem>>[vector<16xi32>], vector<16xf32>,
        %mul3A_249 = arith.mulf %get3A_175, %gather3A_248 : vector<16xf32>
        %add3A_250 = arith.addf %add3A_244, %mul3A_249 : vector<16xf32>
        %add3A_251 = arith.constant 0 : i32
        %add3A_252 = vector.broadcast %add3A_251 : i32 to vector<16xi32>
        %add3A_253 = arith.addi %get3A_115, %add3A_252 : vector<16xi32>
        %gather3A_254 = tpu.vector_load_idx %arg8[%add3A_253] : memref<32768xf32, #tpu.memory_space<vmem>>[vector<16xi32>], vector<16xf32>,
        %mul3A_255 = arith.mulf %get3A_179, %gather3A_254 : vector<16xf32>
        %add3A_256 = arith.addf %add3A_250, %mul3A_255 : vector<16xf32>
        %add3A_257 = arith.constant 0 : i32
        %add3A_258 = vector.broadcast %add3A_257 : i32 to vector<16xi32>
        %add3A_259 = arith.addi %get3A_119, %add3A_258 : vector<16xi32>
        %gather3A_260 = tpu.vector_load_idx %arg8[%add3A_259] : memref<32768xf32, #tpu.memory_space<vmem>>[vector<16xi32>], vector<16xf32>,
        %mul3A_261 = arith.mulf %get3A_183, %gather3A_260 : vector<16xf32>
        %add3A_262 = arith.addf %add3A_256, %mul3A_261 : vector<16xf32>
        %add3A_263 = arith.constant 0 : i32
        %add3A_264 = vector.broadcast %add3A_263 : i32 to vector<16xi32>
        %add3A_265 = arith.addi %get3A_123, %add3A_264 : vector<16xi32>
        %gather3A_266 = tpu.vector_load_idx %arg8[%add3A_265] : memref<32768xf32, #tpu.memory_space<vmem>>[vector<16xi32>], vector<16xf32>,
        %mul3A_267 = arith.mulf %get3A_187, %gather3A_266 : vector<16xf32>
        %add3A_268 = arith.addf %add3A_262, %mul3A_267 : vector<16xf32>
        %add3A_269 = arith.constant 0 : i32
        %add3A_270 = vector.broadcast %add3A_269 : i32 to vector<16xi32>
        %add3A_271 = arith.addi %get3A_127, %add3A_270 : vector<16xi32>
        %gather3A_272 = tpu.vector_load_idx %arg8[%add3A_271] : memref<32768xf32, #tpu.memory_space<vmem>>[vector<16xi32>], vector<16xf32>,
        %mul3A_273 = arith.mulf %get3A_191, %gather3A_272 : vector<16xf32>
        %add3A_274 = arith.addf %add3A_268, %mul3A_273 : vector<16xf32>
        %add3A_275 = arith.constant 0 : i32
        %add3A_276 = vector.broadcast %add3A_275 : i32 to vector<16xi32>
        %add3A_277 = arith.addi %get3A_131, %add3A_276 : vector<16xi32>
        %gather3A_278 = tpu.vector_load_idx %arg8[%add3A_277] : memref<32768xf32, #tpu.memory_space<vmem>>[vector<16xi32>], vector<16xf32>,
        %mul3A_279 = arith.mulf %get3A_195, %gather3A_278 : vector<16xf32>
        %add3A_280 = arith.addf %add3A_274, %mul3A_279 : vector<16xf32>
        %add3A_281 = arith.constant 0 : i32
        %add3A_282 = vector.broadcast %add3A_281 : i32 to vector<16xi32>
        %add3A_283 = arith.addi %get3A_135, %add3A_282 : vector<16xi32>
        %gather3A_284 = tpu.vector_load_idx %arg8[%add3A_283] : memref<32768xf32, #tpu.memory_space<vmem>>[vector<16xi32>], vector<16xf32>,
        %mul3A_285 = arith.mulf %get3A_199, %gather3A_284 : vector<16xf32>
        %add3A_286 = arith.addf %add3A_280, %mul3A_285 : vector<16xf32>
        %add3A_287 = arith.constant 0 : i32
        %add3A_288 = vector.broadcast %add3A_287 : i32 to vector<16xi32>
        %add3A_289 = arith.addi %get3A_139, %add3A_288 : vector<16xi32>
        %gather3A_290 = tpu.vector_load_idx %arg8[%add3A_289] : memref<32768xf32, #tpu.memory_space<vmem>>[vector<16xi32>], vector<16xf32>,
        %mul3A_291 = arith.mulf %get3A_203, %gather3A_290 : vector<16xf32>
        %add3A_292 = arith.addf %add3A_286, %mul3A_291 : vector<16xf32>
        %add3A_293 = arith.constant 0 : i32
        %add3A_294 = vector.broadcast %add3A_293 : i32 to vector<16xi32>
        %add3A_295 = arith.addi %get3A_143, %add3A_294 : vector<16xi32>
        %gather3A_296 = tpu.vector_load_idx %arg8[%add3A_295] : memref<32768xf32, #tpu.memory_space<vmem>>[vector<16xi32>], vector<16xf32>,
        %mul3A_297 = arith.mulf %get3A_207, %gather3A_296 : vector<16xf32>
        %add3A_298 = arith.addf %add3A_292, %mul3A_297 : vector<16xf32>
        %add3A_299 = arith.constant 0 : i32
        %add3A_300 = vector.broadcast %add3A_299 : i32 to vector<16xi32>
        %add3A_301 = arith.addi %get3A_147, %add3A_300 : vector<16xi32>
        %gather3A_302 = tpu.vector_load_idx %arg8[%add3A_301] : memref<32768xf32, #tpu.memory_space<vmem>>[vector<16xi32>], vector<16xf32>,
        %mul3A_303 = arith.mulf %get3A_211, %gather3A_302 : vector<16xf32>
        %add3A_304 = arith.addf %add3A_298, %mul3A_303 : vector<16xf32>
        %add3A_305 = arith.constant 0 : i32
        %add3A_306 = vector.broadcast %add3A_305 : i32 to vector<16xi32>
        %add3A_307 = arith.addi %get3A_151, %add3A_306 : vector<16xi32>
        %gather3A_308 = tpu.vector_load_idx %arg8[%add3A_307] : memref<32768xf32, #tpu.memory_space<vmem>>[vector<16xi32>], vector<16xf32>,
        %mul3A_309 = arith.mulf %get3A_215, %gather3A_308 : vector<16xf32>
        %add3A_310 = arith.addf %add3A_304, %mul3A_309 : vector<16xf32>
        %add3A_311 = arith.constant 0 : i32
        %add3A_312 = vector.broadcast %add3A_311 : i32 to vector<16xi32>
        %add3A_313 = arith.addi %get3A_155, %add3A_312 : vector<16xi32>
        %gather3A_314 = tpu.vector_load_idx %arg8[%add3A_313] : memref<32768xf32, #tpu.memory_space<vmem>>[vector<16xi32>], vector<16xf32>,
        %mul3A_315 = arith.mulf %get3A_219, %gather3A_314 : vector<16xf32>
        %add3A_316 = arith.addf %add3A_310, %mul3A_315 : vector<16xf32>
        %swap3A = arith.constant 0 : i32
        %swap3A_317 = arith.index_cast %swap3A : i32 to index
        %swap3A_318 = arith.index_cast %mul3A_92 : i32 to index
        %swap3A_319 = tpu.vector_load %arg13[%swap3A_317, %swap3A_318] {strides = array<i32>} : memref<8x128xf32, #tpu.memory_space<vmem>>, vector<16xf32>,
        tpu.vector_store %arg13[%swap3A_317, %swap3A_318], %add3A_316 {strides = array<i32>} : memref<8x128xf32, #tpu.memory_space<vmem>>, vector<16xf32>,
        %add3A_320 = arith.constant 4096 : i32
        %add3A_321 = vector.broadcast %add3A_320 : i32 to vector<16xi32>
        %add3A_322 = arith.addi %get3A_95, %add3A_321 : vector<16xi32>
        %gather3A_323 = tpu.vector_load_idx %arg8[%add3A_322] : memref<32768xf32, #tpu.memory_space<vmem>>[vector<16xi32>], vector<16xf32>,
        %mul3A_324 = arith.mulf %get3A_159, %gather3A_323 : vector<16xf32>
        %add3A_325 = arith.addf %get3A_221, %mul3A_324 : vector<16xf32>
        %add3A_326 = arith.constant 4096 : i32
        %add3A_327 = vector.broadcast %add3A_326 : i32 to vector<16xi32>
        %add3A_328 = arith.addi %get3A_99, %add3A_327 : vector<16xi32>
        %gather3A_329 = tpu.vector_load_idx %arg8[%add3A_328] : memref<32768xf32, #tpu.memory_space<vmem>>[vector<16xi32>], vector<16xf32>,
        %mul3A_330 = arith.mulf %get3A_163, %gather3A_329 : vector<16xf32>
        %add3A_331 = arith.addf %add3A_325, %mul3A_330 : vector<16xf32>
        %add3A_332 = arith.constant 4096 : i32
        %add3A_333 = vector.broadcast %add3A_332 : i32 to vector<16xi32>
        %add3A_334 = arith.addi %get3A_103, %add3A_333 : vector<16xi32>
        %gather3A_335 = tpu.vector_load_idx %arg8[%add3A_334] : memref<32768xf32, #tpu.memory_space<vmem>>[vector<16xi32>], vector<16xf32>,
        %mul3A_336 = arith.mulf %get3A_167, %gather3A_335 : vector<16xf32>
        %add3A_337 = arith.addf %add3A_331, %mul3A_336 : vector<16xf32>
        %add3A_338 = arith.constant 4096 : i32
        %add3A_339 = vector.broadcast %add3A_338 : i32 to vector<16xi32>
        %add3A_340 = arith.addi %get3A_107, %add3A_339 : vector<16xi32>
        %gather3A_341 = tpu.vector_load_idx %arg8[%add3A_340] : memref<32768xf32, #tpu.memory_space<vmem>>[vector<16xi32>], vector<16xf32>,
        %mul3A_342 = arith.mulf %get3A_171, %gather3A_341 : vector<16xf32>
        %add3A_343 = arith.addf %add3A_337, %mul3A_342 : vector<16xf32>
        %add3A_344 = arith.constant 4096 : i32
        %add3A_345 = vector.broadcast %add3A_344 : i32 to vector<16xi32>
        %add3A_346 = arith.addi %get3A_111, %add3A_345 : vector<16xi32>
        %gather3A_347 = tpu.vector_load_idx %arg8[%add3A_346] : memref<32768xf32, #tpu.memory_space<vmem>>[vector<16xi32>], vector<16xf32>,
        %mul3A_348 = arith.mulf %get3A_175, %gather3A_347 : vector<16xf32>
        %add3A_349 = arith.addf %add3A_343, %mul3A_348 : vector<16xf32>
        %add3A_350 = arith.constant 4096 : i32
        %add3A_351 = vector.broadcast %add3A_350 : i32 to vector<16xi32>
        %add3A_352 = arith.addi %get3A_115, %add3A_351 : vector<16xi32>
        %gather3A_353 = tpu.vector_load_idx %arg8[%add3A_352] : memref<32768xf32, #tpu.memory_space<vmem>>[vector<16xi32>], vector<16xf32>,
        %mul3A_354 = arith.mulf %get3A_179, %gather3A_353 : vector<16xf32>
        %add3A_355 = arith.addf %add3A_349, %mul3A_354 : vector<16xf32>
        %add3A_356 = arith.constant 4096 : i32
        %add3A_357 = vector.broadcast %add3A_356 : i32 to vector<16xi32>
        %add3A_358 = arith.addi %get3A_119, %add3A_357 : vector<16xi32>
        %gather3A_359 = tpu.vector_load_idx %arg8[%add3A_358] : memref<32768xf32, #tpu.memory_space<vmem>>[vector<16xi32>], vector<16xf32>,
        %mul3A_360 = arith.mulf %get3A_183, %gather3A_359 : vector<16xf32>
        %add3A_361 = arith.addf %add3A_355, %mul3A_360 : vector<16xf32>
        %add3A_362 = arith.constant 4096 : i32
        %add3A_363 = vector.broadcast %add3A_362 : i32 to vector<16xi32>
        %add3A_364 = arith.addi %get3A_123, %add3A_363 : vector<16xi32>
        %gather3A_365 = tpu.vector_load_idx %arg8[%add3A_364] : memref<32768xf32, #tpu.memory_space<vmem>>[vector<16xi32>], vector<16xf32>,
        %mul3A_366 = arith.mulf %get3A_187, %gather3A_365 : vector<16xf32>
        %add3A_367 = arith.addf %add3A_361, %mul3A_366 : vector<16xf32>
        %add3A_368 = arith.constant 4096 : i32
        %add3A_369 = vector.broadcast %add3A_368 : i32 to vector<16xi32>
        %add3A_370 = arith.addi %get3A_127, %add3A_369 : vector<16xi32>
        %gather3A_371 = tpu.vector_load_idx %arg8[%add3A_370] : memref<32768xf32, #tpu.memory_space<vmem>>[vector<16xi32>], vector<16xf32>,
        %mul3A_372 = arith.mulf %get3A_191, %gather3A_371 : vector<16xf32>
        %add3A_373 = arith.addf %add3A_367, %mul3A_372 : vector<16xf32>
        %add3A_374 = arith.constant 4096 : i32
        %add3A_375 = vector.broadcast %add3A_374 : i32 to vector<16xi32>
        %add3A_376 = arith.addi %get3A_131, %add3A_375 : vector<16xi32>
        %gather3A_377 = tpu.vector_load_idx %arg8[%add3A_376] : memref<32768xf32, #tpu.memory_space<vmem>>[vector<16xi32>], vector<16xf32>,
        %mul3A_378 = arith.mulf %get3A_195, %gather3A_377 : vector<16xf32>
        %add3A_379 = arith.addf %add3A_373, %mul3A_378 : vector<16xf32>
        %add3A_380 = arith.constant 4096 : i32
        %add3A_381 = vector.broadcast %add3A_380 : i32 to vector<16xi32>
        %add3A_382 = arith.addi %get3A_135, %add3A_381 : vector<16xi32>
        %gather3A_383 = tpu.vector_load_idx %arg8[%add3A_382] : memref<32768xf32, #tpu.memory_space<vmem>>[vector<16xi32>], vector<16xf32>,
        %mul3A_384 = arith.mulf %get3A_199, %gather3A_383 : vector<16xf32>
        %add3A_385 = arith.addf %add3A_379, %mul3A_384 : vector<16xf32>
        %add3A_386 = arith.constant 4096 : i32
        %add3A_387 = vector.broadcast %add3A_386 : i32 to vector<16xi32>
        %add3A_388 = arith.addi %get3A_139, %add3A_387 : vector<16xi32>
        %gather3A_389 = tpu.vector_load_idx %arg8[%add3A_388] : memref<32768xf32, #tpu.memory_space<vmem>>[vector<16xi32>], vector<16xf32>,
        %mul3A_390 = arith.mulf %get3A_203, %gather3A_389 : vector<16xf32>
        %add3A_391 = arith.addf %add3A_385, %mul3A_390 : vector<16xf32>
        %add3A_392 = arith.constant 4096 : i32
        %add3A_393 = vector.broadcast %add3A_392 : i32 to vector<16xi32>
        %add3A_394 = arith.addi %get3A_143, %add3A_393 : vector<16xi32>
        %gather3A_395 = tpu.vector_load_idx %arg8[%add3A_394] : memref<32768xf32, #tpu.memory_space<vmem>>[vector<16xi32>], vector<16xf32>,
        %mul3A_396 = arith.mulf %get3A_207, %gather3A_395 : vector<16xf32>
        %add3A_397 = arith.addf %add3A_391, %mul3A_396 : vector<16xf32>
        %add3A_398 = arith.constant 4096 : i32
        %add3A_399 = vector.broadcast %add3A_398 : i32 to vector<16xi32>
        %add3A_400 = arith.addi %get3A_147, %add3A_399 : vector<16xi32>
        %gather3A_401 = tpu.vector_load_idx %arg8[%add3A_400] : memref<32768xf32, #tpu.memory_space<vmem>>[vector<16xi32>], vector<16xf32>,
        %mul3A_402 = arith.mulf %get3A_211, %gather3A_401 : vector<16xf32>
        %add3A_403 = arith.addf %add3A_397, %mul3A_402 : vector<16xf32>
        %add3A_404 = arith.constant 4096 : i32
        %add3A_405 = vector.broadcast %add3A_404 : i32 to vector<16xi32>
        %add3A_406 = arith.addi %get3A_151, %add3A_405 : vector<16xi32>
        %gather3A_407 = tpu.vector_load_idx %arg8[%add3A_406] : memref<32768xf32, #tpu.memory_space<vmem>>[vector<16xi32>], vector<16xf32>,
        %mul3A_408 = arith.mulf %get3A_215, %gather3A_407 : vector<16xf32>
        %add3A_409 = arith.addf %add3A_403, %mul3A_408 : vector<16xf32>
        %add3A_410 = arith.constant 4096 : i32
        %add3A_411 = vector.broadcast %add3A_410 : i32 to vector<16xi32>
        %add3A_412 = arith.addi %get3A_155, %add3A_411 : vector<16xi32>
        %gather3A_413 = tpu.vector_load_idx %arg8[%add3A_412] : memref<32768xf32, #tpu.memory_space<vmem>>[vector<16xi32>], vector<16xf32>,
        %mul3A_414 = arith.mulf %get3A_219, %gather3A_413 : vector<16xf32>
        %add3A_415 = arith.addf %add3A_409, %mul3A_414 : vector<16xf32>
        %swap3A_416 = arith.constant 1 : i32
        %swap3A_417 = arith.index_cast %swap3A_416 : i32 to index
        %swap3A_418 = arith.index_cast %mul3A_92 : i32 to index
        %swap3A_419 = tpu.vector_load %arg13[%swap3A_417, %swap3A_418] {strides = array<i32>} : memref<8x128xf32, #tpu.memory_space<vmem>>, vector<16xf32>,
        tpu.vector_store %arg13[%swap3A_417, %swap3A_418], %add3A_415 {strides = array<i32>} : memref<8x128xf32, #tpu.memory_space<vmem>>, vector<16xf32>,
        %add3A_420 = arith.constant 8192 : i32
        %add3A_421 = vector.broadcast %add3A_420 : i32 to vector<16xi32>
        %add3A_422 = arith.addi %get3A_95, %add3A_421 : vector<16xi32>
        %gather3A_423 = tpu.vector_load_idx %arg8[%add3A_422] : memref<32768xf32, #tpu.memory_space<vmem>>[vector<16xi32>], vector<16xf32>,
        %mul3A_424 = arith.mulf %get3A_159, %gather3A_423 : vector<16xf32>
        %add3A_425 = arith.addf %get3A_221, %mul3A_424 : vector<16xf32>
        %add3A_426 = arith.constant 8192 : i32
        %add3A_427 = vector.broadcast %add3A_426 : i32 to vector<16xi32>
        %add3A_428 = arith.addi %get3A_99, %add3A_427 : vector<16xi32>
        %gather3A_429 = tpu.vector_load_idx %arg8[%add3A_428] : memref<32768xf32, #tpu.memory_space<vmem>>[vector<16xi32>], vector<16xf32>,
        %mul3A_430 = arith.mulf %get3A_163, %gather3A_429 : vector<16xf32>
        %add3A_431 = arith.addf %add3A_425, %mul3A_430 : vector<16xf32>
        %add3A_432 = arith.constant 8192 : i32
        %add3A_433 = vector.broadcast %add3A_432 : i32 to vector<16xi32>
        %add3A_434 = arith.addi %get3A_103, %add3A_433 : vector<16xi32>
        %gather3A_435 = tpu.vector_load_idx %arg8[%add3A_434] : memref<32768xf32, #tpu.memory_space<vmem>>[vector<16xi32>], vector<16xf32>,
        %mul3A_436 = arith.mulf %get3A_167, %gather3A_435 : vector<16xf32>
        %add3A_437 = arith.addf %add3A_431, %mul3A_436 : vector<16xf32>
        %add3A_438 = arith.constant 8192 : i32
        %add3A_439 = vector.broadcast %add3A_438 : i32 to vector<16xi32>
        %add3A_440 = arith.addi %get3A_107, %add3A_439 : vector<16xi32>
        %gather3A_441 = tpu.vector_load_idx %arg8[%add3A_440] : memref<32768xf32, #tpu.memory_space<vmem>>[vector<16xi32>], vector<16xf32>,
        %mul3A_442 = arith.mulf %get3A_171, %gather3A_441 : vector<16xf32>
        %add3A_443 = arith.addf %add3A_437, %mul3A_442 : vector<16xf32>
        %add3A_444 = arith.constant 8192 : i32
        %add3A_445 = vector.broadcast %add3A_444 : i32 to vector<16xi32>
        %add3A_446 = arith.addi %get3A_111, %add3A_445 : vector<16xi32>
        %gather3A_447 = tpu.vector_load_idx %arg8[%add3A_446] : memref<32768xf32, #tpu.memory_space<vmem>>[vector<16xi32>], vector<16xf32>,
        %mul3A_448 = arith.mulf %get3A_175, %gather3A_447 : vector<16xf32>
        %add3A_449 = arith.addf %add3A_443, %mul3A_448 : vector<16xf32>
        %add3A_450 = arith.constant 8192 : i32
        %add3A_451 = vector.broadcast %add3A_450 : i32 to vector<16xi32>
        %add3A_452 = arith.addi %get3A_115, %add3A_451 : vector<16xi32>
        %gather3A_453 = tpu.vector_load_idx %arg8[%add3A_452] : memref<32768xf32, #tpu.memory_space<vmem>>[vector<16xi32>], vector<16xf32>,
        %mul3A_454 = arith.mulf %get3A_179, %gather3A_453 : vector<16xf32>
        %add3A_455 = arith.addf %add3A_449, %mul3A_454 : vector<16xf32>
        %add3A_456 = arith.constant 8192 : i32
        %add3A_457 = vector.broadcast %add3A_456 : i32 to vector<16xi32>
        %add3A_458 = arith.addi %get3A_119, %add3A_457 : vector<16xi32>
        %gather3A_459 = tpu.vector_load_idx %arg8[%add3A_458] : memref<32768xf32, #tpu.memory_space<vmem>>[vector<16xi32>], vector<16xf32>,
        %mul3A_460 = arith.mulf %get3A_183, %gather3A_459 : vector<16xf32>
        %add3A_461 = arith.addf %add3A_455, %mul3A_460 : vector<16xf32>
        %add3A_462 = arith.constant 8192 : i32
        %add3A_463 = vector.broadcast %add3A_462 : i32 to vector<16xi32>
        %add3A_464 = arith.addi %get3A_123, %add3A_463 : vector<16xi32>
        %gather3A_465 = tpu.vector_load_idx %arg8[%add3A_464] : memref<32768xf32, #tpu.memory_space<vmem>>[vector<16xi32>], vector<16xf32>,
        %mul3A_466 = arith.mulf %get3A_187, %gather3A_465 : vector<16xf32>
        %add3A_467 = arith.addf %add3A_461, %mul3A_466 : vector<16xf32>
        %add3A_468 = arith.constant 8192 : i32
        %add3A_469 = vector.broadcast %add3A_468 : i32 to vector<16xi32>
        %add3A_470 = arith.addi %get3A_127, %add3A_469 : vector<16xi32>
        %gather3A_471 = tpu.vector_load_idx %arg8[%add3A_470] : memref<32768xf32, #tpu.memory_space<vmem>>[vector<16xi32>], vector<16xf32>,
        %mul3A_472 = arith.mulf %get3A_191, %gather3A_471 : vector<16xf32>
        %add3A_473 = arith.addf %add3A_467, %mul3A_472 : vector<16xf32>
        %add3A_474 = arith.constant 8192 : i32
        %add3A_475 = vector.broadcast %add3A_474 : i32 to vector<16xi32>
        %add3A_476 = arith.addi %get3A_131, %add3A_475 : vector<16xi32>
        %gather3A_477 = tpu.vector_load_idx %arg8[%add3A_476] : memref<32768xf32, #tpu.memory_space<vmem>>[vector<16xi32>], vector<16xf32>,
        %mul3A_478 = arith.mulf %get3A_195, %gather3A_477 : vector<16xf32>
        %add3A_479 = arith.addf %add3A_473, %mul3A_478 : vector<16xf32>
        %add3A_480 = arith.constant 8192 : i32
        %add3A_481 = vector.broadcast %add3A_480 : i32 to vector<16xi32>
        %add3A_482 = arith.addi %get3A_135, %add3A_481 : vector<16xi32>
        %gather3A_483 = tpu.vector_load_idx %arg8[%add3A_482] : memref<32768xf32, #tpu.memory_space<vmem>>[vector<16xi32>], vector<16xf32>,
        %mul3A_484 = arith.mulf %get3A_199, %gather3A_483 : vector<16xf32>
        %add3A_485 = arith.addf %add3A_479, %mul3A_484 : vector<16xf32>
        %add3A_486 = arith.constant 8192 : i32
        %add3A_487 = vector.broadcast %add3A_486 : i32 to vector<16xi32>
        %add3A_488 = arith.addi %get3A_139, %add3A_487 : vector<16xi32>
        %gather3A_489 = tpu.vector_load_idx %arg8[%add3A_488] : memref<32768xf32, #tpu.memory_space<vmem>>[vector<16xi32>], vector<16xf32>,
        %mul3A_490 = arith.mulf %get3A_203, %gather3A_489 : vector<16xf32>
        %add3A_491 = arith.addf %add3A_485, %mul3A_490 : vector<16xf32>
        %add3A_492 = arith.constant 8192 : i32
        %add3A_493 = vector.broadcast %add3A_492 : i32 to vector<16xi32>
        %add3A_494 = arith.addi %get3A_143, %add3A_493 : vector<16xi32>
        %gather3A_495 = tpu.vector_load_idx %arg8[%add3A_494] : memref<32768xf32, #tpu.memory_space<vmem>>[vector<16xi32>], vector<16xf32>,
        %mul3A_496 = arith.mulf %get3A_207, %gather3A_495 : vector<16xf32>
        %add3A_497 = arith.addf %add3A_491, %mul3A_496 : vector<16xf32>
        %add3A_498 = arith.constant 8192 : i32
        %add3A_499 = vector.broadcast %add3A_498 : i32 to vector<16xi32>
        %add3A_500 = arith.addi %get3A_147, %add3A_499 : vector<16xi32>
        %gather3A_501 = tpu.vector_load_idx %arg8[%add3A_500] : memref<32768xf32, #tpu.memory_space<vmem>>[vector<16xi32>], vector<16xf32>,
        %mul3A_502 = arith.mulf %get3A_211, %gather3A_501 : vector<16xf32>
        %add3A_503 = arith.addf %add3A_497, %mul3A_502 : vector<16xf32>
        %add3A_504 = arith.constant 8192 : i32
        %add3A_505 = vector.broadcast %add3A_504 : i32 to vector<16xi32>
        %add3A_506 = arith.addi %get3A_151, %add3A_505 : vector<16xi32>
        %gather3A_507 = tpu.vector_load_idx %arg8[%add3A_506] : memref<32768xf32, #tpu.memory_space<vmem>>[vector<16xi32>], vector<16xf32>,
        %mul3A_508 = arith.mulf %get3A_215, %gather3A_507 : vector<16xf32>
        %add3A_509 = arith.addf %add3A_503, %mul3A_508 : vector<16xf32>
        %add3A_510 = arith.constant 8192 : i32
        %add3A_511 = vector.broadcast %add3A_510 : i32 to vector<16xi32>
        %add3A_512 = arith.addi %get3A_155, %add3A_511 : vector<16xi32>
        %gather3A_513 = tpu.vector_load_idx %arg8[%add3A_512] : memref<32768xf32, #tpu.memory_space<vmem>>[vector<16xi32>], vector<16xf32>,
        %mul3A_514 = arith.mulf %get3A_219, %gather3A_513 : vector<16xf32>
        %add3A_515 = arith.addf %add3A_509, %mul3A_514 : vector<16xf32>
        %swap3A_516 = arith.constant 2 : i32
        %swap3A_517 = arith.index_cast %swap3A_516 : i32 to index
        %swap3A_518 = arith.index_cast %mul3A_92 : i32 to index
        %swap3A_519 = tpu.vector_load %arg13[%swap3A_517, %swap3A_518] {strides = array<i32>} : memref<8x128xf32, #tpu.memory_space<vmem>>, vector<16xf32>,
        tpu.vector_store %arg13[%swap3A_517, %swap3A_518], %add3A_515 {strides = array<i32>} : memref<8x128xf32, #tpu.memory_space<vmem>>, vector<16xf32>,
        %add3A_520 = arith.constant 12288 : i32
        %add3A_521 = vector.broadcast %add3A_520 : i32 to vector<16xi32>
        %add3A_522 = arith.addi %get3A_95, %add3A_521 : vector<16xi32>
        %gather3A_523 = tpu.vector_load_idx %arg8[%add3A_522] : memref<32768xf32, #tpu.memory_space<vmem>>[vector<16xi32>], vector<16xf32>,
        %mul3A_524 = arith.mulf %get3A_159, %gather3A_523 : vector<16xf32>
        %add3A_525 = arith.addf %get3A_221, %mul3A_524 : vector<16xf32>
        %add3A_526 = arith.constant 12288 : i32
        %add3A_527 = vector.broadcast %add3A_526 : i32 to vector<16xi32>
        %add3A_528 = arith.addi %get3A_99, %add3A_527 : vector<16xi32>
        %gather3A_529 = tpu.vector_load_idx %arg8[%add3A_528] : memref<32768xf32, #tpu.memory_space<vmem>>[vector<16xi32>], vector<16xf32>,
        %mul3A_530 = arith.mulf %get3A_163, %gather3A_529 : vector<16xf32>
        %add3A_531 = arith.addf %add3A_525, %mul3A_530 : vector<16xf32>
        %add3A_532 = arith.constant 12288 : i32
        %add3A_533 = vector.broadcast %add3A_532 : i32 to vector<16xi32>
        %add3A_534 = arith.addi %get3A_103, %add3A_533 : vector<16xi32>
        %gather3A_535 = tpu.vector_load_idx %arg8[%add3A_534] : memref<32768xf32, #tpu.memory_space<vmem>>[vector<16xi32>], vector<16xf32>,
        %mul3A_536 = arith.mulf %get3A_167, %gather3A_535 : vector<16xf32>
        %add3A_537 = arith.addf %add3A_531, %mul3A_536 : vector<16xf32>
        %add3A_538 = arith.constant 12288 : i32
        %add3A_539 = vector.broadcast %add3A_538 : i32 to vector<16xi32>
        %add3A_540 = arith.addi %get3A_107, %add3A_539 : vector<16xi32>
        %gather3A_541 = tpu.vector_load_idx %arg8[%add3A_540] : memref<32768xf32, #tpu.memory_space<vmem>>[vector<16xi32>], vector<16xf32>,
        %mul3A_542 = arith.mulf %get3A_171, %gather3A_541 : vector<16xf32>
        %add3A_543 = arith.addf %add3A_537, %mul3A_542 : vector<16xf32>
        %add3A_544 = arith.constant 12288 : i32
        %add3A_545 = vector.broadcast %add3A_544 : i32 to vector<16xi32>
        %add3A_546 = arith.addi %get3A_111, %add3A_545 : vector<16xi32>
        %gather3A_547 = tpu.vector_load_idx %arg8[%add3A_546] : memref<32768xf32, #tpu.memory_space<vmem>>[vector<16xi32>], vector<16xf32>,
        %mul3A_548 = arith.mulf %get3A_175, %gather3A_547 : vector<16xf32>
        %add3A_549 = arith.addf %add3A_543, %mul3A_548 : vector<16xf32>
        %add3A_550 = arith.constant 12288 : i32
        %add3A_551 = vector.broadcast %add3A_550 : i32 to vector<16xi32>
        %add3A_552 = arith.addi %get3A_115, %add3A_551 : vector<16xi32>
        %gather3A_553 = tpu.vector_load_idx %arg8[%add3A_552] : memref<32768xf32, #tpu.memory_space<vmem>>[vector<16xi32>], vector<16xf32>,
        %mul3A_554 = arith.mulf %get3A_179, %gather3A_553 : vector<16xf32>
        %add3A_555 = arith.addf %add3A_549, %mul3A_554 : vector<16xf32>
        %add3A_556 = arith.constant 12288 : i32
        %add3A_557 = vector.broadcast %add3A_556 : i32 to vector<16xi32>
        %add3A_558 = arith.addi %get3A_119, %add3A_557 : vector<16xi32>
        %gather3A_559 = tpu.vector_load_idx %arg8[%add3A_558] : memref<32768xf32, #tpu.memory_space<vmem>>[vector<16xi32>], vector<16xf32>,
        %mul3A_560 = arith.mulf %get3A_183, %gather3A_559 : vector<16xf32>
        %add3A_561 = arith.addf %add3A_555, %mul3A_560 : vector<16xf32>
        %add3A_562 = arith.constant 12288 : i32
        %add3A_563 = vector.broadcast %add3A_562 : i32 to vector<16xi32>
        %add3A_564 = arith.addi %get3A_123, %add3A_563 : vector<16xi32>
        %gather3A_565 = tpu.vector_load_idx %arg8[%add3A_564] : memref<32768xf32, #tpu.memory_space<vmem>>[vector<16xi32>], vector<16xf32>,
        %mul3A_566 = arith.mulf %get3A_187, %gather3A_565 : vector<16xf32>
        %add3A_567 = arith.addf %add3A_561, %mul3A_566 : vector<16xf32>
        %add3A_568 = arith.constant 12288 : i32
        %add3A_569 = vector.broadcast %add3A_568 : i32 to vector<16xi32>
        %add3A_570 = arith.addi %get3A_127, %add3A_569 : vector<16xi32>
        %gather3A_571 = tpu.vector_load_idx %arg8[%add3A_570] : memref<32768xf32, #tpu.memory_space<vmem>>[vector<16xi32>], vector<16xf32>,
        %mul3A_572 = arith.mulf %get3A_191, %gather3A_571 : vector<16xf32>
        %add3A_573 = arith.addf %add3A_567, %mul3A_572 : vector<16xf32>
        %add3A_574 = arith.constant 12288 : i32
        %add3A_575 = vector.broadcast %add3A_574 : i32 to vector<16xi32>
        %add3A_576 = arith.addi %get3A_131, %add3A_575 : vector<16xi32>
        %gather3A_577 = tpu.vector_load_idx %arg8[%add3A_576] : memref<32768xf32, #tpu.memory_space<vmem>>[vector<16xi32>], vector<16xf32>,
        %mul3A_578 = arith.mulf %get3A_195, %gather3A_577 : vector<16xf32>
        %add3A_579 = arith.addf %add3A_573, %mul3A_578 : vector<16xf32>
        %add3A_580 = arith.constant 12288 : i32
        %add3A_581 = vector.broadcast %add3A_580 : i32 to vector<16xi32>
        %add3A_582 = arith.addi %get3A_135, %add3A_581 : vector<16xi32>
        %gather3A_583 = tpu.vector_load_idx %arg8[%add3A_582] : memref<32768xf32, #tpu.memory_space<vmem>>[vector<16xi32>], vector<16xf32>,
        %mul3A_584 = arith.mulf %get3A_199, %gather3A_583 : vector<16xf32>
        %add3A_585 = arith.addf %add3A_579, %mul3A_584 : vector<16xf32>
        %add3A_586 = arith.constant 12288 : i32
        %add3A_587 = vector.broadcast %add3A_586 : i32 to vector<16xi32>
        %add3A_588 = arith.addi %get3A_139, %add3A_587 : vector<16xi32>
        %gather3A_589 = tpu.vector_load_idx %arg8[%add3A_588] : memref<32768xf32, #tpu.memory_space<vmem>>[vector<16xi32>], vector<16xf32>,
        %mul3A_590 = arith.mulf %get3A_203, %gather3A_589 : vector<16xf32>
        %add3A_591 = arith.addf %add3A_585, %mul3A_590 : vector<16xf32>
        %add3A_592 = arith.constant 12288 : i32
        %add3A_593 = vector.broadcast %add3A_592 : i32 to vector<16xi32>
        %add3A_594 = arith.addi %get3A_143, %add3A_593 : vector<16xi32>
        %gather3A_595 = tpu.vector_load_idx %arg8[%add3A_594] : memref<32768xf32, #tpu.memory_space<vmem>>[vector<16xi32>], vector<16xf32>,
        %mul3A_596 = arith.mulf %get3A_207, %gather3A_595 : vector<16xf32>
        %add3A_597 = arith.addf %add3A_591, %mul3A_596 : vector<16xf32>
        %add3A_598 = arith.constant 12288 : i32
        %add3A_599 = vector.broadcast %add3A_598 : i32 to vector<16xi32>
        %add3A_600 = arith.addi %get3A_147, %add3A_599 : vector<16xi32>
        %gather3A_601 = tpu.vector_load_idx %arg8[%add3A_600] : memref<32768xf32, #tpu.memory_space<vmem>>[vector<16xi32>], vector<16xf32>,
        %mul3A_602 = arith.mulf %get3A_211, %gather3A_601 : vector<16xf32>
        %add3A_603 = arith.addf %add3A_597, %mul3A_602 : vector<16xf32>
        %add3A_604 = arith.constant 12288 : i32
        %add3A_605 = vector.broadcast %add3A_604 : i32 to vector<16xi32>
        %add3A_606 = arith.addi %get3A_151, %add3A_605 : vector<16xi32>
        %gather3A_607 = tpu.vector_load_idx %arg8[%add3A_606] : memref<32768xf32, #tpu.memory_space<vmem>>[vector<16xi32>], vector<16xf32>,
        %mul3A_608 = arith.mulf %get3A_215, %gather3A_607 : vector<16xf32>
        %add3A_609 = arith.addf %add3A_603, %mul3A_608 : vector<16xf32>
        %add3A_610 = arith.constant 12288 : i32
        %add3A_611 = vector.broadcast %add3A_610 : i32 to vector<16xi32>
        %add3A_612 = arith.addi %get3A_155, %add3A_611 : vector<16xi32>
        %gather3A_613 = tpu.vector_load_idx %arg8[%add3A_612] : memref<32768xf32, #tpu.memory_space<vmem>>[vector<16xi32>], vector<16xf32>,
        %mul3A_614 = arith.mulf %get3A_219, %gather3A_613 : vector<16xf32>
        %add3A_615 = arith.addf %add3A_609, %mul3A_614 : vector<16xf32>
        %swap3A_616 = arith.constant 3 : i32
        %swap3A_617 = arith.index_cast %swap3A_616 : i32 to index
        %swap3A_618 = arith.index_cast %mul3A_92 : i32 to index
        %swap3A_619 = tpu.vector_load %arg13[%swap3A_617, %swap3A_618] {strides = array<i32>} : memref<8x128xf32, #tpu.memory_space<vmem>>, vector<16xf32>,
        tpu.vector_store %arg13[%swap3A_617, %swap3A_618], %add3A_615 {strides = array<i32>} : memref<8x128xf32, #tpu.memory_space<vmem>>, vector<16xf32>,
        %add3A_620 = arith.constant 16384 : i32
        %add3A_621 = vector.broadcast %add3A_620 : i32 to vector<16xi32>
        %add3A_622 = arith.addi %get3A_95, %add3A_621 : vector<16xi32>
        %gather3A_623 = tpu.vector_load_idx %arg8[%add3A_622] : memref<32768xf32, #tpu.memory_space<vmem>>[vector<16xi32>], vector<16xf32>,
        %mul3A_624 = arith.mulf %get3A_159, %gather3A_623 : vector<16xf32>
        %add3A_625 = arith.addf %get3A_221, %mul3A_624 : vector<16xf32>
        %add3A_626 = arith.constant 16384 : i32
        %add3A_627 = vector.broadcast %add3A_626 : i32 to vector<16xi32>
        %add3A_628 = arith.addi %get3A_99, %add3A_627 : vector<16xi32>
        %gather3A_629 = tpu.vector_load_idx %arg8[%add3A_628] : memref<32768xf32, #tpu.memory_space<vmem>>[vector<16xi32>], vector<16xf32>,
        %mul3A_630 = arith.mulf %get3A_163, %gather3A_629 : vector<16xf32>
        %add3A_631 = arith.addf %add3A_625, %mul3A_630 : vector<16xf32>
        %add3A_632 = arith.constant 16384 : i32
        %add3A_633 = vector.broadcast %add3A_632 : i32 to vector<16xi32>
        %add3A_634 = arith.addi %get3A_103, %add3A_633 : vector<16xi32>
        %gather3A_635 = tpu.vector_load_idx %arg8[%add3A_634] : memref<32768xf32, #tpu.memory_space<vmem>>[vector<16xi32>], vector<16xf32>,
        %mul3A_636 = arith.mulf %get3A_167, %gather3A_635 : vector<16xf32>
        %add3A_637 = arith.addf %add3A_631, %mul3A_636 : vector<16xf32>
        %add3A_638 = arith.constant 16384 : i32
        %add3A_639 = vector.broadcast %add3A_638 : i32 to vector<16xi32>
        %add3A_640 = arith.addi %get3A_107, %add3A_639 : vector<16xi32>
        %gather3A_641 = tpu.vector_load_idx %arg8[%add3A_640] : memref<32768xf32, #tpu.memory_space<vmem>>[vector<16xi32>], vector<16xf32>,
        %mul3A_642 = arith.mulf %get3A_171, %gather3A_641 : vector<16xf32>
        %add3A_643 = arith.addf %add3A_637, %mul3A_642 : vector<16xf32>
        %add3A_644 = arith.constant 16384 : i32
        %add3A_645 = vector.broadcast %add3A_644 : i32 to vector<16xi32>
        %add3A_646 = arith.addi %get3A_111, %add3A_645 : vector<16xi32>
        %gather3A_647 = tpu.vector_load_idx %arg8[%add3A_646] : memref<32768xf32, #tpu.memory_space<vmem>>[vector<16xi32>], vector<16xf32>,
        %mul3A_648 = arith.mulf %get3A_175, %gather3A_647 : vector<16xf32>
        %add3A_649 = arith.addf %add3A_643, %mul3A_648 : vector<16xf32>
        %add3A_650 = arith.constant 16384 : i32
        %add3A_651 = vector.broadcast %add3A_650 : i32 to vector<16xi32>
        %add3A_652 = arith.addi %get3A_115, %add3A_651 : vector<16xi32>
        %gather3A_653 = tpu.vector_load_idx %arg8[%add3A_652] : memref<32768xf32, #tpu.memory_space<vmem>>[vector<16xi32>], vector<16xf32>,
        %mul3A_654 = arith.mulf %get3A_179, %gather3A_653 : vector<16xf32>
        %add3A_655 = arith.addf %add3A_649, %mul3A_654 : vector<16xf32>
        %add3A_656 = arith.constant 16384 : i32
        %add3A_657 = vector.broadcast %add3A_656 : i32 to vector<16xi32>
        %add3A_658 = arith.addi %get3A_119, %add3A_657 : vector<16xi32>
        %gather3A_659 = tpu.vector_load_idx %arg8[%add3A_658] : memref<32768xf32, #tpu.memory_space<vmem>>[vector<16xi32>], vector<16xf32>,
        %mul3A_660 = arith.mulf %get3A_183, %gather3A_659 : vector<16xf32>
        %add3A_661 = arith.addf %add3A_655, %mul3A_660 : vector<16xf32>
        %add3A_662 = arith.constant 16384 : i32
        %add3A_663 = vector.broadcast %add3A_662 : i32 to vector<16xi32>
        %add3A_664 = arith.addi %get3A_123, %add3A_663 : vector<16xi32>
        %gather3A_665 = tpu.vector_load_idx %arg8[%add3A_664] : memref<32768xf32, #tpu.memory_space<vmem>>[vector<16xi32>], vector<16xf32>,
        %mul3A_666 = arith.mulf %get3A_187, %gather3A_665 : vector<16xf32>
        %add3A_667 = arith.addf %add3A_661, %mul3A_666 : vector<16xf32>
        %add3A_668 = arith.constant 16384 : i32
        %add3A_669 = vector.broadcast %add3A_668 : i32 to vector<16xi32>
        %add3A_670 = arith.addi %get3A_127, %add3A_669 : vector<16xi32>
        %gather3A_671 = tpu.vector_load_idx %arg8[%add3A_670] : memref<32768xf32, #tpu.memory_space<vmem>>[vector<16xi32>], vector<16xf32>,
        %mul3A_672 = arith.mulf %get3A_191, %gather3A_671 : vector<16xf32>
        %add3A_673 = arith.addf %add3A_667, %mul3A_672 : vector<16xf32>
        %add3A_674 = arith.constant 16384 : i32
        %add3A_675 = vector.broadcast %add3A_674 : i32 to vector<16xi32>
        %add3A_676 = arith.addi %get3A_131, %add3A_675 : vector<16xi32>
        %gather3A_677 = tpu.vector_load_idx %arg8[%add3A_676] : memref<32768xf32, #tpu.memory_space<vmem>>[vector<16xi32>], vector<16xf32>,
        %mul3A_678 = arith.mulf %get3A_195, %gather3A_677 : vector<16xf32>
        %add3A_679 = arith.addf %add3A_673, %mul3A_678 : vector<16xf32>
        %add3A_680 = arith.constant 16384 : i32
        %add3A_681 = vector.broadcast %add3A_680 : i32 to vector<16xi32>
        %add3A_682 = arith.addi %get3A_135, %add3A_681 : vector<16xi32>
        %gather3A_683 = tpu.vector_load_idx %arg8[%add3A_682] : memref<32768xf32, #tpu.memory_space<vmem>>[vector<16xi32>], vector<16xf32>,
        %mul3A_684 = arith.mulf %get3A_199, %gather3A_683 : vector<16xf32>
        %add3A_685 = arith.addf %add3A_679, %mul3A_684 : vector<16xf32>
        %add3A_686 = arith.constant 16384 : i32
        %add3A_687 = vector.broadcast %add3A_686 : i32 to vector<16xi32>
        %add3A_688 = arith.addi %get3A_139, %add3A_687 : vector<16xi32>
        %gather3A_689 = tpu.vector_load_idx %arg8[%add3A_688] : memref<32768xf32, #tpu.memory_space<vmem>>[vector<16xi32>], vector<16xf32>,
        %mul3A_690 = arith.mulf %get3A_203, %gather3A_689 : vector<16xf32>
        %add3A_691 = arith.addf %add3A_685, %mul3A_690 : vector<16xf32>
        %add3A_692 = arith.constant 16384 : i32
        %add3A_693 = vector.broadcast %add3A_692 : i32 to vector<16xi32>
        %add3A_694 = arith.addi %get3A_143, %add3A_693 : vector<16xi32>
        %gather3A_695 = tpu.vector_load_idx %arg8[%add3A_694] : memref<32768xf32, #tpu.memory_space<vmem>>[vector<16xi32>], vector<16xf32>,
        %mul3A_696 = arith.mulf %get3A_207, %gather3A_695 : vector<16xf32>
        %add3A_697 = arith.addf %add3A_691, %mul3A_696 : vector<16xf32>
        %add3A_698 = arith.constant 16384 : i32
        %add3A_699 = vector.broadcast %add3A_698 : i32 to vector<16xi32>
        %add3A_700 = arith.addi %get3A_147, %add3A_699 : vector<16xi32>
        %gather3A_701 = tpu.vector_load_idx %arg8[%add3A_700] : memref<32768xf32, #tpu.memory_space<vmem>>[vector<16xi32>], vector<16xf32>,
        %mul3A_702 = arith.mulf %get3A_211, %gather3A_701 : vector<16xf32>
        %add3A_703 = arith.addf %add3A_697, %mul3A_702 : vector<16xf32>
        %add3A_704 = arith.constant 16384 : i32
        %add3A_705 = vector.broadcast %add3A_704 : i32 to vector<16xi32>
        %add3A_706 = arith.addi %get3A_151, %add3A_705 : vector<16xi32>
        %gather3A_707 = tpu.vector_load_idx %arg8[%add3A_706] : memref<32768xf32, #tpu.memory_space<vmem>>[vector<16xi32>], vector<16xf32>,
        %mul3A_708 = arith.mulf %get3A_215, %gather3A_707 : vector<16xf32>
        %add3A_709 = arith.addf %add3A_703, %mul3A_708 : vector<16xf32>
        %add3A_710 = arith.constant 16384 : i32
        %add3A_711 = vector.broadcast %add3A_710 : i32 to vector<16xi32>
        %add3A_712 = arith.addi %get3A_155, %add3A_711 : vector<16xi32>
        %gather3A_713 = tpu.vector_load_idx %arg8[%add3A_712] : memref<32768xf32, #tpu.memory_space<vmem>>[vector<16xi32>], vector<16xf32>,
        %mul3A_714 = arith.mulf %get3A_219, %gather3A_713 : vector<16xf32>
        %add3A_715 = arith.addf %add3A_709, %mul3A_714 : vector<16xf32>
        %swap3A_716 = arith.constant 4 : i32
        %swap3A_717 = arith.index_cast %swap3A_716 : i32 to index
        %swap3A_718 = arith.index_cast %mul3A_92 : i32 to index
        %swap3A_719 = tpu.vector_load %arg13[%swap3A_717, %swap3A_718] {strides = array<i32>} : memref<8x128xf32, #tpu.memory_space<vmem>>, vector<16xf32>,
        tpu.vector_store %arg13[%swap3A_717, %swap3A_718], %add3A_715 {strides = array<i32>} : memref<8x128xf32, #tpu.memory_space<vmem>>, vector<16xf32>,
        %add3A_720 = arith.constant 20480 : i32
        %add3A_721 = vector.broadcast %add3A_720 : i32 to vector<16xi32>
        %add3A_722 = arith.addi %get3A_95, %add3A_721 : vector<16xi32>
        %gather3A_723 = tpu.vector_load_idx %arg8[%add3A_722] : memref<32768xf32, #tpu.memory_space<vmem>>[vector<16xi32>], vector<16xf32>,
        %mul3A_724 = arith.mulf %get3A_159, %gather3A_723 : vector<16xf32>
        %add3A_725 = arith.addf %get3A_221, %mul3A_724 : vector<16xf32>
        %add3A_726 = arith.constant 20480 : i32
        %add3A_727 = vector.broadcast %add3A_726 : i32 to vector<16xi32>
        %add3A_728 = arith.addi %get3A_99, %add3A_727 : vector<16xi32>
        %gather3A_729 = tpu.vector_load_idx %arg8[%add3A_728] : memref<32768xf32, #tpu.memory_space<vmem>>[vector<16xi32>], vector<16xf32>,
        %mul3A_730 = arith.mulf %get3A_163, %gather3A_729 : vector<16xf32>
        %add3A_731 = arith.addf %add3A_725, %mul3A_730 : vector<16xf32>
        %add3A_732 = arith.constant 20480 : i32
        %add3A_733 = vector.broadcast %add3A_732 : i32 to vector<16xi32>
        %add3A_734 = arith.addi %get3A_103, %add3A_733 : vector<16xi32>
        %gather3A_735 = tpu.vector_load_idx %arg8[%add3A_734] : memref<32768xf32, #tpu.memory_space<vmem>>[vector<16xi32>], vector<16xf32>,
        %mul3A_736 = arith.mulf %get3A_167, %gather3A_735 : vector<16xf32>
        %add3A_737 = arith.addf %add3A_731, %mul3A_736 : vector<16xf32>
        %add3A_738 = arith.constant 20480 : i32
        %add3A_739 = vector.broadcast %add3A_738 : i32 to vector<16xi32>
        %add3A_740 = arith.addi %get3A_107, %add3A_739 : vector<16xi32>
        %gather3A_741 = tpu.vector_load_idx %arg8[%add3A_740] : memref<32768xf32, #tpu.memory_space<vmem>>[vector<16xi32>], vector<16xf32>,
        %mul3A_742 = arith.mulf %get3A_171, %gather3A_741 : vector<16xf32>
        %add3A_743 = arith.addf %add3A_737, %mul3A_742 : vector<16xf32>
        %add3A_744 = arith.constant 20480 : i32
        %add3A_745 = vector.broadcast %add3A_744 : i32 to vector<16xi32>
        %add3A_746 = arith.addi %get3A_111, %add3A_745 : vector<16xi32>
        %gather3A_747 = tpu.vector_load_idx %arg8[%add3A_746] : memref<32768xf32, #tpu.memory_space<vmem>>[vector<16xi32>], vector<16xf32>,
        %mul3A_748 = arith.mulf %get3A_175, %gather3A_747 : vector<16xf32>
        %add3A_749 = arith.addf %add3A_743, %mul3A_748 : vector<16xf32>
        %add3A_750 = arith.constant 20480 : i32
        %add3A_751 = vector.broadcast %add3A_750 : i32 to vector<16xi32>
        %add3A_752 = arith.addi %get3A_115, %add3A_751 : vector<16xi32>
        %gather3A_753 = tpu.vector_load_idx %arg8[%add3A_752] : memref<32768xf32, #tpu.memory_space<vmem>>[vector<16xi32>], vector<16xf32>,
        %mul3A_754 = arith.mulf %get3A_179, %gather3A_753 : vector<16xf32>
        %add3A_755 = arith.addf %add3A_749, %mul3A_754 : vector<16xf32>
        %add3A_756 = arith.constant 20480 : i32
        %add3A_757 = vector.broadcast %add3A_756 : i32 to vector<16xi32>
        %add3A_758 = arith.addi %get3A_119, %add3A_757 : vector<16xi32>
        %gather3A_759 = tpu.vector_load_idx %arg8[%add3A_758] : memref<32768xf32, #tpu.memory_space<vmem>>[vector<16xi32>], vector<16xf32>,
        %mul3A_760 = arith.mulf %get3A_183, %gather3A_759 : vector<16xf32>
        %add3A_761 = arith.addf %add3A_755, %mul3A_760 : vector<16xf32>
        %add3A_762 = arith.constant 20480 : i32
        %add3A_763 = vector.broadcast %add3A_762 : i32 to vector<16xi32>
        %add3A_764 = arith.addi %get3A_123, %add3A_763 : vector<16xi32>
        %gather3A_765 = tpu.vector_load_idx %arg8[%add3A_764] : memref<32768xf32, #tpu.memory_space<vmem>>[vector<16xi32>], vector<16xf32>,
        %mul3A_766 = arith.mulf %get3A_187, %gather3A_765 : vector<16xf32>
        %add3A_767 = arith.addf %add3A_761, %mul3A_766 : vector<16xf32>
        %add3A_768 = arith.constant 20480 : i32
        %add3A_769 = vector.broadcast %add3A_768 : i32 to vector<16xi32>
        %add3A_770 = arith.addi %get3A_127, %add3A_769 : vector<16xi32>
        %gather3A_771 = tpu.vector_load_idx %arg8[%add3A_770] : memref<32768xf32, #tpu.memory_space<vmem>>[vector<16xi32>], vector<16xf32>,
        %mul3A_772 = arith.mulf %get3A_191, %gather3A_771 : vector<16xf32>
        %add3A_773 = arith.addf %add3A_767, %mul3A_772 : vector<16xf32>
        %add3A_774 = arith.constant 20480 : i32
        %add3A_775 = vector.broadcast %add3A_774 : i32 to vector<16xi32>
        %add3A_776 = arith.addi %get3A_131, %add3A_775 : vector<16xi32>
        %gather3A_777 = tpu.vector_load_idx %arg8[%add3A_776] : memref<32768xf32, #tpu.memory_space<vmem>>[vector<16xi32>], vector<16xf32>,
        %mul3A_778 = arith.mulf %get3A_195, %gather3A_777 : vector<16xf32>
        %add3A_779 = arith.addf %add3A_773, %mul3A_778 : vector<16xf32>
        %add3A_780 = arith.constant 20480 : i32
        %add3A_781 = vector.broadcast %add3A_780 : i32 to vector<16xi32>
        %add3A_782 = arith.addi %get3A_135, %add3A_781 : vector<16xi32>
        %gather3A_783 = tpu.vector_load_idx %arg8[%add3A_782] : memref<32768xf32, #tpu.memory_space<vmem>>[vector<16xi32>], vector<16xf32>,
        %mul3A_784 = arith.mulf %get3A_199, %gather3A_783 : vector<16xf32>
        %add3A_785 = arith.addf %add3A_779, %mul3A_784 : vector<16xf32>
        %add3A_786 = arith.constant 20480 : i32
        %add3A_787 = vector.broadcast %add3A_786 : i32 to vector<16xi32>
        %add3A_788 = arith.addi %get3A_139, %add3A_787 : vector<16xi32>
        %gather3A_789 = tpu.vector_load_idx %arg8[%add3A_788] : memref<32768xf32, #tpu.memory_space<vmem>>[vector<16xi32>], vector<16xf32>,
        %mul3A_790 = arith.mulf %get3A_203, %gather3A_789 : vector<16xf32>
        %add3A_791 = arith.addf %add3A_785, %mul3A_790 : vector<16xf32>
        %add3A_792 = arith.constant 20480 : i32
        %add3A_793 = vector.broadcast %add3A_792 : i32 to vector<16xi32>
        %add3A_794 = arith.addi %get3A_143, %add3A_793 : vector<16xi32>
        %gather3A_795 = tpu.vector_load_idx %arg8[%add3A_794] : memref<32768xf32, #tpu.memory_space<vmem>>[vector<16xi32>], vector<16xf32>,
        %mul3A_796 = arith.mulf %get3A_207, %gather3A_795 : vector<16xf32>
        %add3A_797 = arith.addf %add3A_791, %mul3A_796 : vector<16xf32>
        %add3A_798 = arith.constant 20480 : i32
        %add3A_799 = vector.broadcast %add3A_798 : i32 to vector<16xi32>
        %add3A_800 = arith.addi %get3A_147, %add3A_799 : vector<16xi32>
        %gather3A_801 = tpu.vector_load_idx %arg8[%add3A_800] : memref<32768xf32, #tpu.memory_space<vmem>>[vector<16xi32>], vector<16xf32>,
        %mul3A_802 = arith.mulf %get3A_211, %gather3A_801 : vector<16xf32>
        %add3A_803 = arith.addf %add3A_797, %mul3A_802 : vector<16xf32>
        %add3A_804 = arith.constant 20480 : i32
        %add3A_805 = vector.broadcast %add3A_804 : i32 to vector<16xi32>
        %add3A_806 = arith.addi %get3A_151, %add3A_805 : vector<16xi32>
        %gather3A_807 = tpu.vector_load_idx %arg8[%add3A_806] : memref<32768xf32, #tpu.memory_space<vmem>>[vector<16xi32>], vector<16xf32>,
        %mul3A_808 = arith.mulf %get3A_215, %gather3A_807 : vector<16xf32>
        %add3A_809 = arith.addf %add3A_803, %mul3A_808 : vector<16xf32>
        %add3A_810 = arith.constant 20480 : i32
        %add3A_811 = vector.broadcast %add3A_810 : i32 to vector<16xi32>
        %add3A_812 = arith.addi %get3A_155, %add3A_811 : vector<16xi32>
        %gather3A_813 = tpu.vector_load_idx %arg8[%add3A_812] : memref<32768xf32, #tpu.memory_space<vmem>>[vector<16xi32>], vector<16xf32>,
        %mul3A_814 = arith.mulf %get3A_219, %gather3A_813 : vector<16xf32>
        %add3A_815 = arith.addf %add3A_809, %mul3A_814 : vector<16xf32>
        %swap3A_816 = arith.constant 5 : i32
        %swap3A_817 = arith.index_cast %swap3A_816 : i32 to index
        %swap3A_818 = arith.index_cast %mul3A_92 : i32 to index
        %swap3A_819 = tpu.vector_load %arg13[%swap3A_817, %swap3A_818] {strides = array<i32>} : memref<8x128xf32, #tpu.memory_space<vmem>>, vector<16xf32>,
        tpu.vector_store %arg13[%swap3A_817, %swap3A_818], %add3A_815 {strides = array<i32>} : memref<8x128xf32, #tpu.memory_space<vmem>>, vector<16xf32>,
        %add3A_820 = arith.constant 24576 : i32
        %add3A_821 = vector.broadcast %add3A_820 : i32 to vector<16xi32>
        %add3A_822 = arith.addi %get3A_95, %add3A_821 : vector<16xi32>
        %gather3A_823 = tpu.vector_load_idx %arg8[%add3A_822] : memref<32768xf32, #tpu.memory_space<vmem>>[vector<16xi32>], vector<16xf32>,
        %mul3A_824 = arith.mulf %get3A_159, %gather3A_823 : vector<16xf32>
        %add3A_825 = arith.addf %get3A_221, %mul3A_824 : vector<16xf32>
        %add3A_826 = arith.constant 24576 : i32
        %add3A_827 = vector.broadcast %add3A_826 : i32 to vector<16xi32>
        %add3A_828 = arith.addi %get3A_99, %add3A_827 : vector<16xi32>
        %gather3A_829 = tpu.vector_load_idx %arg8[%add3A_828] : memref<32768xf32, #tpu.memory_space<vmem>>[vector<16xi32>], vector<16xf32>,
        %mul3A_830 = arith.mulf %get3A_163, %gather3A_829 : vector<16xf32>
        %add3A_831 = arith.addf %add3A_825, %mul3A_830 : vector<16xf32>
        %add3A_832 = arith.constant 24576 : i32
        %add3A_833 = vector.broadcast %add3A_832 : i32 to vector<16xi32>
        %add3A_834 = arith.addi %get3A_103, %add3A_833 : vector<16xi32>
        %gather3A_835 = tpu.vector_load_idx %arg8[%add3A_834] : memref<32768xf32, #tpu.memory_space<vmem>>[vector<16xi32>], vector<16xf32>,
        %mul3A_836 = arith.mulf %get3A_167, %gather3A_835 : vector<16xf32>
        %add3A_837 = arith.addf %add3A_831, %mul3A_836 : vector<16xf32>
        %add3A_838 = arith.constant 24576 : i32
        %add3A_839 = vector.broadcast %add3A_838 : i32 to vector<16xi32>
        %add3A_840 = arith.addi %get3A_107, %add3A_839 : vector<16xi32>
        %gather3A_841 = tpu.vector_load_idx %arg8[%add3A_840] : memref<32768xf32, #tpu.memory_space<vmem>>[vector<16xi32>], vector<16xf32>,
        %mul3A_842 = arith.mulf %get3A_171, %gather3A_841 : vector<16xf32>
        %add3A_843 = arith.addf %add3A_837, %mul3A_842 : vector<16xf32>
        %add3A_844 = arith.constant 24576 : i32
        %add3A_845 = vector.broadcast %add3A_844 : i32 to vector<16xi32>
        %add3A_846 = arith.addi %get3A_111, %add3A_845 : vector<16xi32>
        %gather3A_847 = tpu.vector_load_idx %arg8[%add3A_846] : memref<32768xf32, #tpu.memory_space<vmem>>[vector<16xi32>], vector<16xf32>,
        %mul3A_848 = arith.mulf %get3A_175, %gather3A_847 : vector<16xf32>
        %add3A_849 = arith.addf %add3A_843, %mul3A_848 : vector<16xf32>
        %add3A_850 = arith.constant 24576 : i32
        %add3A_851 = vector.broadcast %add3A_850 : i32 to vector<16xi32>
        %add3A_852 = arith.addi %get3A_115, %add3A_851 : vector<16xi32>
        %gather3A_853 = tpu.vector_load_idx %arg8[%add3A_852] : memref<32768xf32, #tpu.memory_space<vmem>>[vector<16xi32>], vector<16xf32>,
        %mul3A_854 = arith.mulf %get3A_179, %gather3A_853 : vector<16xf32>
        %add3A_855 = arith.addf %add3A_849, %mul3A_854 : vector<16xf32>
        %add3A_856 = arith.constant 24576 : i32
        %add3A_857 = vector.broadcast %add3A_856 : i32 to vector<16xi32>
        %add3A_858 = arith.addi %get3A_119, %add3A_857 : vector<16xi32>
        %gather3A_859 = tpu.vector_load_idx %arg8[%add3A_858] : memref<32768xf32, #tpu.memory_space<vmem>>[vector<16xi32>], vector<16xf32>,
        %mul3A_860 = arith.mulf %get3A_183, %gather3A_859 : vector<16xf32>
        %add3A_861 = arith.addf %add3A_855, %mul3A_860 : vector<16xf32>
        %add3A_862 = arith.constant 24576 : i32
        %add3A_863 = vector.broadcast %add3A_862 : i32 to vector<16xi32>
        %add3A_864 = arith.addi %get3A_123, %add3A_863 : vector<16xi32>
        %gather3A_865 = tpu.vector_load_idx %arg8[%add3A_864] : memref<32768xf32, #tpu.memory_space<vmem>>[vector<16xi32>], vector<16xf32>,
        %mul3A_866 = arith.mulf %get3A_187, %gather3A_865 : vector<16xf32>
        %add3A_867 = arith.addf %add3A_861, %mul3A_866 : vector<16xf32>
        %add3A_868 = arith.constant 24576 : i32
        %add3A_869 = vector.broadcast %add3A_868 : i32 to vector<16xi32>
        %add3A_870 = arith.addi %get3A_127, %add3A_869 : vector<16xi32>
        %gather3A_871 = tpu.vector_load_idx %arg8[%add3A_870] : memref<32768xf32, #tpu.memory_space<vmem>>[vector<16xi32>], vector<16xf32>,
        %mul3A_872 = arith.mulf %get3A_191, %gather3A_871 : vector<16xf32>
        %add3A_873 = arith.addf %add3A_867, %mul3A_872 : vector<16xf32>
        %add3A_874 = arith.constant 24576 : i32
        %add3A_875 = vector.broadcast %add3A_874 : i32 to vector<16xi32>
        %add3A_876 = arith.addi %get3A_131, %add3A_875 : vector<16xi32>
        %gather3A_877 = tpu.vector_load_idx %arg8[%add3A_876] : memref<32768xf32, #tpu.memory_space<vmem>>[vector<16xi32>], vector<16xf32>,
        %mul3A_878 = arith.mulf %get3A_195, %gather3A_877 : vector<16xf32>
        %add3A_879 = arith.addf %add3A_873, %mul3A_878 : vector<16xf32>
        %add3A_880 = arith.constant 24576 : i32
        %add3A_881 = vector.broadcast %add3A_880 : i32 to vector<16xi32>
        %add3A_882 = arith.addi %get3A_135, %add3A_881 : vector<16xi32>
        %gather3A_883 = tpu.vector_load_idx %arg8[%add3A_882] : memref<32768xf32, #tpu.memory_space<vmem>>[vector<16xi32>], vector<16xf32>,
        %mul3A_884 = arith.mulf %get3A_199, %gather3A_883 : vector<16xf32>
        %add3A_885 = arith.addf %add3A_879, %mul3A_884 : vector<16xf32>
        %add3A_886 = arith.constant 24576 : i32
        %add3A_887 = vector.broadcast %add3A_886 : i32 to vector<16xi32>
        %add3A_888 = arith.addi %get3A_139, %add3A_887 : vector<16xi32>
        %gather3A_889 = tpu.vector_load_idx %arg8[%add3A_888] : memref<32768xf32, #tpu.memory_space<vmem>>[vector<16xi32>], vector<16xf32>,
        %mul3A_890 = arith.mulf %get3A_203, %gather3A_889 : vector<16xf32>
        %add3A_891 = arith.addf %add3A_885, %mul3A_890 : vector<16xf32>
        %add3A_892 = arith.constant 24576 : i32
        %add3A_893 = vector.broadcast %add3A_892 : i32 to vector<16xi32>
        %add3A_894 = arith.addi %get3A_143, %add3A_893 : vector<16xi32>
        %gather3A_895 = tpu.vector_load_idx %arg8[%add3A_894] : memref<32768xf32, #tpu.memory_space<vmem>>[vector<16xi32>], vector<16xf32>,
        %mul3A_896 = arith.mulf %get3A_207, %gather3A_895 : vector<16xf32>
        %add3A_897 = arith.addf %add3A_891, %mul3A_896 : vector<16xf32>
        %add3A_898 = arith.constant 24576 : i32
        %add3A_899 = vector.broadcast %add3A_898 : i32 to vector<16xi32>
        %add3A_900 = arith.addi %get3A_147, %add3A_899 : vector<16xi32>
        %gather3A_901 = tpu.vector_load_idx %arg8[%add3A_900] : memref<32768xf32, #tpu.memory_space<vmem>>[vector<16xi32>], vector<16xf32>,
        %mul3A_902 = arith.mulf %get3A_211, %gather3A_901 : vector<16xf32>
        %add3A_903 = arith.addf %add3A_897, %mul3A_902 : vector<16xf32>
        %add3A_904 = arith.constant 24576 : i32
        %add3A_905 = vector.broadcast %add3A_904 : i32 to vector<16xi32>
        %add3A_906 = arith.addi %get3A_151, %add3A_905 : vector<16xi32>
        %gather3A_907 = tpu.vector_load_idx %arg8[%add3A_906] : memref<32768xf32, #tpu.memory_space<vmem>>[vector<16xi32>], vector<16xf32>,
        %mul3A_908 = arith.mulf %get3A_215, %gather3A_907 : vector<16xf32>
        %add3A_909 = arith.addf %add3A_903, %mul3A_908 : vector<16xf32>
        %add3A_910 = arith.constant 24576 : i32
        %add3A_911 = vector.broadcast %add3A_910 : i32 to vector<16xi32>
        %add3A_912 = arith.addi %get3A_155, %add3A_911 : vector<16xi32>
        %gather3A_913 = tpu.vector_load_idx %arg8[%add3A_912] : memref<32768xf32, #tpu.memory_space<vmem>>[vector<16xi32>], vector<16xf32>,
        %mul3A_914 = arith.mulf %get3A_219, %gather3A_913 : vector<16xf32>
        %add3A_915 = arith.addf %add3A_909, %mul3A_914 : vector<16xf32>
        %swap3A_916 = arith.constant 6 : i32
        %swap3A_917 = arith.index_cast %swap3A_916 : i32 to index
        %swap3A_918 = arith.index_cast %mul3A_92 : i32 to index
        %swap3A_919 = tpu.vector_load %arg13[%swap3A_917, %swap3A_918] {strides = array<i32>} : memref<8x128xf32, #tpu.memory_space<vmem>>, vector<16xf32>,
        tpu.vector_store %arg13[%swap3A_917, %swap3A_918], %add3A_915 {strides = array<i32>} : memref<8x128xf32, #tpu.memory_space<vmem>>, vector<16xf32>,
        %add3A_920 = arith.constant 28672 : i32
        %add3A_921 = vector.broadcast %add3A_920 : i32 to vector<16xi32>
        %add3A_922 = arith.addi %get3A_95, %add3A_921 : vector<16xi32>
        %gather3A_923 = tpu.vector_load_idx %arg8[%add3A_922] : memref<32768xf32, #tpu.memory_space<vmem>>[vector<16xi32>], vector<16xf32>,
        %mul3A_924 = arith.mulf %get3A_159, %gather3A_923 : vector<16xf32>
        %add3A_925 = arith.addf %get3A_221, %mul3A_924 : vector<16xf32>
        %add3A_926 = arith.constant 28672 : i32
        %add3A_927 = vector.broadcast %add3A_926 : i32 to vector<16xi32>
        %add3A_928 = arith.addi %get3A_99, %add3A_927 : vector<16xi32>
        %gather3A_929 = tpu.vector_load_idx %arg8[%add3A_928] : memref<32768xf32, #tpu.memory_space<vmem>>[vector<16xi32>], vector<16xf32>,
        %mul3A_930 = arith.mulf %get3A_163, %gather3A_929 : vector<16xf32>
        %add3A_931 = arith.addf %add3A_925, %mul3A_930 : vector<16xf32>
        %add3A_932 = arith.constant 28672 : i32
        %add3A_933 = vector.broadcast %add3A_932 : i32 to vector<16xi32>
        %add3A_934 = arith.addi %get3A_103, %add3A_933 : vector<16xi32>
        %gather3A_935 = tpu.vector_load_idx %arg8[%add3A_934] : memref<32768xf32, #tpu.memory_space<vmem>>[vector<16xi32>], vector<16xf32>,
        %mul3A_936 = arith.mulf %get3A_167, %gather3A_935 : vector<16xf32>
        %add3A_937 = arith.addf %add3A_931, %mul3A_936 : vector<16xf32>
        %add3A_938 = arith.constant 28672 : i32
        %add3A_939 = vector.broadcast %add3A_938 : i32 to vector<16xi32>
        %add3A_940 = arith.addi %get3A_107, %add3A_939 : vector<16xi32>
        %gather3A_941 = tpu.vector_load_idx %arg8[%add3A_940] : memref<32768xf32, #tpu.memory_space<vmem>>[vector<16xi32>], vector<16xf32>,
        %mul3A_942 = arith.mulf %get3A_171, %gather3A_941 : vector<16xf32>
        %add3A_943 = arith.addf %add3A_937, %mul3A_942 : vector<16xf32>
        %add3A_944 = arith.constant 28672 : i32
        %add3A_945 = vector.broadcast %add3A_944 : i32 to vector<16xi32>
        %add3A_946 = arith.addi %get3A_111, %add3A_945 : vector<16xi32>
        %gather3A_947 = tpu.vector_load_idx %arg8[%add3A_946] : memref<32768xf32, #tpu.memory_space<vmem>>[vector<16xi32>], vector<16xf32>,
        %mul3A_948 = arith.mulf %get3A_175, %gather3A_947 : vector<16xf32>
        %add3A_949 = arith.addf %add3A_943, %mul3A_948 : vector<16xf32>
        %add3A_950 = arith.constant 28672 : i32
        %add3A_951 = vector.broadcast %add3A_950 : i32 to vector<16xi32>
        %add3A_952 = arith.addi %get3A_115, %add3A_951 : vector<16xi32>
        %gather3A_953 = tpu.vector_load_idx %arg8[%add3A_952] : memref<32768xf32, #tpu.memory_space<vmem>>[vector<16xi32>], vector<16xf32>,
        %mul3A_954 = arith.mulf %get3A_179, %gather3A_953 : vector<16xf32>
        %add3A_955 = arith.addf %add3A_949, %mul3A_954 : vector<16xf32>
        %add3A_956 = arith.constant 28672 : i32
        %add3A_957 = vector.broadcast %add3A_956 : i32 to vector<16xi32>
        %add3A_958 = arith.addi %get3A_119, %add3A_957 : vector<16xi32>
        %gather3A_959 = tpu.vector_load_idx %arg8[%add3A_958] : memref<32768xf32, #tpu.memory_space<vmem>>[vector<16xi32>], vector<16xf32>,
        %mul3A_960 = arith.mulf %get3A_183, %gather3A_959 : vector<16xf32>
        %add3A_961 = arith.addf %add3A_955, %mul3A_960 : vector<16xf32>
        %add3A_962 = arith.constant 28672 : i32
        %add3A_963 = vector.broadcast %add3A_962 : i32 to vector<16xi32>
        %add3A_964 = arith.addi %get3A_123, %add3A_963 : vector<16xi32>
        %gather3A_965 = tpu.vector_load_idx %arg8[%add3A_964] : memref<32768xf32, #tpu.memory_space<vmem>>[vector<16xi32>], vector<16xf32>,
        %mul3A_966 = arith.mulf %get3A_187, %gather3A_965 : vector<16xf32>
        %add3A_967 = arith.addf %add3A_961, %mul3A_966 : vector<16xf32>
        %add3A_968 = arith.constant 28672 : i32
        %add3A_969 = vector.broadcast %add3A_968 : i32 to vector<16xi32>
        %add3A_970 = arith.addi %get3A_127, %add3A_969 : vector<16xi32>
        %gather3A_971 = tpu.vector_load_idx %arg8[%add3A_970] : memref<32768xf32, #tpu.memory_space<vmem>>[vector<16xi32>], vector<16xf32>,
        %mul3A_972 = arith.mulf %get3A_191, %gather3A_971 : vector<16xf32>
        %add3A_973 = arith.addf %add3A_967, %mul3A_972 : vector<16xf32>
        %add3A_974 = arith.constant 28672 : i32
        %add3A_975 = vector.broadcast %add3A_974 : i32 to vector<16xi32>
        %add3A_976 = arith.addi %get3A_131, %add3A_975 : vector<16xi32>
        %gather3A_977 = tpu.vector_load_idx %arg8[%add3A_976] : memref<32768xf32, #tpu.memory_space<vmem>>[vector<16xi32>], vector<16xf32>,
        %mul3A_978 = arith.mulf %get3A_195, %gather3A_977 : vector<16xf32>
        %add3A_979 = arith.addf %add3A_973, %mul3A_978 : vector<16xf32>
        %add3A_980 = arith.constant 28672 : i32
        %add3A_981 = vector.broadcast %add3A_980 : i32 to vector<16xi32>
        %add3A_982 = arith.addi %get3A_135, %add3A_981 : vector<16xi32>
        %gather3A_983 = tpu.vector_load_idx %arg8[%add3A_982] : memref<32768xf32, #tpu.memory_space<vmem>>[vector<16xi32>], vector<16xf32>,
        %mul3A_984 = arith.mulf %get3A_199, %gather3A_983 : vector<16xf32>
        %add3A_985 = arith.addf %add3A_979, %mul3A_984 : vector<16xf32>
        %add3A_986 = arith.constant 28672 : i32
        %add3A_987 = vector.broadcast %add3A_986 : i32 to vector<16xi32>
        %add3A_988 = arith.addi %get3A_139, %add3A_987 : vector<16xi32>
        %gather3A_989 = tpu.vector_load_idx %arg8[%add3A_988] : memref<32768xf32, #tpu.memory_space<vmem>>[vector<16xi32>], vector<16xf32>,
        %mul3A_990 = arith.mulf %get3A_203, %gather3A_989 : vector<16xf32>
        %add3A_991 = arith.addf %add3A_985, %mul3A_990 : vector<16xf32>
        %add3A_992 = arith.constant 28672 : i32
        %add3A_993 = vector.broadcast %add3A_992 : i32 to vector<16xi32>
        %add3A_994 = arith.addi %get3A_143, %add3A_993 : vector<16xi32>
        %gather3A_995 = tpu.vector_load_idx %arg8[%add3A_994] : memref<32768xf32, #tpu.memory_space<vmem>>[vector<16xi32>], vector<16xf32>,
        %mul3A_996 = arith.mulf %get3A_207, %gather3A_995 : vector<16xf32>
        %add3A_997 = arith.addf %add3A_991, %mul3A_996 : vector<16xf32>
        %add3A_998 = arith.constant 28672 : i32
        %add3A_999 = vector.broadcast %add3A_998 : i32 to vector<16xi32>
        %add3A_1000 = arith.addi %get3A_147, %add3A_999 : vector<16xi32>
        %gather3A_1001 = tpu.vector_load_idx %arg8[%add3A_1000] : memref<32768xf32, #tpu.memory_space<vmem>>[vector<16xi32>], vector<16xf32>,
        %mul3A_1002 = arith.mulf %get3A_211, %gather3A_1001 : vector<16xf32>
        %add3A_1003 = arith.addf %add3A_997, %mul3A_1002 : vector<16xf32>
        %add3A_1004 = arith.constant 28672 : i32
        %add3A_1005 = vector.broadcast %add3A_1004 : i32 to vector<16xi32>
        %add3A_1006 = arith.addi %get3A_151, %add3A_1005 : vector<16xi32>
        %gather3A_1007 = tpu.vector_load_idx %arg8[%add3A_1006] : memref<32768xf32, #tpu.memory_space<vmem>>[vector<16xi32>], vector<16xf32>,
        %mul3A_1008 = arith.mulf %get3A_215, %gather3A_1007 : vector<16xf32>
        %add3A_1009 = arith.addf %add3A_1003, %mul3A_1008 : vector<16xf32>
        %add3A_1010 = arith.constant 28672 : i32
        %add3A_1011 = vector.broadcast %add3A_1010 : i32 to vector<16xi32>
        %add3A_1012 = arith.addi %get3A_155, %add3A_1011 : vector<16xi32>
        %gather3A_1013 = tpu.vector_load_idx %arg8[%add3A_1012] : memref<32768xf32, #tpu.memory_space<vmem>>[vector<16xi32>], vector<16xf32>,
        %mul3A_1014 = arith.mulf %get3A_219, %gather3A_1013 : vector<16xf32>
        %add3A_1015 = arith.addf %add3A_1009, %mul3A_1014 : vector<16xf32>
        %swap3A_1016 = arith.constant 7 : i32
        %swap3A_1017 = arith.index_cast %swap3A_1016 : i32 to index
        %swap3A_1018 = arith.index_cast %mul3A_92 : i32 to index
        %swap3A_1019 = tpu.vector_load %arg13[%swap3A_1017, %swap3A_1018] {strides = array<i32>} : memref<8x128xf32, #tpu.memory_space<vmem>>, vector<16xf32>,
        tpu.vector_store %arg13[%swap3A_1017, %swap3A_1018], %add3A_1015 {strides = array<i32>} : memref<8x128xf32, #tpu.memory_space<vmem>>, vector<16xf32>,
        %scan3A_1020 = arith.constant 0 : i32
        scf.yield %scan3A_1020 : i32
      }
      %scan3A_77 = arith.constant 8 : i32
      %add3A_78 = arith.constant 1 : i32
      %add3A_79 = arith.addi %mul3A_28, %add3A_78 : i32
      %mul3A_80 = arith.constant 8 : i32
      %mul3A_81 = arith.muli %add3A_79, %mul3A_80 : i32
      %dma_start3A_82 = arith.constant 0 : i32
      %dma_start3A_83 = tpu.memref_slice %arg6[%add3A, %mul3A_81, %dma_start3A_82] : memref<32x128x128xf32, #tpu.memory_space<hbm>> -> memref<1x8x128xf32, #tpu.memory_space<hbm>>
      %dma_start3A_84 = tpu.memref_squeeze %dma_start3A_83 : memref<1x8x128xf32, #tpu.memory_space<hbm>> -> memref<8x128xf32, #tpu.memory_space<hbm>>
      %dma_start3A_85 = arith.constant 0 : i32
      %dma_start3A_86 = tpu.memref_slice %arg6[%add3A, %mul3A_81, %dma_start3A_85] : memref<32x128x128xf32, #tpu.memory_space<hbm>> -> memref<1x8x128xf32, #tpu.memory_space<hbm>>
      %dma_start3A_87 = tpu.memref_squeeze %dma_start3A_86 : memref<1x8x128xf32, #tpu.memory_space<hbm>> -> memref<8x128xf32, #tpu.memory_space<hbm>>
      tpu.enqueue_dma source(%arg13 : memref<8x128xf32, #tpu.memory_space<vmem>>) target(%dma_start3A_87 : memref<8x128xf32, #tpu.memory_space<hbm>>) target_semaphore(%arg17 : memref<!tpu.dma_semaphore, #tpu.memory_space<semaphore_mem>>)
      %scan3A_88 = arith.constant 0 : i32
      scf.yield %scan3A_88 : i32
    }
    %scan3A_9 = arith.constant 8 : i32
    %dma_wait3A = arith.constant 0 : i32
    %dma_wait3A_10 = arith.constant 0 : i32
    %dma_wait3A_11 = tpu.memref_slice %arg6[%add3A, %dma_wait3A, %dma_wait3A_10] : memref<32x128x128xf32, #tpu.memory_space<hbm>> -> memref<1x8x128xf32, #tpu.memory_space<hbm>>
    %dma_wait3A_12 = tpu.memref_squeeze %dma_wait3A_11 : memref<1x8x128xf32, #tpu.memory_space<hbm>> -> memref<8x128xf32, #tpu.memory_space<hbm>>
    %dma_wait3A_13 = arith.constant 0 : i32
    %dma_wait3A_14 = arith.constant 0 : i32
    %dma_wait3A_15 = tpu.memref_slice %arg6[%add3A, %dma_wait3A_13, %dma_wait3A_14] : memref<32x128x128xf32, #tpu.memory_space<hbm>> -> memref<1x8x128xf32, #tpu.memory_space<hbm>>
    %dma_wait3A_16 = tpu.memref_squeeze %dma_wait3A_15 : memref<1x8x128xf32, #tpu.memory_space<hbm>> -> memref<8x128xf32, #tpu.memory_space<hbm>>
    tpu.wait_dma2 semaphore(%arg16 : memref<!tpu.dma_semaphore, #tpu.memory_space<semaphore_mem>>) src(%arg12 : memref<8x128xf32, #tpu.memory_space<vmem>>) dst(%dma_wait3A_16 : memref<8x128xf32, #tpu.memory_space<hbm>>)
    %dma_wait3A_17 = arith.constant 0 : i32
    %dma_wait3A_18 = arith.constant 0 : i32
    %dma_wait3A_19 = tpu.memref_slice %arg6[%add3A, %dma_wait3A_17, %dma_wait3A_18] : memref<32x128x128xf32, #tpu.memory_space<hbm>> -> memref<1x8x128xf32, #tpu.memory_space<hbm>>
    %dma_wait3A_20 = tpu.memref_squeeze %dma_wait3A_19 : memref<1x8x128xf32, #tpu.memory_space<hbm>> -> memref<8x128xf32, #tpu.memory_space<hbm>>
    %dma_wait3A_21 = arith.constant 0 : i32
    %dma_wait3A_22 = arith.constant 0 : i32
    %dma_wait3A_23 = tpu.memref_slice %arg6[%add3A, %dma_wait3A_21, %dma_wait3A_22] : memref<32x128x128xf32, #tpu.memory_space<hbm>> -> memref<1x8x128xf32, #tpu.memory_space<hbm>>
    %dma_wait3A_24 = tpu.memref_squeeze %dma_wait3A_23 : memref<1x8x128xf32, #tpu.memory_space<hbm>> -> memref<8x128xf32, #tpu.memory_space<hbm>>
    tpu.wait_dma2 semaphore(%arg17 : memref<!tpu.dma_semaphore, #tpu.memory_space<semaphore_mem>>) src(%arg13 : memref<8x128xf32, #tpu.memory_space<vmem>>) dst(%dma_wait3A_24 : memref<8x128xf32, #tpu.memory_space<hbm>>)
    return
  }
}

module attributes {stable_mosaic.version = 14 : i64} {
  func.func @_extract_body(%arg0: i32, %arg1: memref<256x4096xf32, #tpu.memory_space<vmem>>, %arg2: memref<256x16xi32, #tpu.memory_space<vmem>>, %arg3: memref<256x16xf32, #tpu.memory_space<vmem>>) attributes {dimension_semantics = [#tpu.dimension_semantics<arbitrary>], iteration_bounds = array<i64: 16>, scalar_prefetch = 0 : i64, scratch_operands = 0 : i64, tpu.core_type = #tpu.core_type<tc>, window_params = [{transform_indices = @transform_0, window_bounds = array<i64: 256, 4096>}, {transform_indices = @transform_1, window_bounds = array<i64: 256, 16>}, {transform_indices = @transform_2, window_bounds = array<i64: 256, 16>}]} {
    %iota3A = tpu.iota {dimensions = array<i32: 1>} : vector<256x1024xi32>
    %convert_element_type3A = arith.sitofp %iota3A : vector<256x1024xi32> to vector<256x1024xf32>
    %get3A = arith.constant 0 : index
    %get3A_0 = arith.constant 0 : index
    %get3A_1 = vector.load %arg1[%get3A, %get3A_0] : memref<256x4096xf32, #tpu.memory_space<vmem>>, vector<256x1024xf32>
    %get3A_2 = arith.constant 0 : index
    %get3A_3 = arith.constant 1024 : index
    %get3A_4 = vector.load %arg1[%get3A_2, %get3A_3] : memref<256x4096xf32, #tpu.memory_space<vmem>>, vector<256x1024xf32>
    %get3A_5 = arith.constant 0 : index
    %get3A_6 = arith.constant 2048 : index
    %get3A_7 = vector.load %arg1[%get3A_5, %get3A_6] : memref<256x4096xf32, #tpu.memory_space<vmem>>, vector<256x1024xf32>
    %get3A_8 = arith.constant 0 : index
    %get3A_9 = arith.constant 3072 : index
    %get3A_10 = vector.load %arg1[%get3A_8, %get3A_9] : memref<256x4096xf32, #tpu.memory_space<vmem>>, vector<256x1024xf32>
    %add3A = arith.constant 0.000000e+00 : f32
    %add3A_11 = vector.broadcast %add3A : f32 to vector<256x1024xf32>
    %add3A_12 = arith.addf %convert_element_type3A, %add3A_11 : vector<256x1024xf32>
    %add3A_13 = arith.constant 1.024000e+03 : f32
    %add3A_14 = vector.broadcast %add3A_13 : f32 to vector<256x1024xf32>
    %add3A_15 = arith.addf %convert_element_type3A, %add3A_14 : vector<256x1024xf32>
    %add3A_16 = arith.constant 2.048000e+03 : f32
    %add3A_17 = vector.broadcast %add3A_16 : f32 to vector<256x1024xf32>
    %add3A_18 = arith.addf %convert_element_type3A, %add3A_17 : vector<256x1024xf32>
    %add3A_19 = arith.constant 3.072000e+03 : f32
    %add3A_20 = vector.broadcast %add3A_19 : f32 to vector<256x1024xf32>
    %add3A_21 = arith.addf %convert_element_type3A, %add3A_20 : vector<256x1024xf32>
    %lt3A = arith.cmpf olt, %get3A_1, %get3A_7 : vector<256x1024xf32>
    %eq3A = arith.cmpf oeq, %get3A_1, %get3A_7 : vector<256x1024xf32>
    %gt3A = arith.cmpf ogt, %add3A_12, %add3A_18 : vector<256x1024xf32>
    %and3A = arith.andi %eq3A, %gt3A : vector<256x1024xi1>
    %or3A = arith.ori %lt3A, %and3A : vector<256x1024xi1>
    %select_n3A = arith.select %or3A, %get3A_7, %get3A_1 : vector<256x1024xi1>, vector<256x1024xf32>
    %select_n3A_22 = arith.select %or3A, %get3A_1, %get3A_7 : vector<256x1024xi1>, vector<256x1024xf32>
    %select_n3A_23 = arith.select %or3A, %add3A_18, %add3A_12 : vector<256x1024xi1>, vector<256x1024xf32>
    %select_n3A_24 = arith.select %or3A, %add3A_12, %add3A_18 : vector<256x1024xi1>, vector<256x1024xf32>
    %lt3A_25 = arith.cmpf olt, %get3A_4, %get3A_10 : vector<256x1024xf32>
    %eq3A_26 = arith.cmpf oeq, %get3A_4, %get3A_10 : vector<256x1024xf32>
    %gt3A_27 = arith.cmpf ogt, %add3A_15, %add3A_21 : vector<256x1024xf32>
    %and3A_28 = arith.andi %eq3A_26, %gt3A_27 : vector<256x1024xi1>
    %or3A_29 = arith.ori %lt3A_25, %and3A_28 : vector<256x1024xi1>
    %select_n3A_30 = arith.select %or3A_29, %get3A_10, %get3A_4 : vector<256x1024xi1>, vector<256x1024xf32>
    %select_n3A_31 = arith.select %or3A_29, %get3A_4, %get3A_10 : vector<256x1024xi1>, vector<256x1024xf32>
    %select_n3A_32 = arith.select %or3A_29, %add3A_21, %add3A_15 : vector<256x1024xi1>, vector<256x1024xf32>
    %select_n3A_33 = arith.select %or3A_29, %add3A_15, %add3A_21 : vector<256x1024xi1>, vector<256x1024xf32>
    %lt3A_34 = arith.cmpf olt, %select_n3A, %select_n3A_30 : vector<256x1024xf32>
    %eq3A_35 = arith.cmpf oeq, %select_n3A, %select_n3A_30 : vector<256x1024xf32>
    %gt3A_36 = arith.cmpf ogt, %select_n3A_23, %select_n3A_32 : vector<256x1024xf32>
    %and3A_37 = arith.andi %eq3A_35, %gt3A_36 : vector<256x1024xi1>
    %or3A_38 = arith.ori %lt3A_34, %and3A_37 : vector<256x1024xi1>
    %select_n3A_39 = arith.select %or3A_38, %select_n3A_30, %select_n3A : vector<256x1024xi1>, vector<256x1024xf32>
    %select_n3A_40 = arith.select %or3A_38, %select_n3A, %select_n3A_30 : vector<256x1024xi1>, vector<256x1024xf32>
    %select_n3A_41 = arith.select %or3A_38, %select_n3A_32, %select_n3A_23 : vector<256x1024xi1>, vector<256x1024xf32>
    %select_n3A_42 = arith.select %or3A_38, %select_n3A_23, %select_n3A_32 : vector<256x1024xi1>, vector<256x1024xf32>
    %lt3A_43 = arith.cmpf olt, %select_n3A_22, %select_n3A_31 : vector<256x1024xf32>
    %eq3A_44 = arith.cmpf oeq, %select_n3A_22, %select_n3A_31 : vector<256x1024xf32>
    %gt3A_45 = arith.cmpf ogt, %select_n3A_24, %select_n3A_33 : vector<256x1024xf32>
    %and3A_46 = arith.andi %eq3A_44, %gt3A_45 : vector<256x1024xi1>
    %or3A_47 = arith.ori %lt3A_43, %and3A_46 : vector<256x1024xi1>
    %select_n3A_48 = arith.select %or3A_47, %select_n3A_31, %select_n3A_22 : vector<256x1024xi1>, vector<256x1024xf32>
    %select_n3A_49 = arith.select %or3A_47, %select_n3A_22, %select_n3A_31 : vector<256x1024xi1>, vector<256x1024xf32>
    %select_n3A_50 = arith.select %or3A_47, %select_n3A_33, %select_n3A_24 : vector<256x1024xi1>, vector<256x1024xf32>
    %select_n3A_51 = arith.select %or3A_47, %select_n3A_24, %select_n3A_33 : vector<256x1024xi1>, vector<256x1024xf32>
    %lt3A_52 = arith.cmpf olt, %select_n3A_40, %select_n3A_48 : vector<256x1024xf32>
    %eq3A_53 = arith.cmpf oeq, %select_n3A_40, %select_n3A_48 : vector<256x1024xf32>
    %gt3A_54 = arith.cmpf ogt, %select_n3A_42, %select_n3A_50 : vector<256x1024xf32>
    %and3A_55 = arith.andi %eq3A_53, %gt3A_54 : vector<256x1024xi1>
    %or3A_56 = arith.ori %lt3A_52, %and3A_55 : vector<256x1024xi1>
    %select_n3A_57 = arith.select %or3A_56, %select_n3A_48, %select_n3A_40 : vector<256x1024xi1>, vector<256x1024xf32>
    %select_n3A_58 = arith.select %or3A_56, %select_n3A_40, %select_n3A_48 : vector<256x1024xi1>, vector<256x1024xf32>
    %select_n3A_59 = arith.select %or3A_56, %select_n3A_50, %select_n3A_42 : vector<256x1024xi1>, vector<256x1024xf32>
    %select_n3A_60 = arith.select %or3A_56, %select_n3A_42, %select_n3A_50 : vector<256x1024xi1>, vector<256x1024xf32>
    %reduce_max3A = arith.constant dense<0xFF800000> : vector<256xf32>
    %reduce_max3A_61 = vector.multi_reduction <maximumf>, %select_n3A_39, %reduce_max3A [1] : vector<256x1024xf32> to vector<256xf32>
    %broadcast_in_dim3A = vector.shape_cast %reduce_max3A_61 : vector<256xf32> to vector<256x1xf32>
    %eq3A_62 = vector.broadcast %broadcast_in_dim3A : vector<256x1xf32> to vector<256x1024xf32>
    %eq3A_63 = arith.cmpf oeq, %select_n3A_39, %eq3A_62 : vector<256x1024xf32>
    %jit3A = arith.constant 4.096000e+03 : f32
    %broadcast_in_dim3A_64 = vector.broadcast %jit3A : f32 to vector<256x1024xf32>
    %select_n3A_65 = arith.select %eq3A_63, %select_n3A_41, %broadcast_in_dim3A_64 : vector<256x1024xi1>, vector<256x1024xf32>
    %reduce_min3A = arith.constant dense<0x7F800000> : vector<256xf32>
    %reduce_min3A_66 = vector.multi_reduction <minimumf>, %select_n3A_65, %reduce_min3A [1] : vector<256x1024xf32> to vector<256xf32>
    %broadcast_in_dim3A_67 = vector.shape_cast %reduce_min3A_66 : vector<256xf32> to vector<256x1xf32>
    %eq3A_68 = vector.broadcast %broadcast_in_dim3A_67 : vector<256x1xf32> to vector<256x1024xf32>
    %eq3A_69 = arith.cmpf oeq, %select_n3A_65, %eq3A_68 : vector<256x1024xf32>
    %select_n3A_70 = arith.select %eq3A_69, %select_n3A_57, %select_n3A_39 : vector<256x1024xi1>, vector<256x1024xf32>
    %select_n3A_71 = arith.select %eq3A_69, %select_n3A_59, %select_n3A_41 : vector<256x1024xi1>, vector<256x1024xf32>
    %select_n3A_72 = arith.select %eq3A_69, %select_n3A_58, %select_n3A_57 : vector<256x1024xi1>, vector<256x1024xf32>
    %select_n3A_73 = arith.select %eq3A_69, %select_n3A_60, %select_n3A_59 : vector<256x1024xi1>, vector<256x1024xf32>
    %select_n3A_74 = arith.select %eq3A_69, %select_n3A_49, %select_n3A_58 : vector<256x1024xi1>, vector<256x1024xf32>
    %select_n3A_75 = arith.select %eq3A_69, %select_n3A_51, %select_n3A_60 : vector<256x1024xi1>, vector<256x1024xf32>
    %jit3A_76 = arith.constant 0xFF800000 : f32
    %broadcast_in_dim3A_77 = vector.broadcast %jit3A_76 : f32 to vector<256x1024xf32>
    %select_n3A_78 = arith.select %eq3A_69, %broadcast_in_dim3A_77, %select_n3A_49 : vector<256x1024xi1>, vector<256x1024xf32>
    %reduce_max3A_79 = arith.constant dense<0xFF800000> : vector<256xf32>
    %reduce_max3A_80 = vector.multi_reduction <maximumf>, %select_n3A_70, %reduce_max3A_79 [1] : vector<256x1024xf32> to vector<256xf32>
    %broadcast_in_dim3A_81 = vector.shape_cast %reduce_max3A_80 : vector<256xf32> to vector<256x1xf32>
    %eq3A_82 = vector.broadcast %broadcast_in_dim3A_81 : vector<256x1xf32> to vector<256x1024xf32>
    %eq3A_83 = arith.cmpf oeq, %select_n3A_70, %eq3A_82 : vector<256x1024xf32>
    %jit3A_84 = arith.constant 4.096000e+03 : f32
    %broadcast_in_dim3A_85 = vector.broadcast %jit3A_84 : f32 to vector<256x1024xf32>
    %select_n3A_86 = arith.select %eq3A_83, %select_n3A_71, %broadcast_in_dim3A_85 : vector<256x1024xi1>, vector<256x1024xf32>
    %reduce_min3A_87 = arith.constant dense<0x7F800000> : vector<256xf32>
    %reduce_min3A_88 = vector.multi_reduction <minimumf>, %select_n3A_86, %reduce_min3A_87 [1] : vector<256x1024xf32> to vector<256xf32>
    %broadcast_in_dim3A_89 = vector.shape_cast %reduce_min3A_88 : vector<256xf32> to vector<256x1xf32>
    %eq3A_90 = vector.broadcast %broadcast_in_dim3A_89 : vector<256x1xf32> to vector<256x1024xf32>
    %eq3A_91 = arith.cmpf oeq, %select_n3A_86, %eq3A_90 : vector<256x1024xf32>
    %select_n3A_92 = arith.select %eq3A_91, %select_n3A_72, %select_n3A_70 : vector<256x1024xi1>, vector<256x1024xf32>
    %select_n3A_93 = arith.select %eq3A_91, %select_n3A_73, %select_n3A_71 : vector<256x1024xi1>, vector<256x1024xf32>
    %select_n3A_94 = arith.select %eq3A_91, %select_n3A_74, %select_n3A_72 : vector<256x1024xi1>, vector<256x1024xf32>
    %select_n3A_95 = arith.select %eq3A_91, %select_n3A_75, %select_n3A_73 : vector<256x1024xi1>, vector<256x1024xf32>
    %select_n3A_96 = arith.select %eq3A_91, %select_n3A_78, %select_n3A_74 : vector<256x1024xi1>, vector<256x1024xf32>
    %select_n3A_97 = arith.select %eq3A_91, %select_n3A_51, %select_n3A_75 : vector<256x1024xi1>, vector<256x1024xf32>
    %jit3A_98 = arith.constant 0xFF800000 : f32
    %broadcast_in_dim3A_99 = vector.broadcast %jit3A_98 : f32 to vector<256x1024xf32>
    %select_n3A_100 = arith.select %eq3A_91, %broadcast_in_dim3A_99, %select_n3A_78 : vector<256x1024xi1>, vector<256x1024xf32>
    %reduce_max3A_101 = arith.constant dense<0xFF800000> : vector<256xf32>
    %reduce_max3A_102 = vector.multi_reduction <maximumf>, %select_n3A_92, %reduce_max3A_101 [1] : vector<256x1024xf32> to vector<256xf32>
    %broadcast_in_dim3A_103 = vector.shape_cast %reduce_max3A_102 : vector<256xf32> to vector<256x1xf32>
    %eq3A_104 = vector.broadcast %broadcast_in_dim3A_103 : vector<256x1xf32> to vector<256x1024xf32>
    %eq3A_105 = arith.cmpf oeq, %select_n3A_92, %eq3A_104 : vector<256x1024xf32>
    %jit3A_106 = arith.constant 4.096000e+03 : f32
    %broadcast_in_dim3A_107 = vector.broadcast %jit3A_106 : f32 to vector<256x1024xf32>
    %select_n3A_108 = arith.select %eq3A_105, %select_n3A_93, %broadcast_in_dim3A_107 : vector<256x1024xi1>, vector<256x1024xf32>
    %reduce_min3A_109 = arith.constant dense<0x7F800000> : vector<256xf32>
    %reduce_min3A_110 = vector.multi_reduction <minimumf>, %select_n3A_108, %reduce_min3A_109 [1] : vector<256x1024xf32> to vector<256xf32>
    %broadcast_in_dim3A_111 = vector.shape_cast %reduce_min3A_110 : vector<256xf32> to vector<256x1xf32>
    %eq3A_112 = vector.broadcast %broadcast_in_dim3A_111 : vector<256x1xf32> to vector<256x1024xf32>
    %eq3A_113 = arith.cmpf oeq, %select_n3A_108, %eq3A_112 : vector<256x1024xf32>
    %select_n3A_114 = arith.select %eq3A_113, %select_n3A_94, %select_n3A_92 : vector<256x1024xi1>, vector<256x1024xf32>
    %select_n3A_115 = arith.select %eq3A_113, %select_n3A_95, %select_n3A_93 : vector<256x1024xi1>, vector<256x1024xf32>
    %select_n3A_116 = arith.select %eq3A_113, %select_n3A_96, %select_n3A_94 : vector<256x1024xi1>, vector<256x1024xf32>
    %select_n3A_117 = arith.select %eq3A_113, %select_n3A_97, %select_n3A_95 : vector<256x1024xi1>, vector<256x1024xf32>
    %select_n3A_118 = arith.select %eq3A_113, %select_n3A_100, %select_n3A_96 : vector<256x1024xi1>, vector<256x1024xf32>
    %select_n3A_119 = arith.select %eq3A_113, %select_n3A_51, %select_n3A_97 : vector<256x1024xi1>, vector<256x1024xf32>
    %jit3A_120 = arith.constant 0xFF800000 : f32
    %broadcast_in_dim3A_121 = vector.broadcast %jit3A_120 : f32 to vector<256x1024xf32>
    %select_n3A_122 = arith.select %eq3A_113, %broadcast_in_dim3A_121, %select_n3A_100 : vector<256x1024xi1>, vector<256x1024xf32>
    %reduce_max3A_123 = arith.constant dense<0xFF800000> : vector<256xf32>
    %reduce_max3A_124 = vector.multi_reduction <maximumf>, %select_n3A_114, %reduce_max3A_123 [1] : vector<256x1024xf32> to vector<256xf32>
    %broadcast_in_dim3A_125 = vector.shape_cast %reduce_max3A_124 : vector<256xf32> to vector<256x1xf32>
    %eq3A_126 = vector.broadcast %broadcast_in_dim3A_125 : vector<256x1xf32> to vector<256x1024xf32>
    %eq3A_127 = arith.cmpf oeq, %select_n3A_114, %eq3A_126 : vector<256x1024xf32>
    %jit3A_128 = arith.constant 4.096000e+03 : f32
    %broadcast_in_dim3A_129 = vector.broadcast %jit3A_128 : f32 to vector<256x1024xf32>
    %select_n3A_130 = arith.select %eq3A_127, %select_n3A_115, %broadcast_in_dim3A_129 : vector<256x1024xi1>, vector<256x1024xf32>
    %reduce_min3A_131 = arith.constant dense<0x7F800000> : vector<256xf32>
    %reduce_min3A_132 = vector.multi_reduction <minimumf>, %select_n3A_130, %reduce_min3A_131 [1] : vector<256x1024xf32> to vector<256xf32>
    %broadcast_in_dim3A_133 = vector.shape_cast %reduce_min3A_132 : vector<256xf32> to vector<256x1xf32>
    %eq3A_134 = vector.broadcast %broadcast_in_dim3A_133 : vector<256x1xf32> to vector<256x1024xf32>
    %eq3A_135 = arith.cmpf oeq, %select_n3A_130, %eq3A_134 : vector<256x1024xf32>
    %select_n3A_136 = arith.select %eq3A_135, %select_n3A_116, %select_n3A_114 : vector<256x1024xi1>, vector<256x1024xf32>
    %select_n3A_137 = arith.select %eq3A_135, %select_n3A_117, %select_n3A_115 : vector<256x1024xi1>, vector<256x1024xf32>
    %select_n3A_138 = arith.select %eq3A_135, %select_n3A_118, %select_n3A_116 : vector<256x1024xi1>, vector<256x1024xf32>
    %select_n3A_139 = arith.select %eq3A_135, %select_n3A_119, %select_n3A_117 : vector<256x1024xi1>, vector<256x1024xf32>
    %select_n3A_140 = arith.select %eq3A_135, %select_n3A_122, %select_n3A_118 : vector<256x1024xi1>, vector<256x1024xf32>
    %select_n3A_141 = arith.select %eq3A_135, %select_n3A_51, %select_n3A_119 : vector<256x1024xi1>, vector<256x1024xf32>
    %jit3A_142 = arith.constant 0xFF800000 : f32
    %broadcast_in_dim3A_143 = vector.broadcast %jit3A_142 : f32 to vector<256x1024xf32>
    %select_n3A_144 = arith.select %eq3A_135, %broadcast_in_dim3A_143, %select_n3A_122 : vector<256x1024xi1>, vector<256x1024xf32>
    %reduce_max3A_145 = arith.constant dense<0xFF800000> : vector<256xf32>
    %reduce_max3A_146 = vector.multi_reduction <maximumf>, %select_n3A_136, %reduce_max3A_145 [1] : vector<256x1024xf32> to vector<256xf32>
    %broadcast_in_dim3A_147 = vector.shape_cast %reduce_max3A_146 : vector<256xf32> to vector<256x1xf32>
    %eq3A_148 = vector.broadcast %broadcast_in_dim3A_147 : vector<256x1xf32> to vector<256x1024xf32>
    %eq3A_149 = arith.cmpf oeq, %select_n3A_136, %eq3A_148 : vector<256x1024xf32>
    %jit3A_150 = arith.constant 4.096000e+03 : f32
    %broadcast_in_dim3A_151 = vector.broadcast %jit3A_150 : f32 to vector<256x1024xf32>
    %select_n3A_152 = arith.select %eq3A_149, %select_n3A_137, %broadcast_in_dim3A_151 : vector<256x1024xi1>, vector<256x1024xf32>
    %reduce_min3A_153 = arith.constant dense<0x7F800000> : vector<256xf32>
    %reduce_min3A_154 = vector.multi_reduction <minimumf>, %select_n3A_152, %reduce_min3A_153 [1] : vector<256x1024xf32> to vector<256xf32>
    %broadcast_in_dim3A_155 = vector.shape_cast %reduce_min3A_154 : vector<256xf32> to vector<256x1xf32>
    %eq3A_156 = vector.broadcast %broadcast_in_dim3A_155 : vector<256x1xf32> to vector<256x1024xf32>
    %eq3A_157 = arith.cmpf oeq, %select_n3A_152, %eq3A_156 : vector<256x1024xf32>
    %select_n3A_158 = arith.select %eq3A_157, %select_n3A_138, %select_n3A_136 : vector<256x1024xi1>, vector<256x1024xf32>
    %select_n3A_159 = arith.select %eq3A_157, %select_n3A_139, %select_n3A_137 : vector<256x1024xi1>, vector<256x1024xf32>
    %select_n3A_160 = arith.select %eq3A_157, %select_n3A_140, %select_n3A_138 : vector<256x1024xi1>, vector<256x1024xf32>
    %select_n3A_161 = arith.select %eq3A_157, %select_n3A_141, %select_n3A_139 : vector<256x1024xi1>, vector<256x1024xf32>
    %select_n3A_162 = arith.select %eq3A_157, %select_n3A_144, %select_n3A_140 : vector<256x1024xi1>, vector<256x1024xf32>
    %select_n3A_163 = arith.select %eq3A_157, %select_n3A_51, %select_n3A_141 : vector<256x1024xi1>, vector<256x1024xf32>
    %jit3A_164 = arith.constant 0xFF800000 : f32
    %broadcast_in_dim3A_165 = vector.broadcast %jit3A_164 : f32 to vector<256x1024xf32>
    %select_n3A_166 = arith.select %eq3A_157, %broadcast_in_dim3A_165, %select_n3A_144 : vector<256x1024xi1>, vector<256x1024xf32>
    %reduce_max3A_167 = arith.constant dense<0xFF800000> : vector<256xf32>
    %reduce_max3A_168 = vector.multi_reduction <maximumf>, %select_n3A_158, %reduce_max3A_167 [1] : vector<256x1024xf32> to vector<256xf32>
    %broadcast_in_dim3A_169 = vector.shape_cast %reduce_max3A_168 : vector<256xf32> to vector<256x1xf32>
    %eq3A_170 = vector.broadcast %broadcast_in_dim3A_169 : vector<256x1xf32> to vector<256x1024xf32>
    %eq3A_171 = arith.cmpf oeq, %select_n3A_158, %eq3A_170 : vector<256x1024xf32>
    %jit3A_172 = arith.constant 4.096000e+03 : f32
    %broadcast_in_dim3A_173 = vector.broadcast %jit3A_172 : f32 to vector<256x1024xf32>
    %select_n3A_174 = arith.select %eq3A_171, %select_n3A_159, %broadcast_in_dim3A_173 : vector<256x1024xi1>, vector<256x1024xf32>
    %reduce_min3A_175 = arith.constant dense<0x7F800000> : vector<256xf32>
    %reduce_min3A_176 = vector.multi_reduction <minimumf>, %select_n3A_174, %reduce_min3A_175 [1] : vector<256x1024xf32> to vector<256xf32>
    %broadcast_in_dim3A_177 = vector.shape_cast %reduce_min3A_176 : vector<256xf32> to vector<256x1xf32>
    %eq3A_178 = vector.broadcast %broadcast_in_dim3A_177 : vector<256x1xf32> to vector<256x1024xf32>
    %eq3A_179 = arith.cmpf oeq, %select_n3A_174, %eq3A_178 : vector<256x1024xf32>
    %select_n3A_180 = arith.select %eq3A_179, %select_n3A_160, %select_n3A_158 : vector<256x1024xi1>, vector<256x1024xf32>
    %select_n3A_181 = arith.select %eq3A_179, %select_n3A_161, %select_n3A_159 : vector<256x1024xi1>, vector<256x1024xf32>
    %select_n3A_182 = arith.select %eq3A_179, %select_n3A_162, %select_n3A_160 : vector<256x1024xi1>, vector<256x1024xf32>
    %select_n3A_183 = arith.select %eq3A_179, %select_n3A_163, %select_n3A_161 : vector<256x1024xi1>, vector<256x1024xf32>
    %select_n3A_184 = arith.select %eq3A_179, %select_n3A_166, %select_n3A_162 : vector<256x1024xi1>, vector<256x1024xf32>
    %select_n3A_185 = arith.select %eq3A_179, %select_n3A_51, %select_n3A_163 : vector<256x1024xi1>, vector<256x1024xf32>
    %jit3A_186 = arith.constant 0xFF800000 : f32
    %broadcast_in_dim3A_187 = vector.broadcast %jit3A_186 : f32 to vector<256x1024xf32>
    %select_n3A_188 = arith.select %eq3A_179, %broadcast_in_dim3A_187, %select_n3A_166 : vector<256x1024xi1>, vector<256x1024xf32>
    %reduce_max3A_189 = arith.constant dense<0xFF800000> : vector<256xf32>
    %reduce_max3A_190 = vector.multi_reduction <maximumf>, %select_n3A_180, %reduce_max3A_189 [1] : vector<256x1024xf32> to vector<256xf32>
    %broadcast_in_dim3A_191 = vector.shape_cast %reduce_max3A_190 : vector<256xf32> to vector<256x1xf32>
    %eq3A_192 = vector.broadcast %broadcast_in_dim3A_191 : vector<256x1xf32> to vector<256x1024xf32>
    %eq3A_193 = arith.cmpf oeq, %select_n3A_180, %eq3A_192 : vector<256x1024xf32>
    %jit3A_194 = arith.constant 4.096000e+03 : f32
    %broadcast_in_dim3A_195 = vector.broadcast %jit3A_194 : f32 to vector<256x1024xf32>
    %select_n3A_196 = arith.select %eq3A_193, %select_n3A_181, %broadcast_in_dim3A_195 : vector<256x1024xi1>, vector<256x1024xf32>
    %reduce_min3A_197 = arith.constant dense<0x7F800000> : vector<256xf32>
    %reduce_min3A_198 = vector.multi_reduction <minimumf>, %select_n3A_196, %reduce_min3A_197 [1] : vector<256x1024xf32> to vector<256xf32>
    %broadcast_in_dim3A_199 = vector.shape_cast %reduce_min3A_198 : vector<256xf32> to vector<256x1xf32>
    %eq3A_200 = vector.broadcast %broadcast_in_dim3A_199 : vector<256x1xf32> to vector<256x1024xf32>
    %eq3A_201 = arith.cmpf oeq, %select_n3A_196, %eq3A_200 : vector<256x1024xf32>
    %select_n3A_202 = arith.select %eq3A_201, %select_n3A_182, %select_n3A_180 : vector<256x1024xi1>, vector<256x1024xf32>
    %select_n3A_203 = arith.select %eq3A_201, %select_n3A_183, %select_n3A_181 : vector<256x1024xi1>, vector<256x1024xf32>
    %select_n3A_204 = arith.select %eq3A_201, %select_n3A_184, %select_n3A_182 : vector<256x1024xi1>, vector<256x1024xf32>
    %select_n3A_205 = arith.select %eq3A_201, %select_n3A_185, %select_n3A_183 : vector<256x1024xi1>, vector<256x1024xf32>
    %select_n3A_206 = arith.select %eq3A_201, %select_n3A_188, %select_n3A_184 : vector<256x1024xi1>, vector<256x1024xf32>
    %select_n3A_207 = arith.select %eq3A_201, %select_n3A_51, %select_n3A_185 : vector<256x1024xi1>, vector<256x1024xf32>
    %jit3A_208 = arith.constant 0xFF800000 : f32
    %broadcast_in_dim3A_209 = vector.broadcast %jit3A_208 : f32 to vector<256x1024xf32>
    %select_n3A_210 = arith.select %eq3A_201, %broadcast_in_dim3A_209, %select_n3A_188 : vector<256x1024xi1>, vector<256x1024xf32>
    %reduce_max3A_211 = arith.constant dense<0xFF800000> : vector<256xf32>
    %reduce_max3A_212 = vector.multi_reduction <maximumf>, %select_n3A_202, %reduce_max3A_211 [1] : vector<256x1024xf32> to vector<256xf32>
    %broadcast_in_dim3A_213 = vector.shape_cast %reduce_max3A_212 : vector<256xf32> to vector<256x1xf32>
    %eq3A_214 = vector.broadcast %broadcast_in_dim3A_213 : vector<256x1xf32> to vector<256x1024xf32>
    %eq3A_215 = arith.cmpf oeq, %select_n3A_202, %eq3A_214 : vector<256x1024xf32>
    %jit3A_216 = arith.constant 4.096000e+03 : f32
    %broadcast_in_dim3A_217 = vector.broadcast %jit3A_216 : f32 to vector<256x1024xf32>
    %select_n3A_218 = arith.select %eq3A_215, %select_n3A_203, %broadcast_in_dim3A_217 : vector<256x1024xi1>, vector<256x1024xf32>
    %reduce_min3A_219 = arith.constant dense<0x7F800000> : vector<256xf32>
    %reduce_min3A_220 = vector.multi_reduction <minimumf>, %select_n3A_218, %reduce_min3A_219 [1] : vector<256x1024xf32> to vector<256xf32>
    %broadcast_in_dim3A_221 = vector.shape_cast %reduce_min3A_220 : vector<256xf32> to vector<256x1xf32>
    %eq3A_222 = vector.broadcast %broadcast_in_dim3A_221 : vector<256x1xf32> to vector<256x1024xf32>
    %eq3A_223 = arith.cmpf oeq, %select_n3A_218, %eq3A_222 : vector<256x1024xf32>
    %select_n3A_224 = arith.select %eq3A_223, %select_n3A_204, %select_n3A_202 : vector<256x1024xi1>, vector<256x1024xf32>
    %select_n3A_225 = arith.select %eq3A_223, %select_n3A_205, %select_n3A_203 : vector<256x1024xi1>, vector<256x1024xf32>
    %select_n3A_226 = arith.select %eq3A_223, %select_n3A_206, %select_n3A_204 : vector<256x1024xi1>, vector<256x1024xf32>
    %select_n3A_227 = arith.select %eq3A_223, %select_n3A_207, %select_n3A_205 : vector<256x1024xi1>, vector<256x1024xf32>
    %select_n3A_228 = arith.select %eq3A_223, %select_n3A_210, %select_n3A_206 : vector<256x1024xi1>, vector<256x1024xf32>
    %select_n3A_229 = arith.select %eq3A_223, %select_n3A_51, %select_n3A_207 : vector<256x1024xi1>, vector<256x1024xf32>
    %jit3A_230 = arith.constant 0xFF800000 : f32
    %broadcast_in_dim3A_231 = vector.broadcast %jit3A_230 : f32 to vector<256x1024xf32>
    %select_n3A_232 = arith.select %eq3A_223, %broadcast_in_dim3A_231, %select_n3A_210 : vector<256x1024xi1>, vector<256x1024xf32>
    %reduce_max3A_233 = arith.constant dense<0xFF800000> : vector<256xf32>
    %reduce_max3A_234 = vector.multi_reduction <maximumf>, %select_n3A_224, %reduce_max3A_233 [1] : vector<256x1024xf32> to vector<256xf32>
    %broadcast_in_dim3A_235 = vector.shape_cast %reduce_max3A_234 : vector<256xf32> to vector<256x1xf32>
    %eq3A_236 = vector.broadcast %broadcast_in_dim3A_235 : vector<256x1xf32> to vector<256x1024xf32>
    %eq3A_237 = arith.cmpf oeq, %select_n3A_224, %eq3A_236 : vector<256x1024xf32>
    %jit3A_238 = arith.constant 4.096000e+03 : f32
    %broadcast_in_dim3A_239 = vector.broadcast %jit3A_238 : f32 to vector<256x1024xf32>
    %select_n3A_240 = arith.select %eq3A_237, %select_n3A_225, %broadcast_in_dim3A_239 : vector<256x1024xi1>, vector<256x1024xf32>
    %reduce_min3A_241 = arith.constant dense<0x7F800000> : vector<256xf32>
    %reduce_min3A_242 = vector.multi_reduction <minimumf>, %select_n3A_240, %reduce_min3A_241 [1] : vector<256x1024xf32> to vector<256xf32>
    %broadcast_in_dim3A_243 = vector.shape_cast %reduce_min3A_242 : vector<256xf32> to vector<256x1xf32>
    %eq3A_244 = vector.broadcast %broadcast_in_dim3A_243 : vector<256x1xf32> to vector<256x1024xf32>
    %eq3A_245 = arith.cmpf oeq, %select_n3A_240, %eq3A_244 : vector<256x1024xf32>
    %select_n3A_246 = arith.select %eq3A_245, %select_n3A_226, %select_n3A_224 : vector<256x1024xi1>, vector<256x1024xf32>
    %select_n3A_247 = arith.select %eq3A_245, %select_n3A_227, %select_n3A_225 : vector<256x1024xi1>, vector<256x1024xf32>
    %select_n3A_248 = arith.select %eq3A_245, %select_n3A_228, %select_n3A_226 : vector<256x1024xi1>, vector<256x1024xf32>
    %select_n3A_249 = arith.select %eq3A_245, %select_n3A_229, %select_n3A_227 : vector<256x1024xi1>, vector<256x1024xf32>
    %select_n3A_250 = arith.select %eq3A_245, %select_n3A_232, %select_n3A_228 : vector<256x1024xi1>, vector<256x1024xf32>
    %select_n3A_251 = arith.select %eq3A_245, %select_n3A_51, %select_n3A_229 : vector<256x1024xi1>, vector<256x1024xf32>
    %jit3A_252 = arith.constant 0xFF800000 : f32
    %broadcast_in_dim3A_253 = vector.broadcast %jit3A_252 : f32 to vector<256x1024xf32>
    %select_n3A_254 = arith.select %eq3A_245, %broadcast_in_dim3A_253, %select_n3A_232 : vector<256x1024xi1>, vector<256x1024xf32>
    %reduce_max3A_255 = arith.constant dense<0xFF800000> : vector<256xf32>
    %reduce_max3A_256 = vector.multi_reduction <maximumf>, %select_n3A_246, %reduce_max3A_255 [1] : vector<256x1024xf32> to vector<256xf32>
    %broadcast_in_dim3A_257 = vector.shape_cast %reduce_max3A_256 : vector<256xf32> to vector<256x1xf32>
    %eq3A_258 = vector.broadcast %broadcast_in_dim3A_257 : vector<256x1xf32> to vector<256x1024xf32>
    %eq3A_259 = arith.cmpf oeq, %select_n3A_246, %eq3A_258 : vector<256x1024xf32>
    %jit3A_260 = arith.constant 4.096000e+03 : f32
    %broadcast_in_dim3A_261 = vector.broadcast %jit3A_260 : f32 to vector<256x1024xf32>
    %select_n3A_262 = arith.select %eq3A_259, %select_n3A_247, %broadcast_in_dim3A_261 : vector<256x1024xi1>, vector<256x1024xf32>
    %reduce_min3A_263 = arith.constant dense<0x7F800000> : vector<256xf32>
    %reduce_min3A_264 = vector.multi_reduction <minimumf>, %select_n3A_262, %reduce_min3A_263 [1] : vector<256x1024xf32> to vector<256xf32>
    %broadcast_in_dim3A_265 = vector.shape_cast %reduce_min3A_264 : vector<256xf32> to vector<256x1xf32>
    %eq3A_266 = vector.broadcast %broadcast_in_dim3A_265 : vector<256x1xf32> to vector<256x1024xf32>
    %eq3A_267 = arith.cmpf oeq, %select_n3A_262, %eq3A_266 : vector<256x1024xf32>
    %select_n3A_268 = arith.select %eq3A_267, %select_n3A_248, %select_n3A_246 : vector<256x1024xi1>, vector<256x1024xf32>
    %select_n3A_269 = arith.select %eq3A_267, %select_n3A_249, %select_n3A_247 : vector<256x1024xi1>, vector<256x1024xf32>
    %select_n3A_270 = arith.select %eq3A_267, %select_n3A_250, %select_n3A_248 : vector<256x1024xi1>, vector<256x1024xf32>
    %select_n3A_271 = arith.select %eq3A_267, %select_n3A_251, %select_n3A_249 : vector<256x1024xi1>, vector<256x1024xf32>
    %select_n3A_272 = arith.select %eq3A_267, %select_n3A_254, %select_n3A_250 : vector<256x1024xi1>, vector<256x1024xf32>
    %select_n3A_273 = arith.select %eq3A_267, %select_n3A_51, %select_n3A_251 : vector<256x1024xi1>, vector<256x1024xf32>
    %jit3A_274 = arith.constant 0xFF800000 : f32
    %broadcast_in_dim3A_275 = vector.broadcast %jit3A_274 : f32 to vector<256x1024xf32>
    %select_n3A_276 = arith.select %eq3A_267, %broadcast_in_dim3A_275, %select_n3A_254 : vector<256x1024xi1>, vector<256x1024xf32>
    %reduce_max3A_277 = arith.constant dense<0xFF800000> : vector<256xf32>
    %reduce_max3A_278 = vector.multi_reduction <maximumf>, %select_n3A_268, %reduce_max3A_277 [1] : vector<256x1024xf32> to vector<256xf32>
    %broadcast_in_dim3A_279 = vector.shape_cast %reduce_max3A_278 : vector<256xf32> to vector<256x1xf32>
    %eq3A_280 = vector.broadcast %broadcast_in_dim3A_279 : vector<256x1xf32> to vector<256x1024xf32>
    %eq3A_281 = arith.cmpf oeq, %select_n3A_268, %eq3A_280 : vector<256x1024xf32>
    %jit3A_282 = arith.constant 4.096000e+03 : f32
    %broadcast_in_dim3A_283 = vector.broadcast %jit3A_282 : f32 to vector<256x1024xf32>
    %select_n3A_284 = arith.select %eq3A_281, %select_n3A_269, %broadcast_in_dim3A_283 : vector<256x1024xi1>, vector<256x1024xf32>
    %reduce_min3A_285 = arith.constant dense<0x7F800000> : vector<256xf32>
    %reduce_min3A_286 = vector.multi_reduction <minimumf>, %select_n3A_284, %reduce_min3A_285 [1] : vector<256x1024xf32> to vector<256xf32>
    %broadcast_in_dim3A_287 = vector.shape_cast %reduce_min3A_286 : vector<256xf32> to vector<256x1xf32>
    %eq3A_288 = vector.broadcast %broadcast_in_dim3A_287 : vector<256x1xf32> to vector<256x1024xf32>
    %eq3A_289 = arith.cmpf oeq, %select_n3A_284, %eq3A_288 : vector<256x1024xf32>
    %select_n3A_290 = arith.select %eq3A_289, %select_n3A_270, %select_n3A_268 : vector<256x1024xi1>, vector<256x1024xf32>
    %select_n3A_291 = arith.select %eq3A_289, %select_n3A_271, %select_n3A_269 : vector<256x1024xi1>, vector<256x1024xf32>
    %select_n3A_292 = arith.select %eq3A_289, %select_n3A_272, %select_n3A_270 : vector<256x1024xi1>, vector<256x1024xf32>
    %select_n3A_293 = arith.select %eq3A_289, %select_n3A_273, %select_n3A_271 : vector<256x1024xi1>, vector<256x1024xf32>
    %select_n3A_294 = arith.select %eq3A_289, %select_n3A_276, %select_n3A_272 : vector<256x1024xi1>, vector<256x1024xf32>
    %select_n3A_295 = arith.select %eq3A_289, %select_n3A_51, %select_n3A_273 : vector<256x1024xi1>, vector<256x1024xf32>
    %jit3A_296 = arith.constant 0xFF800000 : f32
    %broadcast_in_dim3A_297 = vector.broadcast %jit3A_296 : f32 to vector<256x1024xf32>
    %select_n3A_298 = arith.select %eq3A_289, %broadcast_in_dim3A_297, %select_n3A_276 : vector<256x1024xi1>, vector<256x1024xf32>
    %reduce_max3A_299 = arith.constant dense<0xFF800000> : vector<256xf32>
    %reduce_max3A_300 = vector.multi_reduction <maximumf>, %select_n3A_290, %reduce_max3A_299 [1] : vector<256x1024xf32> to vector<256xf32>
    %broadcast_in_dim3A_301 = vector.shape_cast %reduce_max3A_300 : vector<256xf32> to vector<256x1xf32>
    %eq3A_302 = vector.broadcast %broadcast_in_dim3A_301 : vector<256x1xf32> to vector<256x1024xf32>
    %eq3A_303 = arith.cmpf oeq, %select_n3A_290, %eq3A_302 : vector<256x1024xf32>
    %jit3A_304 = arith.constant 4.096000e+03 : f32
    %broadcast_in_dim3A_305 = vector.broadcast %jit3A_304 : f32 to vector<256x1024xf32>
    %select_n3A_306 = arith.select %eq3A_303, %select_n3A_291, %broadcast_in_dim3A_305 : vector<256x1024xi1>, vector<256x1024xf32>
    %reduce_min3A_307 = arith.constant dense<0x7F800000> : vector<256xf32>
    %reduce_min3A_308 = vector.multi_reduction <minimumf>, %select_n3A_306, %reduce_min3A_307 [1] : vector<256x1024xf32> to vector<256xf32>
    %broadcast_in_dim3A_309 = vector.shape_cast %reduce_min3A_308 : vector<256xf32> to vector<256x1xf32>
    %eq3A_310 = vector.broadcast %broadcast_in_dim3A_309 : vector<256x1xf32> to vector<256x1024xf32>
    %eq3A_311 = arith.cmpf oeq, %select_n3A_306, %eq3A_310 : vector<256x1024xf32>
    %select_n3A_312 = arith.select %eq3A_311, %select_n3A_292, %select_n3A_290 : vector<256x1024xi1>, vector<256x1024xf32>
    %select_n3A_313 = arith.select %eq3A_311, %select_n3A_293, %select_n3A_291 : vector<256x1024xi1>, vector<256x1024xf32>
    %select_n3A_314 = arith.select %eq3A_311, %select_n3A_294, %select_n3A_292 : vector<256x1024xi1>, vector<256x1024xf32>
    %select_n3A_315 = arith.select %eq3A_311, %select_n3A_295, %select_n3A_293 : vector<256x1024xi1>, vector<256x1024xf32>
    %select_n3A_316 = arith.select %eq3A_311, %select_n3A_298, %select_n3A_294 : vector<256x1024xi1>, vector<256x1024xf32>
    %select_n3A_317 = arith.select %eq3A_311, %select_n3A_51, %select_n3A_295 : vector<256x1024xi1>, vector<256x1024xf32>
    %jit3A_318 = arith.constant 0xFF800000 : f32
    %broadcast_in_dim3A_319 = vector.broadcast %jit3A_318 : f32 to vector<256x1024xf32>
    %select_n3A_320 = arith.select %eq3A_311, %broadcast_in_dim3A_319, %select_n3A_298 : vector<256x1024xi1>, vector<256x1024xf32>
    %reduce_max3A_321 = arith.constant dense<0xFF800000> : vector<256xf32>
    %reduce_max3A_322 = vector.multi_reduction <maximumf>, %select_n3A_312, %reduce_max3A_321 [1] : vector<256x1024xf32> to vector<256xf32>
    %broadcast_in_dim3A_323 = vector.shape_cast %reduce_max3A_322 : vector<256xf32> to vector<256x1xf32>
    %eq3A_324 = vector.broadcast %broadcast_in_dim3A_323 : vector<256x1xf32> to vector<256x1024xf32>
    %eq3A_325 = arith.cmpf oeq, %select_n3A_312, %eq3A_324 : vector<256x1024xf32>
    %jit3A_326 = arith.constant 4.096000e+03 : f32
    %broadcast_in_dim3A_327 = vector.broadcast %jit3A_326 : f32 to vector<256x1024xf32>
    %select_n3A_328 = arith.select %eq3A_325, %select_n3A_313, %broadcast_in_dim3A_327 : vector<256x1024xi1>, vector<256x1024xf32>
    %reduce_min3A_329 = arith.constant dense<0x7F800000> : vector<256xf32>
    %reduce_min3A_330 = vector.multi_reduction <minimumf>, %select_n3A_328, %reduce_min3A_329 [1] : vector<256x1024xf32> to vector<256xf32>
    %broadcast_in_dim3A_331 = vector.shape_cast %reduce_min3A_330 : vector<256xf32> to vector<256x1xf32>
    %eq3A_332 = vector.broadcast %broadcast_in_dim3A_331 : vector<256x1xf32> to vector<256x1024xf32>
    %eq3A_333 = arith.cmpf oeq, %select_n3A_328, %eq3A_332 : vector<256x1024xf32>
    %select_n3A_334 = arith.select %eq3A_333, %select_n3A_314, %select_n3A_312 : vector<256x1024xi1>, vector<256x1024xf32>
    %select_n3A_335 = arith.select %eq3A_333, %select_n3A_315, %select_n3A_313 : vector<256x1024xi1>, vector<256x1024xf32>
    %select_n3A_336 = arith.select %eq3A_333, %select_n3A_316, %select_n3A_314 : vector<256x1024xi1>, vector<256x1024xf32>
    %select_n3A_337 = arith.select %eq3A_333, %select_n3A_317, %select_n3A_315 : vector<256x1024xi1>, vector<256x1024xf32>
    %select_n3A_338 = arith.select %eq3A_333, %select_n3A_320, %select_n3A_316 : vector<256x1024xi1>, vector<256x1024xf32>
    %select_n3A_339 = arith.select %eq3A_333, %select_n3A_51, %select_n3A_317 : vector<256x1024xi1>, vector<256x1024xf32>
    %reduce_max3A_340 = arith.constant dense<0xFF800000> : vector<256xf32>
    %reduce_max3A_341 = vector.multi_reduction <maximumf>, %select_n3A_334, %reduce_max3A_340 [1] : vector<256x1024xf32> to vector<256xf32>
    %broadcast_in_dim3A_342 = vector.shape_cast %reduce_max3A_341 : vector<256xf32> to vector<256x1xf32>
    %eq3A_343 = vector.broadcast %broadcast_in_dim3A_342 : vector<256x1xf32> to vector<256x1024xf32>
    %eq3A_344 = arith.cmpf oeq, %select_n3A_334, %eq3A_343 : vector<256x1024xf32>
    %jit3A_345 = arith.constant 4.096000e+03 : f32
    %broadcast_in_dim3A_346 = vector.broadcast %jit3A_345 : f32 to vector<256x1024xf32>
    %select_n3A_347 = arith.select %eq3A_344, %select_n3A_335, %broadcast_in_dim3A_346 : vector<256x1024xi1>, vector<256x1024xf32>
    %reduce_min3A_348 = arith.constant dense<0x7F800000> : vector<256xf32>
    %reduce_min3A_349 = vector.multi_reduction <minimumf>, %select_n3A_347, %reduce_min3A_348 [1] : vector<256x1024xf32> to vector<256xf32>
    %broadcast_in_dim3A_350 = vector.shape_cast %reduce_min3A_349 : vector<256xf32> to vector<256x1xf32>
    %eq3A_351 = vector.broadcast %broadcast_in_dim3A_350 : vector<256x1xf32> to vector<256x1024xf32>
    %eq3A_352 = arith.cmpf oeq, %select_n3A_347, %eq3A_351 : vector<256x1024xf32>
    %select_n3A_353 = arith.select %eq3A_352, %select_n3A_336, %select_n3A_334 : vector<256x1024xi1>, vector<256x1024xf32>
    %select_n3A_354 = arith.select %eq3A_352, %select_n3A_337, %select_n3A_335 : vector<256x1024xi1>, vector<256x1024xf32>
    %select_n3A_355 = arith.select %eq3A_352, %select_n3A_338, %select_n3A_336 : vector<256x1024xi1>, vector<256x1024xf32>
    %select_n3A_356 = arith.select %eq3A_352, %select_n3A_339, %select_n3A_337 : vector<256x1024xi1>, vector<256x1024xf32>
    %reduce_max3A_357 = arith.constant dense<0xFF800000> : vector<256xf32>
    %reduce_max3A_358 = vector.multi_reduction <maximumf>, %select_n3A_353, %reduce_max3A_357 [1] : vector<256x1024xf32> to vector<256xf32>
    %broadcast_in_dim3A_359 = vector.shape_cast %reduce_max3A_358 : vector<256xf32> to vector<256x1xf32>
    %eq3A_360 = vector.broadcast %broadcast_in_dim3A_359 : vector<256x1xf32> to vector<256x1024xf32>
    %eq3A_361 = arith.cmpf oeq, %select_n3A_353, %eq3A_360 : vector<256x1024xf32>
    %jit3A_362 = arith.constant 4.096000e+03 : f32
    %broadcast_in_dim3A_363 = vector.broadcast %jit3A_362 : f32 to vector<256x1024xf32>
    %select_n3A_364 = arith.select %eq3A_361, %select_n3A_354, %broadcast_in_dim3A_363 : vector<256x1024xi1>, vector<256x1024xf32>
    %reduce_min3A_365 = arith.constant dense<0x7F800000> : vector<256xf32>
    %reduce_min3A_366 = vector.multi_reduction <minimumf>, %select_n3A_364, %reduce_min3A_365 [1] : vector<256x1024xf32> to vector<256xf32>
    %broadcast_in_dim3A_367 = vector.shape_cast %reduce_min3A_366 : vector<256xf32> to vector<256x1xf32>
    %eq3A_368 = vector.broadcast %broadcast_in_dim3A_367 : vector<256x1xf32> to vector<256x1024xf32>
    %eq3A_369 = arith.cmpf oeq, %select_n3A_364, %eq3A_368 : vector<256x1024xf32>
    %select_n3A_370 = arith.select %eq3A_369, %select_n3A_355, %select_n3A_353 : vector<256x1024xi1>, vector<256x1024xf32>
    %select_n3A_371 = arith.select %eq3A_369, %select_n3A_356, %select_n3A_354 : vector<256x1024xi1>, vector<256x1024xf32>
    %reduce_max3A_372 = arith.constant dense<0xFF800000> : vector<256xf32>
    %reduce_max3A_373 = vector.multi_reduction <maximumf>, %select_n3A_370, %reduce_max3A_372 [1] : vector<256x1024xf32> to vector<256xf32>
    %broadcast_in_dim3A_374 = vector.shape_cast %reduce_max3A_373 : vector<256xf32> to vector<256x1xf32>
    %eq3A_375 = vector.broadcast %broadcast_in_dim3A_374 : vector<256x1xf32> to vector<256x1024xf32>
    %eq3A_376 = arith.cmpf oeq, %select_n3A_370, %eq3A_375 : vector<256x1024xf32>
    %jit3A_377 = arith.constant 4.096000e+03 : f32
    %broadcast_in_dim3A_378 = vector.broadcast %jit3A_377 : f32 to vector<256x1024xf32>
    %select_n3A_379 = arith.select %eq3A_376, %select_n3A_371, %broadcast_in_dim3A_378 : vector<256x1024xi1>, vector<256x1024xf32>
    %reduce_min3A_380 = arith.constant dense<0x7F800000> : vector<256xf32>
    %reduce_min3A_381 = vector.multi_reduction <minimumf>, %select_n3A_379, %reduce_min3A_380 [1] : vector<256x1024xf32> to vector<256xf32>
    %broadcast_in_dim3A_382 = vector.shape_cast %reduce_min3A_381 : vector<256xf32> to vector<256x1xf32>
    %concatenate3A = tpu.concatenate %broadcast_in_dim3A_67, %broadcast_in_dim3A_89, %broadcast_in_dim3A_111, %broadcast_in_dim3A_133, %broadcast_in_dim3A_155, %broadcast_in_dim3A_177, %broadcast_in_dim3A_199, %broadcast_in_dim3A_221, %broadcast_in_dim3A_243, %broadcast_in_dim3A_265, %broadcast_in_dim3A_287, %broadcast_in_dim3A_309, %broadcast_in_dim3A_331, %broadcast_in_dim3A_350, %broadcast_in_dim3A_367, %broadcast_in_dim3A_382 in 1 : vector<256x1xf32>, vector<256x1xf32>, vector<256x1xf32>, vector<256x1xf32>, vector<256x1xf32>, vector<256x1xf32>, vector<256x1xf32>, vector<256x1xf32>, vector<256x1xf32>, vector<256x1xf32>, vector<256x1xf32>, vector<256x1xf32>, vector<256x1xf32>, vector<256x1xf32>, vector<256x1xf32>, vector<256x1xf32> -> vector<256x16xf32>
    %convert_element_type3A_383 = arith.fptosi %concatenate3A : vector<256x16xf32> to vector<256x16xi32>
    %swap3A = arith.constant 0 : index
    %swap3A_384 = arith.constant 0 : index
    %swap3A_385 = vector.load %arg2[%swap3A, %swap3A_384] : memref<256x16xi32, #tpu.memory_space<vmem>>, vector<256x16xi32>
    tpu.vector_store %arg2[%swap3A, %swap3A_384], %convert_element_type3A_383 {strides = array<i32>} : memref<256x16xi32, #tpu.memory_space<vmem>>, vector<256x16xi32>,
    %get3A_386 = arith.constant 0 : index
    %get3A_387 = arith.constant 0 : index
    %get3A_388 = vector.load %arg1[%get3A_386, %get3A_387] : memref<256x4096xf32, #tpu.memory_space<vmem>>, vector<256x16xf32>
    %swap3A_389 = arith.constant 0 : index
    %swap3A_390 = arith.constant 0 : index
    %swap3A_391 = vector.load %arg3[%swap3A_389, %swap3A_390] : memref<256x16xf32, #tpu.memory_space<vmem>>, vector<256x16xf32>
    tpu.vector_store %arg3[%swap3A_389, %swap3A_390], %get3A_388 {strides = array<i32>} : memref<256x16xf32, #tpu.memory_space<vmem>>, vector<256x16xf32>,
    return
  }
  func.func @transform_0(%arg0: i32) -> (i32, i32) {
    %c0_i32 = arith.constant 0 : i32
    %c0_i32_0 = arith.constant 0 : i32
    return %arg0, %c0_i32 : i32, i32
  }
  func.func @transform_1(%arg0: i32) -> (i32, i32) {
    %c0_i32 = arith.constant 0 : i32
    %c0_i32_0 = arith.constant 0 : i32
    return %arg0, %c0_i32 : i32, i32
  }
  func.func @transform_2(%arg0: i32) -> (i32, i32) {
    %c0_i32 = arith.constant 0 : i32
    %c0_i32_0 = arith.constant 0 : i32
    return %arg0, %c0_i32 : i32, i32
  }
}

</mosaic_0001>

<sc_bundles>
// kernel: kernel.4.cloned.1.call-start
scs
__scs_entry_jumppad:
0x0: {  	(pc) =	sbr.rel $0x88, $3  }
0x1: {  	(tag) =	ssettag $0x0;
	lr =	simm.s32 $0x1  }
0x2: {  	[smem:$0x3F9E] =	sst lr;
	_ =	strace $0xD0000000  }
0x3: {  	_ = 	snop  }
0x4: {  	_ = 	snop  }
0x5: {  	_ = 	snop  }
0x6: {  	_ = 	snop  }
0x7: {  	_ = 	snop  }
__scs_overlays_trampoline_lowered:
0x8: {  	[smem:$0x3FAD] =	sst s0  }
0x9: {  	[smem:$0x3FAE] =	sst s1  }
0xa: {  	[smem:$0x3FAF] =	sst s2  }
0xb: {  	[smem:$0x3FB0] =	sst s3  }
0xc: {  	[smem:$0x3FB1] =	sst s4  }
0xd: {  	[smem:$0x3FB2] =	sst s5  }
0xe: {  	[smem:$0x3FB3] =	sst s6  }
0xf: {  	[smem:$0x3FB4] =	sst s7  }
0x10: {  	[smem:$0x3FB5] =	sst s8  }
0x11: {  	[smem:$0x3FB6] =	sst s9;
	s0 =	simm.s32 @!p0 $0x0  }
0x12: {  	s1 =	sld [smem:$0x3F9C];
	s0 =	simm.s32 @p0 $0x1  }
0x13: {  	[smem:$0x3FB7] =	sst s0;
	s0 =	simm.s32 @!p1 $0x0  }
0x14: {  	s2 =	sld [smem:$0x3F9B];
	s0 =	simm.s32 @p1 $0x1  }
0x15: {  	[smem:$0x3FB8] =	sst s0;
	s0 =	simm.s32 @!p2 $0x0  }
0x16: {  	s3 =	sld [smem:$0x3FDB];
	s0 =	simm.s32 @p2 $0x1  }
0x17: {  	s4 =	simm.s32 $0x1BF5;
	[smem:$0x3FBA] =	sst s0  }
0x18: {  	s0 =	sld [smem:$0x3F9D];
	_ =	swait.ge [sflag:s4], $0x0  }
0x19: {  	s7 =	sld [smem:$0x3F9E]  }
0x1a: {  	s8 =	sadd.s32 $0xFFFFE003, lr  }
0x1b: {  	s9 =	sadd.s32 $0xFFFFFEF7, lr;
	s5 =	simm.s32 $0xFFFFFFFF;
	p2 =	slt.u32 s8, $0xFFFFF086  }
0x1c: {  	p1 =	slt.u32 s9, $0xF7A;
	s5 =	simm.s32 @!p2 $0x0  }
0x1d: {  	s5 =	simm.s32 @p1 $0x1;
	p0 =	seq.s32 s7, s2  }
0x1e: {  	s7 =	smul.u32 @!p0 $0xF7A, s2;
	p2 =	seq.s32 @!p0 s5, $0x0  }
0x1f: {  	s9 =	smul.u32 $0xF7A, s1;
	s8 =	simm.s32 @!p0 $0x1BF5;
	p2 =	por !p2, p0  }
0x20: {  	[sflag:s8] =	ssyncset.s32 @!p0 $0xFFFFF086;
	s6 =	sadd.s32 @!p0 s3, s7;
	s7 =	simm.s32 @!p0 $0x108  }
0x21: {  	s3 =	sadd.s32 s3, s9;
	s6 =	sadd.s32 @!p0 $0x88, s6;
	s7 =	simm.s32 @p2 $0x1082  }
0x22: {  	[simem:s7], [sflag:s8] =	dma.local @!p0 [hbm:s6], $0xF7A  }
0x23: {  	s9 =	sor.u32 $0xD0000000, s2;
	s6 =	simm.s32 $0x108;
	_ =	swait.ge @!p0 [sflag:s8], $0x0  }
0x24: {  	s3 =	sadd.s32 $0x88, s3;
	s6 =	simm.s32 @!p1 $0x1082;
	[sflag:s4] =	ssyncset.s32 $0xFFFFF086  }
0x25: {  	[simem:s6], [sflag:s4] =	dma.local [hbm:s3], $0xF7A  }
0x26: {  	[smem:$0x3F9E] =	sst s1;
	(tag) =	ssettag s2;
	_ =	strace s9  }
0x27: {  	s1 =	sld [smem:$0x3FAE]  }
0x28: {  	s2 =	sld [smem:$0x3FAF]  }
0x29: {  	s4 =	sld [smem:$0x3FB1]  }
0x2a: {  	p0 =	seq.s32 s5, $0x0;
	s5 =	sld [smem:$0x3FB2]  }
0x2b: {  	s6 =	sld [smem:$0x3FB3]  }
0x2c: {  	s7 =	sld [smem:$0x3FB4]  }
0x2d: {  	s3 =	simm.s32 $0x108;
	s8 =	sld [smem:$0x3FB5]  }
0x2e: {  	s3 =	simm.s32 @!p0 $0x1082;
	s9 =	sld [smem:$0x3FB6]  }
0x2f: {  	lr =	sadd.s32 s0, s3;
	s0 =	sld [smem:$0x3FAD]  }
0x30: {  	s3 =	sld [smem:$0x3FB0]  }
0x31: {  	[smem:$0x3FB9] =	sst s10  }
0x32: {  	s10 =	sld [smem:$0x3FB7];
	_ =	sdelay $0x3  }
0x33: {  	p0 =	seq.s32 s10, $0x1;
	s10 =	sld [smem:$0x3FB9];
	_ =	sdelay $0x3  }
0x34: {  	[smem:$0x3FB9] =	sst s10  }
0x35: {  	s10 =	sld [smem:$0x3FB8];
	_ =	sdelay $0x3  }
0x36: {  	p1 =	seq.s32 s10, $0x1;
	s10 =	sld [smem:$0x3FB9];
	_ =	sdelay $0x3  }
0x37: {  	[smem:$0x3FB9] =	sst s10  }
0x38: {  	s10 =	sld [smem:$0x3FBA]  }
0x39: {  	_ = 	snop;
	(pc) =	sbr.ind lr, $3  }
0x3a: {  	_ = 	snop  }
0x3b: {  	_ = 	snop  }
0x3c: {  	p2 =	seq.s32 s10, $0x1;
	s10 =	sld [smem:$0x3FB9]  }
0x3d: {  	_ =	shalt  }
0x3e: {  	_ =	shalt  }
0x3f: {  	_ =	shalt  }
0x40: {  	_ =	shalt  }
0x41: {  	_ =	shalt  }
0x42: {  	_ =	shalt  }
0x43: {  	_ =	shalt  }
0x44: {  	_ =	shalt  }
0x45: {  	_ =	shalt  }
0x46: {  	_ =	shalt  }
0x47: {  	_ =	shalt  }
0x48: {  	_ =	shalt  }
0x49: {  	_ =	shalt  }
0x4a: {  	_ =	shalt  }
0x4b: {  	_ =	shalt  }
0x4c: {  	_ =	shalt  }
0x4d: {  	_ =	shalt  }
0x4e: {  	_ =	shalt  }
0x4f: {  	_ =	shalt  }
0x50: {  	_ =	shalt  }
0x51: {  	_ =	shalt  }
0x52: {  	_ =	shalt  }
0x53: {  	_ =	shalt  }
0x54: {  	_ =	shalt  }
0x55: {  	_ =	shalt  }
0x56: {  	_ =	shalt  }
0x57: {  	_ =	shalt  }
0x58: {  	_ =	shalt  }
0x59: {  	_ =	shalt  }
0x5a: {  	_ =	shalt  }
0x5b: {  	_ =	shalt  }
0x5c: {  	_ =	shalt  }
0x5d: {  	_ =	shalt  }
0x5e: {  	_ =	shalt  }
0x5f: {  	_ =	shalt  }
0x60: {  	_ =	shalt  }
0x61: {  	_ =	shalt  }
0x62: {  	_ =	shalt  }
0x63: {  	_ =	shalt  }
0x64: {  	_ =	shalt  }
0x65: {  	_ =	shalt  }
0x66: {  	_ =	shalt  }
0x67: {  	_ =	shalt  }
0x68: {  	_ =	shalt  }
0x69: {  	_ =	shalt  }
0x6a: {  	_ =	shalt  }
0x6b: {  	_ =	shalt  }
0x6c: {  	_ =	shalt  }
0x6d: {  	_ =	shalt  }
0x6e: {  	_ =	shalt  }
0x6f: {  	_ =	shalt  }
0x70: {  	_ =	shalt  }
0x71: {  	_ =	shalt  }
0x72: {  	_ =	shalt  }
0x73: {  	_ =	shalt  }
0x74: {  	_ =	shalt  }
0x75: {  	_ =	shalt  }
0x76: {  	_ =	shalt  }
0x77: {  	_ =	shalt  }
0x78: {  	_ =	shalt  }
0x79: {  	_ =	shalt  }
0x7a: {  	_ =	shalt  }
0x7b: {  	_ =	shalt  }
0x7c: {  	_ =	shalt  }
0x7d: {  	_ =	shalt  }
0x7e: {  	_ =	shalt  }
0x7f: {  	_ =	shalt  }
0x80: {  	_ =	shalt  }
0x81: {  	_ =	shalt  }
0x82: {  	_ =	shalt  }
0x83: {  	_ =	shalt  }
0x84: {  	_ =	shalt  }
0x85: {  	_ =	shalt  }
0x86: {  	_ =	shalt  }
0x87: {  	_ =	shalt  }
.Lfunc_end0:
.L_simem_size_0:
called_computation_lowered:
.L_overlay_start_0:
0x88: {  	s2 =	sld [smem:$0x3FD9]  }
0x89: {  	s3 =	sld [smem:$0x3FFE];
	_ =	sdelay $0x1  }
0x8a: {  	s1 =	srdreg.scid  }
0x8b: {  	s0 =	sand.u32 $0x1, s1  }
0x8c: {  	s17 =	sshll.u32 s0, $0xA;
	s2 =	sadd.s32 s3, s2  }
0x8d: {  	s2 =	sadd.s32 s2, s17  }
0x8e: {  	[smem:$0x3FC5] =	sst s2  }
0x8f: {  	_ = 	snop  }
0x90: {  	s2 =	sld [smem:$0x3FC7]  }
0x91: {  	s18 =	sld [smem:$0x3FD0];
	(tm) =	ssettm $0x1  }
0x92: {  	s4 =	sld [smem:$0x3FFB];
	_ =	sdelay $0x3  }
0x93: {  	_ =	strace s4  }
0x94: {  	s4 =	sld [smem:$0x3FFC];
	_ =	sdelay $0x3  }
0x95: {  	_ =	strace s4  }
0x96: {  	s4 =	sld [smem:$0x3FFD];
	_ =	sdelay $0x3  }
0x97: {  	_ =	strace s4  }
0x98: {  	_ =	strace $0x8FFFFFFF  }
0x99: {  	s19 =	sld [smem:$0x3FDB];
	_ =	sdelay $0x1  }
0x9a: {  	s5 =	simm.s32 $_scs_section_size  }
0x9b: {  	s6 =	simm.s32 $_size__tile_overlayer_lowered;
	s7 =	simm.s32 $_tile_overlayer_lowered  }
0x9c: {  	s22 =	simm.s32 $0x1BFF;
	s21 =	sshll.u32 s7, $0x1;
	s4 =	sadd.s32 s5, s19  }
0x9d: {  	s8 =	simm.s32 $0x0;
	s20 =	sshll.u32 s6, $0x1;
	s6 =	sadd.s32 s21, s4  }
0x9e: {  	[timem:s8], [sflag:s22] =	dma.local [hbm:s6], s20  }
0x9f: {  	_ =	swait.ge [sflag:s22], s20  }
0xa0: {  	s5 =	ssub.s32 $0x0, s20;
	[sflag:s22] =	ssyncset.done $0x0  }
0xa1: {  	[sflag:s22] =	ssyncadd.s32 s5;
	_ =	sdelay $0x1  }
0xa2: {  	s23 =	simm.s32 $0x1B8B  }
0xa3: {  	_ =	swait.ge [sflag:s23], $0x1  }
0xa4: {  	[sflag:s23] =	ssyncset.done $0x0  }
0xa5: {  	s25 =	simm.s32 $0x1B8E;
	s24 =	sld [smem:$0x3FFE];
	[sflag:s23] =	ssyncadd.s32 $0xFFFFFFFF  }
0xa6: {  	s26 =	simm.s32 $execute0_lowered;
	[smem:$0x3FD2] =	sst s25  }
0xa7: {  	s6 =	sshll.u32 s26, $0x1;
	_ =	strace $0x80000046;
	[dreg:$0x1] =	wrdreg $0xFFFFFFFF  }
0xa8: {  	s28 =	simm.s32 $_size_execute0_lowered;
	s4 =	sadd.s32 s4, s6;
	[dreg:$0x0] =	wrdreg $0x0  }
0xa9: {  	s6 =	sshll.u32 s28, $0x1;
	[dreg:$0x2] =	wrdreg s4  }
0xaa: {  	[dreg:$0x3] =	wrdreg s6  }
0xab: {  	[dreg:$0x4] =	wrdreg $0xC0  }
0xac: {  	_ =	task [dreg:s8], $0x5FFFF  }
0xad: {  	[dreg:$0x1] =	wrdreg $0xFFFFFFFF  }
0xae: {  	[dreg:$0x0] =	wrdreg $0x60  }
0xaf: {  	[dreg:$0x2] =	wrdreg s18  }
0xb0: {  	[dreg:$0x3] =	wrdreg s24  }
0xb1: {  	[dreg:$0x4] =	wrdreg s2  }
0xb2: {  	[dreg:$0x5] =	wrdreg $0x9  }
0xb3: {  	_ =	task.clear_ibuf [dreg:s8], $0x6FFFF;
	_ =	strace $0x90000046  }
0xb4: {  	s29 =	simm.s32 $0x9;
	_ =	strace $0x80000048  }
0xb5: {  	_ =	swait.ge [sflag:s29], $0x1  }
0xb6: {  	[sflag:s29] =	ssyncadd.s32 $0xFFFFFFFF  }
0xb7: {  	_ =	strace $0x90000048  }
0xb8: {  	_ =	sfence  }
0xb9: {  	s30 =	sld [smem:$0x0];
	_ =	sdelay $0x2  }
0xba: {  	s31 =	sshll.u32 s1, $0xD;
	s1 =	sshrl.u32 s1, $0x2  }
0xbb: {  	s3 =	sand.u32 $0x4000, s31;
	s1 =	sadd.s32 s1, s30  }
0xbc: {  	s0 =	sor.u32 s3, s0;
	s1 =	sshll.u32 s1, $0x11  }
0xbd: {  	s0 =	sor.u32 s1, s0  }
0xbe: {  	s0 =	sadd.s32 $0x8F2B, s0  }
0xbf: {  	[sflag:s0] =	ssyncadd.remote.s32 $0x1  }
0xc0: {  	_ =	sfence.sel $0xFFFF  }
0xc1: {  	[dreg:$0x0] =	wrdreg $0xFFFFFFFF;
	(pc) =	sbr.abs _section_cstart, $3  }
0xc2: {  	[dreg:$0x1] =	wrdreg $0xFFFFFFFF  }
0xc3: {  	_ =	task.clear_ibuf [dreg:s8], $0x2FFFF;
	_ =	strace $0x9FFFFFFF  }
0xc4: {  	(tm) =	ssettm $0x7FFFFFFF  }
0xc5: {  	_ =	shalt  }
tec
execute0_lowered:
.L_overlay_start_1:
0x0: {  	(tag) =	ssettag $0x1  }
0x1: {  	s1 =	rddreg [dreg:$0x0]  }
0x2: {  	s4 =	rddreg [dreg:$0x1]  }
0x3: {  	s2 =	srdreg.scid;
	s0 =	stileid.u32  }
0x4: {  	s7 =	rddreg [dreg:$0x2];
	s3 =	simm.s32 $0x0;
	s11 =	simm.s32 $0x10000  }
0x5: {  	s12 =	simm.s32 $0x5;
	s13 =	simm.s32 $0x10800;
	s14 =	simm.s32 $0x11000  }
0x6: {  	s15 =	simm.s32 $0x8000;
	s16 =	simm.s32 $0x1;
	s17 =	simm.s32 $0x11080  }
0x7: {  	s18 =	simm.s32 $0x2;
	s19 =	simm.s32 $0x4;
	s20 =	simm.s32 $0x11480  }
0x8: {  	s21 =	simm.s32 $0x3;
	s5 =	sand.u32 $0x1, s2;
	s2 =	rddreg [dreg:$0x3]  }
0x9: {  	s22 =	simm.s32 $0x0;
	s6 =	sshll.u32 s0, $0x1;
	[smem:$0x7FF] =	sst s3  }
0xa: {  	s8 =	sor.u32 s5, s6;
	s5 =	ssub.s32 $0x2, s5;
	_ =	strace $0x80000047  }
0xb: {  	s6 =	sshll.u32 s8, $0x8;
	s9 =	sshrl.u32 s5, $0x1;
	s31 =	sshll.u32 s8, $0x4  }
0xc: {  	s8 =	sshll.u32 s8, $0xE;
	s6 =	sadd.s32 s6, s4;
	s4 =	sadd.s32 $0x4800, s4  }
0xd: {  	s10 =	ssub.s32 s5, s9;
	s7 =	sadd.s32 s7, s31;
	s9 =	sadd.s32 $0x2000, s1  }
0xe: {  	s5 =	sadd.s32 $0x800, s6;
	s6 =	sadd.s32 $0x2800, s6;
	s10 =	smax.u32 s10, $0x1  }
.LBB2_1:
0xf: {  	[tilespmem:s11], [sflag:$0x5] =	stream.linear.gather [hbm4b:s5+s3], $0x800, $0x38;
	[tilespmem:$0x11880] =	vst v63  }
0x10: {  	_ =	swait.ge [sflag:s12], $0x800  }
0x11: {  	[sflag:s12] =	ssyncset.done $0x0  }
0x12: {  	[sflag:s12] =	ssyncadd.s32 $0xFFFFF800  }
0x13: {  	[tilespmem:s13], [sflag:$0x5] =	stream.linear.gather [hbm4b:s6+s3], $0x800, $0x38;
	[tilespmem:$0x11880] =	vst v63  }
0x14: {  	_ =	swait.ge [sflag:s12], $0x800  }
0x15: {  	[sflag:s12] =	ssyncset.done $0x0  }
0x16: {  	[sflag:s12] =	ssyncadd.s32 $0xFFFFF800  }
0x17: {  	[tilespmem:s14], [sflag:$0x5] =	stream.linear.gather [hbm4b:s7+s3], $0x80, $0x38;
	[tilespmem:$0x11880] =	vst v63  }
0x18: {  	_ =	swait.ge [sflag:s12], $0x80  }
0x19: {  	[sflag:s12] =	ssyncset.done $0x0  }
0x1a: {  	s23 =	simm.s32 $0x0;
	[sflag:s12] =	ssyncadd.s32 $0xFFFFFF80  }
0x1b: {  	[tilespmem:s3], [sflag:$0x1] =	stream.linear.gather [hbm4b:s1+s3], $0x8000, $0x38;
	[tilespmem:$0x11880] =	vst v63  }
.LBB2_2:
0x1c: {  	s24 =	sshllo.u32 s23, $0x1  }
0x1d: {  	s25 =	sshll.u32 s24, $0xC  }
0x1e: {  	s25 =	sadd.s32 s1, s25  }
0x1f: {  	[tilespmem:s15], [sflag:$0x2] =	stream.linear.gather [hbm4b:s25+s3], $0x8000, $0x38;
	[tilespmem:$0x11880] =	vst v63  }
0x20: {  	_ =	swait.ge [sflag:s16], $0x8000  }
0x21: {  	p0 =	seq.s32 s23, $0x0;
	[sflag:s16] =	ssyncset.done $0x0  }
0x22: {  	s25 =	simm.s32 @!p0 $0x3;
	[sflag:s16] =	ssyncadd.s32 $0xFFFF8000  }
0x23: {  	_ =	swait.ge @!p0 [sflag:s25], $0x400  }
0x24: {  	[sflag:s25] =	ssyncset.done @!p0 $0x0  }
0x25: {  	[sflag:s25] =	ssyncadd.s32 @!p0 $0xFFFFFC00;
	s25 =	simm.s32 $0x0  }
0x26: {  	v0 =	vld [tilespmem:s25+$0x10680]  }
0x27: {  	v3 =	vld [tilespmem:s25+$0x10400]  }
0x28: {  	v1 =	vld [tilespmem:s25+$0x10980]  }
0x29: {  	v2 =	vld [tilespmem:s25+$0x10500]  }
0x2a: {  	v18 =	vld [tilespmem:s25+$0x10200]  }
0x2b: {  	v22 =	vld [tilespmem:s25+$0x10180]  }
0x2c: {  	v27 =	vld [tilespmem:s25+$0x10100]  }
0x2d: {  	v29 =	vld [tilespmem:s25+$0x10080]  }
0x2e: {  	v31 =	vld [tilespmem:s25+$0x10000]  }
0x2f: {  	v13 =	vld [tilespmem:s25+$0x10880]  }
0x30: {  	v12 =	vld [tilespmem:s25+$0x10900]  }
0x31: {  	v20 =	vld [tilespmem:s25+$0x10380]  }
0x32: {  	v26 =	vld [tilespmem:s25+$0x10280]  }
0x33: {  	v24 =	vld [tilespmem:s25+$0x10300]  }
0x34: {  	v21 =	vld [tilespmem:s25+$0x11000]  }
0x35: {  	v19 =	vld [tilespmem:s25+$0x10480]  }
0x36: {  	v4 =	vld [tilespmem:s25+$0x10A00]  }
0x37: {  	v30 =	vld [tilespmem:s25+$0x10800]  }
0x38: {  	v6 =	vld.idx.msk [tilespmem:v31+s3+$0x0], $0xffff  }
0x39: {  	v5 =	vld [tilespmem:s25+$0x10A80]  }
0x3a: {  	v7 =	vld.idx.msk [tilespmem:v29+s3+$0x0], $0xffff  }
0x3b: {  	v23 =	vld [tilespmem:s25+$0x10580]  }
0x3c: {  	v9 =	vld.idx.msk [tilespmem:v27+s3+$0x0], $0xffff  }
0x3d: {  	v25 =	vld [tilespmem:s25+$0x10600];
	v6 =	vmul.f32 v6, v30  }
0x3e: {  	v10 =	vld.idx.msk [tilespmem:v22+s3+$0x0], $0xffff  }
0x3f: {  	v28 =	vld [tilespmem:s25+$0x10780];
	v7 =	vmul.f32 v7, v13;
	v11 =	vadd.f32 v6, v21  }
0x40: {  	v14 =	vld.idx.msk [tilespmem:v18+s3+$0x0], $0xffff  }
0x41: {  	v32 =	vld [tilespmem:s25+$0x10700];
	v9 =	vmul.f32 v9, v12;
	v7 =	vadd.f32 v7, v11  }
0x42: {  	v8 =	vld.idx.msk [tilespmem:v26+s3+$0x0], $0xffff  }
0x43: {  	v15 =	vld.idx.msk [tilespmem:v24+s3+$0x0], $0xffff;
	v16 =	vmul.f32 v10, v1;
	v7 =	vadd.f32 v9, v7  }
0x44: {  	v6 =	vld [tilespmem:s25+$0x10B00]  }
0x45: {  	v14 =	vmul.f32 v14, v4;
	v11 =	vld [tilespmem:s25+$0x10B80];
	v7 =	vadd.f32 v16, v7  }
0x46: {  	v9 =	vld.idx.msk [tilespmem:v20+s3+$0x0], $0xffff  }
0x47: {  	v17 =	vld.idx.msk [tilespmem:v3+s3+$0x0], $0xffff;
	v8 =	vmul.f32 v8, v5;
	v7 =	vadd.f32 v14, v7  }
0x48: {  	v10 =	vld [tilespmem:s25+$0x10C00]  }
0x49: {  	v33 =	vld.idx.msk [tilespmem:v19+s3+$0x0], $0xffff;
	v14 =	vmul.f32 v15, v6;
	v7 =	vadd.f32 v8, v7  }
0x4a: {  	v15 =	vld [tilespmem:s25+$0x10C80]  }
0x4b: {  	v16 =	vld [tilespmem:s25+$0x10D00];
	v8 =	vmul.f32 v9, v11;
	v7 =	vadd.f32 v14, v7  }
0x4c: {  	v9 =	vld.idx.msk [tilespmem:v2+s3+$0x0], $0xffff  }
0x4d: {  	v34 =	vld.idx.msk [tilespmem:v23+s3+$0x0], $0xffff;
	v17 =	vmul.f32 v17, v10;
	v7 =	vadd.f32 v8, v7  }
0x4e: {  	v14 =	vld [tilespmem:s25+$0x10D80]  }
0x4f: {  	v42 =	vld.idx.msk [tilespmem:v25+s3+$0x0], $0xffff;
	v8 =	vmul.f32 v33, v15;
	v7 =	vadd.f32 v17, v7  }
0x50: {  	v17 =	vld [tilespmem:s25+$0x10E00]  }
0x51: {  	v35 =	vld.idx.msk [tilespmem:v0+s3+$0x0], $0xffff;
	v9 =	vmul.f32 v9, v16;
	v8 =	vadd.f32 v8, v7  }
0x52: {  	v7 =	vld [tilespmem:s25+$0x10E80]  }
0x53: {  	v36 =	vld.idx.msk [tilespmem:v32+s3+$0x0], $0xffff;
	v34 =	vmul.f32 v34, v14;
	v9 =	vadd.f32 v9, v8  }
0x54: {  	v8 =	vld [tilespmem:s25+$0x10F00]  }
0x55: {  	v37 =	vld.idx.msk [tilespmem:v28+s3+$0x0], $0xffff;
	v33 =	vmul.f32 v42, v17;
	v34 =	vadd.f32 v34, v9  }
0x56: {  	v9 =	vld [tilespmem:s25+$0x10F80]  }
0x57: {  	v35 =	vmul.f32 v35, v7;
	v33 =	vadd.f32 v33, v34;
	_ =	sdelay $0x1  }
0x58: {  	v43 =	vmul.f32 v36, v8;
	v33 =	vadd.f32 v35, v33;
	_ =	sdelay $0x1  }
0x59: {  	v45 =	vadd.s32 $0x1000, v31;
	v44 =	vmul.f32 v37, v9;
	v33 =	vadd.f32 v43, v33;
	_ =	sdelay $0x1  }
0x5a: {  	v46 =	vadd.s32 $0x1000, v29;
	v33 =	vadd.f32 v44, v33;
	_ =	sdelay $0x1  }
0x5b: {  	v47 =	vadd.s32 $0x1000, v27;
	[tilespmem:s25+$0x11080] =	vst v33  }
0x5c: {  	v33 =	vld.idx.msk [tilespmem:v45+s3+$0x0], $0xffff  }
0x5d: {  	v48 =	vadd.s32 $0x1000, v22  }
0x5e: {  	v34 =	vld.idx.msk [tilespmem:v46+s3+$0x0], $0xffff  }
0x5f: {  	v49 =	vadd.s32 $0x1000, v18  }
0x60: {  	v35 =	vld.idx.msk [tilespmem:v47+s3+$0x0], $0xffff  }
0x61: {  	v38 =	vadd.s32 $0x1000, v26;
	v33 =	vmul.f32 v33, v30  }
0x62: {  	v36 =	vld.idx.msk [tilespmem:v48+s3+$0x0], $0xffff  }
0x63: {  	v39 =	vadd.s32 $0x1000, v24;
	v34 =	vmul.f32 v34, v13;
	v33 =	vadd.f32 v33, v21  }
0x64: {  	v37 =	vld.idx.msk [tilespmem:v49+s3+$0x0], $0xffff  }
0x65: {  	v40 =	vadd.s32 $0x1000, v20;
	v35 =	vmul.f32 v35, v12;
	v33 =	vadd.f32 v34, v33  }
0x66: {  	v50 =	vld.idx.msk [tilespmem:v38+s3+$0x0], $0xffff  }
0x67: {  	v51 =	vadd.s32 $0x1000, v3;
	v36 =	vmul.f32 v36, v1;
	v33 =	vadd.f32 v35, v33  }
0x68: {  	v52 =	vld.idx.msk [tilespmem:v39+s3+$0x0], $0xffff  }
0x69: {  	v53 =	vadd.s32 $0x1000, v19;
	v37 =	vmul.f32 v37, v4;
	v33 =	vadd.f32 v36, v33  }
0x6a: {  	v54 =	vld.idx.msk [tilespmem:v40+s3+$0x0], $0xffff  }
0x6b: {  	v55 =	vadd.s32 $0x1000, v2;
	v34 =	vmul.f32 v50, v5;
	v33 =	vadd.f32 v37, v33  }
0x6c: {  	v56 =	vld.idx.msk [tilespmem:v51+s3+$0x0], $0xffff  }
0x6d: {  	v57 =	vadd.s32 $0x1000, v23;
	v35 =	vmul.f32 v52, v6;
	v33 =	vadd.f32 v34, v33  }
0x6e: {  	v58 =	vld.idx.msk [tilespmem:v53+s3+$0x0], $0xffff  }
0x6f: {  	v59 =	vadd.s32 $0x1000, v25;
	v36 =	vmul.f32 v54, v11;
	v33 =	vadd.f32 v35, v33  }
0x70: {  	v60 =	vld.idx.msk [tilespmem:v55+s3+$0x0], $0xffff  }
0x71: {  	v61 =	vadd.s32 $0x1000, v0;
	v37 =	vmul.f32 v56, v10;
	v33 =	vadd.f32 v36, v33  }
0x72: {  	v62 =	vld.idx.msk [tilespmem:v57+s3+$0x0], $0xffff  }
0x73: {  	v63 =	vadd.s32 $0x1000, v32;
	v34 =	vmul.f32 v58, v15;
	v33 =	vadd.f32 v37, v33  }
0x74: {  	v42 =	vld.idx.msk [tilespmem:v59+s3+$0x0], $0xffff  }
0x75: {  	v43 =	vadd.s32 $0x1000, v28;
	v35 =	vmul.f32 v60, v16;
	v33 =	vadd.f32 v34, v33  }
0x76: {  	v44 =	vld.idx.msk [tilespmem:v61+s3+$0x0], $0xffff  }
0x77: {  	v36 =	vmul.f32 v62, v14;
	v33 =	vadd.f32 v35, v33  }
0x78: {  	v45 =	vld.idx.msk [tilespmem:v63+s3+$0x0], $0xffff  }
0x79: {  	v37 =	vmul.f32 v42, v17;
	v33 =	vadd.f32 v36, v33  }
0x7a: {  	v46 =	vld.idx.msk [tilespmem:v43+s3+$0x0], $0xffff  }
0x7b: {  	v34 =	vmul.f32 v44, v7;
	v33 =	vadd.f32 v37, v33;
	_ =	sdelay $0x1  }
0x7c: {  	v35 =	vmul.f32 v45, v8;
	v33 =	vadd.f32 v34, v33;
	_ =	sdelay $0x1  }
0x7d: {  	v48 =	vadd.s32 $0x2000, v31;
	v47 =	vmul.f32 v46, v9;
	v33 =	vadd.f32 v35, v33;
	_ =	sdelay $0x1  }
0x7e: {  	v49 =	vadd.s32 $0x2000, v29;
	v33 =	vadd.f32 v47, v33;
	_ =	sdelay $0x1  }
0x7f: {  	v50 =	vadd.s32 $0x2000, v27;
	[tilespmem:s25+$0x11100] =	vst v33  }
0x80: {  	v33 =	vld.idx.msk [tilespmem:v48+s3+$0x0], $0xffff  }
0x81: {  	v51 =	vadd.s32 $0x2000, v22  }
0x82: {  	v35 =	vld.idx.msk [tilespmem:v49+s3+$0x0], $0xffff  }
0x83: {  	v52 =	vadd.s32 $0x2000, v18  }
0x84: {  	v34 =	vld.idx.msk [tilespmem:v50+s3+$0x0], $0xffff  }
0x85: {  	v53 =	vadd.s32 $0x2000, v26;
	v33 =	vmul.f32 v33, v30  }
0x86: {  	v36 =	vld.idx.msk [tilespmem:v51+s3+$0x0], $0xffff  }
0x87: {  	v54 =	vadd.s32 $0x2000, v24;
	v35 =	vmul.f32 v35, v13;
	v33 =	vadd.f32 v33, v21  }
0x88: {  	v37 =	vld.idx.msk [tilespmem:v52+s3+$0x0], $0xffff  }
0x89: {  	v55 =	vadd.s32 $0x2000, v20;
	v34 =	vmul.f32 v34, v12;
	v33 =	vadd.f32 v35, v33  }
0x8a: {  	v56 =	vld.idx.msk [tilespmem:v53+s3+$0x0], $0xffff  }
0x8b: {  	v57 =	vadd.s32 $0x2000, v3;
	v36 =	vmul.f32 v36, v1;
	v33 =	vadd.f32 v34, v33  }
0x8c: {  	v58 =	vld.idx.msk [tilespmem:v54+s3+$0x0], $0xffff  }
0x8d: {  	v59 =	vadd.s32 $0x2000, v19;
	v37 =	vmul.f32 v37, v4;
	v33 =	vadd.f32 v36, v33  }
0x8e: {  	v60 =	vld.idx.msk [tilespmem:v55+s3+$0x0], $0xffff  }
0x8f: {  	v61 =	vadd.s32 $0x2000, v2;
	v35 =	vmul.f32 v56, v5;
	v33 =	vadd.f32 v37, v33  }
0x90: {  	v62 =	vld.idx.msk [tilespmem:v57+s3+$0x0], $0xffff  }
0x91: {  	v63 =	vadd.s32 $0x2000, v23;
	v34 =	vmul.f32 v58, v6;
	v33 =	vadd.f32 v35, v33  }
0x92: {  	v44 =	vld.idx.msk [tilespmem:v59+s3+$0x0], $0xffff  }
0x93: {  	v45 =	vadd.s32 $0x2000, v25;
	v36 =	vmul.f32 v60, v11;
	v33 =	vadd.f32 v34, v33  }
0x94: {  	v46 =	vld.idx.msk [tilespmem:v61+s3+$0x0], $0xffff  }
0x95: {  	v47 =	vadd.s32 $0x2000, v0;
	v37 =	vmul.f32 v62, v10;
	v33 =	vadd.f32 v36, v33  }
0x96: {  	v48 =	vld.idx.msk [tilespmem:v63+s3+$0x0], $0xffff  }
0x97: {  	v49 =	vadd.s32 $0x2000, v32;
	v35 =	vmul.f32 v44, v15;
	v33 =	vadd.f32 v37, v33  }
0x98: {  	v50 =	vld.idx.msk [tilespmem:v45+s3+$0x0], $0xffff  }
0x99: {  	v51 =	vadd.s32 $0x2000, v28;
	v34 =	vmul.f32 v46, v16;
	v33 =	vadd.f32 v35, v33  }
0x9a: {  	v52 =	vld.idx.msk [tilespmem:v47+s3+$0x0], $0xffff  }
0x9b: {  	v36 =	vmul.f32 v48, v14;
	v33 =	vadd.f32 v34, v33  }
0x9c: {  	v53 =	vld.idx.msk [tilespmem:v49+s3+$0x0], $0xffff  }
0x9d: {  	v37 =	vmul.f32 v50, v17;
	v33 =	vadd.f32 v36, v33  }
0x9e: {  	v54 =	vld.idx.msk [tilespmem:v51+s3+$0x0], $0xffff  }
0x9f: {  	v35 =	vmul.f32 v52, v7;
	v33 =	vadd.f32 v37, v33;
	_ =	sdelay $0x1  }
0xa0: {  	v34 =	vmul.f32 v53, v8;
	v33 =	vadd.f32 v35, v33;
	_ =	sdelay $0x1  }
0xa1: {  	v56 =	vadd.s32 $0x3000, v31;
	v55 =	vmul.f32 v54, v9;
	v33 =	vadd.f32 v34, v33;
	_ =	sdelay $0x1  }
0xa2: {  	v57 =	vadd.s32 $0x3000, v29;
	v33 =	vadd.f32 v55, v33;
	_ =	sdelay $0x1  }
0xa3: {  	v58 =	vadd.s32 $0x3000, v27;
	[tilespmem:s25+$0x11180] =	vst v33  }
0xa4: {  	v33 =	vld.idx.msk [tilespmem:v56+s3+$0x0], $0xffff  }
0xa5: {  	v59 =	vadd.s32 $0x3000, v22  }
0xa6: {  	v34 =	vld.idx.msk [tilespmem:v57+s3+$0x0], $0xffff  }
0xa7: {  	v60 =	vadd.s32 $0x3000, v18  }
0xa8: {  	v35 =	vld.idx.msk [tilespmem:v58+s3+$0x0], $0xffff  }
0xa9: {  	v61 =	vadd.s32 $0x3000, v26;
	v33 =	vmul.f32 v33, v30  }
0xaa: {  	v36 =	vld.idx.msk [tilespmem:v59+s3+$0x0], $0xffff  }
0xab: {  	v62 =	vadd.s32 $0x3000, v24;
	v34 =	vmul.f32 v34, v13;
	v33 =	vadd.f32 v33, v21  }
0xac: {  	v37 =	vld.idx.msk [tilespmem:v60+s3+$0x0], $0xffff  }
0xad: {  	v63 =	vadd.s32 $0x3000, v20;
	v35 =	vmul.f32 v35, v12;
	v33 =	vadd.f32 v34, v33  }
0xae: {  	v44 =	vld.idx.msk [tilespmem:v61+s3+$0x0], $0xffff  }
0xaf: {  	v45 =	vadd.s32 $0x3000, v3;
	v36 =	vmul.f32 v36, v1;
	v33 =	vadd.f32 v35, v33  }
0xb0: {  	v46 =	vld.idx.msk [tilespmem:v62+s3+$0x0], $0xffff  }
0xb1: {  	v47 =	vadd.s32 $0x3000, v19;
	v37 =	vmul.f32 v37, v4;
	v33 =	vadd.f32 v36, v33  }
0xb2: {  	v48 =	vld.idx.msk [tilespmem:v63+s3+$0x0], $0xffff  }
0xb3: {  	v49 =	vadd.s32 $0x3000, v2;
	v34 =	vmul.f32 v44, v5;
	v33 =	vadd.f32 v37, v33  }
0xb4: {  	v50 =	vld.idx.msk [tilespmem:v45+s3+$0x0], $0xffff  }
0xb5: {  	v51 =	vadd.s32 $0x3000, v23;
	v35 =	vmul.f32 v46, v6;
	v33 =	vadd.f32 v34, v33  }
0xb6: {  	v52 =	vld.idx.msk [tilespmem:v47+s3+$0x0], $0xffff  }
0xb7: {  	v53 =	vadd.s32 $0x3000, v25;
	v36 =	vmul.f32 v48, v11;
	v33 =	vadd.f32 v35, v33  }
0xb8: {  	v54 =	vld.idx.msk [tilespmem:v49+s3+$0x0], $0xffff  }
0xb9: {  	v55 =	vadd.s32 $0x3000, v0;
	v37 =	vmul.f32 v50, v10;
	v33 =	vadd.f32 v36, v33  }
0xba: {  	v56 =	vld.idx.msk [tilespmem:v51+s3+$0x0], $0xffff  }
0xbb: {  	v57 =	vadd.s32 $0x3000, v32;
	v34 =	vmul.f32 v52, v15;
	v33 =	vadd.f32 v37, v33  }
0xbc: {  	v58 =	vld.idx.msk [tilespmem:v53+s3+$0x0], $0xffff  }
0xbd: {  	v59 =	vadd.s32 $0x3000, v28;
	v35 =	vmul.f32 v54, v16;
	v33 =	vadd.f32 v34, v33  }
0xbe: {  	v60 =	vld.idx.msk [tilespmem:v55+s3+$0x0], $0xffff  }
0xbf: {  	v36 =	vmul.f32 v56, v14;
	v33 =	vadd.f32 v35, v33  }
0xc0: {  	v61 =	vld.idx.msk [tilespmem:v57+s3+$0x0], $0xffff  }
0xc1: {  	v37 =	vmul.f32 v58, v17;
	v33 =	vadd.f32 v36, v33  }
0xc2: {  	v62 =	vld.idx.msk [tilespmem:v59+s3+$0x0], $0xffff  }
0xc3: {  	v34 =	vmul.f32 v60, v7;
	v33 =	vadd.f32 v37, v33;
	_ =	sdelay $0x1  }
0xc4: {  	v35 =	vmul.f32 v61, v8;
	v33 =	vadd.f32 v34, v33;
	_ =	sdelay $0x1  }
0xc5: {  	v40 =	vadd.s32 $0x4000, v31;
	v63 =	vmul.f32 v62, v9;
	v33 =	vadd.f32 v35, v33;
	_ =	sdelay $0x1  }
0xc6: {  	v41 =	vadd.s32 $0x4000, v29;
	v33 =	vadd.f32 v63, v33;
	_ =	sdelay $0x1  }
0xc7: {  	v42 =	vadd.s32 $0x4000, v27;
	[tilespmem:s25+$0x11200] =	vst v33  }
0xc8: {  	v33 =	vld.idx.msk [tilespmem:v40+s3+$0x0], $0xffff  }
0xc9: {  	v43 =	vadd.s32 $0x4000, v22  }
0xca: {  	v35 =	vld.idx.msk [tilespmem:v41+s3+$0x0], $0xffff  }
0xcb: {  	v44 =	vadd.s32 $0x4000, v18  }
0xcc: {  	v34 =	vld.idx.msk [tilespmem:v42+s3+$0x0], $0xffff  }
0xcd: {  	v45 =	vadd.s32 $0x4000, v26;
	v33 =	vmul.f32 v33, v30  }
0xce: {  	v36 =	vld.idx.msk [tilespmem:v43+s3+$0x0], $0xffff  }
0xcf: {  	v46 =	vadd.s32 $0x4000, v24;
	v35 =	vmul.f32 v35, v13;
	v33 =	vadd.f32 v33, v21  }
0xd0: {  	v37 =	vld.idx.msk [tilespmem:v44+s3+$0x0], $0xffff  }
0xd1: {  	v47 =	vadd.s32 $0x4000, v20;
	v34 =	vmul.f32 v34, v12;
	v33 =	vadd.f32 v35, v33  }
0xd2: {  	v48 =	vld.idx.msk [tilespmem:v45+s3+$0x0], $0xffff  }
0xd3: {  	v49 =	vadd.s32 $0x4000, v3;
	v36 =	vmul.f32 v36, v1;
	v33 =	vadd.f32 v34, v33  }
0xd4: {  	v50 =	vld.idx.msk [tilespmem:v46+s3+$0x0], $0xffff  }
0xd5: {  	v51 =	vadd.s32 $0x4000, v19;
	v37 =	vmul.f32 v37, v4;
	v33 =	vadd.f32 v36, v33  }
0xd6: {  	v52 =	vld.idx.msk [tilespmem:v47+s3+$0x0], $0xffff  }
0xd7: {  	v53 =	vadd.s32 $0x4000, v2;
	v35 =	vmul.f32 v48, v5;
	v33 =	vadd.f32 v37, v33  }
0xd8: {  	v54 =	vld.idx.msk [tilespmem:v49+s3+$0x0], $0xffff  }
0xd9: {  	v55 =	vadd.s32 $0x4000, v23;
	v34 =	vmul.f32 v50, v6;
	v33 =	vadd.f32 v35, v33  }
0xda: {  	v56 =	vld.idx.msk [tilespmem:v51+s3+$0x0], $0xffff  }
0xdb: {  	v57 =	vadd.s32 $0x4000, v25;
	v36 =	vmul.f32 v52, v11;
	v33 =	vadd.f32 v34, v33  }
0xdc: {  	v58 =	vld.idx.msk [tilespmem:v53+s3+$0x0], $0xffff  }
0xdd: {  	v59 =	vadd.s32 $0x4000, v0;
	v37 =	vmul.f32 v54, v10;
	v33 =	vadd.f32 v36, v33  }
0xde: {  	v60 =	vld.idx.msk [tilespmem:v55+s3+$0x0], $0xffff  }
0xdf: {  	v61 =	vadd.s32 $0x4000, v32;
	v35 =	vmul.f32 v56, v15;
	v33 =	vadd.f32 v37, v33  }
0xe0: {  	v62 =	vld.idx.msk [tilespmem:v57+s3+$0x0], $0xffff  }
0xe1: {  	v63 =	vadd.s32 $0x4000, v28;
	v34 =	vmul.f32 v58, v16;
	v33 =	vadd.f32 v35, v33  }
0xe2: {  	v41 =	vld.idx.msk [tilespmem:v59+s3+$0x0], $0xffff  }
0xe3: {  	v36 =	vmul.f32 v60, v14;
	v33 =	vadd.f32 v34, v33  }
0xe4: {  	v42 =	vld.idx.msk [tilespmem:v61+s3+$0x0], $0xffff  }
0xe5: {  	v37 =	vmul.f32 v62, v17;
	v33 =	vadd.f32 v36, v33  }
0xe6: {  	v43 =	vld.idx.msk [tilespmem:v63+s3+$0x0], $0xffff  }
0xe7: {  	v35 =	vmul.f32 v41, v7;
	v33 =	vadd.f32 v37, v33;
	_ =	sdelay $0x1  }
0xe8: {  	v34 =	vmul.f32 v42, v8;
	v33 =	vadd.f32 v35, v33;
	_ =	sdelay $0x1  }
0xe9: {  	v45 =	vadd.s32 $0x5000, v31;
	v44 =	vmul.f32 v43, v9;
	v33 =	vadd.f32 v34, v33;
	_ =	sdelay $0x1  }
0xea: {  	v46 =	vadd.s32 $0x5000, v29;
	v33 =	vadd.f32 v44, v33;
	_ =	sdelay $0x1  }
0xeb: {  	v47 =	vadd.s32 $0x5000, v27;
	[tilespmem:s25+$0x11280] =	vst v33  }
0xec: {  	v33 =	vld.idx.msk [tilespmem:v45+s3+$0x0], $0xffff  }
0xed: {  	v48 =	vadd.s32 $0x5000, v22  }
0xee: {  	v34 =	vld.idx.msk [tilespmem:v46+s3+$0x0], $0xffff  }
0xef: {  	v49 =	vadd.s32 $0x5000, v18  }
0xf0: {  	v35 =	vld.idx.msk [tilespmem:v47+s3+$0x0], $0xffff  }
0xf1: {  	v50 =	vadd.s32 $0x5000, v26;
	v33 =	vmul.f32 v33, v30  }
0xf2: {  	v36 =	vld.idx.msk [tilespmem:v48+s3+$0x0], $0xffff  }
0xf3: {  	v51 =	vadd.s32 $0x5000, v24;
	v34 =	vmul.f32 v34, v13;
	v33 =	vadd.f32 v33, v21  }
0xf4: {  	v37 =	vld.idx.msk [tilespmem:v49+s3+$0x0], $0xffff  }
0xf5: {  	v52 =	vadd.s32 $0x5000, v20;
	v35 =	vmul.f32 v35, v12;
	v33 =	vadd.f32 v34, v33  }
0xf6: {  	v53 =	vld.idx.msk [tilespmem:v50+s3+$0x0], $0xffff  }
0xf7: {  	v54 =	vadd.s32 $0x5000, v3;
	v36 =	vmul.f32 v36, v1;
	v33 =	vadd.f32 v35, v33  }
0xf8: {  	v55 =	vld.idx.msk [tilespmem:v51+s3+$0x0], $0xffff  }
0xf9: {  	v56 =	vadd.s32 $0x5000, v19;
	v37 =	vmul.f32 v37, v4;
	v33 =	vadd.f32 v36, v33  }
0xfa: {  	v57 =	vld.idx.msk [tilespmem:v52+s3+$0x0], $0xffff  }
0xfb: {  	v58 =	vadd.s32 $0x5000, v2;
	v34 =	vmul.f32 v53, v5;
	v33 =	vadd.f32 v37, v33  }
0xfc: {  	v59 =	vld.idx.msk [tilespmem:v54+s3+$0x0], $0xffff  }
0xfd: {  	v60 =	vadd.s32 $0x5000, v23;
	v35 =	vmul.f32 v55, v6;
	v33 =	vadd.f32 v34, v33  }
0xfe: {  	v61 =	vld.idx.msk [tilespmem:v56+s3+$0x0], $0xffff  }
0xff: {  	v62 =	vadd.s32 $0x5000, v25;
	v36 =	vmul.f32 v57, v11;
	v33 =	vadd.f32 v35, v33  }
0x100: {  	v63 =	vld.idx.msk [tilespmem:v58+s3+$0x0], $0xffff  }
0x101: {  	v44 =	vadd.s32 $0x5000, v0;
	v37 =	vmul.f32 v59, v10;
	v33 =	vadd.f32 v36, v33  }
0x102: {  	v45 =	vld.idx.msk [tilespmem:v60+s3+$0x0], $0xffff  }
0x103: {  	v46 =	vadd.s32 $0x5000, v32;
	v34 =	vmul.f32 v61, v15;
	v33 =	vadd.f32 v37, v33  }
0x104: {  	v47 =	vld.idx.msk [tilespmem:v62+s3+$0x0], $0xffff  }
0x105: {  	v48 =	vadd.s32 $0x5000, v28;
	v35 =	vmul.f32 v63, v16;
	v33 =	vadd.f32 v34, v33  }
0x106: {  	v49 =	vld.idx.msk [tilespmem:v44+s3+$0x0], $0xffff  }
0x107: {  	v36 =	vmul.f32 v45, v14;
	v33 =	vadd.f32 v35, v33  }
0x108: {  	v50 =	vld.idx.msk [tilespmem:v46+s3+$0x0], $0xffff  }
0x109: {  	v37 =	vmul.f32 v47, v17;
	v33 =	vadd.f32 v36, v33  }
0x10a: {  	v51 =	vld.idx.msk [tilespmem:v48+s3+$0x0], $0xffff  }
0x10b: {  	v34 =	vmul.f32 v49, v7;
	v33 =	vadd.f32 v37, v33;
	_ =	sdelay $0x1  }
0x10c: {  	v35 =	vmul.f32 v50, v8;
	v33 =	vadd.f32 v34, v33;
	_ =	sdelay $0x1  }
0x10d: {  	v53 =	vadd.s32 $0x6000, v31;
	v52 =	vmul.f32 v51, v9;
	v33 =	vadd.f32 v35, v33;
	_ =	sdelay $0x1  }
0x10e: {  	v54 =	vadd.s32 $0x6000, v29;
	v33 =	vadd.f32 v52, v33;
	_ =	sdelay $0x1  }
0x10f: {  	v55 =	vadd.s32 $0x6000, v27;
	[tilespmem:s25+$0x11300] =	vst v33  }
0x110: {  	v33 =	vld.idx.msk [tilespmem:v53+s3+$0x0], $0xffff  }
0x111: {  	v56 =	vadd.s32 $0x6000, v22  }
0x112: {  	v35 =	vld.idx.msk [tilespmem:v54+s3+$0x0], $0xffff  }
0x113: {  	v57 =	vadd.s32 $0x6000, v18  }
0x114: {  	v34 =	vld.idx.msk [tilespmem:v55+s3+$0x0], $0xffff  }
0x115: {  	v58 =	vadd.s32 $0x6000, v26;
	v33 =	vmul.f32 v33, v30  }
0x116: {  	v36 =	vld.idx.msk [tilespmem:v56+s3+$0x0], $0xffff  }
0x117: {  	v59 =	vadd.s32 $0x6000, v24;
	v35 =	vmul.f32 v35, v13;
	v33 =	vadd.f32 v33, v21  }
0x118: {  	v37 =	vld.idx.msk [tilespmem:v57+s3+$0x0], $0xffff  }
0x119: {  	v60 =	vadd.s32 $0x6000, v20;
	v34 =	vmul.f32 v34, v12;
	v33 =	vadd.f32 v35, v33  }
0x11a: {  	v61 =	vld.idx.msk [tilespmem:v58+s3+$0x0], $0xffff  }
0x11b: {  	v62 =	vadd.s32 $0x6000, v3;
	v36 =	vmul.f32 v36, v1;
	v33 =	vadd.f32 v34, v33  }
0x11c: {  	v63 =	vld.idx.msk [tilespmem:v59+s3+$0x0], $0xffff  }
0x11d: {  	v44 =	vadd.s32 $0x6000, v19;
	v37 =	vmul.f32 v37, v4;
	v33 =	vadd.f32 v36, v33  }
0x11e: {  	v45 =	vld.idx.msk [tilespmem:v60+s3+$0x0], $0xffff  }
0x11f: {  	v46 =	vadd.s32 $0x6000, v2;
	v35 =	vmul.f32 v61, v5;
	v33 =	vadd.f32 v37, v33  }
0x120: {  	v47 =	vld.idx.msk [tilespmem:v62+s3+$0x0], $0xffff  }
0x121: {  	v48 =	vadd.s32 $0x6000, v23;
	v34 =	vmul.f32 v63, v6;
	v33 =	vadd.f32 v35, v33  }
0x122: {  	v49 =	vld.idx.msk [tilespmem:v44+s3+$0x0], $0xffff  }
0x123: {  	v50 =	vadd.s32 $0x6000, v25;
	v36 =	vmul.f32 v45, v11;
	v33 =	vadd.f32 v34, v33  }
0x124: {  	v51 =	vld.idx.msk [tilespmem:v46+s3+$0x0], $0xffff  }
0x125: {  	v52 =	vadd.s32 $0x6000, v0;
	v37 =	vmul.f32 v47, v10;
	v33 =	vadd.f32 v36, v33  }
0x126: {  	v53 =	vld.idx.msk [tilespmem:v48+s3+$0x0], $0xffff  }
0x127: {  	v54 =	vadd.s32 $0x6000, v32;
	v35 =	vmul.f32 v49, v15;
	v33 =	vadd.f32 v37, v33  }
0x128: {  	v55 =	vld.idx.msk [tilespmem:v50+s3+$0x0], $0xffff  }
0x129: {  	v56 =	vadd.s32 $0x6000, v28;
	v34 =	vmul.f32 v51, v16;
	v33 =	vadd.f32 v35, v33  }
0x12a: {  	v57 =	vld.idx.msk [tilespmem:v52+s3+$0x0], $0xffff  }
0x12b: {  	v36 =	vmul.f32 v53, v14;
	v33 =	vadd.f32 v34, v33  }
0x12c: {  	v58 =	vld.idx.msk [tilespmem:v54+s3+$0x0], $0xffff  }
0x12d: {  	v37 =	vmul.f32 v55, v17;
	v33 =	vadd.f32 v36, v33  }
0x12e: {  	v59 =	vld.idx.msk [tilespmem:v56+s3+$0x0], $0xffff  }
0x12f: {  	v35 =	vmul.f32 v57, v7;
	v33 =	vadd.f32 v37, v33;
	_ =	sdelay $0x1  }
0x130: {  	v34 =	vmul.f32 v58, v8;
	v33 =	vadd.f32 v35, v33;
	_ =	sdelay $0x1  }
0x131: {  	v31 =	vadd.s32 $0x7000, v31;
	v60 =	vmul.f32 v59, v9;
	v33 =	vadd.f32 v34, v33;
	_ =	sdelay $0x1  }
0x132: {  	v29 =	vadd.s32 $0x7000, v29;
	v33 =	vadd.f32 v60, v33;
	_ =	sdelay $0x1  }
0x133: {  	v27 =	vadd.s32 $0x7000, v27;
	[tilespmem:s25+$0x11380] =	vst v33  }
0x134: {  	v31 =	vld.idx.msk [tilespmem:v31+s3+$0x0], $0xffff  }
0x135: {  	v22 =	vadd.s32 $0x7000, v22  }
0x136: {  	v29 =	vld.idx.msk [tilespmem:v29+s3+$0x0], $0xffff  }
0x137: {  	v18 =	vadd.s32 $0x7000, v18  }
0x138: {  	v27 =	vld.idx.msk [tilespmem:v27+s3+$0x0], $0xffff  }
0x139: {  	v26 =	vadd.s32 $0x7000, v26;
	v30 =	vmul.f32 v31, v30  }
0x13a: {  	v22 =	vld.idx.msk [tilespmem:v22+s3+$0x0], $0xffff  }
0x13b: {  	v24 =	vadd.s32 $0x7000, v24;
	v13 =	vmul.f32 v29, v13;
	v21 =	vadd.f32 v30, v21  }
0x13c: {  	v3 =	vadd.s32 $0x7000, v3;
	v18 =	vld.idx.msk [tilespmem:v18+s3+$0x0], $0xffff  }
0x13d: {  	v20 =	vadd.s32 $0x7000, v20;
	v12 =	vmul.f32 v27, v12;
	v13 =	vadd.f32 v13, v21  }
0x13e: {  	v19 =	vadd.s32 $0x7000, v19;
	v61 =	vld.idx.msk [tilespmem:v26+s3+$0x0], $0xffff  }
0x13f: {  	v2 =	vadd.s32 $0x7000, v2;
	v1 =	vmul.f32 v22, v1;
	v12 =	vadd.f32 v12, v13  }
0x140: {  	v23 =	vadd.s32 $0x7000, v23;
	v24 =	vld.idx.msk [tilespmem:v24+s3+$0x0], $0xffff  }
0x141: {  	v3 =	vld.idx.msk [tilespmem:v3+s3+$0x0], $0xffff;
	v4 =	vmul.f32 v18, v4;
	v18 =	vadd.s32 $0x7000, v32;
	v1 =	vadd.f32 v1, v12  }
0x142: {  	v0 =	vadd.s32 $0x7000, v0;
	v13 =	vld.idx.msk [tilespmem:v20+s3+$0x0], $0xffff  }
0x143: {  	v19 =	vld.idx.msk [tilespmem:v19+s3+$0x0], $0xffff;
	v5 =	vmul.f32 v61, v5;
	v20 =	vadd.s32 $0x7000, v25;
	v1 =	vadd.f32 v4, v1  }
0x144: {  	v62 =	vld.idx.msk [tilespmem:v2+s3+$0x0], $0xffff;
	v2 =	vadd.s32 $0x7000, v28  }
0x145: {  	v63 =	vld.idx.msk [tilespmem:v23+s3+$0x0], $0xffff;
	v4 =	vmul.f32 v24, v6;
	v1 =	vadd.f32 v5, v1  }
0x146: {  	v18 =	vld.idx.msk [tilespmem:v18+s3+$0x0], $0xffff  }
0x147: {  	v12 =	vld.idx.msk [tilespmem:v0+s3+$0x0], $0xffff;
	v0 =	vmul.f32 v13, v11;
	v1 =	vadd.f32 v4, v1  }
0x148: {  	v20 =	vld.idx.msk [tilespmem:v20+s3+$0x0], $0xffff  }
0x149: {  	s29 =	simm.s32 $0x10;
	v13 =	vld.idx.msk [tilespmem:v2+s3+$0x0], $0xffff;
	v2 =	vmul.f32 v3, v10;
	v1 =	vadd.f32 v0, v1  }
0x14a: {  	v3 =	vld [tilespmem:s29+$0x10400]  }
0x14b: {  	v4 =	vmul.f32 v19, v15;
	v0 =	vld [tilespmem:s29+$0x10680];
	v5 =	vadd.f32 v2, v1  }
0x14c: {  	v1 =	vld [tilespmem:s29+$0x10980]  }
0x14d: {  	v6 =	vmul.f32 v62, v16;
	v2 =	vld [tilespmem:s29+$0x10500];
	v11 =	vadd.f32 v4, v5  }
0x14e: {  	v4 =	vld [tilespmem:s29+$0x10200]  }
0x14f: {  	v10 =	vmul.f32 v63, v14;
	v5 =	vld [tilespmem:s29+$0x10180];
	v14 =	vadd.f32 v6, v11  }
0x150: {  	s26 =	simm.s32 $0x80;
	v6 =	vld [tilespmem:s29+$0x10100];
	v11 =	vmul.f32 v20, v17  }
.LBB2_3:
0x151: {  	p1 =	sne.s32 s26, $0x1C0;
	v17 =	vld [tilespmem:s29+$0x10080];
	v10 =	vadd.f32 v10, v14;
	s28 =	smov.u32 s26;
	s26 =	sadd.s32 $0x40, s26  }
0x152: {  	v7 =	vmul.f32 v12, v7;
	v28 =	vld [tilespmem:s29+$0x10000]  }
0x153: {  	v12 =	vld [tilespmem:s29+$0x10880];
	v10 =	vadd.f32 v11, v10  }
0x154: {  	v8 =	vmul.f32 v18, v8;
	v11 =	vld [tilespmem:s29+$0x10900]  }
0x155: {  	v15 =	vld [tilespmem:s29+$0x10380];
	v7 =	vadd.f32 v7, v10  }
0x156: {  	v9 =	vmul.f32 v13, v9;
	v25 =	vld [tilespmem:s29+$0x10280]  }
0x157: {  	v26 =	vld [tilespmem:s29+$0x10300];
	v7 =	vadd.f32 v8, v7  }
0x158: {  	v13 =	vld [tilespmem:s29+$0x11000]  }
0x159: {  	v18 =	vld [tilespmem:s29+$0x10480];
	v7 =	vadd.f32 v9, v7  }
0x15a: {  	v10 =	vld [tilespmem:s29+$0x10A00]  }
0x15b: {  	v19 =	vld [tilespmem:s29+$0x10800];
	[tilespmem:s25+$0x11400] =	vst v7;
	s25 =	smov.u32 s29  }
0x15c: {  	v7 =	vld.idx.msk [tilespmem:v28+s3+$0x0], $0xffff  }
0x15d: {  	v8 =	vld.idx.msk [tilespmem:v17+s3+$0x0], $0xffff  }
0x15e: {  	v9 =	vld.idx.msk [tilespmem:v25+s3+$0x0], $0xffff  }
0x15f: {  	v20 =	vld.idx.msk [tilespmem:v6+s3+$0x0], $0xffff  }
0x160: {  	v14 =	vld [tilespmem:s25+$0x10A80]  }
0x161: {  	v21 =	vld.idx.msk [tilespmem:v5+s3+$0x0], $0xffff  }
0x162: {  	v7 =	vmul.f32 v7, v19;
	v29 =	vld [tilespmem:s25+$0x10580]  }
0x163: {  	v8 =	vmul.f32 v8, v12;
	v22 =	vld.idx.msk [tilespmem:v4+s3+$0x0], $0xffff  }
0x164: {  	v7 =	vadd.f32 v7, v13;
	v16 =	vld [tilespmem:s25+$0x10B00]  }
0x165: {  	v20 =	vmul.f32 v20, v11;
	v30 =	vld [tilespmem:s25+$0x10600]  }
0x166: {  	v7 =	vadd.f32 v8, v7;
	v8 =	vld.idx.msk [tilespmem:v26+s3+$0x0], $0xffff  }
0x167: {  	v21 =	vmul.f32 v21, v1;
	v24 =	vld [tilespmem:s25+$0x10B80]  }
0x168: {  	v7 =	vadd.f32 v20, v7;
	v23 =	vld.idx.msk [tilespmem:v15+s3+$0x0], $0xffff  }
0x169: {  	v20 =	vmul.f32 v22, v10;
	v27 =	vld [tilespmem:s25+$0x10C00]  }
0x16a: {  	v7 =	vadd.f32 v21, v7;
	v31 =	vld [tilespmem:s25+$0x10780]  }
0x16b: {  	v9 =	vmul.f32 v9, v14;
	v22 =	vld.idx.msk [tilespmem:v3+s3+$0x0], $0xffff  }
0x16c: {  	v7 =	vadd.f32 v20, v7;
	v32 =	vld [tilespmem:s25+$0x10700]  }
0x16d: {  	v8 =	vmul.f32 v8, v16;
	v33 =	vld.idx.msk [tilespmem:v18+s3+$0x0], $0xffff  }
0x16e: {  	v7 =	vadd.f32 v9, v7;
	v20 =	vld [tilespmem:s25+$0x10C80]  }
0x16f: {  	v9 =	vmul.f32 v23, v24;
	v34 =	vld.idx.msk [tilespmem:v2+s3+$0x0], $0xffff  }
0x170: {  	v7 =	vadd.f32 v8, v7;
	v21 =	vld [tilespmem:s25+$0x10D00]  }
0x171: {  	v8 =	vmul.f32 v22, v27;
	v35 =	vld.idx.msk [tilespmem:v29+s3+$0x0], $0xffff  }
0x172: {  	v7 =	vadd.f32 v9, v7;
	v22 =	vld [tilespmem:s25+$0x10D80]  }
0x173: {  	v9 =	vmul.f32 v33, v20;
	v33 =	vld.idx.msk [tilespmem:v30+s3+$0x0], $0xffff  }
0x174: {  	v8 =	vadd.f32 v8, v7;
	v23 =	vld [tilespmem:s25+$0x10E00]  }
0x175: {  	v34 =	vmul.f32 v34, v21;
	v36 =	vld.idx.msk [tilespmem:v0+s3+$0x0], $0xffff  }
0x176: {  	v9 =	vadd.f32 v9, v8;
	v7 =	vld [tilespmem:s25+$0x10E80]  }
0x177: {  	v35 =	vmul.f32 v35, v22;
	v37 =	vld.idx.msk [tilespmem:v32+s3+$0x0], $0xffff  }
0x178: {  	v34 =	vadd.f32 v34, v9;
	v8 =	vld [tilespmem:s25+$0x10F00]  }
0x179: {  	v33 =	vmul.f32 v33, v23;
	v38 =	vld.idx.msk [tilespmem:v31+s3+$0x0], $0xffff  }
0x17a: {  	v34 =	vadd.f32 v35, v34;
	v9 =	vld [tilespmem:s25+$0x10F80]  }
0x17b: {  	v35 =	vmul.f32 v36, v7  }
0x17c: {  	v33 =	vadd.f32 v33, v34  }
0x17d: {  	v34 =	vmul.f32 v37, v8  }
0x17e: {  	v33 =	vadd.f32 v35, v33  }
0x17f: {  	v36 =	vadd.s32 $0x1000, v28;
	v35 =	vmul.f32 v38, v9  }
0x180: {  	v33 =	vadd.f32 v34, v33  }
0x181: {  	v34 =	vadd.s32 $0x1000, v17  }
0x182: {  	v33 =	vadd.f32 v35, v33  }
0x183: {  	v35 =	vadd.s32 $0x1000, v6  }
0x184: {  	[tilespmem:s25+$0x11080] =	vst v33  }
0x185: {  	v33 =	vld.idx.msk [tilespmem:v36+s3+$0x0], $0xffff;
	v36 =	vadd.s32 $0x1000, v5  }
0x186: {  	v34 =	vld.idx.msk [tilespmem:v34+s3+$0x0], $0xffff  }
0x187: {  	v37 =	vadd.s32 $0x1000, v4  }
0x188: {  	v35 =	vld.idx.msk [tilespmem:v35+s3+$0x0], $0xffff  }
0x189: {  	v38 =	vadd.s32 $0x1000, v25  }
0x18a: {  	v36 =	vld.idx.msk [tilespmem:v36+s3+$0x0], $0xffff  }
0x18b: {  	v39 =	vadd.s32 $0x1000, v26;
	v33 =	vmul.f32 v33, v19  }
0x18c: {  	v34 =	vmul.f32 v34, v12;
	v37 =	vld.idx.msk [tilespmem:v37+s3+$0x0], $0xffff  }
0x18d: {  	v40 =	vadd.s32 $0x1000, v15;
	v33 =	vadd.f32 v33, v13  }
0x18e: {  	v35 =	vmul.f32 v35, v11;
	v38 =	vld.idx.msk [tilespmem:v38+s3+$0x0], $0xffff  }
0x18f: {  	v33 =	vadd.f32 v34, v33;
	v34 =	vadd.s32 $0x1000, v3  }
0x190: {  	v36 =	vmul.f32 v36, v1;
	v39 =	vld.idx.msk [tilespmem:v39+s3+$0x0], $0xffff  }
0x191: {  	v33 =	vadd.f32 v35, v33;
	v35 =	vadd.s32 $0x1000, v18  }
0x192: {  	v37 =	vmul.f32 v37, v10;
	v40 =	vld.idx.msk [tilespmem:v40+s3+$0x0], $0xffff  }
0x193: {  	v33 =	vadd.f32 v36, v33;
	v36 =	vadd.s32 $0x1000, v2  }
0x194: {  	v38 =	vmul.f32 v38, v14;
	v34 =	vld.idx.msk [tilespmem:v34+s3+$0x0], $0xffff  }
0x195: {  	v33 =	vadd.f32 v37, v33;
	v37 =	vadd.s32 $0x1000, v29  }
0x196: {  	v39 =	vmul.f32 v39, v16;
	v35 =	vld.idx.msk [tilespmem:v35+s3+$0x0], $0xffff  }
0x197: {  	v33 =	vadd.f32 v38, v33;
	v38 =	vadd.s32 $0x1000, v30  }
0x198: {  	v40 =	vmul.f32 v40, v24;
	v36 =	vld.idx.msk [tilespmem:v36+s3+$0x0], $0xffff  }
0x199: {  	v33 =	vadd.f32 v39, v33;
	v39 =	vadd.s32 $0x1000, v0  }
0x19a: {  	v34 =	vmul.f32 v34, v27;
	v37 =	vld.idx.msk [tilespmem:v37+s3+$0x0], $0xffff  }
0x19b: {  	v33 =	vadd.f32 v40, v33;
	v40 =	vadd.s32 $0x1000, v32  }
0x19c: {  	v35 =	vmul.f32 v35, v20;
	v38 =	vld.idx.msk [tilespmem:v38+s3+$0x0], $0xffff  }
0x19d: {  	v33 =	vadd.f32 v34, v33;
	v34 =	vadd.s32 $0x1000, v31  }
0x19e: {  	v36 =	vmul.f32 v36, v21;
	v39 =	vld.idx.msk [tilespmem:v39+s3+$0x0], $0xffff  }
0x19f: {  	v33 =	vadd.f32 v35, v33  }
0x1a0: {  	v35 =	vmul.f32 v37, v22;
	v37 =	vld.idx.msk [tilespmem:v40+s3+$0x0], $0xffff  }
0x1a1: {  	v33 =	vadd.f32 v36, v33  }
0x1a2: {  	v36 =	vmul.f32 v38, v23;
	v34 =	vld.idx.msk [tilespmem:v34+s3+$0x0], $0xffff  }
0x1a3: {  	v33 =	vadd.f32 v35, v33  }
0x1a4: {  	v35 =	vmul.f32 v39, v7  }
0x1a5: {  	v33 =	vadd.f32 v36, v33  }
0x1a6: {  	v36 =	vmul.f32 v37, v8  }
0x1a7: {  	v33 =	vadd.f32 v35, v33  }
0x1a8: {  	v35 =	vadd.s32 $0x2000, v28;
	v34 =	vmul.f32 v34, v9  }
0x1a9: {  	v33 =	vadd.f32 v36, v33  }
0x1aa: {  	v36 =	vadd.s32 $0x2000, v17  }
0x1ab: {  	v33 =	vadd.f32 v34, v33  }
0x1ac: {  	v34 =	vadd.s32 $0x2000, v6  }
0x1ad: {  	[tilespmem:s25+$0x11100] =	vst v33  }
0x1ae: {  	v33 =	vld.idx.msk [tilespmem:v35+s3+$0x0], $0xffff;
	v35 =	vadd.s32 $0x2000, v5  }
0x1af: {  	v36 =	vld.idx.msk [tilespmem:v36+s3+$0x0], $0xffff  }
0x1b0: {  	v37 =	vadd.s32 $0x2000, v4  }
0x1b1: {  	v34 =	vld.idx.msk [tilespmem:v34+s3+$0x0], $0xffff  }
0x1b2: {  	v38 =	vadd.s32 $0x2000, v25  }
0x1b3: {  	v35 =	vld.idx.msk [tilespmem:v35+s3+$0x0], $0xffff  }
0x1b4: {  	v39 =	vadd.s32 $0x2000, v26;
	v33 =	vmul.f32 v33, v19  }
0x1b5: {  	v36 =	vmul.f32 v36, v12;
	v37 =	vld.idx.msk [tilespmem:v37+s3+$0x0], $0xffff  }
0x1b6: {  	v40 =	vadd.s32 $0x2000, v15;
	v33 =	vadd.f32 v33, v13  }
0x1b7: {  	v34 =	vmul.f32 v34, v11;
	v38 =	vld.idx.msk [tilespmem:v38+s3+$0x0], $0xffff  }
0x1b8: {  	v33 =	vadd.f32 v36, v33;
	v36 =	vadd.s32 $0x2000, v3  }
0x1b9: {  	v35 =	vmul.f32 v35, v1;
	v39 =	vld.idx.msk [tilespmem:v39+s3+$0x0], $0xffff  }
0x1ba: {  	v33 =	vadd.f32 v34, v33;
	v34 =	vadd.s32 $0x2000, v18  }
0x1bb: {  	v37 =	vmul.f32 v37, v10;
	v40 =	vld.idx.msk [tilespmem:v40+s3+$0x0], $0xffff  }
0x1bc: {  	v33 =	vadd.f32 v35, v33;
	v35 =	vadd.s32 $0x2000, v2  }
0x1bd: {  	v38 =	vmul.f32 v38, v14;
	v36 =	vld.idx.msk [tilespmem:v36+s3+$0x0], $0xffff  }
0x1be: {  	v33 =	vadd.f32 v37, v33;
	v37 =	vadd.s32 $0x2000, v29  }
0x1bf: {  	v39 =	vmul.f32 v39, v16;
	v34 =	vld.idx.msk [tilespmem:v34+s3+$0x0], $0xffff  }
0x1c0: {  	v33 =	vadd.f32 v38, v33;
	v38 =	vadd.s32 $0x2000, v30  }
0x1c1: {  	v40 =	vmul.f32 v40, v24;
	v35 =	vld.idx.msk [tilespmem:v35+s3+$0x0], $0xffff  }
0x1c2: {  	v33 =	vadd.f32 v39, v33;
	v39 =	vadd.s32 $0x2000, v0  }
0x1c3: {  	v36 =	vmul.f32 v36, v27;
	v37 =	vld.idx.msk [tilespmem:v37+s3+$0x0], $0xffff  }
0x1c4: {  	v33 =	vadd.f32 v40, v33;
	v40 =	vadd.s32 $0x2000, v32  }
0x1c5: {  	v34 =	vmul.f32 v34, v20;
	v38 =	vld.idx.msk [tilespmem:v38+s3+$0x0], $0xffff  }
0x1c6: {  	v33 =	vadd.f32 v36, v33;
	v36 =	vadd.s32 $0x2000, v31  }
0x1c7: {  	v35 =	vmul.f32 v35, v21;
	v39 =	vld.idx.msk [tilespmem:v39+s3+$0x0], $0xffff  }
0x1c8: {  	v33 =	vadd.f32 v34, v33  }
0x1c9: {  	v34 =	vmul.f32 v37, v22;
	v37 =	vld.idx.msk [tilespmem:v40+s3+$0x0], $0xffff  }
0x1ca: {  	v33 =	vadd.f32 v35, v33  }
0x1cb: {  	v35 =	vmul.f32 v38, v23;
	v36 =	vld.idx.msk [tilespmem:v36+s3+$0x0], $0xffff  }
0x1cc: {  	v33 =	vadd.f32 v34, v33  }
0x1cd: {  	v34 =	vmul.f32 v39, v7  }
0x1ce: {  	v33 =	vadd.f32 v35, v33  }
0x1cf: {  	v35 =	vmul.f32 v37, v8  }
0x1d0: {  	v33 =	vadd.f32 v34, v33  }
0x1d1: {  	v34 =	vmul.f32 v36, v9;
	v36 =	vadd.s32 $0x3000, v28  }
0x1d2: {  	v33 =	vadd.f32 v35, v33  }
0x1d3: {  	v35 =	vadd.s32 $0x3000, v17  }
0x1d4: {  	v33 =	vadd.f32 v34, v33  }
0x1d5: {  	v34 =	vadd.s32 $0x3000, v6  }
0x1d6: {  	[tilespmem:s25+$0x11180] =	vst v33  }
0x1d7: {  	v33 =	vld.idx.msk [tilespmem:v36+s3+$0x0], $0xffff;
	v36 =	vadd.s32 $0x3000, v5  }
0x1d8: {  	v35 =	vld.idx.msk [tilespmem:v35+s3+$0x0], $0xffff  }
0x1d9: {  	v37 =	vadd.s32 $0x3000, v4  }
0x1da: {  	v34 =	vld.idx.msk [tilespmem:v34+s3+$0x0], $0xffff  }
0x1db: {  	v38 =	vadd.s32 $0x3000, v25  }
0x1dc: {  	v36 =	vld.idx.msk [tilespmem:v36+s3+$0x0], $0xffff  }
0x1dd: {  	v39 =	vadd.s32 $0x3000, v26;
	v33 =	vmul.f32 v33, v19  }
0x1de: {  	v35 =	vmul.f32 v35, v12;
	v37 =	vld.idx.msk [tilespmem:v37+s3+$0x0], $0xffff  }
0x1df: {  	v40 =	vadd.s32 $0x3000, v15;
	v33 =	vadd.f32 v33, v13  }
0x1e0: {  	v34 =	vmul.f32 v34, v11;
	v38 =	vld.idx.msk [tilespmem:v38+s3+$0x0], $0xffff  }
0x1e1: {  	v33 =	vadd.f32 v35, v33;
	v35 =	vadd.s32 $0x3000, v3  }
0x1e2: {  	v36 =	vmul.f32 v36, v1;
	v39 =	vld.idx.msk [tilespmem:v39+s3+$0x0], $0xffff  }
0x1e3: {  	v33 =	vadd.f32 v34, v33;
	v34 =	vadd.s32 $0x3000, v18  }
0x1e4: {  	v37 =	vmul.f32 v37, v10;
	v40 =	vld.idx.msk [tilespmem:v40+s3+$0x0], $0xffff  }
0x1e5: {  	v33 =	vadd.f32 v36, v33;
	v36 =	vadd.s32 $0x3000, v2  }
0x1e6: {  	v38 =	vmul.f32 v38, v14;
	v35 =	vld.idx.msk [tilespmem:v35+s3+$0x0], $0xffff  }
0x1e7: {  	v33 =	vadd.f32 v37, v33;
	v37 =	vadd.s32 $0x3000, v29  }
0x1e8: {  	v39 =	vmul.f32 v39, v16;
	v34 =	vld.idx.msk [tilespmem:v34+s3+$0x0], $0xffff  }
0x1e9: {  	v33 =	vadd.f32 v38, v33;
	v38 =	vadd.s32 $0x3000, v30  }
0x1ea: {  	v40 =	vmul.f32 v40, v24;
	v36 =	vld.idx.msk [tilespmem:v36+s3+$0x0], $0xffff  }
0x1eb: {  	v33 =	vadd.f32 v39, v33;
	v39 =	vadd.s32 $0x3000, v0  }
0x1ec: {  	v35 =	vmul.f32 v35, v27;
	v37 =	vld.idx.msk [tilespmem:v37+s3+$0x0], $0xffff  }
0x1ed: {  	v33 =	vadd.f32 v40, v33;
	v40 =	vadd.s32 $0x3000, v32  }
0x1ee: {  	v34 =	vmul.f32 v34, v20;
	v38 =	vld.idx.msk [tilespmem:v38+s3+$0x0], $0xffff  }
0x1ef: {  	v33 =	vadd.f32 v35, v33;
	v35 =	vadd.s32 $0x3000, v31  }
0x1f0: {  	v36 =	vmul.f32 v36, v21;
	v39 =	vld.idx.msk [tilespmem:v39+s3+$0x0], $0xffff  }
0x1f1: {  	v33 =	vadd.f32 v34, v33  }
0x1f2: {  	v34 =	vmul.f32 v37, v22;
	v37 =	vld.idx.msk [tilespmem:v40+s3+$0x0], $0xffff  }
0x1f3: {  	v33 =	vadd.f32 v36, v33  }
0x1f4: {  	v36 =	vmul.f32 v38, v23;
	v35 =	vld.idx.msk [tilespmem:v35+s3+$0x0], $0xffff  }
0x1f5: {  	v33 =	vadd.f32 v34, v33  }
0x1f6: {  	v34 =	vmul.f32 v39, v7  }
0x1f7: {  	v33 =	vadd.f32 v36, v33  }
0x1f8: {  	v36 =	vmul.f32 v37, v8  }
0x1f9: {  	v33 =	vadd.f32 v34, v33  }
0x1fa: {  	v34 =	vmul.f32 v35, v9;
	v35 =	vadd.s32 $0x4000, v28  }
0x1fb: {  	v33 =	vadd.f32 v36, v33  }
0x1fc: {  	v36 =	vadd.s32 $0x4000, v17  }
0x1fd: {  	v33 =	vadd.f32 v34, v33  }
0x1fe: {  	v34 =	vadd.s32 $0x4000, v6  }
0x1ff: {  	[tilespmem:s25+$0x11200] =	vst v33  }
0x200: {  	v33 =	vld.idx.msk [tilespmem:v35+s3+$0x0], $0xffff;
	v35 =	vadd.s32 $0x4000, v5  }
0x201: {  	v36 =	vld.idx.msk [tilespmem:v36+s3+$0x0], $0xffff  }
0x202: {  	v37 =	vadd.s32 $0x4000, v4  }
0x203: {  	v34 =	vld.idx.msk [tilespmem:v34+s3+$0x0], $0xffff  }
0x204: {  	v38 =	vadd.s32 $0x4000, v25  }
0x205: {  	v35 =	vld.idx.msk [tilespmem:v35+s3+$0x0], $0xffff  }
0x206: {  	v39 =	vadd.s32 $0x4000, v26;
	v33 =	vmul.f32 v33, v19  }
0x207: {  	v36 =	vmul.f32 v36, v12;
	v37 =	vld.idx.msk [tilespmem:v37+s3+$0x0], $0xffff  }
0x208: {  	v40 =	vadd.s32 $0x4000, v15;
	v33 =	vadd.f32 v33, v13  }
0x209: {  	v34 =	vmul.f32 v34, v11;
	v38 =	vld.idx.msk [tilespmem:v38+s3+$0x0], $0xffff  }
0x20a: {  	v33 =	vadd.f32 v36, v33;
	v36 =	vadd.s32 $0x4000, v3  }
0x20b: {  	v35 =	vmul.f32 v35, v1;
	v39 =	vld.idx.msk [tilespmem:v39+s3+$0x0], $0xffff  }
0x20c: {  	v33 =	vadd.f32 v34, v33;
	v34 =	vadd.s32 $0x4000, v18  }
0x20d: {  	v37 =	vmul.f32 v37, v10;
	v40 =	vld.idx.msk [tilespmem:v40+s3+$0x0], $0xffff  }
0x20e: {  	v33 =	vadd.f32 v35, v33;
	v35 =	vadd.s32 $0x4000, v2  }
0x20f: {  	v38 =	vmul.f32 v38, v14;
	v36 =	vld.idx.msk [tilespmem:v36+s3+$0x0], $0xffff  }
0x210: {  	v33 =	vadd.f32 v37, v33;
	v37 =	vadd.s32 $0x4000, v29  }
0x211: {  	v39 =	vmul.f32 v39, v16;
	v34 =	vld.idx.msk [tilespmem:v34+s3+$0x0], $0xffff  }
0x212: {  	v33 =	vadd.f32 v38, v33;
	v38 =	vadd.s32 $0x4000, v30  }
0x213: {  	v40 =	vmul.f32 v40, v24;
	v35 =	vld.idx.msk [tilespmem:v35+s3+$0x0], $0xffff  }
0x214: {  	v33 =	vadd.f32 v39, v33;
	v39 =	vadd.s32 $0x4000, v0  }
0x215: {  	v36 =	vmul.f32 v36, v27;
	v37 =	vld.idx.msk [tilespmem:v37+s3+$0x0], $0xffff  }
0x216: {  	v33 =	vadd.f32 v40, v33;
	v40 =	vadd.s32 $0x4000, v32  }
0x217: {  	v34 =	vmul.f32 v34, v20;
	v38 =	vld.idx.msk [tilespmem:v38+s3+$0x0], $0xffff  }
0x218: {  	v33 =	vadd.f32 v36, v33;
	v36 =	vadd.s32 $0x4000, v31  }
0x219: {  	v35 =	vmul.f32 v35, v21;
	v39 =	vld.idx.msk [tilespmem:v39+s3+$0x0], $0xffff  }
0x21a: {  	v33 =	vadd.f32 v34, v33  }
0x21b: {  	v34 =	vmul.f32 v37, v22;
	v37 =	vld.idx.msk [tilespmem:v40+s3+$0x0], $0xffff  }
0x21c: {  	v33 =	vadd.f32 v35, v33  }
0x21d: {  	v35 =	vmul.f32 v38, v23;
	v36 =	vld.idx.msk [tilespmem:v36+s3+$0x0], $0xffff  }
0x21e: {  	v33 =	vadd.f32 v34, v33  }
0x21f: {  	v34 =	vmul.f32 v39, v7  }
0x220: {  	v33 =	vadd.f32 v35, v33  }
0x221: {  	v35 =	vmul.f32 v37, v8  }
0x222: {  	v33 =	vadd.f32 v34, v33  }
0x223: {  	v34 =	vmul.f32 v36, v9;
	v36 =	vadd.s32 $0x5000, v28  }
0x224: {  	v33 =	vadd.f32 v35, v33  }
0x225: {  	v35 =	vadd.s32 $0x5000, v17  }
0x226: {  	v33 =	vadd.f32 v34, v33;
	v34 =	vadd.s32 $0x5000, v6  }
0x227: {  	v37 =	vadd.s32 $0x5000, v5  }
0x228: {  	[tilespmem:s25+$0x11280] =	vst v33;
	v33 =	vadd.s32 $0x5000, v4  }
0x229: {  	v38 =	vadd.s32 $0x5000, v25;
	v36 =	vld.idx.msk [tilespmem:v36+s3+$0x0], $0xffff  }
0x22a: {  	v39 =	vadd.s32 $0x5000, v26;
	v35 =	vld.idx.msk [tilespmem:v35+s3+$0x0], $0xffff  }
0x22b: {  	v40 =	vadd.s32 $0x5000, v15;
	v34 =	vld.idx.msk [tilespmem:v34+s3+$0x0], $0xffff  }
0x22c: {  	v41 =	vadd.s32 $0x5000, v3;
	v37 =	vld.idx.msk [tilespmem:v37+s3+$0x0], $0xffff  }
0x22d: {  	v42 =	vadd.s32 $0x5000, v18;
	v33 =	vld.idx.msk [tilespmem:v33+s3+$0x0], $0xffff  }
0x22e: {  	v43 =	vadd.s32 $0x5000, v2;
	v38 =	vld.idx.msk [tilespmem:v38+s3+$0x0], $0xffff  }
0x22f: {  	v44 =	vadd.s32 $0x5000, v29;
	v36 =	vmul.f32 v36, v19;
	v39 =	vld.idx.msk [tilespmem:v39+s3+$0x0], $0xffff  }
0x230: {  	v45 =	vadd.s32 $0x5000, v30;
	v35 =	vmul.f32 v35, v12;
	v40 =	vld.idx.msk [tilespmem:v40+s3+$0x0], $0xffff  }
0x231: {  	v46 =	vadd.s32 $0x5000, v0;
	v36 =	vadd.f32 v36, v13;
	v34 =	vmul.f32 v34, v11;
	v41 =	vld.idx.msk [tilespmem:v41+s3+$0x0], $0xffff  }
0x232: {  	v47 =	vadd.s32 $0x5000, v32;
	v37 =	vmul.f32 v37, v1;
	v42 =	vld.idx.msk [tilespmem:v42+s3+$0x0], $0xffff  }
0x233: {  	v35 =	vadd.f32 v35, v36;
	v36 =	vld.idx.msk [tilespmem:v43+s3+$0x0], $0xffff;
	v43 =	vadd.s32 $0x5000, v31  }
0x234: {  	v38 =	vmul.f32 v38, v14;
	v44 =	vld.idx.msk [tilespmem:v44+s3+$0x0], $0xffff  }
0x235: {  	v34 =	vadd.f32 v34, v35;
	v35 =	vmul.f32 v39, v16;
	v39 =	vld.idx.msk [tilespmem:v45+s3+$0x0], $0xffff  }
0x236: {  	v33 =	vmul.f32 v33, v10;
	v40 =	vmul.f32 v40, v24;
	v45 =	vld.idx.msk [tilespmem:v46+s3+$0x0], $0xffff  }
0x237: {  	v34 =	vadd.f32 v37, v34;
	v37 =	vmul.f32 v41, v27;
	v41 =	vld.idx.msk [tilespmem:v47+s3+$0x0], $0xffff  }
0x238: {  	v43 =	vld.idx.msk [tilespmem:v43+s3+$0x0], $0xffff  }
0x239: {  	v33 =	vadd.f32 v33, v34;
	_ =	sdelay $0x1  }
0x23a: {  	v33 =	vadd.f32 v38, v33;
	_ =	sdelay $0x1  }
0x23b: {  	v33 =	vadd.f32 v35, v33;
	_ =	sdelay $0x1  }
0x23c: {  	v33 =	vadd.f32 v40, v33  }
0x23d: {  	v34 =	vmul.f32 v42, v20  }
0x23e: {  	v33 =	vadd.f32 v37, v33  }
0x23f: {  	v35 =	vmul.f32 v36, v21  }
0x240: {  	v33 =	vadd.f32 v34, v33  }
0x241: {  	v34 =	vmul.f32 v44, v22  }
0x242: {  	v33 =	vadd.f32 v35, v33  }
0x243: {  	v35 =	vmul.f32 v39, v23  }
0x244: {  	v33 =	vadd.f32 v34, v33  }
0x245: {  	v34 =	vmul.f32 v45, v7  }
0x246: {  	v33 =	vadd.f32 v35, v33  }
0x247: {  	v35 =	vmul.f32 v41, v8  }
0x248: {  	v33 =	vadd.f32 v34, v33  }
0x249: {  	v36 =	vadd.s32 $0x6000, v28;
	v34 =	vmul.f32 v43, v9  }
0x24a: {  	v33 =	vadd.f32 v35, v33  }
0x24b: {  	v35 =	vadd.s32 $0x6000, v17  }
0x24c: {  	v33 =	vadd.f32 v34, v33;
	v34 =	vadd.s32 $0x6000, v6  }
0x24d: {  	v37 =	vadd.s32 $0x6000, v5  }
0x24e: {  	[tilespmem:s25+$0x11300] =	vst v33;
	v33 =	vadd.s32 $0x6000, v4  }
0x24f: {  	v38 =	vadd.s32 $0x6000, v25;
	v36 =	vld.idx.msk [tilespmem:v36+s3+$0x0], $0xffff  }
0x250: {  	v39 =	vadd.s32 $0x6000, v26;
	v35 =	vld.idx.msk [tilespmem:v35+s3+$0x0], $0xffff  }
0x251: {  	v40 =	vadd.s32 $0x6000, v15;
	v34 =	vld.idx.msk [tilespmem:v34+s3+$0x0], $0xffff  }
0x252: {  	v41 =	vadd.s32 $0x6000, v3;
	v37 =	vld.idx.msk [tilespmem:v37+s3+$0x0], $0xffff  }
0x253: {  	v42 =	vadd.s32 $0x6000, v18;
	v33 =	vld.idx.msk [tilespmem:v33+s3+$0x0], $0xffff  }
0x254: {  	v43 =	vadd.s32 $0x6000, v2;
	v38 =	vld.idx.msk [tilespmem:v38+s3+$0x0], $0xffff  }
0x255: {  	v44 =	vadd.s32 $0x6000, v29;
	v36 =	vmul.f32 v36, v19;
	v39 =	vld.idx.msk [tilespmem:v39+s3+$0x0], $0xffff  }
0x256: {  	v45 =	vadd.s32 $0x6000, v30;
	v35 =	vmul.f32 v35, v12;
	v40 =	vld.idx.msk [tilespmem:v40+s3+$0x0], $0xffff  }
0x257: {  	v46 =	vadd.s32 $0x6000, v0;
	v36 =	vadd.f32 v36, v13;
	v34 =	vmul.f32 v34, v11;
	v41 =	vld.idx.msk [tilespmem:v41+s3+$0x0], $0xffff  }
0x258: {  	v47 =	vadd.s32 $0x6000, v32;
	v37 =	vmul.f32 v37, v1;
	v42 =	vld.idx.msk [tilespmem:v42+s3+$0x0], $0xffff  }
0x259: {  	v35 =	vadd.f32 v35, v36;
	v36 =	vld.idx.msk [tilespmem:v43+s3+$0x0], $0xffff;
	v43 =	vadd.s32 $0x6000, v31  }
0x25a: {  	v38 =	vmul.f32 v38, v14;
	v44 =	vld.idx.msk [tilespmem:v44+s3+$0x0], $0xffff  }
0x25b: {  	v34 =	vadd.f32 v34, v35;
	v35 =	vmul.f32 v39, v16;
	v39 =	vld.idx.msk [tilespmem:v45+s3+$0x0], $0xffff  }
0x25c: {  	v33 =	vmul.f32 v33, v10;
	v40 =	vmul.f32 v40, v24;
	v45 =	vld.idx.msk [tilespmem:v46+s3+$0x0], $0xffff  }
0x25d: {  	v34 =	vadd.f32 v37, v34;
	v37 =	vmul.f32 v41, v27;
	v41 =	vld.idx.msk [tilespmem:v47+s3+$0x0], $0xffff  }
0x25e: {  	v43 =	vld.idx.msk [tilespmem:v43+s3+$0x0], $0xffff  }
0x25f: {  	v33 =	vadd.f32 v33, v34;
	_ =	sdelay $0x1  }
0x260: {  	v33 =	vadd.f32 v38, v33;
	_ =	sdelay $0x1  }
0x261: {  	v33 =	vadd.f32 v35, v33;
	_ =	sdelay $0x1  }
0x262: {  	v33 =	vadd.f32 v40, v33  }
0x263: {  	v34 =	vmul.f32 v42, v20  }
0x264: {  	v33 =	vadd.f32 v37, v33  }
0x265: {  	v35 =	vmul.f32 v36, v21  }
0x266: {  	v33 =	vadd.f32 v34, v33  }
0x267: {  	v34 =	vmul.f32 v44, v22  }
0x268: {  	v33 =	vadd.f32 v35, v33  }
0x269: {  	v35 =	vmul.f32 v39, v23  }
0x26a: {  	v33 =	vadd.f32 v34, v33  }
0x26b: {  	v34 =	vmul.f32 v45, v7  }
0x26c: {  	v33 =	vadd.f32 v35, v33  }
0x26d: {  	v35 =	vmul.f32 v41, v8  }
0x26e: {  	v33 =	vadd.f32 v34, v33  }
0x26f: {  	v28 =	vadd.s32 $0x7000, v28;
	v34 =	vmul.f32 v43, v9  }
0x270: {  	v33 =	vadd.f32 v35, v33  }
0x271: {  	v17 =	vadd.s32 $0x7000, v17  }
0x272: {  	v6 =	vadd.s32 $0x7000, v6;
	v33 =	vadd.f32 v34, v33  }
0x273: {  	v5 =	vadd.s32 $0x7000, v5  }
0x274: {  	v4 =	vadd.s32 $0x7000, v4;
	[tilespmem:s25+$0x11380] =	vst v33  }
0x275: {  	v25 =	vadd.s32 $0x7000, v25;
	v28 =	vld.idx.msk [tilespmem:v28+s3+$0x0], $0xffff  }
0x276: {  	v26 =	vadd.s32 $0x7000, v26;
	v17 =	vld.idx.msk [tilespmem:v17+s3+$0x0], $0xffff  }
0x277: {  	v15 =	vadd.s32 $0x7000, v15;
	v6 =	vld.idx.msk [tilespmem:v6+s3+$0x0], $0xffff  }
0x278: {  	v3 =	vadd.s32 $0x7000, v3;
	v5 =	vld.idx.msk [tilespmem:v5+s3+$0x0], $0xffff  }
0x279: {  	v18 =	vadd.s32 $0x7000, v18;
	v4 =	vld.idx.msk [tilespmem:v4+s3+$0x0], $0xffff  }
0x27a: {  	v2 =	vadd.s32 $0x7000, v2;
	v25 =	vld.idx.msk [tilespmem:v25+s3+$0x0], $0xffff  }
0x27b: {  	v19 =	vmul.f32 v28, v19;
	v28 =	vadd.s32 $0x7000, v29;
	v26 =	vld.idx.msk [tilespmem:v26+s3+$0x0], $0xffff  }
0x27c: {  	v12 =	vmul.f32 v17, v12;
	v17 =	vadd.s32 $0x7000, v30;
	v15 =	vld.idx.msk [tilespmem:v15+s3+$0x0], $0xffff  }
0x27d: {  	v0 =	vadd.s32 $0x7000, v0;
	v13 =	vadd.f32 v19, v13;
	v6 =	vmul.f32 v6, v11;
	v3 =	vld.idx.msk [tilespmem:v3+s3+$0x0], $0xffff  }
0x27e: {  	v11 =	vadd.s32 $0x7000, v32;
	v1 =	vmul.f32 v5, v1;
	v5 =	vld.idx.msk [tilespmem:v18+s3+$0x0], $0xffff  }
0x27f: {  	v12 =	vadd.f32 v12, v13;
	v13 =	vadd.s32 $0x7000, v31;
	v2 =	vld.idx.msk [tilespmem:v2+s3+$0x0], $0xffff  }
0x280: {  	v14 =	vmul.f32 v25, v14;
	v19 =	vld.idx.msk [tilespmem:v28+s3+$0x0], $0xffff  }
0x281: {  	v6 =	vadd.f32 v6, v12;
	v16 =	vmul.f32 v26, v16;
	v17 =	vld.idx.msk [tilespmem:v17+s3+$0x0], $0xffff  }
0x282: {  	v4 =	vmul.f32 v4, v10;
	v10 =	vmul.f32 v15, v24;
	v12 =	vld.idx.msk [tilespmem:v0+s3+$0x0], $0xffff  }
0x283: {  	v0 =	vadd.f32 v1, v6;
	v1 =	vmul.f32 v3, v27;
	v18 =	vld.idx.msk [tilespmem:v11+s3+$0x0], $0xffff  }
0x284: {  	v13 =	vld.idx.msk [tilespmem:v13+s3+$0x0], $0xffff  }
0x285: {  	v0 =	vadd.f32 v4, v0;
	_ =	sdelay $0x1  }
0x286: {  	v0 =	vadd.f32 v14, v0;
	_ =	sdelay $0x1  }
0x287: {  	v0 =	vadd.f32 v16, v0;
	_ =	sdelay $0x1  }
0x288: {  	s29 =	sshra.s32 s28, $0x2;
	v4 =	vadd.f32 v10, v0  }
0x289: {  	v5 =	vmul.f32 v5, v20;
	v0 =	vld [tilespmem:s29+$0x10680]  }
0x28a: {  	v4 =	vadd.f32 v1, v4;
	v3 =	vld [tilespmem:s29+$0x10400]  }
.Ltmp0:
0x28b: {  	v6 =	vmul.f32 v2, v21;
	v1 =	vld [tilespmem:s29+$0x10980];
	(pc) =	sbr.rel @p1 .LBB2_3-.Ltmp0, $4  }
0x28c: {  	v11 =	vadd.f32 v5, v4;
	v2 =	vld [tilespmem:s29+$0x10500]  }
0x28d: {  	v10 =	vmul.f32 v19, v22;
	v4 =	vld [tilespmem:s29+$0x10200]  }
0x28e: {  	v14 =	vadd.f32 v6, v11;
	v5 =	vld [tilespmem:s29+$0x10180]  }
0x28f: {  	v11 =	vmul.f32 v17, v23;
	v6 =	vld [tilespmem:s29+$0x10100]  }
0x290: {  	v20 =	vld [tilespmem:s29+$0x10080];
	v14 =	vadd.f32 v10, v14  }
0x291: {  	v24 =	vld [tilespmem:s29+$0x10000]  }
0x292: {  	v10 =	vld [tilespmem:s29+$0x10880];
	v12 =	vmul.f32 v12, v7;
	v14 =	vadd.f32 v11, v14  }
0x293: {  	v7 =	vld [tilespmem:s29+$0x10900]  }
0x294: {  	v8 =	vmul.f32 v18, v8;
	v22 =	vld [tilespmem:s29+$0x10280];
	v12 =	vadd.f32 v12, v14  }
0x295: {  	v17 =	vld [tilespmem:s29+$0x10300]  }
0x296: {  	v9 =	vmul.f32 v13, v9;
	v21 =	vld [tilespmem:s29+$0x11000];
	v12 =	vadd.f32 v8, v12  }
0x297: {  	v28 =	vld [tilespmem:s29+$0x10800]  }
0x298: {  	v11 =	vld [tilespmem:s29+$0x10380];
	v12 =	vadd.f32 v9, v12  }
0x299: {  	v8 =	vld [tilespmem:s29+$0x10480]  }
0x29a: {  	v9 =	vld [tilespmem:s29+$0x10A00];
	[tilespmem:s25+$0x11400] =	vst v12  }
0x29b: {  	v40 =	vld.idx.msk [tilespmem:v24+s3+$0x0], $0xffff  }
0x29c: {  	v41 =	vld.idx.msk [tilespmem:v20+s3+$0x0], $0xffff  }
0x29d: {  	v23 =	vld.idx.msk [tilespmem:v22+s3+$0x0], $0xffff  }
0x29e: {  	v42 =	vld.idx.msk [tilespmem:v6+s3+$0x0], $0xffff  }
0x29f: {  	v12 =	vld [tilespmem:s29+$0x10A80]  }
0x2a0: {  	v19 =	vld.idx.msk [tilespmem:v5+s3+$0x0], $0xffff;
	v15 =	vmul.f32 v40, v28  }
0x2a1: {  	v13 =	vld [tilespmem:s29+$0x10580]  }
0x2a2: {  	v25 =	vld.idx.msk [tilespmem:v4+s3+$0x0], $0xffff;
	v14 =	vmul.f32 v41, v10;
	v26 =	vadd.f32 v15, v21  }
0x2a3: {  	v16 =	vld [tilespmem:s29+$0x10B00]  }
0x2a4: {  	v43 =	vld.idx.msk [tilespmem:v17+s3+$0x0], $0xffff;
	v27 =	vmul.f32 v42, v7;
	v14 =	vadd.f32 v14, v26  }
0x2a5: {  	v18 =	vld [tilespmem:s29+$0x10B80]  }
0x2a6: {  	v44 =	vld.idx.msk [tilespmem:v11+s3+$0x0], $0xffff;
	v29 =	vmul.f32 v19, v1;
	v14 =	vadd.f32 v27, v14  }
0x2a7: {  	v31 =	vld.idx.msk [tilespmem:v3+s3+$0x0], $0xffff  }
0x2a8: {  	v32 =	vld.idx.msk [tilespmem:v2+s3+$0x0], $0xffff;
	v25 =	vmul.f32 v25, v9;
	v29 =	vadd.f32 v29, v14  }
0x2a9: {  	v45 =	vld.idx.msk [tilespmem:v8+s3+$0x0], $0xffff  }
0x2aa: {  	v30 =	vmul.f32 v23, v12;
	v15 =	vld [tilespmem:s29+$0x10600];
	v25 =	vadd.f32 v25, v29  }
0x2ab: {  	v19 =	vld [tilespmem:s29+$0x10C00]  }
0x2ac: {  	v23 =	vld [tilespmem:s29+$0x10700];
	v26 =	vmul.f32 v43, v16;
	v30 =	vadd.f32 v30, v25  }
0x2ad: {  	v25 =	vld [tilespmem:s29+$0x10C80]  }
0x2ae: {  	v33 =	vld.idx.msk [tilespmem:v13+s3+$0x0], $0xffff;
	v27 =	vmul.f32 v44, v18;
	v30 =	vadd.f32 v26, v30  }
0x2af: {  	v26 =	vld [tilespmem:s29+$0x10D00]  }
0x2b0: {  	v31 =	vmul.f32 v31, v19;
	v14 =	vld [tilespmem:s29+$0x10780];
	v30 =	vadd.f32 v27, v30  }
0x2b1: {  	v27 =	vld [tilespmem:s29+$0x10D80]  }
0x2b2: {  	v35 =	vld.idx.msk [tilespmem:v15+s3+$0x0], $0xffff;
	v34 =	vmul.f32 v45, v25;
	v30 =	vadd.f32 v31, v30  }
0x2b3: {  	v29 =	vld [tilespmem:s29+$0x10E00]  }
0x2b4: {  	v36 =	vld.idx.msk [tilespmem:v0+s3+$0x0], $0xffff;
	v46 =	vmul.f32 v32, v26;
	v47 =	vadd.f32 v34, v30  }
0x2b5: {  	v30 =	vld [tilespmem:s29+$0x10E80]  }
0x2b6: {  	v48 =	vld.idx.msk [tilespmem:v23+s3+$0x0], $0xffff;
	v33 =	vmul.f32 v33, v27;
	v32 =	vadd.f32 v46, v47  }
0x2b7: {  	v31 =	vld [tilespmem:s29+$0x10F00]  }
0x2b8: {  	v35 =	vmul.f32 v35, v29;
	v37 =	vld.idx.msk [tilespmem:v14+s3+$0x0], $0xffff;
	v33 =	vadd.f32 v33, v32  }
0x2b9: {  	v32 =	vld [tilespmem:s29+$0x10F80]  }
0x2ba: {  	v36 =	vmul.f32 v36, v30;
	v33 =	vadd.f32 v35, v33;
	_ =	sdelay $0x1  }
0x2bb: {  	v34 =	vmul.f32 v48, v31;
	v33 =	vadd.f32 v36, v33;
	_ =	sdelay $0x1  }
0x2bc: {  	v50 =	vadd.s32 $0x1000, v24;
	v49 =	vmul.f32 v37, v32;
	v33 =	vadd.f32 v34, v33;
	_ =	sdelay $0x1  }
0x2bd: {  	v51 =	vadd.s32 $0x1000, v20;
	v33 =	vadd.f32 v49, v33;
	_ =	sdelay $0x1  }
0x2be: {  	v52 =	vadd.s32 $0x1000, v6;
	[tilespmem:s29+$0x11080] =	vst v33  }
0x2bf: {  	v33 =	vld.idx.msk [tilespmem:v50+s3+$0x0], $0xffff  }
0x2c0: {  	v53 =	vadd.s32 $0x1000, v5  }
0x2c1: {  	v34 =	vld.idx.msk [tilespmem:v51+s3+$0x0], $0xffff  }
0x2c2: {  	v54 =	vadd.s32 $0x1000, v4  }
0x2c3: {  	v35 =	vld.idx.msk [tilespmem:v52+s3+$0x0], $0xffff  }
0x2c4: {  	v38 =	vadd.s32 $0x1000, v22;
	v33 =	vmul.f32 v33, v28  }
0x2c5: {  	v36 =	vld.idx.msk [tilespmem:v53+s3+$0x0], $0xffff  }
0x2c6: {  	v39 =	vadd.s32 $0x1000, v17;
	v34 =	vmul.f32 v34, v10;
	v33 =	vadd.f32 v33, v21  }
0x2c7: {  	v37 =	vld.idx.msk [tilespmem:v54+s3+$0x0], $0xffff  }
0x2c8: {  	v40 =	vadd.s32 $0x1000, v11;
	v35 =	vmul.f32 v35, v7;
	v33 =	vadd.f32 v34, v33  }
0x2c9: {  	v55 =	vld.idx.msk [tilespmem:v38+s3+$0x0], $0xffff  }
0x2ca: {  	v56 =	vadd.s32 $0x1000, v3;
	v36 =	vmul.f32 v36, v1;
	v33 =	vadd.f32 v35, v33  }
0x2cb: {  	v57 =	vld.idx.msk [tilespmem:v39+s3+$0x0], $0xffff  }
0x2cc: {  	v58 =	vadd.s32 $0x1000, v8;
	v37 =	vmul.f32 v37, v9;
	v33 =	vadd.f32 v36, v33  }
0x2cd: {  	v59 =	vld.idx.msk [tilespmem:v40+s3+$0x0], $0xffff  }
0x2ce: {  	v60 =	vadd.s32 $0x1000, v2;
	v34 =	vmul.f32 v55, v12;
	v33 =	vadd.f32 v37, v33  }
0x2cf: {  	v61 =	vld.idx.msk [tilespmem:v56+s3+$0x0], $0xffff  }
0x2d0: {  	v62 =	vadd.s32 $0x1000, v13;
	v35 =	vmul.f32 v57, v16;
	v33 =	vadd.f32 v34, v33  }
0x2d1: {  	v63 =	vld.idx.msk [tilespmem:v58+s3+$0x0], $0xffff  }
0x2d2: {  	v44 =	vadd.s32 $0x1000, v15;
	v36 =	vmul.f32 v59, v18;
	v33 =	vadd.f32 v35, v33  }
0x2d3: {  	v45 =	vld.idx.msk [tilespmem:v60+s3+$0x0], $0xffff  }
0x2d4: {  	v46 =	vadd.s32 $0x1000, v0;
	v37 =	vmul.f32 v61, v19;
	v33 =	vadd.f32 v36, v33  }
0x2d5: {  	v47 =	vld.idx.msk [tilespmem:v62+s3+$0x0], $0xffff  }
0x2d6: {  	v48 =	vadd.s32 $0x1000, v23;
	v34 =	vmul.f32 v63, v25;
	v33 =	vadd.f32 v37, v33  }
0x2d7: {  	v49 =	vld.idx.msk [tilespmem:v44+s3+$0x0], $0xffff  }
0x2d8: {  	v50 =	vadd.s32 $0x1000, v14;
	v35 =	vmul.f32 v45, v26;
	v33 =	vadd.f32 v34, v33  }
0x2d9: {  	v51 =	vld.idx.msk [tilespmem:v46+s3+$0x0], $0xffff  }
0x2da: {  	v36 =	vmul.f32 v47, v27;
	v33 =	vadd.f32 v35, v33  }
0x2db: {  	v52 =	vld.idx.msk [tilespmem:v48+s3+$0x0], $0xffff  }
0x2dc: {  	v37 =	vmul.f32 v49, v29;
	v33 =	vadd.f32 v36, v33  }
0x2dd: {  	v53 =	vld.idx.msk [tilespmem:v50+s3+$0x0], $0xffff  }
0x2de: {  	v34 =	vmul.f32 v51, v30;
	v33 =	vadd.f32 v37, v33;
	_ =	sdelay $0x1  }
0x2df: {  	v35 =	vmul.f32 v52, v31;
	v33 =	vadd.f32 v34, v33;
	_ =	sdelay $0x1  }
0x2e0: {  	v55 =	vadd.s32 $0x2000, v24;
	v54 =	vmul.f32 v53, v32;
	v33 =	vadd.f32 v35, v33;
	_ =	sdelay $0x1  }
0x2e1: {  	v56 =	vadd.s32 $0x2000, v20;
	v33 =	vadd.f32 v54, v33;
	_ =	sdelay $0x1  }
0x2e2: {  	v57 =	vadd.s32 $0x2000, v6;
	[tilespmem:s29+$0x11100] =	vst v33  }
0x2e3: {  	v33 =	vld.idx.msk [tilespmem:v55+s3+$0x0], $0xffff  }
0x2e4: {  	v58 =	vadd.s32 $0x2000, v5  }
0x2e5: {  	v35 =	vld.idx.msk [tilespmem:v56+s3+$0x0], $0xffff  }
0x2e6: {  	v59 =	vadd.s32 $0x2000, v4  }
0x2e7: {  	v34 =	vld.idx.msk [tilespmem:v57+s3+$0x0], $0xffff  }
0x2e8: {  	v60 =	vadd.s32 $0x2000, v22;
	v33 =	vmul.f32 v33, v28  }
0x2e9: {  	v36 =	vld.idx.msk [tilespmem:v58+s3+$0x0], $0xffff  }
0x2ea: {  	v61 =	vadd.s32 $0x2000, v17;
	v35 =	vmul.f32 v35, v10;
	v33 =	vadd.f32 v33, v21  }
0x2eb: {  	v37 =	vld.idx.msk [tilespmem:v59+s3+$0x0], $0xffff  }
0x2ec: {  	v62 =	vadd.s32 $0x2000, v11;
	v34 =	vmul.f32 v34, v7;
	v33 =	vadd.f32 v35, v33  }
0x2ed: {  	v63 =	vld.idx.msk [tilespmem:v60+s3+$0x0], $0xffff  }
0x2ee: {  	v44 =	vadd.s32 $0x2000, v3;
	v36 =	vmul.f32 v36, v1;
	v33 =	vadd.f32 v34, v33  }
0x2ef: {  	v45 =	vld.idx.msk [tilespmem:v61+s3+$0x0], $0xffff  }
0x2f0: {  	v46 =	vadd.s32 $0x2000, v8;
	v37 =	vmul.f32 v37, v9;
	v33 =	vadd.f32 v36, v33  }
0x2f1: {  	v47 =	vld.idx.msk [tilespmem:v62+s3+$0x0], $0xffff  }
0x2f2: {  	v48 =	vadd.s32 $0x2000, v2;
	v35 =	vmul.f32 v63, v12;
	v33 =	vadd.f32 v37, v33  }
0x2f3: {  	v49 =	vld.idx.msk [tilespmem:v44+s3+$0x0], $0xffff  }
0x2f4: {  	v50 =	vadd.s32 $0x2000, v13;
	v34 =	vmul.f32 v45, v16;
	v33 =	vadd.f32 v35, v33  }
0x2f5: {  	v51 =	vld.idx.msk [tilespmem:v46+s3+$0x0], $0xffff  }
0x2f6: {  	v52 =	vadd.s32 $0x2000, v15;
	v36 =	vmul.f32 v47, v18;
	v33 =	vadd.f32 v34, v33  }
0x2f7: {  	v53 =	vld.idx.msk [tilespmem:v48+s3+$0x0], $0xffff  }
0x2f8: {  	v54 =	vadd.s32 $0x2000, v0;
	v37 =	vmul.f32 v49, v19;
	v33 =	vadd.f32 v36, v33  }
0x2f9: {  	v55 =	vld.idx.msk [tilespmem:v50+s3+$0x0], $0xffff  }
0x2fa: {  	v56 =	vadd.s32 $0x2000, v23;
	v35 =	vmul.f32 v51, v25;
	v33 =	vadd.f32 v37, v33  }
0x2fb: {  	v57 =	vld.idx.msk [tilespmem:v52+s3+$0x0], $0xffff  }
0x2fc: {  	v58 =	vadd.s32 $0x2000, v14;
	v34 =	vmul.f32 v53, v26;
	v33 =	vadd.f32 v35, v33  }
0x2fd: {  	v59 =	vld.idx.msk [tilespmem:v54+s3+$0x0], $0xffff  }
0x2fe: {  	v36 =	vmul.f32 v55, v27;
	v33 =	vadd.f32 v34, v33  }
0x2ff: {  	v60 =	vld.idx.msk [tilespmem:v56+s3+$0x0], $0xffff  }
0x300: {  	v37 =	vmul.f32 v57, v29;
	v33 =	vadd.f32 v36, v33  }
0x301: {  	v61 =	vld.idx.msk [tilespmem:v58+s3+$0x0], $0xffff  }
0x302: {  	v35 =	vmul.f32 v59, v30;
	v33 =	vadd.f32 v37, v33;
	_ =	sdelay $0x1  }
0x303: {  	v34 =	vmul.f32 v60, v31;
	v33 =	vadd.f32 v35, v33;
	_ =	sdelay $0x1  }
0x304: {  	v63 =	vadd.s32 $0x3000, v24;
	v62 =	vmul.f32 v61, v32;
	v33 =	vadd.f32 v34, v33;
	_ =	sdelay $0x1  }
0x305: {  	v40 =	vadd.s32 $0x3000, v20;
	v33 =	vadd.f32 v62, v33;
	_ =	sdelay $0x1  }
0x306: {  	v41 =	vadd.s32 $0x3000, v6;
	[tilespmem:s29+$0x11180] =	vst v33  }
0x307: {  	v33 =	vld.idx.msk [tilespmem:v63+s3+$0x0], $0xffff  }
0x308: {  	v42 =	vadd.s32 $0x3000, v5  }
0x309: {  	v34 =	vld.idx.msk [tilespmem:v40+s3+$0x0], $0xffff  }
0x30a: {  	v43 =	vadd.s32 $0x3000, v4  }
0x30b: {  	v35 =	vld.idx.msk [tilespmem:v41+s3+$0x0], $0xffff  }
0x30c: {  	v44 =	vadd.s32 $0x3000, v22;
	v33 =	vmul.f32 v33, v28  }
0x30d: {  	v36 =	vld.idx.msk [tilespmem:v42+s3+$0x0], $0xffff  }
0x30e: {  	v45 =	vadd.s32 $0x3000, v17;
	v34 =	vmul.f32 v34, v10;
	v33 =	vadd.f32 v33, v21  }
0x30f: {  	v37 =	vld.idx.msk [tilespmem:v43+s3+$0x0], $0xffff  }
0x310: {  	v46 =	vadd.s32 $0x3000, v11;
	v35 =	vmul.f32 v35, v7;
	v33 =	vadd.f32 v34, v33  }
0x311: {  	v47 =	vld.idx.msk [tilespmem:v44+s3+$0x0], $0xffff  }
0x312: {  	v48 =	vadd.s32 $0x3000, v3;
	v36 =	vmul.f32 v36, v1;
	v33 =	vadd.f32 v35, v33  }
0x313: {  	v49 =	vld.idx.msk [tilespmem:v45+s3+$0x0], $0xffff  }
0x314: {  	v50 =	vadd.s32 $0x3000, v8;
	v37 =	vmul.f32 v37, v9;
	v33 =	vadd.f32 v36, v33  }
0x315: {  	v51 =	vld.idx.msk [tilespmem:v46+s3+$0x0], $0xffff  }
0x316: {  	v52 =	vadd.s32 $0x3000, v2;
	v34 =	vmul.f32 v47, v12;
	v33 =	vadd.f32 v37, v33  }
0x317: {  	v53 =	vld.idx.msk [tilespmem:v48+s3+$0x0], $0xffff  }
0x318: {  	v54 =	vadd.s32 $0x3000, v13;
	v35 =	vmul.f32 v49, v16;
	v33 =	vadd.f32 v34, v33  }
0x319: {  	v55 =	vld.idx.msk [tilespmem:v50+s3+$0x0], $0xffff  }
0x31a: {  	v56 =	vadd.s32 $0x3000, v15;
	v36 =	vmul.f32 v51, v18;
	v33 =	vadd.f32 v35, v33  }
0x31b: {  	v57 =	vld.idx.msk [tilespmem:v52+s3+$0x0], $0xffff  }
0x31c: {  	v58 =	vadd.s32 $0x3000, v0;
	v37 =	vmul.f32 v53, v19;
	v33 =	vadd.f32 v36, v33  }
0x31d: {  	v59 =	vld.idx.msk [tilespmem:v54+s3+$0x0], $0xffff  }
0x31e: {  	v60 =	vadd.s32 $0x3000, v23;
	v34 =	vmul.f32 v55, v25;
	v33 =	vadd.f32 v37, v33  }
0x31f: {  	v61 =	vld.idx.msk [tilespmem:v56+s3+$0x0], $0xffff  }
0x320: {  	v62 =	vadd.s32 $0x3000, v14;
	v35 =	vmul.f32 v57, v26;
	v33 =	vadd.f32 v34, v33  }
0x321: {  	v63 =	vld.idx.msk [tilespmem:v58+s3+$0x0], $0xffff  }
0x322: {  	v36 =	vmul.f32 v59, v27;
	v33 =	vadd.f32 v35, v33  }
0x323: {  	v40 =	vld.idx.msk [tilespmem:v60+s3+$0x0], $0xffff  }
0x324: {  	v37 =	vmul.f32 v61, v29;
	v33 =	vadd.f32 v36, v33  }
0x325: {  	v41 =	vld.idx.msk [tilespmem:v62+s3+$0x0], $0xffff  }
0x326: {  	v34 =	vmul.f32 v63, v30;
	v33 =	vadd.f32 v37, v33;
	_ =	sdelay $0x1  }
0x327: {  	v35 =	vmul.f32 v40, v31;
	v33 =	vadd.f32 v34, v33;
	_ =	sdelay $0x1  }
0x328: {  	v43 =	vadd.s32 $0x4000, v24;
	v42 =	vmul.f32 v41, v32;
	v33 =	vadd.f32 v35, v33;
	_ =	sdelay $0x1  }
0x329: {  	v44 =	vadd.s32 $0x4000, v20;
	v33 =	vadd.f32 v42, v33;
	_ =	sdelay $0x1  }
0x32a: {  	v45 =	vadd.s32 $0x4000, v6;
	[tilespmem:s29+$0x11200] =	vst v33  }
0x32b: {  	v33 =	vld.idx.msk [tilespmem:v43+s3+$0x0], $0xffff  }
0x32c: {  	v46 =	vadd.s32 $0x4000, v5  }
0x32d: {  	v35 =	vld.idx.msk [tilespmem:v44+s3+$0x0], $0xffff  }
0x32e: {  	v47 =	vadd.s32 $0x4000, v4  }
0x32f: {  	v34 =	vld.idx.msk [tilespmem:v45+s3+$0x0], $0xffff  }
0x330: {  	v48 =	vadd.s32 $0x4000, v22;
	v33 =	vmul.f32 v33, v28  }
0x331: {  	v36 =	vld.idx.msk [tilespmem:v46+s3+$0x0], $0xffff  }
0x332: {  	v49 =	vadd.s32 $0x4000, v17;
	v35 =	vmul.f32 v35, v10;
	v33 =	vadd.f32 v33, v21  }
0x333: {  	v37 =	vld.idx.msk [tilespmem:v47+s3+$0x0], $0xffff  }
0x334: {  	v50 =	vadd.s32 $0x4000, v11;
	v34 =	vmul.f32 v34, v7;
	v33 =	vadd.f32 v35, v33  }
0x335: {  	v51 =	vld.idx.msk [tilespmem:v48+s3+$0x0], $0xffff  }
0x336: {  	v52 =	vadd.s32 $0x4000, v3;
	v36 =	vmul.f32 v36, v1;
	v33 =	vadd.f32 v34, v33  }
0x337: {  	v53 =	vld.idx.msk [tilespmem:v49+s3+$0x0], $0xffff  }
0x338: {  	v54 =	vadd.s32 $0x4000, v8;
	v37 =	vmul.f32 v37, v9;
	v33 =	vadd.f32 v36, v33  }
0x339: {  	v55 =	vld.idx.msk [tilespmem:v50+s3+$0x0], $0xffff  }
0x33a: {  	v56 =	vadd.s32 $0x4000, v2;
	v35 =	vmul.f32 v51, v12;
	v33 =	vadd.f32 v37, v33  }
0x33b: {  	v57 =	vld.idx.msk [tilespmem:v52+s3+$0x0], $0xffff  }
0x33c: {  	v58 =	vadd.s32 $0x4000, v13;
	v34 =	vmul.f32 v53, v16;
	v33 =	vadd.f32 v35, v33  }
0x33d: {  	v59 =	vld.idx.msk [tilespmem:v54+s3+$0x0], $0xffff  }
0x33e: {  	v60 =	vadd.s32 $0x4000, v15;
	v36 =	vmul.f32 v55, v18;
	v33 =	vadd.f32 v34, v33  }
0x33f: {  	v61 =	vld.idx.msk [tilespmem:v56+s3+$0x0], $0xffff  }
0x340: {  	v62 =	vadd.s32 $0x4000, v0;
	v37 =	vmul.f32 v57, v19;
	v33 =	vadd.f32 v36, v33  }
0x341: {  	v63 =	vld.idx.msk [tilespmem:v58+s3+$0x0], $0xffff  }
0x342: {  	v42 =	vadd.s32 $0x4000, v23;
	v35 =	vmul.f32 v59, v25;
	v33 =	vadd.f32 v37, v33  }
0x343: {  	v43 =	vld.idx.msk [tilespmem:v60+s3+$0x0], $0xffff  }
0x344: {  	v44 =	vadd.s32 $0x4000, v14;
	v34 =	vmul.f32 v61, v26;
	v33 =	vadd.f32 v35, v33  }
0x345: {  	v45 =	vld.idx.msk [tilespmem:v62+s3+$0x0], $0xffff  }
0x346: {  	v36 =	vmul.f32 v63, v27;
	v33 =	vadd.f32 v34, v33  }
0x347: {  	v46 =	vld.idx.msk [tilespmem:v42+s3+$0x0], $0xffff  }
0x348: {  	v37 =	vmul.f32 v43, v29;
	v33 =	vadd.f32 v36, v33  }
0x349: {  	v47 =	vld.idx.msk [tilespmem:v44+s3+$0x0], $0xffff  }
0x34a: {  	v35 =	vmul.f32 v45, v30;
	v33 =	vadd.f32 v37, v33;
	_ =	sdelay $0x1  }
0x34b: {  	v34 =	vmul.f32 v46, v31;
	v33 =	vadd.f32 v35, v33;
	_ =	sdelay $0x1  }
0x34c: {  	v49 =	vadd.s32 $0x5000, v24;
	v48 =	vmul.f32 v47, v32;
	v33 =	vadd.f32 v34, v33;
	_ =	sdelay $0x1  }
0x34d: {  	v50 =	vadd.s32 $0x5000, v20;
	v33 =	vadd.f32 v48, v33;
	_ =	sdelay $0x1  }
0x34e: {  	v51 =	vadd.s32 $0x5000, v6;
	[tilespmem:s29+$0x11280] =	vst v33  }
0x34f: {  	v33 =	vld.idx.msk [tilespmem:v49+s3+$0x0], $0xffff  }
0x350: {  	v52 =	vadd.s32 $0x5000, v5  }
0x351: {  	v34 =	vld.idx.msk [tilespmem:v50+s3+$0x0], $0xffff  }
0x352: {  	v53 =	vadd.s32 $0x5000, v4  }
0x353: {  	v35 =	vld.idx.msk [tilespmem:v51+s3+$0x0], $0xffff  }
0x354: {  	v54 =	vadd.s32 $0x5000, v22;
	v33 =	vmul.f32 v33, v28  }
0x355: {  	v36 =	vld.idx.msk [tilespmem:v52+s3+$0x0], $0xffff  }
0x356: {  	v55 =	vadd.s32 $0x5000, v17;
	v34 =	vmul.f32 v34, v10;
	v33 =	vadd.f32 v33, v21  }
0x357: {  	v37 =	vld.idx.msk [tilespmem:v53+s3+$0x0], $0xffff  }
0x358: {  	v56 =	vadd.s32 $0x5000, v11;
	v35 =	vmul.f32 v35, v7;
	v33 =	vadd.f32 v34, v33  }
0x359: {  	v57 =	vld.idx.msk [tilespmem:v54+s3+$0x0], $0xffff  }
0x35a: {  	v58 =	vadd.s32 $0x5000, v3;
	v36 =	vmul.f32 v36, v1;
	v33 =	vadd.f32 v35, v33  }
0x35b: {  	v59 =	vld.idx.msk [tilespmem:v55+s3+$0x0], $0xffff  }
0x35c: {  	v60 =	vadd.s32 $0x5000, v8;
	v37 =	vmul.f32 v37, v9;
	v33 =	vadd.f32 v36, v33  }
0x35d: {  	v61 =	vld.idx.msk [tilespmem:v56+s3+$0x0], $0xffff  }
0x35e: {  	v62 =	vadd.s32 $0x5000, v2;
	v34 =	vmul.f32 v57, v12;
	v33 =	vadd.f32 v37, v33  }
0x35f: {  	v63 =	vld.idx.msk [tilespmem:v58+s3+$0x0], $0xffff  }
0x360: {  	v44 =	vadd.s32 $0x5000, v13;
	v35 =	vmul.f32 v59, v16;
	v33 =	vadd.f32 v34, v33  }
0x361: {  	v45 =	vld.idx.msk [tilespmem:v60+s3+$0x0], $0xffff  }
0x362: {  	v46 =	vadd.s32 $0x5000, v15;
	v36 =	vmul.f32 v61, v18;
	v33 =	vadd.f32 v35, v33  }
0x363: {  	v47 =	vld.idx.msk [tilespmem:v62+s3+$0x0], $0xffff  }
0x364: {  	v48 =	vadd.s32 $0x5000, v0;
	v37 =	vmul.f32 v63, v19;
	v33 =	vadd.f32 v36, v33  }
0x365: {  	v49 =	vld.idx.msk [tilespmem:v44+s3+$0x0], $0xffff  }
0x366: {  	v50 =	vadd.s32 $0x5000, v23;
	v34 =	vmul.f32 v45, v25;
	v33 =	vadd.f32 v37, v33  }
0x367: {  	v51 =	vld.idx.msk [tilespmem:v46+s3+$0x0], $0xffff  }
0x368: {  	v52 =	vadd.s32 $0x5000, v14;
	v35 =	vmul.f32 v47, v26;
	v33 =	vadd.f32 v34, v33  }
0x369: {  	v53 =	vld.idx.msk [tilespmem:v48+s3+$0x0], $0xffff  }
0x36a: {  	v36 =	vmul.f32 v49, v27;
	v33 =	vadd.f32 v35, v33  }
0x36b: {  	v54 =	vld.idx.msk [tilespmem:v50+s3+$0x0], $0xffff  }
0x36c: {  	v37 =	vmul.f32 v51, v29;
	v33 =	vadd.f32 v36, v33  }
0x36d: {  	v55 =	vld.idx.msk [tilespmem:v52+s3+$0x0], $0xffff  }
0x36e: {  	v34 =	vmul.f32 v53, v30;
	v33 =	vadd.f32 v37, v33;
	_ =	sdelay $0x1  }
0x36f: {  	v35 =	vmul.f32 v54, v31;
	v33 =	vadd.f32 v34, v33;
	_ =	sdelay $0x1  }
0x370: {  	v57 =	vadd.s32 $0x6000, v24;
	v56 =	vmul.f32 v55, v32;
	v33 =	vadd.f32 v35, v33;
	_ =	sdelay $0x1  }
0x371: {  	v58 =	vadd.s32 $0x6000, v20;
	v33 =	vadd.f32 v56, v33;
	_ =	sdelay $0x1  }
0x372: {  	v59 =	vadd.s32 $0x6000, v6;
	[tilespmem:s29+$0x11300] =	vst v33  }
0x373: {  	v33 =	vld.idx.msk [tilespmem:v57+s3+$0x0], $0xffff  }
0x374: {  	v60 =	vadd.s32 $0x6000, v5  }
0x375: {  	v35 =	vld.idx.msk [tilespmem:v58+s3+$0x0], $0xffff  }
0x376: {  	v61 =	vadd.s32 $0x6000, v4  }
0x377: {  	v34 =	vld.idx.msk [tilespmem:v59+s3+$0x0], $0xffff  }
0x378: {  	v62 =	vadd.s32 $0x6000, v22;
	v33 =	vmul.f32 v33, v28  }
0x379: {  	v36 =	vld.idx.msk [tilespmem:v60+s3+$0x0], $0xffff  }
0x37a: {  	v63 =	vadd.s32 $0x6000, v17;
	v35 =	vmul.f32 v35, v10;
	v33 =	vadd.f32 v33, v21  }
0x37b: {  	v37 =	vld.idx.msk [tilespmem:v61+s3+$0x0], $0xffff  }
0x37c: {  	v44 =	vadd.s32 $0x6000, v11;
	v34 =	vmul.f32 v34, v7;
	v33 =	vadd.f32 v35, v33  }
0x37d: {  	v45 =	vld.idx.msk [tilespmem:v62+s3+$0x0], $0xffff  }
0x37e: {  	v46 =	vadd.s32 $0x6000, v3;
	v36 =	vmul.f32 v36, v1;
	v33 =	vadd.f32 v34, v33  }
0x37f: {  	v47 =	vld.idx.msk [tilespmem:v63+s3+$0x0], $0xffff  }
0x380: {  	v48 =	vadd.s32 $0x6000, v8;
	v37 =	vmul.f32 v37, v9;
	v33 =	vadd.f32 v36, v33  }
0x381: {  	v49 =	vld.idx.msk [tilespmem:v44+s3+$0x0], $0xffff  }
0x382: {  	v50 =	vadd.s32 $0x6000, v2;
	v35 =	vmul.f32 v45, v12;
	v33 =	vadd.f32 v37, v33  }
0x383: {  	v51 =	vld.idx.msk [tilespmem:v46+s3+$0x0], $0xffff  }
0x384: {  	v52 =	vadd.s32 $0x6000, v13;
	v34 =	vmul.f32 v47, v16;
	v33 =	vadd.f32 v35, v33  }
0x385: {  	v53 =	vld.idx.msk [tilespmem:v48+s3+$0x0], $0xffff  }
0x386: {  	v54 =	vadd.s32 $0x6000, v15;
	v36 =	vmul.f32 v49, v18;
	v33 =	vadd.f32 v34, v33  }
0x387: {  	v55 =	vld.idx.msk [tilespmem:v50+s3+$0x0], $0xffff  }
0x388: {  	v56 =	vadd.s32 $0x6000, v0;
	v37 =	vmul.f32 v51, v19;
	v33 =	vadd.f32 v36, v33  }
0x389: {  	v57 =	vld.idx.msk [tilespmem:v52+s3+$0x0], $0xffff  }
0x38a: {  	v58 =	vadd.s32 $0x6000, v23;
	v35 =	vmul.f32 v53, v25;
	v33 =	vadd.f32 v37, v33  }
0x38b: {  	v59 =	vld.idx.msk [tilespmem:v54+s3+$0x0], $0xffff  }
0x38c: {  	v60 =	vadd.s32 $0x6000, v14;
	v34 =	vmul.f32 v55, v26;
	v33 =	vadd.f32 v35, v33  }
0x38d: {  	v61 =	vld.idx.msk [tilespmem:v56+s3+$0x0], $0xffff  }
0x38e: {  	v36 =	vmul.f32 v57, v27;
	v33 =	vadd.f32 v34, v33  }
0x38f: {  	v62 =	vld.idx.msk [tilespmem:v58+s3+$0x0], $0xffff  }
0x390: {  	v37 =	vmul.f32 v59, v29;
	v33 =	vadd.f32 v36, v33  }
0x391: {  	v63 =	vld.idx.msk [tilespmem:v60+s3+$0x0], $0xffff  }
0x392: {  	v35 =	vmul.f32 v61, v30;
	v33 =	vadd.f32 v37, v33;
	_ =	sdelay $0x1  }
0x393: {  	v34 =	vmul.f32 v62, v31;
	v33 =	vadd.f32 v35, v33;
	_ =	sdelay $0x1  }
0x394: {  	v24 =	vadd.s32 $0x7000, v24;
	v39 =	vmul.f32 v63, v32;
	v33 =	vadd.f32 v34, v33;
	_ =	sdelay $0x1  }
0x395: {  	v20 =	vadd.s32 $0x7000, v20;
	v33 =	vadd.f32 v39, v33;
	_ =	sdelay $0x1  }
0x396: {  	v40 =	vadd.s32 $0x7000, v6;
	[tilespmem:s29+$0x11380] =	vst v33  }
0x397: {  	v24 =	vld.idx.msk [tilespmem:v24+s3+$0x0], $0xffff  }
0x398: {  	v41 =	vadd.s32 $0x7000, v5  }
0x399: {  	v20 =	vld.idx.msk [tilespmem:v20+s3+$0x0], $0xffff  }
0x39a: {  	v42 =	vadd.s32 $0x7000, v4  }
0x39b: {  	v6 =	vld.idx.msk [tilespmem:v40+s3+$0x0], $0xffff  }
0x39c: {  	v22 =	vadd.s32 $0x7000, v22;
	v24 =	vmul.f32 v24, v28  }
0x39d: {  	v5 =	vld.idx.msk [tilespmem:v41+s3+$0x0], $0xffff  }
0x39e: {  	v17 =	vadd.s32 $0x7000, v17;
	v10 =	vmul.f32 v20, v10;
	v43 =	vadd.f32 v24, v21  }
0x39f: {  	v4 =	vld.idx.msk [tilespmem:v42+s3+$0x0], $0xffff  }
0x3a0: {  	v11 =	vadd.s32 $0x7000, v11;
	v6 =	vmul.f32 v6, v7;
	v44 =	vadd.f32 v10, v43  }
0x3a1: {  	v45 =	vld.idx.msk [tilespmem:v22+s3+$0x0], $0xffff  }
0x3a2: {  	v46 =	vadd.s32 $0x7000, v3;
	v47 =	vmul.f32 v5, v1;
	v48 =	vadd.f32 v6, v44  }
0x3a3: {  	v49 =	vld.idx.msk [tilespmem:v17+s3+$0x0], $0xffff  }
0x3a4: {  	v50 =	vadd.s32 $0x7000, v8;
	v4 =	vmul.f32 v4, v9;
	v1 =	vadd.f32 v47, v48  }
0x3a5: {  	v51 =	vld.idx.msk [tilespmem:v11+s3+$0x0], $0xffff  }
0x3a6: {  	v52 =	vadd.s32 $0x7000, v2;
	v53 =	vmul.f32 v45, v12;
	v1 =	vadd.f32 v4, v1  }
0x3a7: {  	v3 =	vld.idx.msk [tilespmem:v46+s3+$0x0], $0xffff  }
0x3a8: {  	v54 =	vadd.s32 $0x7000, v13;
	v6 =	vmul.f32 v49, v16;
	v1 =	vadd.f32 v53, v1  }
0x3a9: {  	v7 =	vld.idx.msk [tilespmem:v50+s3+$0x0], $0xffff  }
0x3aa: {  	v55 =	vadd.s32 $0x7000, v15;
	v5 =	vmul.f32 v51, v18;
	v1 =	vadd.f32 v6, v1  }
0x3ab: {  	v2 =	vld.idx.msk [tilespmem:v52+s3+$0x0], $0xffff  }
0x3ac: {  	v56 =	vadd.s32 $0x7000, v0;
	v3 =	vmul.f32 v3, v19;
	v1 =	vadd.f32 v5, v1  }
0x3ad: {  	v4 =	vld.idx.msk [tilespmem:v54+s3+$0x0], $0xffff  }
0x3ae: {  	v57 =	vadd.s32 $0x7000, v23;
	v58 =	vmul.f32 v7, v25;
	v1 =	vadd.f32 v3, v1  }
0x3af: {  	v59 =	vld.idx.msk [tilespmem:v55+s3+$0x0], $0xffff  }
0x3b0: {  	v60 =	vadd.s32 $0x7000, v14;
	v2 =	vmul.f32 v2, v26;
	v1 =	vadd.f32 v58, v1  }
0x3b1: {  	v0 =	vld.idx.msk [tilespmem:v56+s3+$0x0], $0xffff  }
0x3b2: {  	v4 =	vmul.f32 v4, v27;
	v1 =	vadd.f32 v2, v1  }
0x3b3: {  	v61 =	vld.idx.msk [tilespmem:v57+s3+$0x0], $0xffff  }
0x3b4: {  	v3 =	vmul.f32 v59, v29;
	v1 =	vadd.f32 v4, v1  }
0x3b5: {  	v62 =	vld.idx.msk [tilespmem:v60+s3+$0x0], $0xffff  }
0x3b6: {  	v0 =	vmul.f32 v0, v30;
	v1 =	vadd.f32 v3, v1;
	_ =	sdelay $0x1  }
0x3b7: {  	v2 =	vmul.f32 v61, v31;
	v0 =	vadd.f32 v0, v1;
	_ =	sdelay $0x1  }
0x3b8: {  	p1 =	sne.s32 s23, $0x7;
	v63 =	vmul.f32 v62, v32;
	v0 =	vadd.f32 v2, v0  }
.Ltmp1:
0x3b9: {  	s31 =	sshll.u32 s23, $0xB;
	(pc) =	sbr.rel @p1 .LBB2_6-.Ltmp1, $4  }
0x3ba: {  	s25 =	sadd.s32 s8, s31;
	v0 =	vadd.f32 v63, v0  }
0x3bb: {  	s25 =	sshrl.u32 s25, $0x3  }
0x3bc: {  	s25 =	sadd.s32 s4, s25;
	[tilespmem:s29+$0x11400] =	vst v0  }
0x3bd: {  	[hbm4b:s25+s3] =	stream.linear.scatter [tilespmem:s17], [sflag:$0x3], $0x400, $0x38;
	[tilespmem:$0x11880] =	vst v63  }
.Ltmp2:
0x3be: {  	(pc) =	sbr.rel .LBB2_7-.Ltmp2, $4  }
0x3bf: {  	_ = 	snop  }
0x3c0: {  	_ =	swait.ge [sflag:s18], $0x8000  }
0x3c1: {  	[sflag:s18] =	ssyncset.done $0x0  }
0x3c2: {  	[sflag:s18] =	ssyncadd.s32 $0xFFFF8000  }
.LBB2_6:
0x3c3: {  	s25 =	sshll.u32 s23, $0xD  }
.Ltmp3:
0x3c4: {  	s25 =	sadd.s32 s25, s9;
	(pc) =	sbr.rel @p0 .LBB2_8-.Ltmp3, $4  }
0x3c5: {  	[tilespmem:s3], [sflag:$0x1] =	stream.linear.gather [hbm4b:s25+s3], $0x8000, $0x38;
	[tilespmem:$0x11880] =	vst v63  }
0x3c6: {  	_ =	swait.ge [sflag:s18], $0x8000  }
0x3c7: {  	[sflag:s18] =	ssyncset.done $0x0  }
0x3c8: {  	[sflag:s18] =	ssyncadd.s32 $0xFFFF8000  }
.LBB2_7:
0x3c9: {  	_ =	swait.ge [sflag:s19], $0x400  }
0x3ca: {  	[sflag:s19] =	ssyncset.done $0x0  }
0x3cb: {  	[sflag:s19] =	ssyncadd.s32 $0xFFFFFC00  }
.LBB2_8:
0x3cc: {  	s25 =	simm.s32 $0x0  }
0x3cd: {  	v0 =	vld [tilespmem:s25+$0x10680]  }
0x3ce: {  	v3 =	vld [tilespmem:s25+$0x10400]  }
0x3cf: {  	v1 =	vld [tilespmem:s25+$0x10980]  }
0x3d0: {  	v2 =	vld [tilespmem:s25+$0x10500]  }
0x3d1: {  	v18 =	vld [tilespmem:s25+$0x10200]  }
0x3d2: {  	v22 =	vld [tilespmem:s25+$0x10180]  }
0x3d3: {  	v27 =	vld [tilespmem:s25+$0x10100]  }
0x3d4: {  	v29 =	vld [tilespmem:s25+$0x10080]  }
0x3d5: {  	v31 =	vld [tilespmem:s25+$0x10000]  }
0x3d6: {  	v13 =	vld [tilespmem:s25+$0x10880]  }
0x3d7: {  	v12 =	vld [tilespmem:s25+$0x10900]  }
0x3d8: {  	v20 =	vld [tilespmem:s25+$0x10380]  }
0x3d9: {  	v26 =	vld [tilespmem:s25+$0x10280]  }
0x3da: {  	v24 =	vld [tilespmem:s25+$0x10300]  }
0x3db: {  	v21 =	vld [tilespmem:s25+$0x11000]  }
0x3dc: {  	v19 =	vld [tilespmem:s25+$0x10480]  }
0x3dd: {  	v4 =	vld [tilespmem:s25+$0x10A00]  }
0x3de: {  	v30 =	vld [tilespmem:s25+$0x10800]  }
0x3df: {  	v6 =	vld.idx.msk [tilespmem:v31+s15+$0x0], $0xffff  }
0x3e0: {  	v5 =	vld [tilespmem:s25+$0x10A80]  }
0x3e1: {  	v7 =	vld.idx.msk [tilespmem:v29+s15+$0x0], $0xffff  }
0x3e2: {  	v23 =	vld [tilespmem:s25+$0x10580]  }
0x3e3: {  	v9 =	vld.idx.msk [tilespmem:v27+s15+$0x0], $0xffff  }
0x3e4: {  	v25 =	vld [tilespmem:s25+$0x10600];
	v6 =	vmul.f32 v6, v30  }
0x3e5: {  	v10 =	vld.idx.msk [tilespmem:v22+s15+$0x0], $0xffff  }
0x3e6: {  	v28 =	vld [tilespmem:s25+$0x10780];
	v7 =	vmul.f32 v7, v13;
	v11 =	vadd.f32 v6, v21  }
0x3e7: {  	v14 =	vld.idx.msk [tilespmem:v18+s15+$0x0], $0xffff  }
0x3e8: {  	v32 =	vld [tilespmem:s25+$0x10700];
	v9 =	vmul.f32 v9, v12;
	v7 =	vadd.f32 v7, v11  }
0x3e9: {  	v8 =	vld.idx.msk [tilespmem:v26+s15+$0x0], $0xffff  }
0x3ea: {  	v15 =	vld.idx.msk [tilespmem:v24+s15+$0x0], $0xffff;
	v16 =	vmul.f32 v10, v1;
	v7 =	vadd.f32 v9, v7  }
0x3eb: {  	v6 =	vld [tilespmem:s25+$0x10B00]  }
0x3ec: {  	v14 =	vmul.f32 v14, v4;
	v11 =	vld [tilespmem:s25+$0x10B80];
	v7 =	vadd.f32 v16, v7  }
0x3ed: {  	v9 =	vld.idx.msk [tilespmem:v20+s15+$0x0], $0xffff  }
0x3ee: {  	v17 =	vld.idx.msk [tilespmem:v3+s15+$0x0], $0xffff;
	v8 =	vmul.f32 v8, v5;
	v7 =	vadd.f32 v14, v7  }
0x3ef: {  	v10 =	vld [tilespmem:s25+$0x10C00]  }
0x3f0: {  	v33 =	vld.idx.msk [tilespmem:v19+s15+$0x0], $0xffff;
	v14 =	vmul.f32 v15, v6;
	v7 =	vadd.f32 v8, v7  }
0x3f1: {  	v15 =	vld [tilespmem:s25+$0x10C80]  }
0x3f2: {  	v16 =	vld [tilespmem:s25+$0x10D00];
	v8 =	vmul.f32 v9, v11;
	v7 =	vadd.f32 v14, v7  }
0x3f3: {  	v9 =	vld.idx.msk [tilespmem:v2+s15+$0x0], $0xffff  }
0x3f4: {  	v34 =	vld.idx.msk [tilespmem:v23+s15+$0x0], $0xffff;
	v17 =	vmul.f32 v17, v10;
	v7 =	vadd.f32 v8, v7  }
0x3f5: {  	v14 =	vld [tilespmem:s25+$0x10D80]  }
0x3f6: {  	v42 =	vld.idx.msk [tilespmem:v25+s15+$0x0], $0xffff;
	v8 =	vmul.f32 v33, v15;
	v7 =	vadd.f32 v17, v7  }
0x3f7: {  	v17 =	vld [tilespmem:s25+$0x10E00]  }
0x3f8: {  	v35 =	vld.idx.msk [tilespmem:v0+s15+$0x0], $0xffff;
	v9 =	vmul.f32 v9, v16;
	v8 =	vadd.f32 v8, v7  }
0x3f9: {  	v7 =	vld [tilespmem:s25+$0x10E80]  }
0x3fa: {  	v36 =	vld.idx.msk [tilespmem:v32+s15+$0x0], $0xffff;
	v34 =	vmul.f32 v34, v14;
	v9 =	vadd.f32 v9, v8  }
0x3fb: {  	v8 =	vld [tilespmem:s25+$0x10F00]  }
0x3fc: {  	v37 =	vld.idx.msk [tilespmem:v28+s15+$0x0], $0xffff;
	v33 =	vmul.f32 v42, v17;
	v34 =	vadd.f32 v34, v9  }
0x3fd: {  	v9 =	vld [tilespmem:s25+$0x10F80]  }
0x3fe: {  	v35 =	vmul.f32 v35, v7;
	v33 =	vadd.f32 v33, v34;
	_ =	sdelay $0x1  }
0x3ff: {  	v43 =	vmul.f32 v36, v8;
	v33 =	vadd.f32 v35, v33;
	_ =	sdelay $0x1  }
0x400: {  	v45 =	vadd.s32 $0x1000, v31;
	v44 =	vmul.f32 v37, v9;
	v33 =	vadd.f32 v43, v33;
	_ =	sdelay $0x1  }
0x401: {  	v46 =	vadd.s32 $0x1000, v29;
	v33 =	vadd.f32 v44, v33;
	_ =	sdelay $0x1  }
0x402: {  	v47 =	vadd.s32 $0x1000, v27;
	[tilespmem:s25+$0x11480] =	vst v33  }
0x403: {  	v33 =	vld.idx.msk [tilespmem:v45+s15+$0x0], $0xffff  }
0x404: {  	v48 =	vadd.s32 $0x1000, v22  }
0x405: {  	v34 =	vld.idx.msk [tilespmem:v46+s15+$0x0], $0xffff  }
0x406: {  	v49 =	vadd.s32 $0x1000, v18  }
0x407: {  	v35 =	vld.idx.msk [tilespmem:v47+s15+$0x0], $0xffff  }
0x408: {  	v38 =	vadd.s32 $0x1000, v26;
	v33 =	vmul.f32 v33, v30  }
0x409: {  	v36 =	vld.idx.msk [tilespmem:v48+s15+$0x0], $0xffff  }
0x40a: {  	v39 =	vadd.s32 $0x1000, v24;
	v34 =	vmul.f32 v34, v13;
	v33 =	vadd.f32 v33, v21  }
0x40b: {  	v37 =	vld.idx.msk [tilespmem:v49+s15+$0x0], $0xffff  }
0x40c: {  	v40 =	vadd.s32 $0x1000, v20;
	v35 =	vmul.f32 v35, v12;
	v33 =	vadd.f32 v34, v33  }
0x40d: {  	v50 =	vld.idx.msk [tilespmem:v38+s15+$0x0], $0xffff  }
0x40e: {  	v51 =	vadd.s32 $0x1000, v3;
	v36 =	vmul.f32 v36, v1;
	v33 =	vadd.f32 v35, v33  }
0x40f: {  	v52 =	vld.idx.msk [tilespmem:v39+s15+$0x0], $0xffff  }
0x410: {  	v53 =	vadd.s32 $0x1000, v19;
	v37 =	vmul.f32 v37, v4;
	v33 =	vadd.f32 v36, v33  }
0x411: {  	v54 =	vld.idx.msk [tilespmem:v40+s15+$0x0], $0xffff  }
0x412: {  	v55 =	vadd.s32 $0x1000, v2;
	v34 =	vmul.f32 v50, v5;
	v33 =	vadd.f32 v37, v33  }
0x413: {  	v56 =	vld.idx.msk [tilespmem:v51+s15+$0x0], $0xffff  }
0x414: {  	v57 =	vadd.s32 $0x1000, v23;
	v35 =	vmul.f32 v52, v6;
	v33 =	vadd.f32 v34, v33  }
0x415: {  	v58 =	vld.idx.msk [tilespmem:v53+s15+$0x0], $0xffff  }
0x416: {  	v59 =	vadd.s32 $0x1000, v25;
	v36 =	vmul.f32 v54, v11;
	v33 =	vadd.f32 v35, v33  }
0x417: {  	v60 =	vld.idx.msk [tilespmem:v55+s15+$0x0], $0xffff  }
0x418: {  	v61 =	vadd.s32 $0x1000, v0;
	v37 =	vmul.f32 v56, v10;
	v33 =	vadd.f32 v36, v33  }
0x419: {  	v62 =	vld.idx.msk [tilespmem:v57+s15+$0x0], $0xffff  }
0x41a: {  	v63 =	vadd.s32 $0x1000, v32;
	v34 =	vmul.f32 v58, v15;
	v33 =	vadd.f32 v37, v33  }
0x41b: {  	v42 =	vld.idx.msk [tilespmem:v59+s15+$0x0], $0xffff  }
0x41c: {  	v43 =	vadd.s32 $0x1000, v28;
	v35 =	vmul.f32 v60, v16;
	v33 =	vadd.f32 v34, v33  }
0x41d: {  	v44 =	vld.idx.msk [tilespmem:v61+s15+$0x0], $0xffff  }
0x41e: {  	v36 =	vmul.f32 v62, v14;
	v33 =	vadd.f32 v35, v33  }
0x41f: {  	v45 =	vld.idx.msk [tilespmem:v63+s15+$0x0], $0xffff  }
0x420: {  	v37 =	vmul.f32 v42, v17;
	v33 =	vadd.f32 v36, v33  }
0x421: {  	v46 =	vld.idx.msk [tilespmem:v43+s15+$0x0], $0xffff  }
0x422: {  	v34 =	vmul.f32 v44, v7;
	v33 =	vadd.f32 v37, v33;
	_ =	sdelay $0x1  }
0x423: {  	v35 =	vmul.f32 v45, v8;
	v33 =	vadd.f32 v34, v33;
	_ =	sdelay $0x1  }
0x424: {  	v48 =	vadd.s32 $0x2000, v31;
	v47 =	vmul.f32 v46, v9;
	v33 =	vadd.f32 v35, v33;
	_ =	sdelay $0x1  }
0x425: {  	v49 =	vadd.s32 $0x2000, v29;
	v33 =	vadd.f32 v47, v33;
	_ =	sdelay $0x1  }
0x426: {  	v50 =	vadd.s32 $0x2000, v27;
	[tilespmem:s25+$0x11500] =	vst v33  }
0x427: {  	v33 =	vld.idx.msk [tilespmem:v48+s15+$0x0], $0xffff  }
0x428: {  	v51 =	vadd.s32 $0x2000, v22  }
0x429: {  	v35 =	vld.idx.msk [tilespmem:v49+s15+$0x0], $0xffff  }
0x42a: {  	v52 =	vadd.s32 $0x2000, v18  }
0x42b: {  	v34 =	vld.idx.msk [tilespmem:v50+s15+$0x0], $0xffff  }
0x42c: {  	v53 =	vadd.s32 $0x2000, v26;
	v33 =	vmul.f32 v33, v30  }
0x42d: {  	v36 =	vld.idx.msk [tilespmem:v51+s15+$0x0], $0xffff  }
0x42e: {  	v54 =	vadd.s32 $0x2000, v24;
	v35 =	vmul.f32 v35, v13;
	v33 =	vadd.f32 v33, v21  }
0x42f: {  	v37 =	vld.idx.msk [tilespmem:v52+s15+$0x0], $0xffff  }
0x430: {  	v55 =	vadd.s32 $0x2000, v20;
	v34 =	vmul.f32 v34, v12;
	v33 =	vadd.f32 v35, v33  }
0x431: {  	v56 =	vld.idx.msk [tilespmem:v53+s15+$0x0], $0xffff  }
0x432: {  	v57 =	vadd.s32 $0x2000, v3;
	v36 =	vmul.f32 v36, v1;
	v33 =	vadd.f32 v34, v33  }
0x433: {  	v58 =	vld.idx.msk [tilespmem:v54+s15+$0x0], $0xffff  }
0x434: {  	v59 =	vadd.s32 $0x2000, v19;
	v37 =	vmul.f32 v37, v4;
	v33 =	vadd.f32 v36, v33  }
0x435: {  	v60 =	vld.idx.msk [tilespmem:v55+s15+$0x0], $0xffff  }
0x436: {  	v61 =	vadd.s32 $0x2000, v2;
	v35 =	vmul.f32 v56, v5;
	v33 =	vadd.f32 v37, v33  }
0x437: {  	v62 =	vld.idx.msk [tilespmem:v57+s15+$0x0], $0xffff  }
0x438: {  	v63 =	vadd.s32 $0x2000, v23;
	v34 =	vmul.f32 v58, v6;
	v33 =	vadd.f32 v35, v33  }
0x439: {  	v44 =	vld.idx.msk [tilespmem:v59+s15+$0x0], $0xffff  }
0x43a: {  	v45 =	vadd.s32 $0x2000, v25;
	v36 =	vmul.f32 v60, v11;
	v33 =	vadd.f32 v34, v33  }
0x43b: {  	v46 =	vld.idx.msk [tilespmem:v61+s15+$0x0], $0xffff  }
0x43c: {  	v47 =	vadd.s32 $0x2000, v0;
	v37 =	vmul.f32 v62, v10;
	v33 =	vadd.f32 v36, v33  }
0x43d: {  	v48 =	vld.idx.msk [tilespmem:v63+s15+$0x0], $0xffff  }
0x43e: {  	v49 =	vadd.s32 $0x2000, v32;
	v35 =	vmul.f32 v44, v15;
	v33 =	vadd.f32 v37, v33  }
0x43f: {  	v50 =	vld.idx.msk [tilespmem:v45+s15+$0x0], $0xffff  }
0x440: {  	v51 =	vadd.s32 $0x2000, v28;
	v34 =	vmul.f32 v46, v16;
	v33 =	vadd.f32 v35, v33  }
0x441: {  	v52 =	vld.idx.msk [tilespmem:v47+s15+$0x0], $0xffff  }
0x442: {  	v36 =	vmul.f32 v48, v14;
	v33 =	vadd.f32 v34, v33  }
0x443: {  	v53 =	vld.idx.msk [tilespmem:v49+s15+$0x0], $0xffff  }
0x444: {  	v37 =	vmul.f32 v50, v17;
	v33 =	vadd.f32 v36, v33  }
0x445: {  	v54 =	vld.idx.msk [tilespmem:v51+s15+$0x0], $0xffff  }
0x446: {  	v35 =	vmul.f32 v52, v7;
	v33 =	vadd.f32 v37, v33;
	_ =	sdelay $0x1  }
0x447: {  	v34 =	vmul.f32 v53, v8;
	v33 =	vadd.f32 v35, v33;
	_ =	sdelay $0x1  }
0x448: {  	v56 =	vadd.s32 $0x3000, v31;
	v55 =	vmul.f32 v54, v9;
	v33 =	vadd.f32 v34, v33;
	_ =	sdelay $0x1  }
0x449: {  	v57 =	vadd.s32 $0x3000, v29;
	v33 =	vadd.f32 v55, v33;
	_ =	sdelay $0x1  }
0x44a: {  	v58 =	vadd.s32 $0x3000, v27;
	[tilespmem:s25+$0x11580] =	vst v33  }
0x44b: {  	v33 =	vld.idx.msk [tilespmem:v56+s15+$0x0], $0xffff  }
0x44c: {  	v59 =	vadd.s32 $0x3000, v22  }
0x44d: {  	v34 =	vld.idx.msk [tilespmem:v57+s15+$0x0], $0xffff  }
0x44e: {  	v60 =	vadd.s32 $0x3000, v18  }
0x44f: {  	v35 =	vld.idx.msk [tilespmem:v58+s15+$0x0], $0xffff  }
0x450: {  	v61 =	vadd.s32 $0x3000, v26;
	v33 =	vmul.f32 v33, v30  }
0x451: {  	v36 =	vld.idx.msk [tilespmem:v59+s15+$0x0], $0xffff  }
0x452: {  	v62 =	vadd.s32 $0x3000, v24;
	v34 =	vmul.f32 v34, v13;
	v33 =	vadd.f32 v33, v21  }
0x453: {  	v37 =	vld.idx.msk [tilespmem:v60+s15+$0x0], $0xffff  }
0x454: {  	v63 =	vadd.s32 $0x3000, v20;
	v35 =	vmul.f32 v35, v12;
	v33 =	vadd.f32 v34, v33  }
0x455: {  	v44 =	vld.idx.msk [tilespmem:v61+s15+$0x0], $0xffff  }
0x456: {  	v45 =	vadd.s32 $0x3000, v3;
	v36 =	vmul.f32 v36, v1;
	v33 =	vadd.f32 v35, v33  }
0x457: {  	v46 =	vld.idx.msk [tilespmem:v62+s15+$0x0], $0xffff  }
0x458: {  	v47 =	vadd.s32 $0x3000, v19;
	v37 =	vmul.f32 v37, v4;
	v33 =	vadd.f32 v36, v33  }
0x459: {  	v48 =	vld.idx.msk [tilespmem:v63+s15+$0x0], $0xffff  }
0x45a: {  	v49 =	vadd.s32 $0x3000, v2;
	v34 =	vmul.f32 v44, v5;
	v33 =	vadd.f32 v37, v33  }
0x45b: {  	v50 =	vld.idx.msk [tilespmem:v45+s15+$0x0], $0xffff  }
0x45c: {  	v51 =	vadd.s32 $0x3000, v23;
	v35 =	vmul.f32 v46, v6;
	v33 =	vadd.f32 v34, v33  }
0x45d: {  	v52 =	vld.idx.msk [tilespmem:v47+s15+$0x0], $0xffff  }
0x45e: {  	v53 =	vadd.s32 $0x3000, v25;
	v36 =	vmul.f32 v48, v11;
	v33 =	vadd.f32 v35, v33  }
0x45f: {  	v54 =	vld.idx.msk [tilespmem:v49+s15+$0x0], $0xffff  }
0x460: {  	v55 =	vadd.s32 $0x3000, v0;
	v37 =	vmul.f32 v50, v10;
	v33 =	vadd.f32 v36, v33  }
0x461: {  	v56 =	vld.idx.msk [tilespmem:v51+s15+$0x0], $0xffff  }
0x462: {  	v57 =	vadd.s32 $0x3000, v32;
	v34 =	vmul.f32 v52, v15;
	v33 =	vadd.f32 v37, v33  }
0x463: {  	v58 =	vld.idx.msk [tilespmem:v53+s15+$0x0], $0xffff  }
0x464: {  	v59 =	vadd.s32 $0x3000, v28;
	v35 =	vmul.f32 v54, v16;
	v33 =	vadd.f32 v34, v33  }
0x465: {  	v60 =	vld.idx.msk [tilespmem:v55+s15+$0x0], $0xffff  }
0x466: {  	v36 =	vmul.f32 v56, v14;
	v33 =	vadd.f32 v35, v33  }
0x467: {  	v61 =	vld.idx.msk [tilespmem:v57+s15+$0x0], $0xffff  }
0x468: {  	v37 =	vmul.f32 v58, v17;
	v33 =	vadd.f32 v36, v33  }
0x469: {  	v62 =	vld.idx.msk [tilespmem:v59+s15+$0x0], $0xffff  }
0x46a: {  	v34 =	vmul.f32 v60, v7;
	v33 =	vadd.f32 v37, v33;
	_ =	sdelay $0x1  }
0x46b: {  	v35 =	vmul.f32 v61, v8;
	v33 =	vadd.f32 v34, v33;
	_ =	sdelay $0x1  }
0x46c: {  	v40 =	vadd.s32 $0x4000, v31;
	v63 =	vmul.f32 v62, v9;
	v33 =	vadd.f32 v35, v33;
	_ =	sdelay $0x1  }
0x46d: {  	v41 =	vadd.s32 $0x4000, v29;
	v33 =	vadd.f32 v63, v33;
	_ =	sdelay $0x1  }
0x46e: {  	v42 =	vadd.s32 $0x4000, v27;
	[tilespmem:s25+$0x11600] =	vst v33  }
0x46f: {  	v33 =	vld.idx.msk [tilespmem:v40+s15+$0x0], $0xffff  }
0x470: {  	v43 =	vadd.s32 $0x4000, v22  }
0x471: {  	v35 =	vld.idx.msk [tilespmem:v41+s15+$0x0], $0xffff  }
0x472: {  	v44 =	vadd.s32 $0x4000, v18  }
0x473: {  	v34 =	vld.idx.msk [tilespmem:v42+s15+$0x0], $0xffff  }
0x474: {  	v45 =	vadd.s32 $0x4000, v26;
	v33 =	vmul.f32 v33, v30  }
0x475: {  	v36 =	vld.idx.msk [tilespmem:v43+s15+$0x0], $0xffff  }
0x476: {  	v46 =	vadd.s32 $0x4000, v24;
	v35 =	vmul.f32 v35, v13;
	v33 =	vadd.f32 v33, v21  }
0x477: {  	v37 =	vld.idx.msk [tilespmem:v44+s15+$0x0], $0xffff  }
0x478: {  	v47 =	vadd.s32 $0x4000, v20;
	v34 =	vmul.f32 v34, v12;
	v33 =	vadd.f32 v35, v33  }
0x479: {  	v48 =	vld.idx.msk [tilespmem:v45+s15+$0x0], $0xffff  }
0x47a: {  	v49 =	vadd.s32 $0x4000, v3;
	v36 =	vmul.f32 v36, v1;
	v33 =	vadd.f32 v34, v33  }
0x47b: {  	v50 =	vld.idx.msk [tilespmem:v46+s15+$0x0], $0xffff  }
0x47c: {  	v51 =	vadd.s32 $0x4000, v19;
	v37 =	vmul.f32 v37, v4;
	v33 =	vadd.f32 v36, v33  }
0x47d: {  	v52 =	vld.idx.msk [tilespmem:v47+s15+$0x0], $0xffff  }
0x47e: {  	v53 =	vadd.s32 $0x4000, v2;
	v35 =	vmul.f32 v48, v5;
	v33 =	vadd.f32 v37, v33  }
0x47f: {  	v54 =	vld.idx.msk [tilespmem:v49+s15+$0x0], $0xffff  }
0x480: {  	v55 =	vadd.s32 $0x4000, v23;
	v34 =	vmul.f32 v50, v6;
	v33 =	vadd.f32 v35, v33  }
0x481: {  	v56 =	vld.idx.msk [tilespmem:v51+s15+$0x0], $0xffff  }
0x482: {  	v57 =	vadd.s32 $0x4000, v25;
	v36 =	vmul.f32 v52, v11;
	v33 =	vadd.f32 v34, v33  }
0x483: {  	v58 =	vld.idx.msk [tilespmem:v53+s15+$0x0], $0xffff  }
0x484: {  	v59 =	vadd.s32 $0x4000, v0;
	v37 =	vmul.f32 v54, v10;
	v33 =	vadd.f32 v36, v33  }
0x485: {  	v60 =	vld.idx.msk [tilespmem:v55+s15+$0x0], $0xffff  }
0x486: {  	v61 =	vadd.s32 $0x4000, v32;
	v35 =	vmul.f32 v56, v15;
	v33 =	vadd.f32 v37, v33  }
0x487: {  	v62 =	vld.idx.msk [tilespmem:v57+s15+$0x0], $0xffff  }
0x488: {  	v63 =	vadd.s32 $0x4000, v28;
	v34 =	vmul.f32 v58, v16;
	v33 =	vadd.f32 v35, v33  }
0x489: {  	v41 =	vld.idx.msk [tilespmem:v59+s15+$0x0], $0xffff  }
0x48a: {  	v36 =	vmul.f32 v60, v14;
	v33 =	vadd.f32 v34, v33  }
0x48b: {  	v42 =	vld.idx.msk [tilespmem:v61+s15+$0x0], $0xffff  }
0x48c: {  	v37 =	vmul.f32 v62, v17;
	v33 =	vadd.f32 v36, v33  }
0x48d: {  	v43 =	vld.idx.msk [tilespmem:v63+s15+$0x0], $0xffff  }
0x48e: {  	v35 =	vmul.f32 v41, v7;
	v33 =	vadd.f32 v37, v33;
	_ =	sdelay $0x1  }
0x48f: {  	v34 =	vmul.f32 v42, v8;
	v33 =	vadd.f32 v35, v33;
	_ =	sdelay $0x1  }
0x490: {  	v45 =	vadd.s32 $0x5000, v31;
	v44 =	vmul.f32 v43, v9;
	v33 =	vadd.f32 v34, v33;
	_ =	sdelay $0x1  }
0x491: {  	v46 =	vadd.s32 $0x5000, v29;
	v33 =	vadd.f32 v44, v33;
	_ =	sdelay $0x1  }
0x492: {  	v47 =	vadd.s32 $0x5000, v27;
	[tilespmem:s25+$0x11680] =	vst v33  }
0x493: {  	v33 =	vld.idx.msk [tilespmem:v45+s15+$0x0], $0xffff  }
0x494: {  	v48 =	vadd.s32 $0x5000, v22  }
0x495: {  	v34 =	vld.idx.msk [tilespmem:v46+s15+$0x0], $0xffff  }
0x496: {  	v49 =	vadd.s32 $0x5000, v18  }
0x497: {  	v35 =	vld.idx.msk [tilespmem:v47+s15+$0x0], $0xffff  }
0x498: {  	v50 =	vadd.s32 $0x5000, v26;
	v33 =	vmul.f32 v33, v30  }
0x499: {  	v36 =	vld.idx.msk [tilespmem:v48+s15+$0x0], $0xffff  }
0x49a: {  	v51 =	vadd.s32 $0x5000, v24;
	v34 =	vmul.f32 v34, v13;
	v33 =	vadd.f32 v33, v21  }
0x49b: {  	v37 =	vld.idx.msk [tilespmem:v49+s15+$0x0], $0xffff  }
0x49c: {  	v52 =	vadd.s32 $0x5000, v20;
	v35 =	vmul.f32 v35, v12;
	v33 =	vadd.f32 v34, v33  }
0x49d: {  	v53 =	vld.idx.msk [tilespmem:v50+s15+$0x0], $0xffff  }
0x49e: {  	v54 =	vadd.s32 $0x5000, v3;
	v36 =	vmul.f32 v36, v1;
	v33 =	vadd.f32 v35, v33  }
0x49f: {  	v55 =	vld.idx.msk [tilespmem:v51+s15+$0x0], $0xffff  }
0x4a0: {  	v56 =	vadd.s32 $0x5000, v19;
	v37 =	vmul.f32 v37, v4;
	v33 =	vadd.f32 v36, v33  }
0x4a1: {  	v57 =	vld.idx.msk [tilespmem:v52+s15+$0x0], $0xffff  }
0x4a2: {  	v58 =	vadd.s32 $0x5000, v2;
	v34 =	vmul.f32 v53, v5;
	v33 =	vadd.f32 v37, v33  }
0x4a3: {  	v59 =	vld.idx.msk [tilespmem:v54+s15+$0x0], $0xffff  }
0x4a4: {  	v60 =	vadd.s32 $0x5000, v23;
	v35 =	vmul.f32 v55, v6;
	v33 =	vadd.f32 v34, v33  }
0x4a5: {  	v61 =	vld.idx.msk [tilespmem:v56+s15+$0x0], $0xffff  }
0x4a6: {  	v62 =	vadd.s32 $0x5000, v25;
	v36 =	vmul.f32 v57, v11;
	v33 =	vadd.f32 v35, v33  }
0x4a7: {  	v63 =	vld.idx.msk [tilespmem:v58+s15+$0x0], $0xffff  }
0x4a8: {  	v44 =	vadd.s32 $0x5000, v0;
	v37 =	vmul.f32 v59, v10;
	v33 =	vadd.f32 v36, v33  }
0x4a9: {  	v45 =	vld.idx.msk [tilespmem:v60+s15+$0x0], $0xffff  }
0x4aa: {  	v46 =	vadd.s32 $0x5000, v32;
	v34 =	vmul.f32 v61, v15;
	v33 =	vadd.f32 v37, v33  }
0x4ab: {  	v47 =	vld.idx.msk [tilespmem:v62+s15+$0x0], $0xffff  }
0x4ac: {  	v48 =	vadd.s32 $0x5000, v28;
	v35 =	vmul.f32 v63, v16;
	v33 =	vadd.f32 v34, v33  }
0x4ad: {  	v49 =	vld.idx.msk [tilespmem:v44+s15+$0x0], $0xffff  }
0x4ae: {  	v36 =	vmul.f32 v45, v14;
	v33 =	vadd.f32 v35, v33  }
0x4af: {  	v50 =	vld.idx.msk [tilespmem:v46+s15+$0x0], $0xffff  }
0x4b0: {  	v37 =	vmul.f32 v47, v17;
	v33 =	vadd.f32 v36, v33  }
0x4b1: {  	v51 =	vld.idx.msk [tilespmem:v48+s15+$0x0], $0xffff  }
0x4b2: {  	v34 =	vmul.f32 v49, v7;
	v33 =	vadd.f32 v37, v33;
	_ =	sdelay $0x1  }
0x4b3: {  	v35 =	vmul.f32 v50, v8;
	v33 =	vadd.f32 v34, v33;
	_ =	sdelay $0x1  }
0x4b4: {  	v53 =	vadd.s32 $0x6000, v31;
	v52 =	vmul.f32 v51, v9;
	v33 =	vadd.f32 v35, v33;
	_ =	sdelay $0x1  }
0x4b5: {  	v54 =	vadd.s32 $0x6000, v29;
	v33 =	vadd.f32 v52, v33;
	_ =	sdelay $0x1  }
0x4b6: {  	v55 =	vadd.s32 $0x6000, v27;
	[tilespmem:s25+$0x11700] =	vst v33  }
0x4b7: {  	v33 =	vld.idx.msk [tilespmem:v53+s15+$0x0], $0xffff  }
0x4b8: {  	v56 =	vadd.s32 $0x6000, v22  }
0x4b9: {  	v35 =	vld.idx.msk [tilespmem:v54+s15+$0x0], $0xffff  }
0x4ba: {  	v57 =	vadd.s32 $0x6000, v18  }
0x4bb: {  	v34 =	vld.idx.msk [tilespmem:v55+s15+$0x0], $0xffff  }
0x4bc: {  	v58 =	vadd.s32 $0x6000, v26;
	v33 =	vmul.f32 v33, v30  }
0x4bd: {  	v36 =	vld.idx.msk [tilespmem:v56+s15+$0x0], $0xffff  }
0x4be: {  	v59 =	vadd.s32 $0x6000, v24;
	v35 =	vmul.f32 v35, v13;
	v33 =	vadd.f32 v33, v21  }
0x4bf: {  	v37 =	vld.idx.msk [tilespmem:v57+s15+$0x0], $0xffff  }
0x4c0: {  	v60 =	vadd.s32 $0x6000, v20;
	v34 =	vmul.f32 v34, v12;
	v33 =	vadd.f32 v35, v33  }
0x4c1: {  	v61 =	vld.idx.msk [tilespmem:v58+s15+$0x0], $0xffff  }
0x4c2: {  	v62 =	vadd.s32 $0x6000, v3;
	v36 =	vmul.f32 v36, v1;
	v33 =	vadd.f32 v34, v33  }
0x4c3: {  	v63 =	vld.idx.msk [tilespmem:v59+s15+$0x0], $0xffff  }
0x4c4: {  	v44 =	vadd.s32 $0x6000, v19;
	v37 =	vmul.f32 v37, v4;
	v33 =	vadd.f32 v36, v33  }
0x4c5: {  	v45 =	vld.idx.msk [tilespmem:v60+s15+$0x0], $0xffff  }
0x4c6: {  	v46 =	vadd.s32 $0x6000, v2;
	v35 =	vmul.f32 v61, v5;
	v33 =	vadd.f32 v37, v33  }
0x4c7: {  	v47 =	vld.idx.msk [tilespmem:v62+s15+$0x0], $0xffff  }
0x4c8: {  	v48 =	vadd.s32 $0x6000, v23;
	v34 =	vmul.f32 v63, v6;
	v33 =	vadd.f32 v35, v33  }
0x4c9: {  	v49 =	vld.idx.msk [tilespmem:v44+s15+$0x0], $0xffff  }
0x4ca: {  	v50 =	vadd.s32 $0x6000, v25;
	v36 =	vmul.f32 v45, v11;
	v33 =	vadd.f32 v34, v33  }
0x4cb: {  	v51 =	vld.idx.msk [tilespmem:v46+s15+$0x0], $0xffff  }
0x4cc: {  	v52 =	vadd.s32 $0x6000, v0;
	v37 =	vmul.f32 v47, v10;
	v33 =	vadd.f32 v36, v33  }
0x4cd: {  	v53 =	vld.idx.msk [tilespmem:v48+s15+$0x0], $0xffff  }
0x4ce: {  	v54 =	vadd.s32 $0x6000, v32;
	v35 =	vmul.f32 v49, v15;
	v33 =	vadd.f32 v37, v33  }
0x4cf: {  	v55 =	vld.idx.msk [tilespmem:v50+s15+$0x0], $0xffff  }
0x4d0: {  	v56 =	vadd.s32 $0x6000, v28;
	v34 =	vmul.f32 v51, v16;
	v33 =	vadd.f32 v35, v33  }
0x4d1: {  	v57 =	vld.idx.msk [tilespmem:v52+s15+$0x0], $0xffff  }
0x4d2: {  	v36 =	vmul.f32 v53, v14;
	v33 =	vadd.f32 v34, v33  }
0x4d3: {  	v58 =	vld.idx.msk [tilespmem:v54+s15+$0x0], $0xffff  }
0x4d4: {  	v37 =	vmul.f32 v55, v17;
	v33 =	vadd.f32 v36, v33  }
0x4d5: {  	v59 =	vld.idx.msk [tilespmem:v56+s15+$0x0], $0xffff  }
0x4d6: {  	v35 =	vmul.f32 v57, v7;
	v33 =	vadd.f32 v37, v33;
	_ =	sdelay $0x1  }
0x4d7: {  	v34 =	vmul.f32 v58, v8;
	v33 =	vadd.f32 v35, v33;
	_ =	sdelay $0x1  }
0x4d8: {  	v31 =	vadd.s32 $0x7000, v31;
	v60 =	vmul.f32 v59, v9;
	v33 =	vadd.f32 v34, v33;
	_ =	sdelay $0x1  }
0x4d9: {  	v29 =	vadd.s32 $0x7000, v29;
	v33 =	vadd.f32 v60, v33;
	_ =	sdelay $0x1  }
0x4da: {  	v27 =	vadd.s32 $0x7000, v27;
	[tilespmem:s25+$0x11780] =	vst v33  }
0x4db: {  	v31 =	vld.idx.msk [tilespmem:v31+s15+$0x0], $0xffff  }
0x4dc: {  	v22 =	vadd.s32 $0x7000, v22  }
0x4dd: {  	v29 =	vld.idx.msk [tilespmem:v29+s15+$0x0], $0xffff  }
0x4de: {  	v18 =	vadd.s32 $0x7000, v18  }
0x4df: {  	v27 =	vld.idx.msk [tilespmem:v27+s15+$0x0], $0xffff  }
0x4e0: {  	v26 =	vadd.s32 $0x7000, v26;
	v30 =	vmul.f32 v31, v30  }
0x4e1: {  	v22 =	vld.idx.msk [tilespmem:v22+s15+$0x0], $0xffff  }
0x4e2: {  	v24 =	vadd.s32 $0x7000, v24;
	v13 =	vmul.f32 v29, v13;
	v21 =	vadd.f32 v30, v21  }
0x4e3: {  	v3 =	vadd.s32 $0x7000, v3;
	v18 =	vld.idx.msk [tilespmem:v18+s15+$0x0], $0xffff  }
0x4e4: {  	v20 =	vadd.s32 $0x7000, v20;
	v12 =	vmul.f32 v27, v12;
	v13 =	vadd.f32 v13, v21  }
0x4e5: {  	v19 =	vadd.s32 $0x7000, v19;
	v61 =	vld.idx.msk [tilespmem:v26+s15+$0x0], $0xffff  }
0x4e6: {  	v2 =	vadd.s32 $0x7000, v2;
	v1 =	vmul.f32 v22, v1;
	v12 =	vadd.f32 v12, v13  }
0x4e7: {  	v23 =	vadd.s32 $0x7000, v23;
	v24 =	vld.idx.msk [tilespmem:v24+s15+$0x0], $0xffff  }
0x4e8: {  	v3 =	vld.idx.msk [tilespmem:v3+s15+$0x0], $0xffff;
	v4 =	vmul.f32 v18, v4;
	v18 =	vadd.s32 $0x7000, v32;
	v1 =	vadd.f32 v1, v12  }
0x4e9: {  	v0 =	vadd.s32 $0x7000, v0;
	v13 =	vld.idx.msk [tilespmem:v20+s15+$0x0], $0xffff  }
0x4ea: {  	v19 =	vld.idx.msk [tilespmem:v19+s15+$0x0], $0xffff;
	v5 =	vmul.f32 v61, v5;
	v20 =	vadd.s32 $0x7000, v25;
	v1 =	vadd.f32 v4, v1  }
0x4eb: {  	v62 =	vld.idx.msk [tilespmem:v2+s15+$0x0], $0xffff;
	v2 =	vadd.s32 $0x7000, v28  }
0x4ec: {  	v63 =	vld.idx.msk [tilespmem:v23+s15+$0x0], $0xffff;
	v4 =	vmul.f32 v24, v6;
	v1 =	vadd.f32 v5, v1  }
0x4ed: {  	v18 =	vld.idx.msk [tilespmem:v18+s15+$0x0], $0xffff  }
0x4ee: {  	v12 =	vld.idx.msk [tilespmem:v0+s15+$0x0], $0xffff;
	v0 =	vmul.f32 v13, v11;
	v1 =	vadd.f32 v4, v1  }
0x4ef: {  	v20 =	vld.idx.msk [tilespmem:v20+s15+$0x0], $0xffff  }
0x4f0: {  	s29 =	simm.s32 $0x10;
	v13 =	vld.idx.msk [tilespmem:v2+s15+$0x0], $0xffff;
	v2 =	vmul.f32 v3, v10;
	v1 =	vadd.f32 v0, v1  }
0x4f1: {  	v3 =	vld [tilespmem:s29+$0x10400]  }
0x4f2: {  	v4 =	vmul.f32 v19, v15;
	v0 =	vld [tilespmem:s29+$0x10680];
	v5 =	vadd.f32 v2, v1  }
0x4f3: {  	v1 =	vld [tilespmem:s29+$0x10980]  }
0x4f4: {  	v6 =	vmul.f32 v62, v16;
	v2 =	vld [tilespmem:s29+$0x10500];
	v11 =	vadd.f32 v4, v5  }
0x4f5: {  	v4 =	vld [tilespmem:s29+$0x10200]  }
0x4f6: {  	v10 =	vmul.f32 v63, v14;
	v5 =	vld [tilespmem:s29+$0x10180];
	v14 =	vadd.f32 v6, v11  }
0x4f7: {  	s26 =	simm.s32 $0x80;
	v6 =	vld [tilespmem:s29+$0x10100];
	v11 =	vmul.f32 v20, v17  }
.LBB2_9:
0x4f8: {  	p0 =	sne.s32 s26, $0x1C0;
	v17 =	vld [tilespmem:s29+$0x10080];
	v10 =	vadd.f32 v10, v14;
	s28 =	smov.u32 s26;
	s26 =	sadd.s32 $0x40, s26  }
0x4f9: {  	v7 =	vmul.f32 v12, v7;
	v28 =	vld [tilespmem:s29+$0x10000]  }
0x4fa: {  	v12 =	vld [tilespmem:s29+$0x10880];
	v10 =	vadd.f32 v11, v10  }
0x4fb: {  	v8 =	vmul.f32 v18, v8;
	v11 =	vld [tilespmem:s29+$0x10900]  }
0x4fc: {  	v15 =	vld [tilespmem:s29+$0x10380];
	v7 =	vadd.f32 v7, v10  }
0x4fd: {  	v9 =	vmul.f32 v13, v9;
	v25 =	vld [tilespmem:s29+$0x10280]  }
0x4fe: {  	v26 =	vld [tilespmem:s29+$0x10300];
	v7 =	vadd.f32 v8, v7  }
0x4ff: {  	v13 =	vld [tilespmem:s29+$0x11000]  }
0x500: {  	v18 =	vld [tilespmem:s29+$0x10480];
	v7 =	vadd.f32 v9, v7  }
0x501: {  	v10 =	vld [tilespmem:s29+$0x10A00]  }
0x502: {  	v19 =	vld [tilespmem:s29+$0x10800];
	[tilespmem:s25+$0x11800] =	vst v7;
	s25 =	smov.u32 s29  }
0x503: {  	v7 =	vld.idx.msk [tilespmem:v28+s15+$0x0], $0xffff  }
0x504: {  	v8 =	vld.idx.msk [tilespmem:v17+s15+$0x0], $0xffff  }
0x505: {  	v9 =	vld.idx.msk [tilespmem:v25+s15+$0x0], $0xffff  }
0x506: {  	v20 =	vld.idx.msk [tilespmem:v6+s15+$0x0], $0xffff  }
0x507: {  	v14 =	vld [tilespmem:s25+$0x10A80]  }
0x508: {  	v21 =	vld.idx.msk [tilespmem:v5+s15+$0x0], $0xffff  }
0x509: {  	v7 =	vmul.f32 v7, v19;
	v29 =	vld [tilespmem:s25+$0x10580]  }
0x50a: {  	v8 =	vmul.f32 v8, v12;
	v22 =	vld.idx.msk [tilespmem:v4+s15+$0x0], $0xffff  }
0x50b: {  	v7 =	vadd.f32 v7, v13;
	v16 =	vld [tilespmem:s25+$0x10B00]  }
0x50c: {  	v20 =	vmul.f32 v20, v11;
	v30 =	vld [tilespmem:s25+$0x10600]  }
0x50d: {  	v7 =	vadd.f32 v8, v7;
	v8 =	vld.idx.msk [tilespmem:v26+s15+$0x0], $0xffff  }
0x50e: {  	v21 =	vmul.f32 v21, v1;
	v24 =	vld [tilespmem:s25+$0x10B80]  }
0x50f: {  	v7 =	vadd.f32 v20, v7;
	v23 =	vld.idx.msk [tilespmem:v15+s15+$0x0], $0xffff  }
0x510: {  	v20 =	vmul.f32 v22, v10;
	v27 =	vld [tilespmem:s25+$0x10C00]  }
0x511: {  	v7 =	vadd.f32 v21, v7;
	v31 =	vld [tilespmem:s25+$0x10780]  }
0x512: {  	v9 =	vmul.f32 v9, v14;
	v22 =	vld.idx.msk [tilespmem:v3+s15+$0x0], $0xffff  }
0x513: {  	v7 =	vadd.f32 v20, v7;
	v32 =	vld [tilespmem:s25+$0x10700]  }
0x514: {  	v8 =	vmul.f32 v8, v16;
	v33 =	vld.idx.msk [tilespmem:v18+s15+$0x0], $0xffff  }
0x515: {  	v7 =	vadd.f32 v9, v7;
	v20 =	vld [tilespmem:s25+$0x10C80]  }
0x516: {  	v9 =	vmul.f32 v23, v24;
	v34 =	vld.idx.msk [tilespmem:v2+s15+$0x0], $0xffff  }
0x517: {  	v7 =	vadd.f32 v8, v7;
	v21 =	vld [tilespmem:s25+$0x10D00]  }
0x518: {  	v8 =	vmul.f32 v22, v27;
	v35 =	vld.idx.msk [tilespmem:v29+s15+$0x0], $0xffff  }
0x519: {  	v7 =	vadd.f32 v9, v7;
	v22 =	vld [tilespmem:s25+$0x10D80]  }
0x51a: {  	v9 =	vmul.f32 v33, v20;
	v33 =	vld.idx.msk [tilespmem:v30+s15+$0x0], $0xffff  }
0x51b: {  	v8 =	vadd.f32 v8, v7;
	v23 =	vld [tilespmem:s25+$0x10E00]  }
0x51c: {  	v34 =	vmul.f32 v34, v21;
	v36 =	vld.idx.msk [tilespmem:v0+s15+$0x0], $0xffff  }
0x51d: {  	v9 =	vadd.f32 v9, v8;
	v7 =	vld [tilespmem:s25+$0x10E80]  }
0x51e: {  	v35 =	vmul.f32 v35, v22;
	v37 =	vld.idx.msk [tilespmem:v32+s15+$0x0], $0xffff  }
0x51f: {  	v34 =	vadd.f32 v34, v9;
	v8 =	vld [tilespmem:s25+$0x10F00]  }
0x520: {  	v33 =	vmul.f32 v33, v23;
	v38 =	vld.idx.msk [tilespmem:v31+s15+$0x0], $0xffff  }
0x521: {  	v34 =	vadd.f32 v35, v34;
	v9 =	vld [tilespmem:s25+$0x10F80]  }
0x522: {  	v35 =	vmul.f32 v36, v7  }
0x523: {  	v33 =	vadd.f32 v33, v34  }
0x524: {  	v34 =	vmul.f32 v37, v8  }
0x525: {  	v33 =	vadd.f32 v35, v33  }
0x526: {  	v36 =	vadd.s32 $0x1000, v28;
	v35 =	vmul.f32 v38, v9  }
0x527: {  	v33 =	vadd.f32 v34, v33  }
0x528: {  	v34 =	vadd.s32 $0x1000, v17  }
0x529: {  	v33 =	vadd.f32 v35, v33  }
0x52a: {  	v35 =	vadd.s32 $0x1000, v6  }
0x52b: {  	[tilespmem:s25+$0x11480] =	vst v33  }
0x52c: {  	v33 =	vld.idx.msk [tilespmem:v36+s15+$0x0], $0xffff;
	v36 =	vadd.s32 $0x1000, v5  }
0x52d: {  	v34 =	vld.idx.msk [tilespmem:v34+s15+$0x0], $0xffff  }
0x52e: {  	v37 =	vadd.s32 $0x1000, v4  }
0x52f: {  	v35 =	vld.idx.msk [tilespmem:v35+s15+$0x0], $0xffff  }
0x530: {  	v38 =	vadd.s32 $0x1000, v25  }
0x531: {  	v36 =	vld.idx.msk [tilespmem:v36+s15+$0x0], $0xffff  }
0x532: {  	v39 =	vadd.s32 $0x1000, v26;
	v33 =	vmul.f32 v33, v19  }
0x533: {  	v34 =	vmul.f32 v34, v12;
	v37 =	vld.idx.msk [tilespmem:v37+s15+$0x0], $0xffff  }
0x534: {  	v40 =	vadd.s32 $0x1000, v15;
	v33 =	vadd.f32 v33, v13  }
0x535: {  	v35 =	vmul.f32 v35, v11;
	v38 =	vld.idx.msk [tilespmem:v38+s15+$0x0], $0xffff  }
0x536: {  	v33 =	vadd.f32 v34, v33;
	v34 =	vadd.s32 $0x1000, v3  }
0x537: {  	v36 =	vmul.f32 v36, v1;
	v39 =	vld.idx.msk [tilespmem:v39+s15+$0x0], $0xffff  }
0x538: {  	v33 =	vadd.f32 v35, v33;
	v35 =	vadd.s32 $0x1000, v18  }
0x539: {  	v37 =	vmul.f32 v37, v10;
	v40 =	vld.idx.msk [tilespmem:v40+s15+$0x0], $0xffff  }
0x53a: {  	v33 =	vadd.f32 v36, v33;
	v36 =	vadd.s32 $0x1000, v2  }
0x53b: {  	v38 =	vmul.f32 v38, v14;
	v34 =	vld.idx.msk [tilespmem:v34+s15+$0x0], $0xffff  }
0x53c: {  	v33 =	vadd.f32 v37, v33;
	v37 =	vadd.s32 $0x1000, v29  }
0x53d: {  	v39 =	vmul.f32 v39, v16;
	v35 =	vld.idx.msk [tilespmem:v35+s15+$0x0], $0xffff  }
0x53e: {  	v33 =	vadd.f32 v38, v33;
	v38 =	vadd.s32 $0x1000, v30  }
0x53f: {  	v40 =	vmul.f32 v40, v24;
	v36 =	vld.idx.msk [tilespmem:v36+s15+$0x0], $0xffff  }
0x540: {  	v33 =	vadd.f32 v39, v33;
	v39 =	vadd.s32 $0x1000, v0  }
0x541: {  	v34 =	vmul.f32 v34, v27;
	v37 =	vld.idx.msk [tilespmem:v37+s15+$0x0], $0xffff  }
0x542: {  	v33 =	vadd.f32 v40, v33;
	v40 =	vadd.s32 $0x1000, v32  }
0x543: {  	v35 =	vmul.f32 v35, v20;
	v38 =	vld.idx.msk [tilespmem:v38+s15+$0x0], $0xffff  }
0x544: {  	v33 =	vadd.f32 v34, v33;
	v34 =	vadd.s32 $0x1000, v31  }
0x545: {  	v36 =	vmul.f32 v36, v21;
	v39 =	vld.idx.msk [tilespmem:v39+s15+$0x0], $0xffff  }
0x546: {  	v33 =	vadd.f32 v35, v33  }
0x547: {  	v35 =	vmul.f32 v37, v22;
	v37 =	vld.idx.msk [tilespmem:v40+s15+$0x0], $0xffff  }
0x548: {  	v33 =	vadd.f32 v36, v33  }
0x549: {  	v36 =	vmul.f32 v38, v23;
	v34 =	vld.idx.msk [tilespmem:v34+s15+$0x0], $0xffff  }
0x54a: {  	v33 =	vadd.f32 v35, v33  }
0x54b: {  	v35 =	vmul.f32 v39, v7  }
0x54c: {  	v33 =	vadd.f32 v36, v33  }
0x54d: {  	v36 =	vmul.f32 v37, v8  }
0x54e: {  	v33 =	vadd.f32 v35, v33  }
0x54f: {  	v35 =	vadd.s32 $0x2000, v28;
	v34 =	vmul.f32 v34, v9  }
0x550: {  	v33 =	vadd.f32 v36, v33  }
0x551: {  	v36 =	vadd.s32 $0x2000, v17  }
0x552: {  	v33 =	vadd.f32 v34, v33  }
0x553: {  	v34 =	vadd.s32 $0x2000, v6  }
0x554: {  	[tilespmem:s25+$0x11500] =	vst v33  }
0x555: {  	v33 =	vld.idx.msk [tilespmem:v35+s15+$0x0], $0xffff;
	v35 =	vadd.s32 $0x2000, v5  }
0x556: {  	v36 =	vld.idx.msk [tilespmem:v36+s15+$0x0], $0xffff  }
0x557: {  	v37 =	vadd.s32 $0x2000, v4  }
0x558: {  	v34 =	vld.idx.msk [tilespmem:v34+s15+$0x0], $0xffff  }
0x559: {  	v38 =	vadd.s32 $0x2000, v25  }
0x55a: {  	v35 =	vld.idx.msk [tilespmem:v35+s15+$0x0], $0xffff  }
0x55b: {  	v39 =	vadd.s32 $0x2000, v26;
	v33 =	vmul.f32 v33, v19  }
0x55c: {  	v36 =	vmul.f32 v36, v12;
	v37 =	vld.idx.msk [tilespmem:v37+s15+$0x0], $0xffff  }
0x55d: {  	v40 =	vadd.s32 $0x2000, v15;
	v33 =	vadd.f32 v33, v13  }
0x55e: {  	v34 =	vmul.f32 v34, v11;
	v38 =	vld.idx.msk [tilespmem:v38+s15+$0x0], $0xffff  }
0x55f: {  	v33 =	vadd.f32 v36, v33;
	v36 =	vadd.s32 $0x2000, v3  }
0x560: {  	v35 =	vmul.f32 v35, v1;
	v39 =	vld.idx.msk [tilespmem:v39+s15+$0x0], $0xffff  }
0x561: {  	v33 =	vadd.f32 v34, v33;
	v34 =	vadd.s32 $0x2000, v18  }
0x562: {  	v37 =	vmul.f32 v37, v10;
	v40 =	vld.idx.msk [tilespmem:v40+s15+$0x0], $0xffff  }
0x563: {  	v33 =	vadd.f32 v35, v33;
	v35 =	vadd.s32 $0x2000, v2  }
0x564: {  	v38 =	vmul.f32 v38, v14;
	v36 =	vld.idx.msk [tilespmem:v36+s15+$0x0], $0xffff  }
0x565: {  	v33 =	vadd.f32 v37, v33;
	v37 =	vadd.s32 $0x2000, v29  }
0x566: {  	v39 =	vmul.f32 v39, v16;
	v34 =	vld.idx.msk [tilespmem:v34+s15+$0x0], $0xffff  }
0x567: {  	v33 =	vadd.f32 v38, v33;
	v38 =	vadd.s32 $0x2000, v30  }
0x568: {  	v40 =	vmul.f32 v40, v24;
	v35 =	vld.idx.msk [tilespmem:v35+s15+$0x0], $0xffff  }
0x569: {  	v33 =	vadd.f32 v39, v33;
	v39 =	vadd.s32 $0x2000, v0  }
0x56a: {  	v36 =	vmul.f32 v36, v27;
	v37 =	vld.idx.msk [tilespmem:v37+s15+$0x0], $0xffff  }
0x56b: {  	v33 =	vadd.f32 v40, v33;
	v40 =	vadd.s32 $0x2000, v32  }
0x56c: {  	v34 =	vmul.f32 v34, v20;
	v38 =	vld.idx.msk [tilespmem:v38+s15+$0x0], $0xffff  }
0x56d: {  	v33 =	vadd.f32 v36, v33;
	v36 =	vadd.s32 $0x2000, v31  }
0x56e: {  	v35 =	vmul.f32 v35, v21;
	v39 =	vld.idx.msk [tilespmem:v39+s15+$0x0], $0xffff  }
0x56f: {  	v33 =	vadd.f32 v34, v33  }
0x570: {  	v34 =	vmul.f32 v37, v22;
	v37 =	vld.idx.msk [tilespmem:v40+s15+$0x0], $0xffff  }
0x571: {  	v33 =	vadd.f32 v35, v33  }
0x572: {  	v35 =	vmul.f32 v38, v23;
	v36 =	vld.idx.msk [tilespmem:v36+s15+$0x0], $0xffff  }
0x573: {  	v33 =	vadd.f32 v34, v33  }
0x574: {  	v34 =	vmul.f32 v39, v7  }
0x575: {  	v33 =	vadd.f32 v35, v33  }
0x576: {  	v35 =	vmul.f32 v37, v8  }
0x577: {  	v33 =	vadd.f32 v34, v33  }
0x578: {  	v34 =	vmul.f32 v36, v9;
	v36 =	vadd.s32 $0x3000, v28  }
0x579: {  	v33 =	vadd.f32 v35, v33  }
0x57a: {  	v35 =	vadd.s32 $0x3000, v17  }
0x57b: {  	v33 =	vadd.f32 v34, v33  }
0x57c: {  	v34 =	vadd.s32 $0x3000, v6  }
0x57d: {  	[tilespmem:s25+$0x11580] =	vst v33  }
0x57e: {  	v33 =	vld.idx.msk [tilespmem:v36+s15+$0x0], $0xffff;
	v36 =	vadd.s32 $0x3000, v5  }
0x57f: {  	v35 =	vld.idx.msk [tilespmem:v35+s15+$0x0], $0xffff  }
0x580: {  	v37 =	vadd.s32 $0x3000, v4  }
0x581: {  	v34 =	vld.idx.msk [tilespmem:v34+s15+$0x0], $0xffff  }
0x582: {  	v38 =	vadd.s32 $0x3000, v25  }
0x583: {  	v36 =	vld.idx.msk [tilespmem:v36+s15+$0x0], $0xffff  }
0x584: {  	v39 =	vadd.s32 $0x3000, v26;
	v33 =	vmul.f32 v33, v19  }
0x585: {  	v35 =	vmul.f32 v35, v12;
	v37 =	vld.idx.msk [tilespmem:v37+s15+$0x0], $0xffff  }
0x586: {  	v40 =	vadd.s32 $0x3000, v15;
	v33 =	vadd.f32 v33, v13  }
0x587: {  	v34 =	vmul.f32 v34, v11;
	v38 =	vld.idx.msk [tilespmem:v38+s15+$0x0], $0xffff  }
0x588: {  	v33 =	vadd.f32 v35, v33;
	v35 =	vadd.s32 $0x3000, v3  }
0x589: {  	v36 =	vmul.f32 v36, v1;
	v39 =	vld.idx.msk [tilespmem:v39+s15+$0x0], $0xffff  }
0x58a: {  	v33 =	vadd.f32 v34, v33;
	v34 =	vadd.s32 $0x3000, v18  }
0x58b: {  	v37 =	vmul.f32 v37, v10;
	v40 =	vld.idx.msk [tilespmem:v40+s15+$0x0], $0xffff  }
0x58c: {  	v33 =	vadd.f32 v36, v33;
	v36 =	vadd.s32 $0x3000, v2  }
0x58d: {  	v38 =	vmul.f32 v38, v14;
	v35 =	vld.idx.msk [tilespmem:v35+s15+$0x0], $0xffff  }
0x58e: {  	v33 =	vadd.f32 v37, v33;
	v37 =	vadd.s32 $0x3000, v29  }
0x58f: {  	v39 =	vmul.f32 v39, v16;
	v34 =	vld.idx.msk [tilespmem:v34+s15+$0x0], $0xffff  }
0x590: {  	v33 =	vadd.f32 v38, v33;
	v38 =	vadd.s32 $0x3000, v30  }
0x591: {  	v40 =	vmul.f32 v40, v24;
	v36 =	vld.idx.msk [tilespmem:v36+s15+$0x0], $0xffff  }
0x592: {  	v33 =	vadd.f32 v39, v33;
	v39 =	vadd.s32 $0x3000, v0  }
0x593: {  	v35 =	vmul.f32 v35, v27;
	v37 =	vld.idx.msk [tilespmem:v37+s15+$0x0], $0xffff  }
0x594: {  	v33 =	vadd.f32 v40, v33;
	v40 =	vadd.s32 $0x3000, v32  }
0x595: {  	v34 =	vmul.f32 v34, v20;
	v38 =	vld.idx.msk [tilespmem:v38+s15+$0x0], $0xffff  }
0x596: {  	v33 =	vadd.f32 v35, v33;
	v35 =	vadd.s32 $0x3000, v31  }
0x597: {  	v36 =	vmul.f32 v36, v21;
	v39 =	vld.idx.msk [tilespmem:v39+s15+$0x0], $0xffff  }
0x598: {  	v33 =	vadd.f32 v34, v33  }
0x599: {  	v34 =	vmul.f32 v37, v22;
	v37 =	vld.idx.msk [tilespmem:v40+s15+$0x0], $0xffff  }
0x59a: {  	v33 =	vadd.f32 v36, v33  }
0x59b: {  	v36 =	vmul.f32 v38, v23;
	v35 =	vld.idx.msk [tilespmem:v35+s15+$0x0], $0xffff  }
0x59c: {  	v33 =	vadd.f32 v34, v33  }
0x59d: {  	v34 =	vmul.f32 v39, v7  }
0x59e: {  	v33 =	vadd.f32 v36, v33  }
0x59f: {  	v36 =	vmul.f32 v37, v8  }
0x5a0: {  	v33 =	vadd.f32 v34, v33  }
0x5a1: {  	v34 =	vmul.f32 v35, v9;
	v35 =	vadd.s32 $0x4000, v28  }
0x5a2: {  	v33 =	vadd.f32 v36, v33  }
0x5a3: {  	v36 =	vadd.s32 $0x4000, v17  }
0x5a4: {  	v33 =	vadd.f32 v34, v33  }
0x5a5: {  	v34 =	vadd.s32 $0x4000, v6  }
0x5a6: {  	[tilespmem:s25+$0x11600] =	vst v33  }
0x5a7: {  	v33 =	vld.idx.msk [tilespmem:v35+s15+$0x0], $0xffff;
	v35 =	vadd.s32 $0x4000, v5  }
0x5a8: {  	v36 =	vld.idx.msk [tilespmem:v36+s15+$0x0], $0xffff  }
0x5a9: {  	v37 =	vadd.s32 $0x4000, v4  }
0x5aa: {  	v34 =	vld.idx.msk [tilespmem:v34+s15+$0x0], $0xffff  }
0x5ab: {  	v38 =	vadd.s32 $0x4000, v25  }
0x5ac: {  	v35 =	vld.idx.msk [tilespmem:v35+s15+$0x0], $0xffff  }
0x5ad: {  	v39 =	vadd.s32 $0x4000, v26;
	v33 =	vmul.f32 v33, v19  }
0x5ae: {  	v36 =	vmul.f32 v36, v12;
	v37 =	vld.idx.msk [tilespmem:v37+s15+$0x0], $0xffff  }
0x5af: {  	v40 =	vadd.s32 $0x4000, v15;
	v33 =	vadd.f32 v33, v13  }
0x5b0: {  	v34 =	vmul.f32 v34, v11;
	v38 =	vld.idx.msk [tilespmem:v38+s15+$0x0], $0xffff  }
0x5b1: {  	v33 =	vadd.f32 v36, v33;
	v36 =	vadd.s32 $0x4000, v3  }
0x5b2: {  	v35 =	vmul.f32 v35, v1;
	v39 =	vld.idx.msk [tilespmem:v39+s15+$0x0], $0xffff  }
0x5b3: {  	v33 =	vadd.f32 v34, v33;
	v34 =	vadd.s32 $0x4000, v18  }
0x5b4: {  	v37 =	vmul.f32 v37, v10;
	v40 =	vld.idx.msk [tilespmem:v40+s15+$0x0], $0xffff  }
0x5b5: {  	v33 =	vadd.f32 v35, v33;
	v35 =	vadd.s32 $0x4000, v2  }
0x5b6: {  	v38 =	vmul.f32 v38, v14;
	v36 =	vld.idx.msk [tilespmem:v36+s15+$0x0], $0xffff  }
0x5b7: {  	v33 =	vadd.f32 v37, v33;
	v37 =	vadd.s32 $0x4000, v29  }
0x5b8: {  	v39 =	vmul.f32 v39, v16;
	v34 =	vld.idx.msk [tilespmem:v34+s15+$0x0], $0xffff  }
0x5b9: {  	v33 =	vadd.f32 v38, v33;
	v38 =	vadd.s32 $0x4000, v30  }
0x5ba: {  	v40 =	vmul.f32 v40, v24;
	v35 =	vld.idx.msk [tilespmem:v35+s15+$0x0], $0xffff  }
0x5bb: {  	v33 =	vadd.f32 v39, v33;
	v39 =	vadd.s32 $0x4000, v0  }
0x5bc: {  	v36 =	vmul.f32 v36, v27;
	v37 =	vld.idx.msk [tilespmem:v37+s15+$0x0], $0xffff  }
0x5bd: {  	v33 =	vadd.f32 v40, v33;
	v40 =	vadd.s32 $0x4000, v32  }
0x5be: {  	v34 =	vmul.f32 v34, v20;
	v38 =	vld.idx.msk [tilespmem:v38+s15+$0x0], $0xffff  }
0x5bf: {  	v33 =	vadd.f32 v36, v33;
	v36 =	vadd.s32 $0x4000, v31  }
0x5c0: {  	v35 =	vmul.f32 v35, v21;
	v39 =	vld.idx.msk [tilespmem:v39+s15+$0x0], $0xffff  }
0x5c1: {  	v33 =	vadd.f32 v34, v33  }
0x5c2: {  	v34 =	vmul.f32 v37, v22;
	v37 =	vld.idx.msk [tilespmem:v40+s15+$0x0], $0xffff  }
0x5c3: {  	v33 =	vadd.f32 v35, v33  }
0x5c4: {  	v35 =	vmul.f32 v38, v23;
	v36 =	vld.idx.msk [tilespmem:v36+s15+$0x0], $0xffff  }
0x5c5: {  	v33 =	vadd.f32 v34, v33  }
0x5c6: {  	v34 =	vmul.f32 v39, v7  }
0x5c7: {  	v33 =	vadd.f32 v35, v33  }
0x5c8: {  	v35 =	vmul.f32 v37, v8  }
0x5c9: {  	v33 =	vadd.f32 v34, v33  }
0x5ca: {  	v34 =	vmul.f32 v36, v9;
	v36 =	vadd.s32 $0x5000, v28  }
0x5cb: {  	v33 =	vadd.f32 v35, v33  }
0x5cc: {  	v35 =	vadd.s32 $0x5000, v17  }
0x5cd: {  	v33 =	vadd.f32 v34, v33;
	v34 =	vadd.s32 $0x5000, v6  }
0x5ce: {  	v37 =	vadd.s32 $0x5000, v5  }
0x5cf: {  	[tilespmem:s25+$0x11680] =	vst v33;
	v33 =	vadd.s32 $0x5000, v4  }
0x5d0: {  	v38 =	vadd.s32 $0x5000, v25;
	v36 =	vld.idx.msk [tilespmem:v36+s15+$0x0], $0xffff  }
0x5d1: {  	v39 =	vadd.s32 $0x5000, v26;
	v35 =	vld.idx.msk [tilespmem:v35+s15+$0x0], $0xffff  }
0x5d2: {  	v40 =	vadd.s32 $0x5000, v15;
	v34 =	vld.idx.msk [tilespmem:v34+s15+$0x0], $0xffff  }
0x5d3: {  	v41 =	vadd.s32 $0x5000, v3;
	v37 =	vld.idx.msk [tilespmem:v37+s15+$0x0], $0xffff  }
0x5d4: {  	v42 =	vadd.s32 $0x5000, v18;
	v33 =	vld.idx.msk [tilespmem:v33+s15+$0x0], $0xffff  }
0x5d5: {  	v43 =	vadd.s32 $0x5000, v2;
	v38 =	vld.idx.msk [tilespmem:v38+s15+$0x0], $0xffff  }
0x5d6: {  	v44 =	vadd.s32 $0x5000, v29;
	v36 =	vmul.f32 v36, v19;
	v39 =	vld.idx.msk [tilespmem:v39+s15+$0x0], $0xffff  }
0x5d7: {  	v45 =	vadd.s32 $0x5000, v30;
	v35 =	vmul.f32 v35, v12;
	v40 =	vld.idx.msk [tilespmem:v40+s15+$0x0], $0xffff  }
0x5d8: {  	v46 =	vadd.s32 $0x5000, v0;
	v36 =	vadd.f32 v36, v13;
	v34 =	vmul.f32 v34, v11;
	v41 =	vld.idx.msk [tilespmem:v41+s15+$0x0], $0xffff  }
0x5d9: {  	v47 =	vadd.s32 $0x5000, v32;
	v37 =	vmul.f32 v37, v1;
	v42 =	vld.idx.msk [tilespmem:v42+s15+$0x0], $0xffff  }
0x5da: {  	v35 =	vadd.f32 v35, v36;
	v36 =	vld.idx.msk [tilespmem:v43+s15+$0x0], $0xffff;
	v43 =	vadd.s32 $0x5000, v31  }
0x5db: {  	v38 =	vmul.f32 v38, v14;
	v44 =	vld.idx.msk [tilespmem:v44+s15+$0x0], $0xffff  }
0x5dc: {  	v34 =	vadd.f32 v34, v35;
	v35 =	vmul.f32 v39, v16;
	v39 =	vld.idx.msk [tilespmem:v45+s15+$0x0], $0xffff  }
0x5dd: {  	v33 =	vmul.f32 v33, v10;
	v40 =	vmul.f32 v40, v24;
	v45 =	vld.idx.msk [tilespmem:v46+s15+$0x0], $0xffff  }
0x5de: {  	v34 =	vadd.f32 v37, v34;
	v37 =	vmul.f32 v41, v27;
	v41 =	vld.idx.msk [tilespmem:v47+s15+$0x0], $0xffff  }
0x5df: {  	v43 =	vld.idx.msk [tilespmem:v43+s15+$0x0], $0xffff  }
0x5e0: {  	v33 =	vadd.f32 v33, v34;
	_ =	sdelay $0x1  }
0x5e1: {  	v33 =	vadd.f32 v38, v33;
	_ =	sdelay $0x1  }
0x5e2: {  	v33 =	vadd.f32 v35, v33;
	_ =	sdelay $0x1  }
0x5e3: {  	v33 =	vadd.f32 v40, v33  }
0x5e4: {  	v34 =	vmul.f32 v42, v20  }
0x5e5: {  	v33 =	vadd.f32 v37, v33  }
0x5e6: {  	v35 =	vmul.f32 v36, v21  }
0x5e7: {  	v33 =	vadd.f32 v34, v33  }
0x5e8: {  	v34 =	vmul.f32 v44, v22  }
0x5e9: {  	v33 =	vadd.f32 v35, v33  }
0x5ea: {  	v35 =	vmul.f32 v39, v23  }
0x5eb: {  	v33 =	vadd.f32 v34, v33  }
0x5ec: {  	v34 =	vmul.f32 v45, v7  }
0x5ed: {  	v33 =	vadd.f32 v35, v33  }
0x5ee: {  	v35 =	vmul.f32 v41, v8  }
0x5ef: {  	v33 =	vadd.f32 v34, v33  }
0x5f0: {  	v36 =	vadd.s32 $0x6000, v28;
	v34 =	vmul.f32 v43, v9  }
0x5f1: {  	v33 =	vadd.f32 v35, v33  }
0x5f2: {  	v35 =	vadd.s32 $0x6000, v17  }
0x5f3: {  	v33 =	vadd.f32 v34, v33;
	v34 =	vadd.s32 $0x6000, v6  }
0x5f4: {  	v37 =	vadd.s32 $0x6000, v5  }
0x5f5: {  	[tilespmem:s25+$0x11700] =	vst v33;
	v33 =	vadd.s32 $0x6000, v4  }
0x5f6: {  	v38 =	vadd.s32 $0x6000, v25;
	v36 =	vld.idx.msk [tilespmem:v36+s15+$0x0], $0xffff  }
0x5f7: {  	v39 =	vadd.s32 $0x6000, v26;
	v35 =	vld.idx.msk [tilespmem:v35+s15+$0x0], $0xffff  }
0x5f8: {  	v40 =	vadd.s32 $0x6000, v15;
	v34 =	vld.idx.msk [tilespmem:v34+s15+$0x0], $0xffff  }
0x5f9: {  	v41 =	vadd.s32 $0x6000, v3;
	v37 =	vld.idx.msk [tilespmem:v37+s15+$0x0], $0xffff  }
0x5fa: {  	v42 =	vadd.s32 $0x6000, v18;
	v33 =	vld.idx.msk [tilespmem:v33+s15+$0x0], $0xffff  }
0x5fb: {  	v43 =	vadd.s32 $0x6000, v2;
	v38 =	vld.idx.msk [tilespmem:v38+s15+$0x0], $0xffff  }
0x5fc: {  	v44 =	vadd.s32 $0x6000, v29;
	v36 =	vmul.f32 v36, v19;
	v39 =	vld.idx.msk [tilespmem:v39+s15+$0x0], $0xffff  }
0x5fd: {  	v45 =	vadd.s32 $0x6000, v30;
	v35 =	vmul.f32 v35, v12;
	v40 =	vld.idx.msk [tilespmem:v40+s15+$0x0], $0xffff  }
0x5fe: {  	v46 =	vadd.s32 $0x6000, v0;
	v36 =	vadd.f32 v36, v13;
	v34 =	vmul.f32 v34, v11;
	v41 =	vld.idx.msk [tilespmem:v41+s15+$0x0], $0xffff  }
0x5ff: {  	v47 =	vadd.s32 $0x6000, v32;
	v37 =	vmul.f32 v37, v1;
	v42 =	vld.idx.msk [tilespmem:v42+s15+$0x0], $0xffff  }
0x600: {  	v35 =	vadd.f32 v35, v36;
	v36 =	vld.idx.msk [tilespmem:v43+s15+$0x0], $0xffff;
	v43 =	vadd.s32 $0x6000, v31  }
0x601: {  	v38 =	vmul.f32 v38, v14;
	v44 =	vld.idx.msk [tilespmem:v44+s15+$0x0], $0xffff  }
0x602: {  	v34 =	vadd.f32 v34, v35;
	v35 =	vmul.f32 v39, v16;
	v39 =	vld.idx.msk [tilespmem:v45+s15+$0x0], $0xffff  }
0x603: {  	v33 =	vmul.f32 v33, v10;
	v40 =	vmul.f32 v40, v24;
	v45 =	vld.idx.msk [tilespmem:v46+s15+$0x0], $0xffff  }
0x604: {  	v34 =	vadd.f32 v37, v34;
	v37 =	vmul.f32 v41, v27;
	v41 =	vld.idx.msk [tilespmem:v47+s15+$0x0], $0xffff  }
0x605: {  	v43 =	vld.idx.msk [tilespmem:v43+s15+$0x0], $0xffff  }
0x606: {  	v33 =	vadd.f32 v33, v34;
	_ =	sdelay $0x1  }
0x607: {  	v33 =	vadd.f32 v38, v33;
	_ =	sdelay $0x1  }
0x608: {  	v33 =	vadd.f32 v35, v33;
	_ =	sdelay $0x1  }
0x609: {  	v33 =	vadd.f32 v40, v33  }
0x60a: {  	v34 =	vmul.f32 v42, v20  }
0x60b: {  	v33 =	vadd.f32 v37, v33  }
0x60c: {  	v35 =	vmul.f32 v36, v21  }
0x60d: {  	v33 =	vadd.f32 v34, v33  }
0x60e: {  	v34 =	vmul.f32 v44, v22  }
0x60f: {  	v33 =	vadd.f32 v35, v33  }
0x610: {  	v35 =	vmul.f32 v39, v23  }
0x611: {  	v33 =	vadd.f32 v34, v33  }
0x612: {  	v34 =	vmul.f32 v45, v7  }
0x613: {  	v33 =	vadd.f32 v35, v33  }
0x614: {  	v35 =	vmul.f32 v41, v8  }
0x615: {  	v33 =	vadd.f32 v34, v33  }
0x616: {  	v28 =	vadd.s32 $0x7000, v28;
	v34 =	vmul.f32 v43, v9  }
0x617: {  	v33 =	vadd.f32 v35, v33  }
0x618: {  	v17 =	vadd.s32 $0x7000, v17  }
0x619: {  	v6 =	vadd.s32 $0x7000, v6;
	v33 =	vadd.f32 v34, v33  }
0x61a: {  	v5 =	vadd.s32 $0x7000, v5  }
0x61b: {  	v4 =	vadd.s32 $0x7000, v4;
	[tilespmem:s25+$0x11780] =	vst v33  }
0x61c: {  	v25 =	vadd.s32 $0x7000, v25;
	v28 =	vld.idx.msk [tilespmem:v28+s15+$0x0], $0xffff  }
0x61d: {  	v26 =	vadd.s32 $0x7000, v26;
	v17 =	vld.idx.msk [tilespmem:v17+s15+$0x0], $0xffff  }
0x61e: {  	v15 =	vadd.s32 $0x7000, v15;
	v6 =	vld.idx.msk [tilespmem:v6+s15+$0x0], $0xffff  }
0x61f: {  	v3 =	vadd.s32 $0x7000, v3;
	v5 =	vld.idx.msk [tilespmem:v5+s15+$0x0], $0xffff  }
0x620: {  	v18 =	vadd.s32 $0x7000, v18;
	v4 =	vld.idx.msk [tilespmem:v4+s15+$0x0], $0xffff  }
0x621: {  	v2 =	vadd.s32 $0x7000, v2;
	v25 =	vld.idx.msk [tilespmem:v25+s15+$0x0], $0xffff  }
0x622: {  	v19 =	vmul.f32 v28, v19;
	v28 =	vadd.s32 $0x7000, v29;
	v26 =	vld.idx.msk [tilespmem:v26+s15+$0x0], $0xffff  }
0x623: {  	v12 =	vmul.f32 v17, v12;
	v17 =	vadd.s32 $0x7000, v30;
	v15 =	vld.idx.msk [tilespmem:v15+s15+$0x0], $0xffff  }
0x624: {  	v0 =	vadd.s32 $0x7000, v0;
	v13 =	vadd.f32 v19, v13;
	v6 =	vmul.f32 v6, v11;
	v3 =	vld.idx.msk [tilespmem:v3+s15+$0x0], $0xffff  }
0x625: {  	v11 =	vadd.s32 $0x7000, v32;
	v1 =	vmul.f32 v5, v1;
	v5 =	vld.idx.msk [tilespmem:v18+s15+$0x0], $0xffff  }
0x626: {  	v12 =	vadd.f32 v12, v13;
	v13 =	vadd.s32 $0x7000, v31;
	v2 =	vld.idx.msk [tilespmem:v2+s15+$0x0], $0xffff  }
0x627: {  	v14 =	vmul.f32 v25, v14;
	v19 =	vld.idx.msk [tilespmem:v28+s15+$0x0], $0xffff  }
0x628: {  	v6 =	vadd.f32 v6, v12;
	v16 =	vmul.f32 v26, v16;
	v17 =	vld.idx.msk [tilespmem:v17+s15+$0x0], $0xffff  }
0x629: {  	v4 =	vmul.f32 v4, v10;
	v10 =	vmul.f32 v15, v24;
	v12 =	vld.idx.msk [tilespmem:v0+s15+$0x0], $0xffff  }
0x62a: {  	v0 =	vadd.f32 v1, v6;
	v1 =	vmul.f32 v3, v27;
	v18 =	vld.idx.msk [tilespmem:v11+s15+$0x0], $0xffff  }
0x62b: {  	v13 =	vld.idx.msk [tilespmem:v13+s15+$0x0], $0xffff  }
0x62c: {  	v0 =	vadd.f32 v4, v0;
	_ =	sdelay $0x1  }
0x62d: {  	v0 =	vadd.f32 v14, v0;
	_ =	sdelay $0x1  }
0x62e: {  	v0 =	vadd.f32 v16, v0;
	_ =	sdelay $0x1  }
0x62f: {  	s29 =	sshra.s32 s28, $0x2;
	v4 =	vadd.f32 v10, v0  }
0x630: {  	v5 =	vmul.f32 v5, v20;
	v0 =	vld [tilespmem:s29+$0x10680]  }
0x631: {  	v4 =	vadd.f32 v1, v4;
	v3 =	vld [tilespmem:s29+$0x10400]  }
.Ltmp4:
0x632: {  	v6 =	vmul.f32 v2, v21;
	v1 =	vld [tilespmem:s29+$0x10980];
	(pc) =	sbr.rel @p0 .LBB2_9-.Ltmp4, $4  }
0x633: {  	v11 =	vadd.f32 v5, v4;
	v2 =	vld [tilespmem:s29+$0x10500]  }
0x634: {  	v10 =	vmul.f32 v19, v22;
	v4 =	vld [tilespmem:s29+$0x10200]  }
0x635: {  	v14 =	vadd.f32 v6, v11;
	v5 =	vld [tilespmem:s29+$0x10180]  }
0x636: {  	v11 =	vmul.f32 v17, v23;
	v6 =	vld [tilespmem:s29+$0x10100]  }
0x637: {  	v20 =	vld [tilespmem:s29+$0x10080];
	v14 =	vadd.f32 v10, v14  }
0x638: {  	v24 =	vld [tilespmem:s29+$0x10000]  }
0x639: {  	v10 =	vld [tilespmem:s29+$0x10880];
	v12 =	vmul.f32 v12, v7;
	v14 =	vadd.f32 v11, v14  }
0x63a: {  	v7 =	vld [tilespmem:s29+$0x10900]  }
0x63b: {  	v8 =	vmul.f32 v18, v8;
	v22 =	vld [tilespmem:s29+$0x10280];
	v12 =	vadd.f32 v12, v14  }
0x63c: {  	v17 =	vld [tilespmem:s29+$0x10300]  }
0x63d: {  	v9 =	vmul.f32 v13, v9;
	v21 =	vld [tilespmem:s29+$0x11000];
	v12 =	vadd.f32 v8, v12  }
0x63e: {  	v28 =	vld [tilespmem:s29+$0x10800]  }
0x63f: {  	v11 =	vld [tilespmem:s29+$0x10380];
	v12 =	vadd.f32 v9, v12  }
0x640: {  	v8 =	vld [tilespmem:s29+$0x10480]  }
0x641: {  	v9 =	vld [tilespmem:s29+$0x10A00];
	[tilespmem:s25+$0x11800] =	vst v12  }
0x642: {  	v40 =	vld.idx.msk [tilespmem:v24+s15+$0x0], $0xffff  }
0x643: {  	v41 =	vld.idx.msk [tilespmem:v20+s15+$0x0], $0xffff  }
0x644: {  	v23 =	vld.idx.msk [tilespmem:v22+s15+$0x0], $0xffff  }
0x645: {  	v42 =	vld.idx.msk [tilespmem:v6+s15+$0x0], $0xffff  }
0x646: {  	v12 =	vld [tilespmem:s29+$0x10A80]  }
0x647: {  	v19 =	vld.idx.msk [tilespmem:v5+s15+$0x0], $0xffff;
	v15 =	vmul.f32 v40, v28  }
0x648: {  	v13 =	vld [tilespmem:s29+$0x10580]  }
0x649: {  	v25 =	vld.idx.msk [tilespmem:v4+s15+$0x0], $0xffff;
	v14 =	vmul.f32 v41, v10;
	v26 =	vadd.f32 v15, v21  }
0x64a: {  	v16 =	vld [tilespmem:s29+$0x10B00]  }
0x64b: {  	v43 =	vld.idx.msk [tilespmem:v17+s15+$0x0], $0xffff;
	v27 =	vmul.f32 v42, v7;
	v14 =	vadd.f32 v14, v26  }
0x64c: {  	v18 =	vld [tilespmem:s29+$0x10B80]  }
0x64d: {  	v44 =	vld.idx.msk [tilespmem:v11+s15+$0x0], $0xffff;
	v29 =	vmul.f32 v19, v1;
	v14 =	vadd.f32 v27, v14  }
0x64e: {  	v31 =	vld.idx.msk [tilespmem:v3+s15+$0x0], $0xffff  }
0x64f: {  	v32 =	vld.idx.msk [tilespmem:v2+s15+$0x0], $0xffff;
	v25 =	vmul.f32 v25, v9;
	v29 =	vadd.f32 v29, v14  }
0x650: {  	v45 =	vld.idx.msk [tilespmem:v8+s15+$0x0], $0xffff  }
0x651: {  	v30 =	vmul.f32 v23, v12;
	v15 =	vld [tilespmem:s29+$0x10600];
	v25 =	vadd.f32 v25, v29  }
0x652: {  	v19 =	vld [tilespmem:s29+$0x10C00]  }
0x653: {  	v23 =	vld [tilespmem:s29+$0x10700];
	v26 =	vmul.f32 v43, v16;
	v30 =	vadd.f32 v30, v25  }
0x654: {  	v25 =	vld [tilespmem:s29+$0x10C80]  }
0x655: {  	v33 =	vld.idx.msk [tilespmem:v13+s15+$0x0], $0xffff;
	v27 =	vmul.f32 v44, v18;
	v30 =	vadd.f32 v26, v30  }
0x656: {  	v26 =	vld [tilespmem:s29+$0x10D00]  }
0x657: {  	v31 =	vmul.f32 v31, v19;
	v14 =	vld [tilespmem:s29+$0x10780];
	v30 =	vadd.f32 v27, v30  }
0x658: {  	v27 =	vld [tilespmem:s29+$0x10D80]  }
0x659: {  	v35 =	vld.idx.msk [tilespmem:v15+s15+$0x0], $0xffff;
	v34 =	vmul.f32 v45, v25;
	v30 =	vadd.f32 v31, v30  }
0x65a: {  	v29 =	vld [tilespmem:s29+$0x10E00]  }
0x65b: {  	v36 =	vld.idx.msk [tilespmem:v0+s15+$0x0], $0xffff;
	v46 =	vmul.f32 v32, v26;
	v47 =	vadd.f32 v34, v30  }
0x65c: {  	v30 =	vld [tilespmem:s29+$0x10E80]  }
0x65d: {  	v48 =	vld.idx.msk [tilespmem:v23+s15+$0x0], $0xffff;
	v33 =	vmul.f32 v33, v27;
	v32 =	vadd.f32 v46, v47  }
0x65e: {  	v31 =	vld [tilespmem:s29+$0x10F00]  }
0x65f: {  	v35 =	vmul.f32 v35, v29;
	v37 =	vld.idx.msk [tilespmem:v14+s15+$0x0], $0xffff;
	v33 =	vadd.f32 v33, v32  }
0x660: {  	v32 =	vld [tilespmem:s29+$0x10F80]  }
0x661: {  	v36 =	vmul.f32 v36, v30;
	v33 =	vadd.f32 v35, v33;
	_ =	sdelay $0x1  }
0x662: {  	v34 =	vmul.f32 v48, v31;
	v33 =	vadd.f32 v36, v33;
	_ =	sdelay $0x1  }
0x663: {  	v50 =	vadd.s32 $0x1000, v24;
	v49 =	vmul.f32 v37, v32;
	v33 =	vadd.f32 v34, v33;
	_ =	sdelay $0x1  }
0x664: {  	v51 =	vadd.s32 $0x1000, v20;
	v33 =	vadd.f32 v49, v33;
	_ =	sdelay $0x1  }
0x665: {  	v52 =	vadd.s32 $0x1000, v6;
	[tilespmem:s29+$0x11480] =	vst v33  }
0x666: {  	v33 =	vld.idx.msk [tilespmem:v50+s15+$0x0], $0xffff  }
0x667: {  	v53 =	vadd.s32 $0x1000, v5  }
0x668: {  	v34 =	vld.idx.msk [tilespmem:v51+s15+$0x0], $0xffff  }
0x669: {  	v54 =	vadd.s32 $0x1000, v4  }
0x66a: {  	v35 =	vld.idx.msk [tilespmem:v52+s15+$0x0], $0xffff  }
0x66b: {  	v38 =	vadd.s32 $0x1000, v22;
	v33 =	vmul.f32 v33, v28  }
0x66c: {  	v36 =	vld.idx.msk [tilespmem:v53+s15+$0x0], $0xffff  }
0x66d: {  	v39 =	vadd.s32 $0x1000, v17;
	v34 =	vmul.f32 v34, v10;
	v33 =	vadd.f32 v33, v21  }
0x66e: {  	v37 =	vld.idx.msk [tilespmem:v54+s15+$0x0], $0xffff  }
0x66f: {  	v40 =	vadd.s32 $0x1000, v11;
	v35 =	vmul.f32 v35, v7;
	v33 =	vadd.f32 v34, v33  }
0x670: {  	v55 =	vld.idx.msk [tilespmem:v38+s15+$0x0], $0xffff  }
0x671: {  	v56 =	vadd.s32 $0x1000, v3;
	v36 =	vmul.f32 v36, v1;
	v33 =	vadd.f32 v35, v33  }
0x672: {  	v57 =	vld.idx.msk [tilespmem:v39+s15+$0x0], $0xffff  }
0x673: {  	v58 =	vadd.s32 $0x1000, v8;
	v37 =	vmul.f32 v37, v9;
	v33 =	vadd.f32 v36, v33  }
0x674: {  	v59 =	vld.idx.msk [tilespmem:v40+s15+$0x0], $0xffff  }
0x675: {  	v60 =	vadd.s32 $0x1000, v2;
	v34 =	vmul.f32 v55, v12;
	v33 =	vadd.f32 v37, v33  }
0x676: {  	v61 =	vld.idx.msk [tilespmem:v56+s15+$0x0], $0xffff  }
0x677: {  	v62 =	vadd.s32 $0x1000, v13;
	v35 =	vmul.f32 v57, v16;
	v33 =	vadd.f32 v34, v33  }
0x678: {  	v63 =	vld.idx.msk [tilespmem:v58+s15+$0x0], $0xffff  }
0x679: {  	v44 =	vadd.s32 $0x1000, v15;
	v36 =	vmul.f32 v59, v18;
	v33 =	vadd.f32 v35, v33  }
0x67a: {  	v45 =	vld.idx.msk [tilespmem:v60+s15+$0x0], $0xffff  }
0x67b: {  	v46 =	vadd.s32 $0x1000, v0;
	v37 =	vmul.f32 v61, v19;
	v33 =	vadd.f32 v36, v33  }
0x67c: {  	v47 =	vld.idx.msk [tilespmem:v62+s15+$0x0], $0xffff  }
0x67d: {  	v48 =	vadd.s32 $0x1000, v23;
	v34 =	vmul.f32 v63, v25;
	v33 =	vadd.f32 v37, v33  }
0x67e: {  	v49 =	vld.idx.msk [tilespmem:v44+s15+$0x0], $0xffff  }
0x67f: {  	v50 =	vadd.s32 $0x1000, v14;
	v35 =	vmul.f32 v45, v26;
	v33 =	vadd.f32 v34, v33  }
0x680: {  	v51 =	vld.idx.msk [tilespmem:v46+s15+$0x0], $0xffff  }
0x681: {  	v36 =	vmul.f32 v47, v27;
	v33 =	vadd.f32 v35, v33  }
0x682: {  	v52 =	vld.idx.msk [tilespmem:v48+s15+$0x0], $0xffff  }
0x683: {  	v37 =	vmul.f32 v49, v29;
	v33 =	vadd.f32 v36, v33  }
0x684: {  	v53 =	vld.idx.msk [tilespmem:v50+s15+$0x0], $0xffff  }
0x685: {  	v34 =	vmul.f32 v51, v30;
	v33 =	vadd.f32 v37, v33;
	_ =	sdelay $0x1  }
0x686: {  	v35 =	vmul.f32 v52, v31;
	v33 =	vadd.f32 v34, v33;
	_ =	sdelay $0x1  }
0x687: {  	v55 =	vadd.s32 $0x2000, v24;
	v54 =	vmul.f32 v53, v32;
	v33 =	vadd.f32 v35, v33;
	_ =	sdelay $0x1  }
0x688: {  	v56 =	vadd.s32 $0x2000, v20;
	v33 =	vadd.f32 v54, v33;
	_ =	sdelay $0x1  }
0x689: {  	v57 =	vadd.s32 $0x2000, v6;
	[tilespmem:s29+$0x11500] =	vst v33  }
0x68a: {  	v33 =	vld.idx.msk [tilespmem:v55+s15+$0x0], $0xffff  }
0x68b: {  	v58 =	vadd.s32 $0x2000, v5  }
0x68c: {  	v35 =	vld.idx.msk [tilespmem:v56+s15+$0x0], $0xffff  }
0x68d: {  	v59 =	vadd.s32 $0x2000, v4  }
0x68e: {  	v34 =	vld.idx.msk [tilespmem:v57+s15+$0x0], $0xffff  }
0x68f: {  	v60 =	vadd.s32 $0x2000, v22;
	v33 =	vmul.f32 v33, v28  }
0x690: {  	v36 =	vld.idx.msk [tilespmem:v58+s15+$0x0], $0xffff  }
0x691: {  	v61 =	vadd.s32 $0x2000, v17;
	v35 =	vmul.f32 v35, v10;
	v33 =	vadd.f32 v33, v21  }
0x692: {  	v37 =	vld.idx.msk [tilespmem:v59+s15+$0x0], $0xffff  }
0x693: {  	v62 =	vadd.s32 $0x2000, v11;
	v34 =	vmul.f32 v34, v7;
	v33 =	vadd.f32 v35, v33  }
0x694: {  	v63 =	vld.idx.msk [tilespmem:v60+s15+$0x0], $0xffff  }
0x695: {  	v44 =	vadd.s32 $0x2000, v3;
	v36 =	vmul.f32 v36, v1;
	v33 =	vadd.f32 v34, v33  }
0x696: {  	v45 =	vld.idx.msk [tilespmem:v61+s15+$0x0], $0xffff  }
0x697: {  	v46 =	vadd.s32 $0x2000, v8;
	v37 =	vmul.f32 v37, v9;
	v33 =	vadd.f32 v36, v33  }
0x698: {  	v47 =	vld.idx.msk [tilespmem:v62+s15+$0x0], $0xffff  }
0x699: {  	v48 =	vadd.s32 $0x2000, v2;
	v35 =	vmul.f32 v63, v12;
	v33 =	vadd.f32 v37, v33  }
0x69a: {  	v49 =	vld.idx.msk [tilespmem:v44+s15+$0x0], $0xffff  }
0x69b: {  	v50 =	vadd.s32 $0x2000, v13;
	v34 =	vmul.f32 v45, v16;
	v33 =	vadd.f32 v35, v33  }
0x69c: {  	v51 =	vld.idx.msk [tilespmem:v46+s15+$0x0], $0xffff  }
0x69d: {  	v52 =	vadd.s32 $0x2000, v15;
	v36 =	vmul.f32 v47, v18;
	v33 =	vadd.f32 v34, v33  }
0x69e: {  	v53 =	vld.idx.msk [tilespmem:v48+s15+$0x0], $0xffff  }
0x69f: {  	v54 =	vadd.s32 $0x2000, v0;
	v37 =	vmul.f32 v49, v19;
	v33 =	vadd.f32 v36, v33  }
0x6a0: {  	v55 =	vld.idx.msk [tilespmem:v50+s15+$0x0], $0xffff  }
0x6a1: {  	v56 =	vadd.s32 $0x2000, v23;
	v35 =	vmul.f32 v51, v25;
	v33 =	vadd.f32 v37, v33  }
0x6a2: {  	v57 =	vld.idx.msk [tilespmem:v52+s15+$0x0], $0xffff  }
0x6a3: {  	v58 =	vadd.s32 $0x2000, v14;
	v34 =	vmul.f32 v53, v26;
	v33 =	vadd.f32 v35, v33  }
0x6a4: {  	v59 =	vld.idx.msk [tilespmem:v54+s15+$0x0], $0xffff  }
0x6a5: {  	v36 =	vmul.f32 v55, v27;
	v33 =	vadd.f32 v34, v33  }
0x6a6: {  	v60 =	vld.idx.msk [tilespmem:v56+s15+$0x0], $0xffff  }
0x6a7: {  	v37 =	vmul.f32 v57, v29;
	v33 =	vadd.f32 v36, v33  }
0x6a8: {  	v61 =	vld.idx.msk [tilespmem:v58+s15+$0x0], $0xffff  }
0x6a9: {  	v35 =	vmul.f32 v59, v30;
	v33 =	vadd.f32 v37, v33;
	_ =	sdelay $0x1  }
0x6aa: {  	v34 =	vmul.f32 v60, v31;
	v33 =	vadd.f32 v35, v33;
	_ =	sdelay $0x1  }
0x6ab: {  	v63 =	vadd.s32 $0x3000, v24;
	v62 =	vmul.f32 v61, v32;
	v33 =	vadd.f32 v34, v33;
	_ =	sdelay $0x1  }
0x6ac: {  	v40 =	vadd.s32 $0x3000, v20;
	v33 =	vadd.f32 v62, v33;
	_ =	sdelay $0x1  }
0x6ad: {  	v41 =	vadd.s32 $0x3000, v6;
	[tilespmem:s29+$0x11580] =	vst v33  }
0x6ae: {  	v33 =	vld.idx.msk [tilespmem:v63+s15+$0x0], $0xffff  }
0x6af: {  	v42 =	vadd.s32 $0x3000, v5  }
0x6b0: {  	v34 =	vld.idx.msk [tilespmem:v40+s15+$0x0], $0xffff  }
0x6b1: {  	v43 =	vadd.s32 $0x3000, v4  }
0x6b2: {  	v35 =	vld.idx.msk [tilespmem:v41+s15+$0x0], $0xffff  }
0x6b3: {  	v44 =	vadd.s32 $0x3000, v22;
	v33 =	vmul.f32 v33, v28  }
0x6b4: {  	v36 =	vld.idx.msk [tilespmem:v42+s15+$0x0], $0xffff  }
0x6b5: {  	v45 =	vadd.s32 $0x3000, v17;
	v34 =	vmul.f32 v34, v10;
	v33 =	vadd.f32 v33, v21  }
0x6b6: {  	v37 =	vld.idx.msk [tilespmem:v43+s15+$0x0], $0xffff  }
0x6b7: {  	v46 =	vadd.s32 $0x3000, v11;
	v35 =	vmul.f32 v35, v7;
	v33 =	vadd.f32 v34, v33  }
0x6b8: {  	v47 =	vld.idx.msk [tilespmem:v44+s15+$0x0], $0xffff  }
0x6b9: {  	v48 =	vadd.s32 $0x3000, v3;
	v36 =	vmul.f32 v36, v1;
	v33 =	vadd.f32 v35, v33  }
0x6ba: {  	v49 =	vld.idx.msk [tilespmem:v45+s15+$0x0], $0xffff  }
0x6bb: {  	v50 =	vadd.s32 $0x3000, v8;
	v37 =	vmul.f32 v37, v9;
	v33 =	vadd.f32 v36, v33  }
0x6bc: {  	v51 =	vld.idx.msk [tilespmem:v46+s15+$0x0], $0xffff  }
0x6bd: {  	v52 =	vadd.s32 $0x3000, v2;
	v34 =	vmul.f32 v47, v12;
	v33 =	vadd.f32 v37, v33  }
0x6be: {  	v53 =	vld.idx.msk [tilespmem:v48+s15+$0x0], $0xffff  }
0x6bf: {  	v54 =	vadd.s32 $0x3000, v13;
	v35 =	vmul.f32 v49, v16;
	v33 =	vadd.f32 v34, v33  }
0x6c0: {  	v55 =	vld.idx.msk [tilespmem:v50+s15+$0x0], $0xffff  }
0x6c1: {  	v56 =	vadd.s32 $0x3000, v15;
	v36 =	vmul.f32 v51, v18;
	v33 =	vadd.f32 v35, v33  }
0x6c2: {  	v57 =	vld.idx.msk [tilespmem:v52+s15+$0x0], $0xffff  }
0x6c3: {  	v58 =	vadd.s32 $0x3000, v0;
	v37 =	vmul.f32 v53, v19;
	v33 =	vadd.f32 v36, v33  }
0x6c4: {  	v59 =	vld.idx.msk [tilespmem:v54+s15+$0x0], $0xffff  }
0x6c5: {  	v60 =	vadd.s32 $0x3000, v23;
	v34 =	vmul.f32 v55, v25;
	v33 =	vadd.f32 v37, v33  }
0x6c6: {  	v61 =	vld.idx.msk [tilespmem:v56+s15+$0x0], $0xffff  }
0x6c7: {  	v62 =	vadd.s32 $0x3000, v14;
	v35 =	vmul.f32 v57, v26;
	v33 =	vadd.f32 v34, v33  }
0x6c8: {  	v63 =	vld.idx.msk [tilespmem:v58+s15+$0x0], $0xffff  }
0x6c9: {  	v36 =	vmul.f32 v59, v27;
	v33 =	vadd.f32 v35, v33  }
0x6ca: {  	v40 =	vld.idx.msk [tilespmem:v60+s15+$0x0], $0xffff  }
0x6cb: {  	v37 =	vmul.f32 v61, v29;
	v33 =	vadd.f32 v36, v33  }
0x6cc: {  	v41 =	vld.idx.msk [tilespmem:v62+s15+$0x0], $0xffff  }
0x6cd: {  	v34 =	vmul.f32 v63, v30;
	v33 =	vadd.f32 v37, v33;
	_ =	sdelay $0x1  }
0x6ce: {  	v35 =	vmul.f32 v40, v31;
	v33 =	vadd.f32 v34, v33;
	_ =	sdelay $0x1  }
0x6cf: {  	v43 =	vadd.s32 $0x4000, v24;
	v42 =	vmul.f32 v41, v32;
	v33 =	vadd.f32 v35, v33;
	_ =	sdelay $0x1  }
0x6d0: {  	v44 =	vadd.s32 $0x4000, v20;
	v33 =	vadd.f32 v42, v33;
	_ =	sdelay $0x1  }
0x6d1: {  	v45 =	vadd.s32 $0x4000, v6;
	[tilespmem:s29+$0x11600] =	vst v33  }
0x6d2: {  	v33 =	vld.idx.msk [tilespmem:v43+s15+$0x0], $0xffff  }
0x6d3: {  	v46 =	vadd.s32 $0x4000, v5  }
0x6d4: {  	v35 =	vld.idx.msk [tilespmem:v44+s15+$0x0], $0xffff  }
0x6d5: {  	v47 =	vadd.s32 $0x4000, v4  }
0x6d6: {  	v34 =	vld.idx.msk [tilespmem:v45+s15+$0x0], $0xffff  }
0x6d7: {  	v48 =	vadd.s32 $0x4000, v22;
	v33 =	vmul.f32 v33, v28  }
0x6d8: {  	v36 =	vld.idx.msk [tilespmem:v46+s15+$0x0], $0xffff  }
0x6d9: {  	v49 =	vadd.s32 $0x4000, v17;
	v35 =	vmul.f32 v35, v10;
	v33 =	vadd.f32 v33, v21  }
0x6da: {  	v37 =	vld.idx.msk [tilespmem:v47+s15+$0x0], $0xffff  }
0x6db: {  	v50 =	vadd.s32 $0x4000, v11;
	v34 =	vmul.f32 v34, v7;
	v33 =	vadd.f32 v35, v33  }
0x6dc: {  	v51 =	vld.idx.msk [tilespmem:v48+s15+$0x0], $0xffff  }
0x6dd: {  	v52 =	vadd.s32 $0x4000, v3;
	v36 =	vmul.f32 v36, v1;
	v33 =	vadd.f32 v34, v33  }
0x6de: {  	v53 =	vld.idx.msk [tilespmem:v49+s15+$0x0], $0xffff  }
0x6df: {  	v54 =	vadd.s32 $0x4000, v8;
	v37 =	vmul.f32 v37, v9;
	v33 =	vadd.f32 v36, v33  }
0x6e0: {  	v55 =	vld.idx.msk [tilespmem:v50+s15+$0x0], $0xffff  }
0x6e1: {  	v56 =	vadd.s32 $0x4000, v2;
	v35 =	vmul.f32 v51, v12;
	v33 =	vadd.f32 v37, v33  }
0x6e2: {  	v57 =	vld.idx.msk [tilespmem:v52+s15+$0x0], $0xffff  }
0x6e3: {  	v58 =	vadd.s32 $0x4000, v13;
	v34 =	vmul.f32 v53, v16;
	v33 =	vadd.f32 v35, v33  }
0x6e4: {  	v59 =	vld.idx.msk [tilespmem:v54+s15+$0x0], $0xffff  }
0x6e5: {  	v60 =	vadd.s32 $0x4000, v15;
	v36 =	vmul.f32 v55, v18;
	v33 =	vadd.f32 v34, v33  }
0x6e6: {  	v61 =	vld.idx.msk [tilespmem:v56+s15+$0x0], $0xffff  }
0x6e7: {  	v62 =	vadd.s32 $0x4000, v0;
	v37 =	vmul.f32 v57, v19;
	v33 =	vadd.f32 v36, v33  }
0x6e8: {  	v63 =	vld.idx.msk [tilespmem:v58+s15+$0x0], $0xffff  }
0x6e9: {  	v42 =	vadd.s32 $0x4000, v23;
	v35 =	vmul.f32 v59, v25;
	v33 =	vadd.f32 v37, v33  }
0x6ea: {  	v43 =	vld.idx.msk [tilespmem:v60+s15+$0x0], $0xffff  }
0x6eb: {  	v44 =	vadd.s32 $0x4000, v14;
	v34 =	vmul.f32 v61, v26;
	v33 =	vadd.f32 v35, v33  }
0x6ec: {  	v45 =	vld.idx.msk [tilespmem:v62+s15+$0x0], $0xffff  }
0x6ed: {  	v36 =	vmul.f32 v63, v27;
	v33 =	vadd.f32 v34, v33  }
0x6ee: {  	v46 =	vld.idx.msk [tilespmem:v42+s15+$0x0], $0xffff  }
0x6ef: {  	v37 =	vmul.f32 v43, v29;
	v33 =	vadd.f32 v36, v33  }
0x6f0: {  	v47 =	vld.idx.msk [tilespmem:v44+s15+$0x0], $0xffff  }
0x6f1: {  	v35 =	vmul.f32 v45, v30;
	v33 =	vadd.f32 v37, v33;
	_ =	sdelay $0x1  }
0x6f2: {  	v34 =	vmul.f32 v46, v31;
	v33 =	vadd.f32 v35, v33;
	_ =	sdelay $0x1  }
0x6f3: {  	v49 =	vadd.s32 $0x5000, v24;
	v48 =	vmul.f32 v47, v32;
	v33 =	vadd.f32 v34, v33;
	_ =	sdelay $0x1  }
0x6f4: {  	v50 =	vadd.s32 $0x5000, v20;
	v33 =	vadd.f32 v48, v33;
	_ =	sdelay $0x1  }
0x6f5: {  	v51 =	vadd.s32 $0x5000, v6;
	[tilespmem:s29+$0x11680] =	vst v33  }
0x6f6: {  	v33 =	vld.idx.msk [tilespmem:v49+s15+$0x0], $0xffff  }
0x6f7: {  	v52 =	vadd.s32 $0x5000, v5  }
0x6f8: {  	v34 =	vld.idx.msk [tilespmem:v50+s15+$0x0], $0xffff  }
0x6f9: {  	v53 =	vadd.s32 $0x5000, v4  }
0x6fa: {  	v35 =	vld.idx.msk [tilespmem:v51+s15+$0x0], $0xffff  }
0x6fb: {  	v54 =	vadd.s32 $0x5000, v22;
	v33 =	vmul.f32 v33, v28  }
0x6fc: {  	v36 =	vld.idx.msk [tilespmem:v52+s15+$0x0], $0xffff  }
0x6fd: {  	v55 =	vadd.s32 $0x5000, v17;
	v34 =	vmul.f32 v34, v10;
	v33 =	vadd.f32 v33, v21  }
0x6fe: {  	v37 =	vld.idx.msk [tilespmem:v53+s15+$0x0], $0xffff  }
0x6ff: {  	v56 =	vadd.s32 $0x5000, v11;
	v35 =	vmul.f32 v35, v7;
	v33 =	vadd.f32 v34, v33  }
0x700: {  	v57 =	vld.idx.msk [tilespmem:v54+s15+$0x0], $0xffff  }
0x701: {  	v58 =	vadd.s32 $0x5000, v3;
	v36 =	vmul.f32 v36, v1;
	v33 =	vadd.f32 v35, v33  }
0x702: {  	v59 =	vld.idx.msk [tilespmem:v55+s15+$0x0], $0xffff  }
0x703: {  	v60 =	vadd.s32 $0x5000, v8;
	v37 =	vmul.f32 v37, v9;
	v33 =	vadd.f32 v36, v33  }
0x704: {  	v61 =	vld.idx.msk [tilespmem:v56+s15+$0x0], $0xffff  }
0x705: {  	v62 =	vadd.s32 $0x5000, v2;
	v34 =	vmul.f32 v57, v12;
	v33 =	vadd.f32 v37, v33  }
0x706: {  	v63 =	vld.idx.msk [tilespmem:v58+s15+$0x0], $0xffff  }
0x707: {  	v44 =	vadd.s32 $0x5000, v13;
	v35 =	vmul.f32 v59, v16;
	v33 =	vadd.f32 v34, v33  }
0x708: {  	v45 =	vld.idx.msk [tilespmem:v60+s15+$0x0], $0xffff  }
0x709: {  	v46 =	vadd.s32 $0x5000, v15;
	v36 =	vmul.f32 v61, v18;
	v33 =	vadd.f32 v35, v33  }
0x70a: {  	v47 =	vld.idx.msk [tilespmem:v62+s15+$0x0], $0xffff  }
0x70b: {  	v48 =	vadd.s32 $0x5000, v0;
	v37 =	vmul.f32 v63, v19;
	v33 =	vadd.f32 v36, v33  }
0x70c: {  	v49 =	vld.idx.msk [tilespmem:v44+s15+$0x0], $0xffff  }
0x70d: {  	v50 =	vadd.s32 $0x5000, v23;
	v34 =	vmul.f32 v45, v25;
	v33 =	vadd.f32 v37, v33  }
0x70e: {  	v51 =	vld.idx.msk [tilespmem:v46+s15+$0x0], $0xffff  }
0x70f: {  	v52 =	vadd.s32 $0x5000, v14;
	v35 =	vmul.f32 v47, v26;
	v33 =	vadd.f32 v34, v33  }
0x710: {  	v53 =	vld.idx.msk [tilespmem:v48+s15+$0x0], $0xffff  }
0x711: {  	v36 =	vmul.f32 v49, v27;
	v33 =	vadd.f32 v35, v33  }
0x712: {  	v54 =	vld.idx.msk [tilespmem:v50+s15+$0x0], $0xffff  }
0x713: {  	v37 =	vmul.f32 v51, v29;
	v33 =	vadd.f32 v36, v33  }
0x714: {  	v55 =	vld.idx.msk [tilespmem:v52+s15+$0x0], $0xffff  }
0x715: {  	v34 =	vmul.f32 v53, v30;
	v33 =	vadd.f32 v37, v33;
	_ =	sdelay $0x1  }
0x716: {  	v35 =	vmul.f32 v54, v31;
	v33 =	vadd.f32 v34, v33;
	_ =	sdelay $0x1  }
0x717: {  	v57 =	vadd.s32 $0x6000, v24;
	v56 =	vmul.f32 v55, v32;
	v33 =	vadd.f32 v35, v33;
	_ =	sdelay $0x1  }
0x718: {  	v58 =	vadd.s32 $0x6000, v20;
	v33 =	vadd.f32 v56, v33;
	_ =	sdelay $0x1  }
0x719: {  	v59 =	vadd.s32 $0x6000, v6;
	[tilespmem:s29+$0x11700] =	vst v33  }
0x71a: {  	v33 =	vld.idx.msk [tilespmem:v57+s15+$0x0], $0xffff  }
0x71b: {  	v60 =	vadd.s32 $0x6000, v5  }
0x71c: {  	v35 =	vld.idx.msk [tilespmem:v58+s15+$0x0], $0xffff  }
0x71d: {  	v61 =	vadd.s32 $0x6000, v4  }
0x71e: {  	v34 =	vld.idx.msk [tilespmem:v59+s15+$0x0], $0xffff  }
0x71f: {  	v62 =	vadd.s32 $0x6000, v22;
	v33 =	vmul.f32 v33, v28  }
0x720: {  	v36 =	vld.idx.msk [tilespmem:v60+s15+$0x0], $0xffff  }
0x721: {  	v63 =	vadd.s32 $0x6000, v17;
	v35 =	vmul.f32 v35, v10;
	v33 =	vadd.f32 v33, v21  }
0x722: {  	v37 =	vld.idx.msk [tilespmem:v61+s15+$0x0], $0xffff  }
0x723: {  	v44 =	vadd.s32 $0x6000, v11;
	v34 =	vmul.f32 v34, v7;
	v33 =	vadd.f32 v35, v33  }
0x724: {  	v45 =	vld.idx.msk [tilespmem:v62+s15+$0x0], $0xffff  }
0x725: {  	v46 =	vadd.s32 $0x6000, v3;
	v36 =	vmul.f32 v36, v1;
	v33 =	vadd.f32 v34, v33  }
0x726: {  	v47 =	vld.idx.msk [tilespmem:v63+s15+$0x0], $0xffff  }
0x727: {  	v48 =	vadd.s32 $0x6000, v8;
	v37 =	vmul.f32 v37, v9;
	v33 =	vadd.f32 v36, v33  }
0x728: {  	v49 =	vld.idx.msk [tilespmem:v44+s15+$0x0], $0xffff  }
0x729: {  	v50 =	vadd.s32 $0x6000, v2;
	v35 =	vmul.f32 v45, v12;
	v33 =	vadd.f32 v37, v33  }
0x72a: {  	v51 =	vld.idx.msk [tilespmem:v46+s15+$0x0], $0xffff  }
0x72b: {  	v52 =	vadd.s32 $0x6000, v13;
	v34 =	vmul.f32 v47, v16;
	v33 =	vadd.f32 v35, v33  }
0x72c: {  	v53 =	vld.idx.msk [tilespmem:v48+s15+$0x0], $0xffff  }
0x72d: {  	v54 =	vadd.s32 $0x6000, v15;
	v36 =	vmul.f32 v49, v18;
	v33 =	vadd.f32 v34, v33  }
0x72e: {  	v55 =	vld.idx.msk [tilespmem:v50+s15+$0x0], $0xffff  }
0x72f: {  	v56 =	vadd.s32 $0x6000, v0;
	v37 =	vmul.f32 v51, v19;
	v33 =	vadd.f32 v36, v33  }
0x730: {  	v57 =	vld.idx.msk [tilespmem:v52+s15+$0x0], $0xffff  }
0x731: {  	v58 =	vadd.s32 $0x6000, v23;
	v35 =	vmul.f32 v53, v25;
	v33 =	vadd.f32 v37, v33  }
0x732: {  	v59 =	vld.idx.msk [tilespmem:v54+s15+$0x0], $0xffff  }
0x733: {  	v60 =	vadd.s32 $0x6000, v14;
	v34 =	vmul.f32 v55, v26;
	v33 =	vadd.f32 v35, v33  }
0x734: {  	v61 =	vld.idx.msk [tilespmem:v56+s15+$0x0], $0xffff  }
0x735: {  	v36 =	vmul.f32 v57, v27;
	v33 =	vadd.f32 v34, v33  }
0x736: {  	v62 =	vld.idx.msk [tilespmem:v58+s15+$0x0], $0xffff  }
0x737: {  	v37 =	vmul.f32 v59, v29;
	v33 =	vadd.f32 v36, v33  }
0x738: {  	v63 =	vld.idx.msk [tilespmem:v60+s15+$0x0], $0xffff  }
0x739: {  	v35 =	vmul.f32 v61, v30;
	v33 =	vadd.f32 v37, v33;
	_ =	sdelay $0x1  }
0x73a: {  	v34 =	vmul.f32 v62, v31;
	v33 =	vadd.f32 v35, v33;
	_ =	sdelay $0x1  }
0x73b: {  	v24 =	vadd.s32 $0x7000, v24;
	v39 =	vmul.f32 v63, v32;
	v33 =	vadd.f32 v34, v33;
	_ =	sdelay $0x1  }
0x73c: {  	v20 =	vadd.s32 $0x7000, v20;
	v33 =	vadd.f32 v39, v33;
	_ =	sdelay $0x1  }
0x73d: {  	v40 =	vadd.s32 $0x7000, v6;
	[tilespmem:s29+$0x11780] =	vst v33  }
0x73e: {  	v24 =	vld.idx.msk [tilespmem:v24+s15+$0x0], $0xffff  }
0x73f: {  	v41 =	vadd.s32 $0x7000, v5  }
0x740: {  	v20 =	vld.idx.msk [tilespmem:v20+s15+$0x0], $0xffff  }
0x741: {  	v42 =	vadd.s32 $0x7000, v4  }
0x742: {  	v6 =	vld.idx.msk [tilespmem:v40+s15+$0x0], $0xffff  }
0x743: {  	v22 =	vadd.s32 $0x7000, v22;
	v24 =	vmul.f32 v24, v28  }
0x744: {  	v5 =	vld.idx.msk [tilespmem:v41+s15+$0x0], $0xffff  }
0x745: {  	v17 =	vadd.s32 $0x7000, v17;
	v10 =	vmul.f32 v20, v10;
	v43 =	vadd.f32 v24, v21  }
0x746: {  	v4 =	vld.idx.msk [tilespmem:v42+s15+$0x0], $0xffff  }
0x747: {  	v11 =	vadd.s32 $0x7000, v11;
	v6 =	vmul.f32 v6, v7;
	v44 =	vadd.f32 v10, v43  }
0x748: {  	v45 =	vld.idx.msk [tilespmem:v22+s15+$0x0], $0xffff  }
0x749: {  	v46 =	vadd.s32 $0x7000, v3;
	v47 =	vmul.f32 v5, v1;
	v48 =	vadd.f32 v6, v44  }
0x74a: {  	v49 =	vld.idx.msk [tilespmem:v17+s15+$0x0], $0xffff  }
0x74b: {  	v50 =	vadd.s32 $0x7000, v8;
	v4 =	vmul.f32 v4, v9;
	v1 =	vadd.f32 v47, v48  }
0x74c: {  	v51 =	vld.idx.msk [tilespmem:v11+s15+$0x0], $0xffff  }
0x74d: {  	v52 =	vadd.s32 $0x7000, v2;
	v53 =	vmul.f32 v45, v12;
	v1 =	vadd.f32 v4, v1  }
0x74e: {  	v3 =	vld.idx.msk [tilespmem:v46+s15+$0x0], $0xffff  }
0x74f: {  	v54 =	vadd.s32 $0x7000, v13;
	v6 =	vmul.f32 v49, v16;
	v1 =	vadd.f32 v53, v1  }
0x750: {  	v7 =	vld.idx.msk [tilespmem:v50+s15+$0x0], $0xffff  }
0x751: {  	v55 =	vadd.s32 $0x7000, v15;
	v5 =	vmul.f32 v51, v18;
	v1 =	vadd.f32 v6, v1  }
0x752: {  	v2 =	vld.idx.msk [tilespmem:v52+s15+$0x0], $0xffff  }
0x753: {  	v56 =	vadd.s32 $0x7000, v0;
	v3 =	vmul.f32 v3, v19;
	v1 =	vadd.f32 v5, v1  }
0x754: {  	v4 =	vld.idx.msk [tilespmem:v54+s15+$0x0], $0xffff  }
0x755: {  	v57 =	vadd.s32 $0x7000, v23;
	v58 =	vmul.f32 v7, v25;
	v1 =	vadd.f32 v3, v1  }
0x756: {  	v59 =	vld.idx.msk [tilespmem:v55+s15+$0x0], $0xffff  }
0x757: {  	v60 =	vadd.s32 $0x7000, v14;
	v2 =	vmul.f32 v2, v26;
	v1 =	vadd.f32 v58, v1  }
0x758: {  	v0 =	vld.idx.msk [tilespmem:v56+s15+$0x0], $0xffff  }
0x759: {  	v4 =	vmul.f32 v4, v27;
	v1 =	vadd.f32 v2, v1  }
0x75a: {  	v61 =	vld.idx.msk [tilespmem:v57+s15+$0x0], $0xffff  }
0x75b: {  	v3 =	vmul.f32 v59, v29;
	v1 =	vadd.f32 v4, v1  }
0x75c: {  	v62 =	vld.idx.msk [tilespmem:v60+s15+$0x0], $0xffff  }
0x75d: {  	v0 =	vmul.f32 v0, v30;
	v1 =	vadd.f32 v3, v1;
	_ =	sdelay $0x1  }
0x75e: {  	v2 =	vmul.f32 v61, v31;
	v0 =	vadd.f32 v0, v1  }
0x75f: {  	s23 =	sadd.s32 $0x1, s23  }
0x760: {  	p0 =	sne.s32 s23, $0x8;
	v63 =	vmul.f32 v62, v32;
	v0 =	vadd.f32 v2, v0  }
.Ltmp5:
0x761: {  	s24 =	sshll.u32 s24, $0xA;
	(pc) =	sbr.rel @p0 .LBB2_2-.Ltmp5, $4  }
0x762: {  	s24 =	sadd.s32 s8, s24;
	v0 =	vadd.f32 v63, v0  }
0x763: {  	s24 =	sshrl.u32 s24, $0x3  }
0x764: {  	s24 =	sadd.s32 s4, s24;
	[tilespmem:s29+$0x11800] =	vst v0  }
0x765: {  	[hbm4b:s24+s3] =	stream.linear.scatter [tilespmem:s20], [sflag:$0x4], $0x400, $0x38;
	[tilespmem:$0x11880] =	vst v63  }
0x766: {  	s22 =	sadd.s32 $0x1, s22  }
0x767: {  	_ =	swait.ge [sflag:s21], $0x400;
	p0 =	sne.s32 s22, s10  }
.Ltmp6:
0x768: {  	[sflag:s21] =	ssyncset.done $0x0;
	(pc) =	sbr.rel @p0 .LBB2_1-.Ltmp6, $4  }
0x769: {  	[sflag:s21] =	ssyncadd.s32 $0xFFFFFC00  }
0x76a: {  	_ =	swait.ge [sflag:s19], $0x400  }
0x76b: {  	[sflag:s19] =	ssyncset.done $0x0  }
0x76c: {  	[sflag:s19] =	ssyncadd.s32 $0xFFFFFC00  }
0x76d: {  	_ =	sfence.sel $0x180000  }
0x76e: {  	[bflag:$0x0] =	sbarrier.arrive $0xFFFF  }
0x76f: {  	p0 =	sne.s32 s0, $0x0;
	_ =	strace $0x90000047  }
0x770: {  	s0 =	sadd.s32 @!p0 $0x100000, s2;
	[bflag:$0x2] =	sbarrier.arrive $0xFFFF  }
0x771: {  	[sflag:s0] =	ssyncadd.tile.s32 @!p0 $0x1;
	_ =	shalt  }
.Lfunc_end2:
_tile_overlayer_lowered:
.L_overlay_start_2:
0x772: {  	(tag) =	ssettag $0x2  }
0x773: {  	s0 =	rddreg [dreg:$0x0];
	s2 =	stileid.u32  }
0x774: {  	s1 =	rddreg [dreg:$0x1];
	p0 =	sne.s32 s2, $0x0  }
0x775: {  	s3 =	rddreg [dreg:$0x2];
	[bflag:$0x3] =	sbarrier.arrive $0xFFFF;
	s2 =	simm.s32 @!p0 $0x1C05  }
0x776: {  	[timem:s3], [sflag:s2] =	dma.local @!p0 [hbm:s0], s1  }
0x777: {  	s0 =	simm.s32 @!p0 $0x5  }
0x778: {  	_ =	swait.ge @!p0 [sflag:s0], s1  }
0x779: {  	s1 =	ssub.s32 @!p0 $0x0, s1;
	[sflag:s0] =	ssyncset.done @!p0 $0x0  }
0x77a: {  	[sflag:s0] =	ssyncadd.s32 @!p0 s1  }
0x77b: {  	[bflag:$0x3] =	sbarrier.arrive $0xFFFF  }
0x77c: {  	_ =	shalt  }

</sc_bundles>
